<compile_context>
chip_gen: v7x
topology: tpu7x:2x2x1
jax: 0.10.2.dev20260603
libtpu: 0.0.44.dev20260713+nightly
codegen_flags: <defaults>
</compile_context>

<pallas_src>
import jax
import jax.numpy as jnp
from jax import lax
from jax.experimental import pallas as pl
from jax.experimental.pallas import tpu as pltpu
from jax.experimental.pallas import tpu_sc as plsc

_FACTORS = 64
_LANES = 16
_NUM_WORKERS = 32
_BATCH = 16384
_BPW = _BATCH // _NUM_WORKERS
_HALF = _BPW // 2


def _bias_body(users_hbm, items_hbm, uhi_hbm, ihi_hbm, lb_hbm, rb_hbm,
               out_hbm, uidx_v, iidx_v, uhi_v, ihi_v, ub_v, rb_v, out_v,
               sem):
    wid = lax.axis_index("s") * 2 + lax.axis_index("c")
    base = wid * _BPW
    pltpu.sync_copy(users_hbm.at[wid], uidx_v)
    pltpu.sync_copy(items_hbm.at[wid], iidx_v)
    pltpu.sync_copy(uhi_hbm.at[wid], uhi_v)
    pltpu.sync_copy(ihi_hbm.at[wid], ihi_v)
    c2 = pltpu.async_copy(lb_hbm.at[uhi_v], ub_v, sem)
    c3 = pltpu.async_copy(rb_hbm.at[ihi_v], rb_v, sem)
    c2.wait()
    c3.wait()

    def group(g, carry):
        rows = g * _LANES + lax.iota(jnp.int32, _LANES)
        ulo = uidx_v[pl.ds(g * _LANES, _LANES)] & 15
        ilo = iidx_v[pl.ds(g * _LANES, _LANES)] & 15
        ub = plsc.load_gather(ub_v, [rows, ulo])
        rb = plsc.load_gather(rb_v, [rows, ilo])
        out_v[pl.ds(g * _LANES, _LANES)] = ub + rb
        return carry

    lax.fori_loop(0, _BPW // _LANES, group, 0)
    pltpu.sync_copy(out_v, out_hbm.at[pl.ds(base, _BPW)])


def _dot_body(users_hbm, items_hbm, l_hbm, r_hbm, part_hbm, out_hbm,
              uidx_v, iidx_v, part_v, urows_v, irows_v, out_v, sem):
    wid = lax.axis_index("s") * 2 + lax.axis_index("c")
    base = wid * _BPW
    pltpu.sync_copy(users_hbm.at[wid], uidx_v)
    pltpu.sync_copy(items_hbm.at[wid], iidx_v)
    pltpu.sync_copy(part_hbm.at[pl.ds(base, _BPW)], part_v)

    ngrp = _HALF // _LANES
    for h in range(2):
        hb = h * _HALF

        def fire(g, carry):
            uvec = uidx_v[pl.ds(hb + g * _LANES, _LANES)]
            ivec = iidx_v[pl.ds(hb + g * _LANES, _LANES)]
            for j in range(_LANES):
                p = g * _LANES + j
                pltpu.make_async_copy(
                    l_hbm.at[uvec[j] >> 3, pl.ds(uvec[j] & 7, 1)],
                    urows_v.at[pl.ds(p, 1)], sem).start()
                pltpu.make_async_copy(
                    r_hbm.at[ivec[j] >> 3, pl.ds(ivec[j] & 7, 1)],
                    irows_v.at[pl.ds(p, 1)], sem).start()
            return carry

        lax.fori_loop(0, ngrp, fire, 0)

        def drain(p, carry):
            pltpu.make_async_copy(
                l_hbm.at[0, pl.ds(0, 1)], urows_v.at[pl.ds(p, 1)],
                sem).wait()
            pltpu.make_async_copy(
                r_hbm.at[0, pl.ds(0, 1)], irows_v.at[pl.ds(p, 1)],
                sem).wait()
            return carry

        lax.fori_loop(0, _HALF, drain, 0)

        def group(g, carry):
            rows = g * _LANES + lax.iota(jnp.int32, _LANES)
            accs = [jnp.zeros((_LANES,), jnp.float32) for _ in range(4)]
            for k in range(_FACTORS):
                col = jnp.full((_LANES,), k, jnp.int32)
                uk = plsc.load_gather(urows_v, [rows, col])
                ik = plsc.load_gather(irows_v, [rows, col])
                accs[k % 4] = accs[k % 4] + uk * ik
            dot = (accs[0] + accs[1]) + (accs[2] + accs[3])
            pslice = part_v[pl.ds(hb + g * _LANES, _LANES)]
            out_v[pl.ds(hb + g * _LANES, _LANES)] = dot + pslice
            return carry

        lax.fori_loop(0, ngrp, group, 0)
    pltpu.sync_copy(out_v, out_hbm.at[pl.ds(base, _BPW)])


def kernel(minibatch, L, R, L_bias, R_bias):
    users = minibatch[:, 0].reshape(_NUM_WORKERS, _BPW)
    items = minibatch[:, 1].reshape(_NUM_WORKERS, _BPW)
    lb16 = L_bias.reshape(L_bias.shape[0] // _LANES, _LANES)
    rb16 = R_bias.reshape(R_bias.shape[0] // _LANES, _LANES)
    mesh = plsc.VectorSubcoreMesh(core_axis_name="c", subcore_axis_name="s")

    bias_f = pl.kernel(
        _bias_body,
        out_type=jax.ShapeDtypeStruct((_BATCH,), jnp.float32),
        mesh=mesh,
        scratch_types=[
            pltpu.VMEM((_BPW,), jnp.int32),
            pltpu.VMEM((_BPW,), jnp.int32),
            pltpu.VMEM((_BPW,), jnp.int32),
            pltpu.VMEM((_BPW,), jnp.int32),
            pltpu.VMEM((_BPW, _LANES), jnp.float32),
            pltpu.VMEM((_BPW, _LANES), jnp.float32),
            pltpu.VMEM((_BPW,), jnp.float32),
            pltpu.SemaphoreType.DMA,
        ],
        compiler_params=pltpu.CompilerParams(
            needs_layout_passes=False, use_tc_tiling_on_sc=False
        ),
    )
    partial = bias_f(users, items, users >> 4, items >> 4, lb16, rb16)

    dot_f = pl.kernel(
        _dot_body,
        out_type=jax.ShapeDtypeStruct((_BATCH,), jnp.float32),
        mesh=mesh,
        scratch_types=[
            pltpu.VMEM((_BPW,), jnp.int32),
            pltpu.VMEM((_BPW,), jnp.int32),
            pltpu.VMEM((_BPW,), jnp.float32),
            pltpu.VMEM((_HALF, _FACTORS), jnp.float32),
            pltpu.VMEM((_HALF, _FACTORS), jnp.float32),
            pltpu.VMEM((_BPW,), jnp.float32),
            pltpu.SemaphoreType.DMA,
        ],
        compiler_params=pltpu.CompilerParams(
            needs_layout_passes=False, use_tc_tiling_on_sc=True
        ),
    )
    l3 = L.reshape(L.shape[0] // 8, 8, _FACTORS)
    r3 = R.reshape(R.shape[0] // 8, 8, _FACTORS)
    return dot_f(users, items, l3, r3, partial)

# --- scband reference (transcript-rebuilt; emitter-appended) ---
"""Pipeline reference for scband-matrix-factorisation-model-17849884082487 (READ-ONLY COPY).

The authoritative reference and input builder live on the scoring server;
editing this copy changes nothing except your own understanding.
"""

import jax, jax.numpy as jnp
import numpy as np

NUM_USERS = 1000000
NUM_ITEMS = 1000000
NUM_FACTORS = 64
BATCH = 16384


def setup_inputs(seed: int = 0) -> dict:
    key = jax.random.key(seed)
    k1, k2, k3, k4, k5 = jax.random.split(key, 5)
    minibatch = jax.random.randint(k1, (BATCH, 2), 0, NUM_USERS, dtype=jnp.int32)
    L = 0.1 * jax.random.normal(k2, (NUM_USERS, NUM_FACTORS), dtype=jnp.float32)
    R = 0.1 * jax.random.normal(k3, (NUM_ITEMS, NUM_FACTORS), dtype=jnp.float32)
    L_bias = 0.1 * jax.random.normal(k4, (NUM_USERS, 1), dtype=jnp.float32)
    R_bias = 0.1 * jax.random.normal(k5, (NUM_ITEMS, 1), dtype=jnp.float32)
    return {"minibatch": minibatch, "L": L, "R": R, "L_bias": L_bias, "R_bias": R_bias}


def reference(minibatch, L, R, L_bias, R_bias):
    users = minibatch[:, 0]
    items = minibatch[:, 1]
    us = jnp.take(L, users, axis=0)
    it = jnp.take(R, items, axis=0)
    pred = (us * it).sum(1)
    dpb = pred + jnp.take(L_bias, users, axis=0)[:, 0] + jnp.take(R_bias, items, axis=0)[:, 0]
    return dpb

if __name__ == "__main__":
    import jax
    _d = setup_inputs()
    print(jax.jit(kernel)(*tuple(_d.values())))

</pallas_src>

<mosaic_0001>
#map = affine_map<(d0, d1) -> (0, 0)>
#map1 = affine_map<(d0, d1) -> (0)>
module attributes {stable_mosaic.version = 14 : i64} {
  func.func @_bias_body(%arg0: i32, %arg1: i32, %arg2: memref<32x512xi32, #tpu.memory_space<hbm>>, %arg3: memref<32x512xi32, #tpu.memory_space<hbm>>, %arg4: memref<32x512xi32, #tpu.memory_space<hbm>>, %arg5: memref<32x512xi32, #tpu.memory_space<hbm>>, %arg6: memref<62500x16xf32, #tpu.memory_space<hbm>>, %arg7: memref<62500x16xf32, #tpu.memory_space<hbm>>, %arg8: memref<16384xf32, #tpu.memory_space<hbm>>, %arg9: memref<512xi32, #tpu.memory_space<vmem>>, %arg10: memref<512xi32, #tpu.memory_space<vmem>>, %arg11: memref<512xi32, #tpu.memory_space<vmem>>, %arg12: memref<512xi32, #tpu.memory_space<vmem>>, %arg13: memref<512x16xf32, #tpu.memory_space<vmem>>, %arg14: memref<512x16xf32, #tpu.memory_space<vmem>>, %arg15: memref<512xf32, #tpu.memory_space<vmem>>, %arg16: memref<!tpu.dma_semaphore, #tpu.memory_space<semaphore_mem>>) attributes {dimension_semantics = [#tpu.dimension_semantics<core_parallel>, #tpu.dimension_semantics<subcore_parallel>], iteration_bounds = array<i64: 2, 16>, scalar_prefetch = 0 : i64, scratch_operands = 8 : i64, tpu.core_type = #tpu.core_type<sc_vector_subcore>, window_params = [{transform_indices = #map}, {transform_indices = #map}, {transform_indices = #map}, {transform_indices = #map}, {transform_indices = #map}, {transform_indices = #map}, {transform_indices = #map1}]} {
    %mul3A = arith.constant 2 : i32
    %mul3A_0 = arith.muli %arg1, %mul3A : i32
    %add3A = arith.addi %mul3A_0, %arg0 : i32
    %mul3A_1 = arith.constant 512 : i32
    %mul3A_2 = arith.muli %add3A, %mul3A_1 : i32
    "tpu.region"() ({
      %run_scoped3A = tpu.sem_alloc : memref<!tpu.dma_semaphore, #tpu.memory_space<semaphore_mem>>
      %dma_start3A_18 = arith.constant 0 : i32
      %dma_start3A_19 = tpu.memref_slice %arg2[%add3A, %dma_start3A_18] : memref<32x512xi32, #tpu.memory_space<hbm>> -> memref<1x512xi32, #tpu.memory_space<hbm>>
      %dma_start3A_20 = tpu.memref_squeeze %dma_start3A_19 : memref<1x512xi32, #tpu.memory_space<hbm>> -> memref<512xi32, #tpu.memory_space<hbm>>
      %dma_start3A_21 = arith.constant 0 : i32
      %dma_start3A_22 = tpu.memref_slice %arg2[%add3A, %dma_start3A_21] : memref<32x512xi32, #tpu.memory_space<hbm>> -> memref<1x512xi32, #tpu.memory_space<hbm>>
      %dma_start3A_23 = tpu.memref_squeeze %dma_start3A_22 : memref<1x512xi32, #tpu.memory_space<hbm>> -> memref<512xi32, #tpu.memory_space<hbm>>
      tpu.enqueue_dma source(%dma_start3A_23 : memref<512xi32, #tpu.memory_space<hbm>>) target(%arg9 : memref<512xi32, #tpu.memory_space<vmem>>) target_semaphore(%run_scoped3A : memref<!tpu.dma_semaphore, #tpu.memory_space<semaphore_mem>>)
      %dma_wait3A_24 = arith.constant 0 : i32
      %dma_wait3A_25 = tpu.memref_slice %arg2[%add3A, %dma_wait3A_24] : memref<32x512xi32, #tpu.memory_space<hbm>> -> memref<1x512xi32, #tpu.memory_space<hbm>>
      %dma_wait3A_26 = tpu.memref_squeeze %dma_wait3A_25 : memref<1x512xi32, #tpu.memory_space<hbm>> -> memref<512xi32, #tpu.memory_space<hbm>>
      %dma_wait3A_27 = arith.constant 0 : i32
      %dma_wait3A_28 = tpu.memref_slice %arg2[%add3A, %dma_wait3A_27] : memref<32x512xi32, #tpu.memory_space<hbm>> -> memref<1x512xi32, #tpu.memory_space<hbm>>
      %dma_wait3A_29 = tpu.memref_squeeze %dma_wait3A_28 : memref<1x512xi32, #tpu.memory_space<hbm>> -> memref<512xi32, #tpu.memory_space<hbm>>
      tpu.wait_dma2 semaphore(%run_scoped3A : memref<!tpu.dma_semaphore, #tpu.memory_space<semaphore_mem>>) src(%dma_wait3A_29 : memref<512xi32, #tpu.memory_space<hbm>>) dst(%arg9 : memref<512xi32, #tpu.memory_space<vmem>>)
      tpu.yield
    }) : () -> ()
    "tpu.region"() ({
      %run_scoped3A = tpu.sem_alloc : memref<!tpu.dma_semaphore, #tpu.memory_space<semaphore_mem>>
      %dma_start3A_18 = arith.constant 0 : i32
      %dma_start3A_19 = tpu.memref_slice %arg3[%add3A, %dma_start3A_18] : memref<32x512xi32, #tpu.memory_space<hbm>> -> memref<1x512xi32, #tpu.memory_space<hbm>>
      %dma_start3A_20 = tpu.memref_squeeze %dma_start3A_19 : memref<1x512xi32, #tpu.memory_space<hbm>> -> memref<512xi32, #tpu.memory_space<hbm>>
      %dma_start3A_21 = arith.constant 0 : i32
      %dma_start3A_22 = tpu.memref_slice %arg3[%add3A, %dma_start3A_21] : memref<32x512xi32, #tpu.memory_space<hbm>> -> memref<1x512xi32, #tpu.memory_space<hbm>>
      %dma_start3A_23 = tpu.memref_squeeze %dma_start3A_22 : memref<1x512xi32, #tpu.memory_space<hbm>> -> memref<512xi32, #tpu.memory_space<hbm>>
      tpu.enqueue_dma source(%dma_start3A_23 : memref<512xi32, #tpu.memory_space<hbm>>) target(%arg10 : memref<512xi32, #tpu.memory_space<vmem>>) target_semaphore(%run_scoped3A : memref<!tpu.dma_semaphore, #tpu.memory_space<semaphore_mem>>)
      %dma_wait3A_24 = arith.constant 0 : i32
      %dma_wait3A_25 = tpu.memref_slice %arg3[%add3A, %dma_wait3A_24] : memref<32x512xi32, #tpu.memory_space<hbm>> -> memref<1x512xi32, #tpu.memory_space<hbm>>
      %dma_wait3A_26 = tpu.memref_squeeze %dma_wait3A_25 : memref<1x512xi32, #tpu.memory_space<hbm>> -> memref<512xi32, #tpu.memory_space<hbm>>
      %dma_wait3A_27 = arith.constant 0 : i32
      %dma_wait3A_28 = tpu.memref_slice %arg3[%add3A, %dma_wait3A_27] : memref<32x512xi32, #tpu.memory_space<hbm>> -> memref<1x512xi32, #tpu.memory_space<hbm>>
      %dma_wait3A_29 = tpu.memref_squeeze %dma_wait3A_28 : memref<1x512xi32, #tpu.memory_space<hbm>> -> memref<512xi32, #tpu.memory_space<hbm>>
      tpu.wait_dma2 semaphore(%run_scoped3A : memref<!tpu.dma_semaphore, #tpu.memory_space<semaphore_mem>>) src(%dma_wait3A_29 : memref<512xi32, #tpu.memory_space<hbm>>) dst(%arg10 : memref<512xi32, #tpu.memory_space<vmem>>)
      tpu.yield
    }) : () -> ()
    "tpu.region"() ({
      %run_scoped3A = tpu.sem_alloc : memref<!tpu.dma_semaphore, #tpu.memory_space<semaphore_mem>>
      %dma_start3A_18 = arith.constant 0 : i32
      %dma_start3A_19 = tpu.memref_slice %arg4[%add3A, %dma_start3A_18] : memref<32x512xi32, #tpu.memory_space<hbm>> -> memref<1x512xi32, #tpu.memory_space<hbm>>
      %dma_start3A_20 = tpu.memref_squeeze %dma_start3A_19 : memref<1x512xi32, #tpu.memory_space<hbm>> -> memref<512xi32, #tpu.memory_space<hbm>>
      %dma_start3A_21 = arith.constant 0 : i32
      %dma_start3A_22 = tpu.memref_slice %arg4[%add3A, %dma_start3A_21] : memref<32x512xi32, #tpu.memory_space<hbm>> -> memref<1x512xi32, #tpu.memory_space<hbm>>
      %dma_start3A_23 = tpu.memref_squeeze %dma_start3A_22 : memref<1x512xi32, #tpu.memory_space<hbm>> -> memref<512xi32, #tpu.memory_space<hbm>>
      tpu.enqueue_dma source(%dma_start3A_23 : memref<512xi32, #tpu.memory_space<hbm>>) target(%arg11 : memref<512xi32, #tpu.memory_space<vmem>>) target_semaphore(%run_scoped3A : memref<!tpu.dma_semaphore, #tpu.memory_space<semaphore_mem>>)
      %dma_wait3A_24 = arith.constant 0 : i32
      %dma_wait3A_25 = tpu.memref_slice %arg4[%add3A, %dma_wait3A_24] : memref<32x512xi32, #tpu.memory_space<hbm>> -> memref<1x512xi32, #tpu.memory_space<hbm>>
      %dma_wait3A_26 = tpu.memref_squeeze %dma_wait3A_25 : memref<1x512xi32, #tpu.memory_space<hbm>> -> memref<512xi32, #tpu.memory_space<hbm>>
      %dma_wait3A_27 = arith.constant 0 : i32
      %dma_wait3A_28 = tpu.memref_slice %arg4[%add3A, %dma_wait3A_27] : memref<32x512xi32, #tpu.memory_space<hbm>> -> memref<1x512xi32, #tpu.memory_space<hbm>>
      %dma_wait3A_29 = tpu.memref_squeeze %dma_wait3A_28 : memref<1x512xi32, #tpu.memory_space<hbm>> -> memref<512xi32, #tpu.memory_space<hbm>>
      tpu.wait_dma2 semaphore(%run_scoped3A : memref<!tpu.dma_semaphore, #tpu.memory_space<semaphore_mem>>) src(%dma_wait3A_29 : memref<512xi32, #tpu.memory_space<hbm>>) dst(%arg11 : memref<512xi32, #tpu.memory_space<vmem>>)
      tpu.yield
    }) : () -> ()
    "tpu.region"() ({
      %run_scoped3A = tpu.sem_alloc : memref<!tpu.dma_semaphore, #tpu.memory_space<semaphore_mem>>
      %dma_start3A_18 = arith.constant 0 : i32
      %dma_start3A_19 = tpu.memref_slice %arg5[%add3A, %dma_start3A_18] : memref<32x512xi32, #tpu.memory_space<hbm>> -> memref<1x512xi32, #tpu.memory_space<hbm>>
      %dma_start3A_20 = tpu.memref_squeeze %dma_start3A_19 : memref<1x512xi32, #tpu.memory_space<hbm>> -> memref<512xi32, #tpu.memory_space<hbm>>
      %dma_start3A_21 = arith.constant 0 : i32
      %dma_start3A_22 = tpu.memref_slice %arg5[%add3A, %dma_start3A_21] : memref<32x512xi32, #tpu.memory_space<hbm>> -> memref<1x512xi32, #tpu.memory_space<hbm>>
      %dma_start3A_23 = tpu.memref_squeeze %dma_start3A_22 : memref<1x512xi32, #tpu.memory_space<hbm>> -> memref<512xi32, #tpu.memory_space<hbm>>
      tpu.enqueue_dma source(%dma_start3A_23 : memref<512xi32, #tpu.memory_space<hbm>>) target(%arg12 : memref<512xi32, #tpu.memory_space<vmem>>) target_semaphore(%run_scoped3A : memref<!tpu.dma_semaphore, #tpu.memory_space<semaphore_mem>>)
      %dma_wait3A_24 = arith.constant 0 : i32
      %dma_wait3A_25 = tpu.memref_slice %arg5[%add3A, %dma_wait3A_24] : memref<32x512xi32, #tpu.memory_space<hbm>> -> memref<1x512xi32, #tpu.memory_space<hbm>>
      %dma_wait3A_26 = tpu.memref_squeeze %dma_wait3A_25 : memref<1x512xi32, #tpu.memory_space<hbm>> -> memref<512xi32, #tpu.memory_space<hbm>>
      %dma_wait3A_27 = arith.constant 0 : i32
      %dma_wait3A_28 = tpu.memref_slice %arg5[%add3A, %dma_wait3A_27] : memref<32x512xi32, #tpu.memory_space<hbm>> -> memref<1x512xi32, #tpu.memory_space<hbm>>
      %dma_wait3A_29 = tpu.memref_squeeze %dma_wait3A_28 : memref<1x512xi32, #tpu.memory_space<hbm>> -> memref<512xi32, #tpu.memory_space<hbm>>
      tpu.wait_dma2 semaphore(%run_scoped3A : memref<!tpu.dma_semaphore, #tpu.memory_space<semaphore_mem>>) src(%dma_wait3A_29 : memref<512xi32, #tpu.memory_space<hbm>>) dst(%arg12 : memref<512xi32, #tpu.memory_space<vmem>>)
      tpu.yield
    }) : () -> ()
    %dma_start3A = arith.constant 0 : i32
    %dma_start3A_3 = arith.constant 0 : i32
    %dma_start3A_4 = tpu.memref_slice %arg6[%dma_start3A, %dma_start3A_3] : memref<62500x16xf32, #tpu.memory_space<hbm>> -> memref<62500x16xf32, #tpu.memory_space<hbm>>
    tpu.enqueue_indirect_dma source(%dma_start3A_4 : memref<62500x16xf32, #tpu.memory_space<hbm>>) target(%arg13 : memref<512x16xf32, #tpu.memory_space<vmem>>) offsets(%arg11 : memref<512xi32, #tpu.memory_space<vmem>>) semaphore(%arg16 : memref<!tpu.dma_semaphore, #tpu.memory_space<semaphore_mem>>)
    %dma_start3A_5 = arith.constant 0 : i32
    %dma_start3A_6 = arith.constant 0 : i32
    %dma_start3A_7 = tpu.memref_slice %arg7[%dma_start3A_5, %dma_start3A_6] : memref<62500x16xf32, #tpu.memory_space<hbm>> -> memref<62500x16xf32, #tpu.memory_space<hbm>>
    tpu.enqueue_indirect_dma source(%dma_start3A_7 : memref<62500x16xf32, #tpu.memory_space<hbm>>) target(%arg14 : memref<512x16xf32, #tpu.memory_space<vmem>>) offsets(%arg12 : memref<512xi32, #tpu.memory_space<vmem>>) semaphore(%arg16 : memref<!tpu.dma_semaphore, #tpu.memory_space<semaphore_mem>>)
    %dma_wait3A = arith.constant 0 : i32
    %dma_wait3A_8 = arith.constant 0 : i32
    %dma_wait3A_9 = tpu.memref_slice %arg6[%dma_wait3A, %dma_wait3A_8] : memref<62500x16xf32, #tpu.memory_space<hbm>> -> memref<62500x16xf32, #tpu.memory_space<hbm>>
    tpu.wait_indirect_dma semaphore(%arg16 : memref<!tpu.dma_semaphore, #tpu.memory_space<semaphore_mem>>) src(%dma_wait3A_9 : memref<62500x16xf32, #tpu.memory_space<hbm>>) dst(%arg13 : memref<512x16xf32, #tpu.memory_space<vmem>>)
    %dma_wait3A_10 = arith.constant 0 : i32
    %dma_wait3A_11 = arith.constant 0 : i32
    %dma_wait3A_12 = tpu.memref_slice %arg7[%dma_wait3A_10, %dma_wait3A_11] : memref<62500x16xf32, #tpu.memory_space<hbm>> -> memref<62500x16xf32, #tpu.memory_space<hbm>>
    tpu.wait_indirect_dma semaphore(%arg16 : memref<!tpu.dma_semaphore, #tpu.memory_space<semaphore_mem>>) src(%dma_wait3A_12 : memref<62500x16xf32, #tpu.memory_space<hbm>>) dst(%arg14 : memref<512x16xf32, #tpu.memory_space<vmem>>)
    %scan3A = arith.constant 0 : i32
    %scan3A_13 = arith.constant 0 : i32
    %scan3A_14 = arith.constant 32 : i32
    %scan3A_15 = arith.addi %scan3A_13, %scan3A_14 : i32
    %scan3A_16 = arith.constant 1 : i32
    scf.for %scan3A_18 = %scan3A_13 to %scan3A_15 step %scan3A_16  : i32 {
      %mul3A_19 = arith.constant 16 : i32
      %mul3A_20 = arith.muli %scan3A_18, %mul3A_19 : i32
      %iota3A = tpu.iota {dimensions = array<i32: 0>} : vector<16xi32>
      %add3A_21 = vector.broadcast %mul3A_20 : i32 to vector<16xi32>
      %add3A_22 = arith.addi %add3A_21, %iota3A : vector<16xi32>
      %mul3A_23 = arith.constant 16 : i32
      %mul3A_24 = arith.muli %scan3A_18, %mul3A_23 : i32
      %get3A = arith.index_cast %mul3A_24 : i32 to index
      %get3A_25 = tpu.vector_load %arg9[%get3A] {strides = array<i32>} : memref<512xi32, #tpu.memory_space<vmem>>, vector<16xi32>,
      %and3A = arith.constant 15 : i32
      %and3A_26 = vector.broadcast %and3A : i32 to vector<16xi32>
      %and3A_27 = arith.andi %get3A_25, %and3A_26 : vector<16xi32>
      %mul3A_28 = arith.constant 16 : i32
      %mul3A_29 = arith.muli %scan3A_18, %mul3A_28 : i32
      %get3A_30 = arith.index_cast %mul3A_29 : i32 to index
      %get3A_31 = tpu.vector_load %arg10[%get3A_30] {strides = array<i32>} : memref<512xi32, #tpu.memory_space<vmem>>, vector<16xi32>,
      %and3A_32 = arith.constant 15 : i32
      %and3A_33 = vector.broadcast %and3A_32 : i32 to vector<16xi32>
      %and3A_34 = arith.andi %get3A_31, %and3A_33 : vector<16xi32>
      %gather3A = tpu.vector_load_idx %arg13[%add3A_22, %and3A_27] : memref<512x16xf32, #tpu.memory_space<vmem>>[vector<16xi32>, vector<16xi32>], vector<16xf32>,
      %gather3A_35 = tpu.vector_load_idx %arg14[%add3A_22, %and3A_34] : memref<512x16xf32, #tpu.memory_space<vmem>>[vector<16xi32>, vector<16xi32>], vector<16xf32>,
      %add3A_36 = arith.addf %gather3A, %gather3A_35 : vector<16xf32>
      %mul3A_37 = arith.constant 16 : i32
      %mul3A_38 = arith.muli %scan3A_18, %mul3A_37 : i32
      %swap3A = arith.index_cast %mul3A_38 : i32 to index
      %swap3A_39 = tpu.vector_load %arg15[%swap3A] {strides = array<i32>} : memref<512xf32, #tpu.memory_space<vmem>>, vector<16xf32>,
      tpu.vector_store %arg15[%swap3A], %add3A_36 {strides = array<i32>} : memref<512xf32, #tpu.memory_space<vmem>>, vector<16xf32>,
    }
    %scan3A_17 = arith.constant 32 : i32
    "tpu.region"() ({
      %run_scoped3A = tpu.sem_alloc : memref<!tpu.dma_semaphore, #tpu.memory_space<semaphore_mem>>
      %dma_start3A_18 = tpu.memref_slice %arg8[%mul3A_2] : memref<16384xf32, #tpu.memory_space<hbm>> -> memref<512xf32, #tpu.memory_space<hbm>>
      %dma_start3A_19 = tpu.memref_slice %arg8[%mul3A_2] : memref<16384xf32, #tpu.memory_space<hbm>> -> memref<512xf32, #tpu.memory_space<hbm>>
      tpu.enqueue_dma source(%arg15 : memref<512xf32, #tpu.memory_space<vmem>>) target(%dma_start3A_19 : memref<512xf32, #tpu.memory_space<hbm>>) target_semaphore(%run_scoped3A : memref<!tpu.dma_semaphore, #tpu.memory_space<semaphore_mem>>)
      %dma_wait3A_20 = tpu.memref_slice %arg8[%mul3A_2] : memref<16384xf32, #tpu.memory_space<hbm>> -> memref<512xf32, #tpu.memory_space<hbm>>
      %dma_wait3A_21 = tpu.memref_slice %arg8[%mul3A_2] : memref<16384xf32, #tpu.memory_space<hbm>> -> memref<512xf32, #tpu.memory_space<hbm>>
      tpu.wait_dma2 semaphore(%run_scoped3A : memref<!tpu.dma_semaphore, #tpu.memory_space<semaphore_mem>>) src(%arg15 : memref<512xf32, #tpu.memory_space<vmem>>) dst(%dma_wait3A_21 : memref<512xf32, #tpu.memory_space<hbm>>)
      tpu.yield
    }) : () -> ()
    return
  }
}

#map = affine_map<(d0, d1) -> (0, 0)>
#map1 = affine_map<(d0, d1) -> (0, 0, 0)>
#map2 = affine_map<(d0, d1) -> (0)>
module attributes {stable_mosaic.version = 14 : i64} {
  func.func @_dot_body(%arg0: i32, %arg1: i32, %arg2: memref<32x512xi32, #tpu.memory_space<hbm>>, %arg3: memref<32x512xi32, #tpu.memory_space<hbm>>, %arg4: memref<125000x8x64xf32, #tpu.memory_space<hbm>>, %arg5: memref<125000x8x64xf32, #tpu.memory_space<hbm>>, %arg6: memref<16384xf32, #tpu.memory_space<hbm>>, %arg7: memref<16384xf32, #tpu.memory_space<hbm>>, %arg8: memref<512xi32, #tpu.memory_space<vmem>>, %arg9: memref<512xi32, #tpu.memory_space<vmem>>, %arg10: memref<512xf32, #tpu.memory_space<vmem>>, %arg11: memref<256x64xf32, #tpu.memory_space<vmem>>, %arg12: memref<256x64xf32, #tpu.memory_space<vmem>>, %arg13: memref<512xf32, #tpu.memory_space<vmem>>, %arg14: memref<!tpu.dma_semaphore, #tpu.memory_space<semaphore_mem>>) attributes {dimension_semantics = [#tpu.dimension_semantics<core_parallel>, #tpu.dimension_semantics<subcore_parallel>], iteration_bounds = array<i64: 2, 16>, scalar_prefetch = 0 : i64, scratch_operands = 7 : i64, tpu.core_type = #tpu.core_type<sc_vector_subcore>, window_params = [{transform_indices = #map}, {transform_indices = #map}, {transform_indices = #map1}, {transform_indices = #map1}, {transform_indices = #map2}, {transform_indices = #map2}]} {
    %mul3A = arith.constant 2 : i32
    %mul3A_0 = arith.muli %arg1, %mul3A : i32
    %add3A = arith.addi %mul3A_0, %arg0 : i32
    %mul3A_1 = arith.constant 512 : i32
    %mul3A_2 = arith.muli %add3A, %mul3A_1 : i32
    "tpu.region"() ({
      %run_scoped3A = tpu.sem_alloc : memref<!tpu.dma_semaphore, #tpu.memory_space<semaphore_mem>>
      %dma_start3A = arith.constant 0 : i32
      %dma_start3A_38 = tpu.memref_slice %arg2[%add3A, %dma_start3A] : memref<32x512xi32, #tpu.memory_space<hbm>> -> memref<1x512xi32, #tpu.memory_space<hbm>>
      %dma_start3A_39 = tpu.memref_squeeze %dma_start3A_38 : memref<1x512xi32, #tpu.memory_space<hbm>> -> memref<512xi32, #tpu.memory_space<hbm>>
      %dma_start3A_40 = arith.constant 0 : i32
      %dma_start3A_41 = tpu.memref_slice %arg2[%add3A, %dma_start3A_40] : memref<32x512xi32, #tpu.memory_space<hbm>> -> memref<1x512xi32, #tpu.memory_space<hbm>>
      %dma_start3A_42 = tpu.memref_squeeze %dma_start3A_41 : memref<1x512xi32, #tpu.memory_space<hbm>> -> memref<512xi32, #tpu.memory_space<hbm>>
      tpu.enqueue_dma source(%dma_start3A_42 : memref<512xi32, #tpu.memory_space<hbm>>) target(%arg8 : memref<512xi32, #tpu.memory_space<vmem>>) target_semaphore(%run_scoped3A : memref<!tpu.dma_semaphore, #tpu.memory_space<semaphore_mem>>)
      %dma_wait3A = arith.constant 0 : i32
      %dma_wait3A_43 = tpu.memref_slice %arg2[%add3A, %dma_wait3A] : memref<32x512xi32, #tpu.memory_space<hbm>> -> memref<1x512xi32, #tpu.memory_space<hbm>>
      %dma_wait3A_44 = tpu.memref_squeeze %dma_wait3A_43 : memref<1x512xi32, #tpu.memory_space<hbm>> -> memref<512xi32, #tpu.memory_space<hbm>>
      %dma_wait3A_45 = arith.constant 0 : i32
      %dma_wait3A_46 = tpu.memref_slice %arg2[%add3A, %dma_wait3A_45] : memref<32x512xi32, #tpu.memory_space<hbm>> -> memref<1x512xi32, #tpu.memory_space<hbm>>
      %dma_wait3A_47 = tpu.memref_squeeze %dma_wait3A_46 : memref<1x512xi32, #tpu.memory_space<hbm>> -> memref<512xi32, #tpu.memory_space<hbm>>
      tpu.wait_dma2 semaphore(%run_scoped3A : memref<!tpu.dma_semaphore, #tpu.memory_space<semaphore_mem>>) src(%dma_wait3A_47 : memref<512xi32, #tpu.memory_space<hbm>>) dst(%arg8 : memref<512xi32, #tpu.memory_space<vmem>>)
      tpu.yield
    }) : () -> ()
    "tpu.region"() ({
      %run_scoped3A = tpu.sem_alloc : memref<!tpu.dma_semaphore, #tpu.memory_space<semaphore_mem>>
      %dma_start3A = arith.constant 0 : i32
      %dma_start3A_38 = tpu.memref_slice %arg3[%add3A, %dma_start3A] : memref<32x512xi32, #tpu.memory_space<hbm>> -> memref<1x512xi32, #tpu.memory_space<hbm>>
      %dma_start3A_39 = tpu.memref_squeeze %dma_start3A_38 : memref<1x512xi32, #tpu.memory_space<hbm>> -> memref<512xi32, #tpu.memory_space<hbm>>
      %dma_start3A_40 = arith.constant 0 : i32
      %dma_start3A_41 = tpu.memref_slice %arg3[%add3A, %dma_start3A_40] : memref<32x512xi32, #tpu.memory_space<hbm>> -> memref<1x512xi32, #tpu.memory_space<hbm>>
      %dma_start3A_42 = tpu.memref_squeeze %dma_start3A_41 : memref<1x512xi32, #tpu.memory_space<hbm>> -> memref<512xi32, #tpu.memory_space<hbm>>
      tpu.enqueue_dma source(%dma_start3A_42 : memref<512xi32, #tpu.memory_space<hbm>>) target(%arg9 : memref<512xi32, #tpu.memory_space<vmem>>) target_semaphore(%run_scoped3A : memref<!tpu.dma_semaphore, #tpu.memory_space<semaphore_mem>>)
      %dma_wait3A = arith.constant 0 : i32
      %dma_wait3A_43 = tpu.memref_slice %arg3[%add3A, %dma_wait3A] : memref<32x512xi32, #tpu.memory_space<hbm>> -> memref<1x512xi32, #tpu.memory_space<hbm>>
      %dma_wait3A_44 = tpu.memref_squeeze %dma_wait3A_43 : memref<1x512xi32, #tpu.memory_space<hbm>> -> memref<512xi32, #tpu.memory_space<hbm>>
      %dma_wait3A_45 = arith.constant 0 : i32
      %dma_wait3A_46 = tpu.memref_slice %arg3[%add3A, %dma_wait3A_45] : memref<32x512xi32, #tpu.memory_space<hbm>> -> memref<1x512xi32, #tpu.memory_space<hbm>>
      %dma_wait3A_47 = tpu.memref_squeeze %dma_wait3A_46 : memref<1x512xi32, #tpu.memory_space<hbm>> -> memref<512xi32, #tpu.memory_space<hbm>>
      tpu.wait_dma2 semaphore(%run_scoped3A : memref<!tpu.dma_semaphore, #tpu.memory_space<semaphore_mem>>) src(%dma_wait3A_47 : memref<512xi32, #tpu.memory_space<hbm>>) dst(%arg9 : memref<512xi32, #tpu.memory_space<vmem>>)
      tpu.yield
    }) : () -> ()
    "tpu.region"() ({
      %run_scoped3A = tpu.sem_alloc : memref<!tpu.dma_semaphore, #tpu.memory_space<semaphore_mem>>
      %dma_start3A = tpu.memref_slice %arg6[%mul3A_2] : memref<16384xf32, #tpu.memory_space<hbm>> -> memref<512xf32, #tpu.memory_space<hbm>>
      %dma_start3A_38 = tpu.memref_slice %arg6[%mul3A_2] : memref<16384xf32, #tpu.memory_space<hbm>> -> memref<512xf32, #tpu.memory_space<hbm>>
      tpu.enqueue_dma source(%dma_start3A_38 : memref<512xf32, #tpu.memory_space<hbm>>) target(%arg10 : memref<512xf32, #tpu.memory_space<vmem>>) target_semaphore(%run_scoped3A : memref<!tpu.dma_semaphore, #tpu.memory_space<semaphore_mem>>)
      %dma_wait3A = tpu.memref_slice %arg6[%mul3A_2] : memref<16384xf32, #tpu.memory_space<hbm>> -> memref<512xf32, #tpu.memory_space<hbm>>
      %dma_wait3A_39 = tpu.memref_slice %arg6[%mul3A_2] : memref<16384xf32, #tpu.memory_space<hbm>> -> memref<512xf32, #tpu.memory_space<hbm>>
      tpu.wait_dma2 semaphore(%run_scoped3A : memref<!tpu.dma_semaphore, #tpu.memory_space<semaphore_mem>>) src(%dma_wait3A_39 : memref<512xf32, #tpu.memory_space<hbm>>) dst(%arg10 : memref<512xf32, #tpu.memory_space<vmem>>)
      tpu.yield
    }) : () -> ()
    %scan3A = arith.constant 0 : i32
    %scan3A_3 = arith.constant 0 : i32
    %scan3A_4 = arith.constant 16 : i32
    %scan3A_5 = arith.addi %scan3A_3, %scan3A_4 : i32
    %scan3A_6 = arith.constant 1 : i32
    scf.for %scan3A_38 = %scan3A_3 to %scan3A_5 step %scan3A_6  : i32 {
      %mul3A_39 = arith.constant 16 : i32
      %mul3A_40 = arith.muli %scan3A_38, %mul3A_39 : i32
      %add3A_41 = arith.constant 0 : i32
      %add3A_42 = arith.addi %add3A_41, %mul3A_40 : i32
      %get3A = arith.index_cast %add3A_42 : i32 to index
      %get3A_43 = tpu.vector_load %arg8[%get3A] {strides = array<i32>} : memref<512xi32, #tpu.memory_space<vmem>>, vector<16xi32>,
      %mul3A_44 = arith.constant 16 : i32
      %mul3A_45 = arith.muli %scan3A_38, %mul3A_44 : i32
      %add3A_46 = arith.constant 0 : i32
      %add3A_47 = arith.addi %add3A_46, %mul3A_45 : i32
      %get3A_48 = arith.index_cast %add3A_47 : i32 to index
      %get3A_49 = tpu.vector_load %arg9[%get3A_48] {strides = array<i32>} : memref<512xi32, #tpu.memory_space<vmem>>, vector<16xi32>,
      %mul3A_50 = arith.constant 16 : i32
      %mul3A_51 = arith.muli %scan3A_38, %mul3A_50 : i32
      %add3A_52 = arith.constant 0 : i32
      %add3A_53 = arith.addi %mul3A_51, %add3A_52 : i32
      %slice3A = vector.extract_strided_slice %get3A_43 {offsets = [0], sizes = [1], strides = [1]} : vector<16xi32> to vector<1xi32>
      %squeeze3A = vector.extract %slice3A[0] : i32 from vector<1xi32>
      %shift_right_arithmetic3A = arith.constant 3 : i32
      %shift_right_arithmetic3A_54 = arith.shrsi %squeeze3A, %shift_right_arithmetic3A : i32
      %slice3A_55 = vector.extract_strided_slice %get3A_43 {offsets = [0], sizes = [1], strides = [1]} : vector<16xi32> to vector<1xi32>
      %squeeze3A_56 = vector.extract %slice3A_55[0] : i32 from vector<1xi32>
      %and3A = arith.constant 7 : i32
      %and3A_57 = arith.andi %squeeze3A_56, %and3A : i32
      %dma_start3A = arith.constant 0 : i32
      %dma_start3A_58 = tpu.memref_slice %arg11[%add3A_53, %dma_start3A] : memref<256x64xf32, #tpu.memory_space<vmem>> -> memref<1x64xf32, #tpu.memory_space<vmem>>
      %dma_start3A_59 = arith.constant 0 : i32
      %dma_start3A_60 = tpu.memref_slice %arg4[%shift_right_arithmetic3A_54, %and3A_57, %dma_start3A_59] : memref<125000x8x64xf32, #tpu.memory_space<hbm>> -> memref<1x1x64xf32, #tpu.memory_space<hbm>>
      %dma_start3A_61 = tpu.memref_squeeze %dma_start3A_60 : memref<1x1x64xf32, #tpu.memory_space<hbm>> -> memref<1x64xf32, #tpu.memory_space<hbm>>
      %dma_start3A_62 = arith.constant 0 : i32
      %dma_start3A_63 = tpu.memref_slice %arg11[%add3A_53, %dma_start3A_62] : memref<256x64xf32, #tpu.memory_space<vmem>> -> memref<1x64xf32, #tpu.memory_space<vmem>>
      %dma_start3A_64 = arith.constant 0 : i32
      %dma_start3A_65 = tpu.memref_slice %arg4[%shift_right_arithmetic3A_54, %and3A_57, %dma_start3A_64] : memref<125000x8x64xf32, #tpu.memory_space<hbm>> -> memref<1x1x64xf32, #tpu.memory_space<hbm>>
      %dma_start3A_66 = tpu.memref_squeeze %dma_start3A_65 : memref<1x1x64xf32, #tpu.memory_space<hbm>> -> memref<1x64xf32, #tpu.memory_space<hbm>>
      tpu.enqueue_dma source(%dma_start3A_66 : memref<1x64xf32, #tpu.memory_space<hbm>>) target(%dma_start3A_63 : memref<1x64xf32, #tpu.memory_space<vmem>>) target_semaphore(%arg14 : memref<!tpu.dma_semaphore, #tpu.memory_space<semaphore_mem>>)
      %slice3A_67 = vector.extract_strided_slice %get3A_49 {offsets = [0], sizes = [1], strides = [1]} : vector<16xi32> to vector<1xi32>
      %squeeze3A_68 = vector.extract %slice3A_67[0] : i32 from vector<1xi32>
      %shift_right_arithmetic3A_69 = arith.constant 3 : i32
      %shift_right_arithmetic3A_70 = arith.shrsi %squeeze3A_68, %shift_right_arithmetic3A_69 : i32
      %slice3A_71 = vector.extract_strided_slice %get3A_49 {offsets = [0], sizes = [1], strides = [1]} : vector<16xi32> to vector<1xi32>
      %squeeze3A_72 = vector.extract %slice3A_71[0] : i32 from vector<1xi32>
      %and3A_73 = arith.constant 7 : i32
      %and3A_74 = arith.andi %squeeze3A_72, %and3A_73 : i32
      %dma_start3A_75 = arith.constant 0 : i32
      %dma_start3A_76 = tpu.memref_slice %arg12[%add3A_53, %dma_start3A_75] : memref<256x64xf32, #tpu.memory_space<vmem>> -> memref<1x64xf32, #tpu.memory_space<vmem>>
      %dma_start3A_77 = arith.constant 0 : i32
      %dma_start3A_78 = tpu.memref_slice %arg5[%shift_right_arithmetic3A_70, %and3A_74, %dma_start3A_77] : memref<125000x8x64xf32, #tpu.memory_space<hbm>> -> memref<1x1x64xf32, #tpu.memory_space<hbm>>
      %dma_start3A_79 = tpu.memref_squeeze %dma_start3A_78 : memref<1x1x64xf32, #tpu.memory_space<hbm>> -> memref<1x64xf32, #tpu.memory_space<hbm>>
      %dma_start3A_80 = arith.constant 0 : i32
      %dma_start3A_81 = tpu.memref_slice %arg12[%add3A_53, %dma_start3A_80] : memref<256x64xf32, #tpu.memory_space<vmem>> -> memref<1x64xf32, #tpu.memory_space<vmem>>
      %dma_start3A_82 = arith.constant 0 : i32
      %dma_start3A_83 = tpu.memref_slice %arg5[%shift_right_arithmetic3A_70, %and3A_74, %dma_start3A_82] : memref<125000x8x64xf32, #tpu.memory_space<hbm>> -> memref<1x1x64xf32, #tpu.memory_space<hbm>>
      %dma_start3A_84 = tpu.memref_squeeze %dma_start3A_83 : memref<1x1x64xf32, #tpu.memory_space<hbm>> -> memref<1x64xf32, #tpu.memory_space<hbm>>
      tpu.enqueue_dma source(%dma_start3A_84 : memref<1x64xf32, #tpu.memory_space<hbm>>) target(%dma_start3A_81 : memref<1x64xf32, #tpu.memory_space<vmem>>) target_semaphore(%arg14 : memref<!tpu.dma_semaphore, #tpu.memory_space<semaphore_mem>>)
      %mul3A_85 = arith.constant 16 : i32
      %mul3A_86 = arith.muli %scan3A_38, %mul3A_85 : i32
      %add3A_87 = arith.constant 1 : i32
      %add3A_88 = arith.addi %mul3A_86, %add3A_87 : i32
      %slice3A_89 = vector.extract_strided_slice %get3A_43 {offsets = [1], sizes = [1], strides = [1]} : vector<16xi32> to vector<1xi32>
      %squeeze3A_90 = vector.extract %slice3A_89[0] : i32 from vector<1xi32>
      %shift_right_arithmetic3A_91 = arith.constant 3 : i32
      %shift_right_arithmetic3A_92 = arith.shrsi %squeeze3A_90, %shift_right_arithmetic3A_91 : i32
      %slice3A_93 = vector.extract_strided_slice %get3A_43 {offsets = [1], sizes = [1], strides = [1]} : vector<16xi32> to vector<1xi32>
      %squeeze3A_94 = vector.extract %slice3A_93[0] : i32 from vector<1xi32>
      %and3A_95 = arith.constant 7 : i32
      %and3A_96 = arith.andi %squeeze3A_94, %and3A_95 : i32
      %dma_start3A_97 = arith.constant 0 : i32
      %dma_start3A_98 = tpu.memref_slice %arg11[%add3A_88, %dma_start3A_97] : memref<256x64xf32, #tpu.memory_space<vmem>> -> memref<1x64xf32, #tpu.memory_space<vmem>>
      %dma_start3A_99 = arith.constant 0 : i32
      %dma_start3A_100 = tpu.memref_slice %arg4[%shift_right_arithmetic3A_92, %and3A_96, %dma_start3A_99] : memref<125000x8x64xf32, #tpu.memory_space<hbm>> -> memref<1x1x64xf32, #tpu.memory_space<hbm>>
      %dma_start3A_101 = tpu.memref_squeeze %dma_start3A_100 : memref<1x1x64xf32, #tpu.memory_space<hbm>> -> memref<1x64xf32, #tpu.memory_space<hbm>>
      %dma_start3A_102 = arith.constant 0 : i32
      %dma_start3A_103 = tpu.memref_slice %arg11[%add3A_88, %dma_start3A_102] : memref<256x64xf32, #tpu.memory_space<vmem>> -> memref<1x64xf32, #tpu.memory_space<vmem>>
      %dma_start3A_104 = arith.constant 0 : i32
      %dma_start3A_105 = tpu.memref_slice %arg4[%shift_right_arithmetic3A_92, %and3A_96, %dma_start3A_104] : memref<125000x8x64xf32, #tpu.memory_space<hbm>> -> memref<1x1x64xf32, #tpu.memory_space<hbm>>
      %dma_start3A_106 = tpu.memref_squeeze %dma_start3A_105 : memref<1x1x64xf32, #tpu.memory_space<hbm>> -> memref<1x64xf32, #tpu.memory_space<hbm>>
      tpu.enqueue_dma source(%dma_start3A_106 : memref<1x64xf32, #tpu.memory_space<hbm>>) target(%dma_start3A_103 : memref<1x64xf32, #tpu.memory_space<vmem>>) target_semaphore(%arg14 : memref<!tpu.dma_semaphore, #tpu.memory_space<semaphore_mem>>)
      %slice3A_107 = vector.extract_strided_slice %get3A_49 {offsets = [1], sizes = [1], strides = [1]} : vector<16xi32> to vector<1xi32>
      %squeeze3A_108 = vector.extract %slice3A_107[0] : i32 from vector<1xi32>
      %shift_right_arithmetic3A_109 = arith.constant 3 : i32
      %shift_right_arithmetic3A_110 = arith.shrsi %squeeze3A_108, %shift_right_arithmetic3A_109 : i32
      %slice3A_111 = vector.extract_strided_slice %get3A_49 {offsets = [1], sizes = [1], strides = [1]} : vector<16xi32> to vector<1xi32>
      %squeeze3A_112 = vector.extract %slice3A_111[0] : i32 from vector<1xi32>
      %and3A_113 = arith.constant 7 : i32
      %and3A_114 = arith.andi %squeeze3A_112, %and3A_113 : i32
      %dma_start3A_115 = arith.constant 0 : i32
      %dma_start3A_116 = tpu.memref_slice %arg12[%add3A_88, %dma_start3A_115] : memref<256x64xf32, #tpu.memory_space<vmem>> -> memref<1x64xf32, #tpu.memory_space<vmem>>
      %dma_start3A_117 = arith.constant 0 : i32
      %dma_start3A_118 = tpu.memref_slice %arg5[%shift_right_arithmetic3A_110, %and3A_114, %dma_start3A_117] : memref<125000x8x64xf32, #tpu.memory_space<hbm>> -> memref<1x1x64xf32, #tpu.memory_space<hbm>>
      %dma_start3A_119 = tpu.memref_squeeze %dma_start3A_118 : memref<1x1x64xf32, #tpu.memory_space<hbm>> -> memref<1x64xf32, #tpu.memory_space<hbm>>
      %dma_start3A_120 = arith.constant 0 : i32
      %dma_start3A_121 = tpu.memref_slice %arg12[%add3A_88, %dma_start3A_120] : memref<256x64xf32, #tpu.memory_space<vmem>> -> memref<1x64xf32, #tpu.memory_space<vmem>>
      %dma_start3A_122 = arith.constant 0 : i32
      %dma_start3A_123 = tpu.memref_slice %arg5[%shift_right_arithmetic3A_110, %and3A_114, %dma_start3A_122] : memref<125000x8x64xf32, #tpu.memory_space<hbm>> -> memref<1x1x64xf32, #tpu.memory_space<hbm>>
      %dma_start3A_124 = tpu.memref_squeeze %dma_start3A_123 : memref<1x1x64xf32, #tpu.memory_space<hbm>> -> memref<1x64xf32, #tpu.memory_space<hbm>>
      tpu.enqueue_dma source(%dma_start3A_124 : memref<1x64xf32, #tpu.memory_space<hbm>>) target(%dma_start3A_121 : memref<1x64xf32, #tpu.memory_space<vmem>>) target_semaphore(%arg14 : memref<!tpu.dma_semaphore, #tpu.memory_space<semaphore_mem>>)
      %mul3A_125 = arith.constant 16 : i32
      %mul3A_126 = arith.muli %scan3A_38, %mul3A_125 : i32
      %add3A_127 = arith.constant 2 : i32
      %add3A_128 = arith.addi %mul3A_126, %add3A_127 : i32
      %slice3A_129 = vector.extract_strided_slice %get3A_43 {offsets = [2], sizes = [1], strides = [1]} : vector<16xi32> to vector<1xi32>
      %squeeze3A_130 = vector.extract %slice3A_129[0] : i32 from vector<1xi32>
      %shift_right_arithmetic3A_131 = arith.constant 3 : i32
      %shift_right_arithmetic3A_132 = arith.shrsi %squeeze3A_130, %shift_right_arithmetic3A_131 : i32
      %slice3A_133 = vector.extract_strided_slice %get3A_43 {offsets = [2], sizes = [1], strides = [1]} : vector<16xi32> to vector<1xi32>
      %squeeze3A_134 = vector.extract %slice3A_133[0] : i32 from vector<1xi32>
      %and3A_135 = arith.constant 7 : i32
      %and3A_136 = arith.andi %squeeze3A_134, %and3A_135 : i32
      %dma_start3A_137 = arith.constant 0 : i32
      %dma_start3A_138 = tpu.memref_slice %arg11[%add3A_128, %dma_start3A_137] : memref<256x64xf32, #tpu.memory_space<vmem>> -> memref<1x64xf32, #tpu.memory_space<vmem>>
      %dma_start3A_139 = arith.constant 0 : i32
      %dma_start3A_140 = tpu.memref_slice %arg4[%shift_right_arithmetic3A_132, %and3A_136, %dma_start3A_139] : memref<125000x8x64xf32, #tpu.memory_space<hbm>> -> memref<1x1x64xf32, #tpu.memory_space<hbm>>
      %dma_start3A_141 = tpu.memref_squeeze %dma_start3A_140 : memref<1x1x64xf32, #tpu.memory_space<hbm>> -> memref<1x64xf32, #tpu.memory_space<hbm>>
      %dma_start3A_142 = arith.constant 0 : i32
      %dma_start3A_143 = tpu.memref_slice %arg11[%add3A_128, %dma_start3A_142] : memref<256x64xf32, #tpu.memory_space<vmem>> -> memref<1x64xf32, #tpu.memory_space<vmem>>
      %dma_start3A_144 = arith.constant 0 : i32
      %dma_start3A_145 = tpu.memref_slice %arg4[%shift_right_arithmetic3A_132, %and3A_136, %dma_start3A_144] : memref<125000x8x64xf32, #tpu.memory_space<hbm>> -> memref<1x1x64xf32, #tpu.memory_space<hbm>>
      %dma_start3A_146 = tpu.memref_squeeze %dma_start3A_145 : memref<1x1x64xf32, #tpu.memory_space<hbm>> -> memref<1x64xf32, #tpu.memory_space<hbm>>
      tpu.enqueue_dma source(%dma_start3A_146 : memref<1x64xf32, #tpu.memory_space<hbm>>) target(%dma_start3A_143 : memref<1x64xf32, #tpu.memory_space<vmem>>) target_semaphore(%arg14 : memref<!tpu.dma_semaphore, #tpu.memory_space<semaphore_mem>>)
      %slice3A_147 = vector.extract_strided_slice %get3A_49 {offsets = [2], sizes = [1], strides = [1]} : vector<16xi32> to vector<1xi32>
      %squeeze3A_148 = vector.extract %slice3A_147[0] : i32 from vector<1xi32>
      %shift_right_arithmetic3A_149 = arith.constant 3 : i32
      %shift_right_arithmetic3A_150 = arith.shrsi %squeeze3A_148, %shift_right_arithmetic3A_149 : i32
      %slice3A_151 = vector.extract_strided_slice %get3A_49 {offsets = [2], sizes = [1], strides = [1]} : vector<16xi32> to vector<1xi32>
      %squeeze3A_152 = vector.extract %slice3A_151[0] : i32 from vector<1xi32>
      %and3A_153 = arith.constant 7 : i32
      %and3A_154 = arith.andi %squeeze3A_152, %and3A_153 : i32
      %dma_start3A_155 = arith.constant 0 : i32
      %dma_start3A_156 = tpu.memref_slice %arg12[%add3A_128, %dma_start3A_155] : memref<256x64xf32, #tpu.memory_space<vmem>> -> memref<1x64xf32, #tpu.memory_space<vmem>>
      %dma_start3A_157 = arith.constant 0 : i32
      %dma_start3A_158 = tpu.memref_slice %arg5[%shift_right_arithmetic3A_150, %and3A_154, %dma_start3A_157] : memref<125000x8x64xf32, #tpu.memory_space<hbm>> -> memref<1x1x64xf32, #tpu.memory_space<hbm>>
      %dma_start3A_159 = tpu.memref_squeeze %dma_start3A_158 : memref<1x1x64xf32, #tpu.memory_space<hbm>> -> memref<1x64xf32, #tpu.memory_space<hbm>>
      %dma_start3A_160 = arith.constant 0 : i32
      %dma_start3A_161 = tpu.memref_slice %arg12[%add3A_128, %dma_start3A_160] : memref<256x64xf32, #tpu.memory_space<vmem>> -> memref<1x64xf32, #tpu.memory_space<vmem>>
      %dma_start3A_162 = arith.constant 0 : i32
      %dma_start3A_163 = tpu.memref_slice %arg5[%shift_right_arithmetic3A_150, %and3A_154, %dma_start3A_162] : memref<125000x8x64xf32, #tpu.memory_space<hbm>> -> memref<1x1x64xf32, #tpu.memory_space<hbm>>
      %dma_start3A_164 = tpu.memref_squeeze %dma_start3A_163 : memref<1x1x64xf32, #tpu.memory_space<hbm>> -> memref<1x64xf32, #tpu.memory_space<hbm>>
      tpu.enqueue_dma source(%dma_start3A_164 : memref<1x64xf32, #tpu.memory_space<hbm>>) target(%dma_start3A_161 : memref<1x64xf32, #tpu.memory_space<vmem>>) target_semaphore(%arg14 : memref<!tpu.dma_semaphore, #tpu.memory_space<semaphore_mem>>)
      %mul3A_165 = arith.constant 16 : i32
      %mul3A_166 = arith.muli %scan3A_38, %mul3A_165 : i32
      %add3A_167 = arith.constant 3 : i32
      %add3A_168 = arith.addi %mul3A_166, %add3A_167 : i32
      %slice3A_169 = vector.extract_strided_slice %get3A_43 {offsets = [3], sizes = [1], strides = [1]} : vector<16xi32> to vector<1xi32>
      %squeeze3A_170 = vector.extract %slice3A_169[0] : i32 from vector<1xi32>
      %shift_right_arithmetic3A_171 = arith.constant 3 : i32
      %shift_right_arithmetic3A_172 = arith.shrsi %squeeze3A_170, %shift_right_arithmetic3A_171 : i32
      %slice3A_173 = vector.extract_strided_slice %get3A_43 {offsets = [3], sizes = [1], strides = [1]} : vector<16xi32> to vector<1xi32>
      %squeeze3A_174 = vector.extract %slice3A_173[0] : i32 from vector<1xi32>
      %and3A_175 = arith.constant 7 : i32
      %and3A_176 = arith.andi %squeeze3A_174, %and3A_175 : i32
      %dma_start3A_177 = arith.constant 0 : i32
      %dma_start3A_178 = tpu.memref_slice %arg11[%add3A_168, %dma_start3A_177] : memref<256x64xf32, #tpu.memory_space<vmem>> -> memref<1x64xf32, #tpu.memory_space<vmem>>
      %dma_start3A_179 = arith.constant 0 : i32
      %dma_start3A_180 = tpu.memref_slice %arg4[%shift_right_arithmetic3A_172, %and3A_176, %dma_start3A_179] : memref<125000x8x64xf32, #tpu.memory_space<hbm>> -> memref<1x1x64xf32, #tpu.memory_space<hbm>>
      %dma_start3A_181 = tpu.memref_squeeze %dma_start3A_180 : memref<1x1x64xf32, #tpu.memory_space<hbm>> -> memref<1x64xf32, #tpu.memory_space<hbm>>
      %dma_start3A_182 = arith.constant 0 : i32
      %dma_start3A_183 = tpu.memref_slice %arg11[%add3A_168, %dma_start3A_182] : memref<256x64xf32, #tpu.memory_space<vmem>> -> memref<1x64xf32, #tpu.memory_space<vmem>>
      %dma_start3A_184 = arith.constant 0 : i32
      %dma_start3A_185 = tpu.memref_slice %arg4[%shift_right_arithmetic3A_172, %and3A_176, %dma_start3A_184] : memref<125000x8x64xf32, #tpu.memory_space<hbm>> -> memref<1x1x64xf32, #tpu.memory_space<hbm>>
      %dma_start3A_186 = tpu.memref_squeeze %dma_start3A_185 : memref<1x1x64xf32, #tpu.memory_space<hbm>> -> memref<1x64xf32, #tpu.memory_space<hbm>>
      tpu.enqueue_dma source(%dma_start3A_186 : memref<1x64xf32, #tpu.memory_space<hbm>>) target(%dma_start3A_183 : memref<1x64xf32, #tpu.memory_space<vmem>>) target_semaphore(%arg14 : memref<!tpu.dma_semaphore, #tpu.memory_space<semaphore_mem>>)
      %slice3A_187 = vector.extract_strided_slice %get3A_49 {offsets = [3], sizes = [1], strides = [1]} : vector<16xi32> to vector<1xi32>
      %squeeze3A_188 = vector.extract %slice3A_187[0] : i32 from vector<1xi32>
      %shift_right_arithmetic3A_189 = arith.constant 3 : i32
      %shift_right_arithmetic3A_190 = arith.shrsi %squeeze3A_188, %shift_right_arithmetic3A_189 : i32
      %slice3A_191 = vector.extract_strided_slice %get3A_49 {offsets = [3], sizes = [1], strides = [1]} : vector<16xi32> to vector<1xi32>
      %squeeze3A_192 = vector.extract %slice3A_191[0] : i32 from vector<1xi32>
      %and3A_193 = arith.constant 7 : i32
      %and3A_194 = arith.andi %squeeze3A_192, %and3A_193 : i32
      %dma_start3A_195 = arith.constant 0 : i32
      %dma_start3A_196 = tpu.memref_slice %arg12[%add3A_168, %dma_start3A_195] : memref<256x64xf32, #tpu.memory_space<vmem>> -> memref<1x64xf32, #tpu.memory_space<vmem>>
      %dma_start3A_197 = arith.constant 0 : i32
      %dma_start3A_198 = tpu.memref_slice %arg5[%shift_right_arithmetic3A_190, %and3A_194, %dma_start3A_197] : memref<125000x8x64xf32, #tpu.memory_space<hbm>> -> memref<1x1x64xf32, #tpu.memory_space<hbm>>
      %dma_start3A_199 = tpu.memref_squeeze %dma_start3A_198 : memref<1x1x64xf32, #tpu.memory_space<hbm>> -> memref<1x64xf32, #tpu.memory_space<hbm>>
      %dma_start3A_200 = arith.constant 0 : i32
      %dma_start3A_201 = tpu.memref_slice %arg12[%add3A_168, %dma_start3A_200] : memref<256x64xf32, #tpu.memory_space<vmem>> -> memref<1x64xf32, #tpu.memory_space<vmem>>
      %dma_start3A_202 = arith.constant 0 : i32
      %dma_start3A_203 = tpu.memref_slice %arg5[%shift_right_arithmetic3A_190, %and3A_194, %dma_start3A_202] : memref<125000x8x64xf32, #tpu.memory_space<hbm>> -> memref<1x1x64xf32, #tpu.memory_space<hbm>>
      %dma_start3A_204 = tpu.memref_squeeze %dma_start3A_203 : memref<1x1x64xf32, #tpu.memory_space<hbm>> -> memref<1x64xf32, #tpu.memory_space<hbm>>
      tpu.enqueue_dma source(%dma_start3A_204 : memref<1x64xf32, #tpu.memory_space<hbm>>) target(%dma_start3A_201 : memref<1x64xf32, #tpu.memory_space<vmem>>) target_semaphore(%arg14 : memref<!tpu.dma_semaphore, #tpu.memory_space<semaphore_mem>>)
      %mul3A_205 = arith.constant 16 : i32
      %mul3A_206 = arith.muli %scan3A_38, %mul3A_205 : i32
      %add3A_207 = arith.constant 4 : i32
      %add3A_208 = arith.addi %mul3A_206, %add3A_207 : i32
      %slice3A_209 = vector.extract_strided_slice %get3A_43 {offsets = [4], sizes = [1], strides = [1]} : vector<16xi32> to vector<1xi32>
      %squeeze3A_210 = vector.extract %slice3A_209[0] : i32 from vector<1xi32>
      %shift_right_arithmetic3A_211 = arith.constant 3 : i32
      %shift_right_arithmetic3A_212 = arith.shrsi %squeeze3A_210, %shift_right_arithmetic3A_211 : i32
      %slice3A_213 = vector.extract_strided_slice %get3A_43 {offsets = [4], sizes = [1], strides = [1]} : vector<16xi32> to vector<1xi32>
      %squeeze3A_214 = vector.extract %slice3A_213[0] : i32 from vector<1xi32>
      %and3A_215 = arith.constant 7 : i32
      %and3A_216 = arith.andi %squeeze3A_214, %and3A_215 : i32
      %dma_start3A_217 = arith.constant 0 : i32
      %dma_start3A_218 = tpu.memref_slice %arg11[%add3A_208, %dma_start3A_217] : memref<256x64xf32, #tpu.memory_space<vmem>> -> memref<1x64xf32, #tpu.memory_space<vmem>>
      %dma_start3A_219 = arith.constant 0 : i32
      %dma_start3A_220 = tpu.memref_slice %arg4[%shift_right_arithmetic3A_212, %and3A_216, %dma_start3A_219] : memref<125000x8x64xf32, #tpu.memory_space<hbm>> -> memref<1x1x64xf32, #tpu.memory_space<hbm>>
      %dma_start3A_221 = tpu.memref_squeeze %dma_start3A_220 : memref<1x1x64xf32, #tpu.memory_space<hbm>> -> memref<1x64xf32, #tpu.memory_space<hbm>>
      %dma_start3A_222 = arith.constant 0 : i32
      %dma_start3A_223 = tpu.memref_slice %arg11[%add3A_208, %dma_start3A_222] : memref<256x64xf32, #tpu.memory_space<vmem>> -> memref<1x64xf32, #tpu.memory_space<vmem>>
      %dma_start3A_224 = arith.constant 0 : i32
      %dma_start3A_225 = tpu.memref_slice %arg4[%shift_right_arithmetic3A_212, %and3A_216, %dma_start3A_224] : memref<125000x8x64xf32, #tpu.memory_space<hbm>> -> memref<1x1x64xf32, #tpu.memory_space<hbm>>
      %dma_start3A_226 = tpu.memref_squeeze %dma_start3A_225 : memref<1x1x64xf32, #tpu.memory_space<hbm>> -> memref<1x64xf32, #tpu.memory_space<hbm>>
      tpu.enqueue_dma source(%dma_start3A_226 : memref<1x64xf32, #tpu.memory_space<hbm>>) target(%dma_start3A_223 : memref<1x64xf32, #tpu.memory_space<vmem>>) target_semaphore(%arg14 : memref<!tpu.dma_semaphore, #tpu.memory_space<semaphore_mem>>)
      %slice3A_227 = vector.extract_strided_slice %get3A_49 {offsets = [4], sizes = [1], strides = [1]} : vector<16xi32> to vector<1xi32>
      %squeeze3A_228 = vector.extract %slice3A_227[0] : i32 from vector<1xi32>
      %shift_right_arithmetic3A_229 = arith.constant 3 : i32
      %shift_right_arithmetic3A_230 = arith.shrsi %squeeze3A_228, %shift_right_arithmetic3A_229 : i32
      %slice3A_231 = vector.extract_strided_slice %get3A_49 {offsets = [4], sizes = [1], strides = [1]} : vector<16xi32> to vector<1xi32>
      %squeeze3A_232 = vector.extract %slice3A_231[0] : i32 from vector<1xi32>
      %and3A_233 = arith.constant 7 : i32
      %and3A_234 = arith.andi %squeeze3A_232, %and3A_233 : i32
      %dma_start3A_235 = arith.constant 0 : i32
      %dma_start3A_236 = tpu.memref_slice %arg12[%add3A_208, %dma_start3A_235] : memref<256x64xf32, #tpu.memory_space<vmem>> -> memref<1x64xf32, #tpu.memory_space<vmem>>
      %dma_start3A_237 = arith.constant 0 : i32
      %dma_start3A_238 = tpu.memref_slice %arg5[%shift_right_arithmetic3A_230, %and3A_234, %dma_start3A_237] : memref<125000x8x64xf32, #tpu.memory_space<hbm>> -> memref<1x1x64xf32, #tpu.memory_space<hbm>>
      %dma_start3A_239 = tpu.memref_squeeze %dma_start3A_238 : memref<1x1x64xf32, #tpu.memory_space<hbm>> -> memref<1x64xf32, #tpu.memory_space<hbm>>
      %dma_start3A_240 = arith.constant 0 : i32
      %dma_start3A_241 = tpu.memref_slice %arg12[%add3A_208, %dma_start3A_240] : memref<256x64xf32, #tpu.memory_space<vmem>> -> memref<1x64xf32, #tpu.memory_space<vmem>>
      %dma_start3A_242 = arith.constant 0 : i32
      %dma_start3A_243 = tpu.memref_slice %arg5[%shift_right_arithmetic3A_230, %and3A_234, %dma_start3A_242] : memref<125000x8x64xf32, #tpu.memory_space<hbm>> -> memref<1x1x64xf32, #tpu.memory_space<hbm>>
      %dma_start3A_244 = tpu.memref_squeeze %dma_start3A_243 : memref<1x1x64xf32, #tpu.memory_space<hbm>> -> memref<1x64xf32, #tpu.memory_space<hbm>>
      tpu.enqueue_dma source(%dma_start3A_244 : memref<1x64xf32, #tpu.memory_space<hbm>>) target(%dma_start3A_241 : memref<1x64xf32, #tpu.memory_space<vmem>>) target_semaphore(%arg14 : memref<!tpu.dma_semaphore, #tpu.memory_space<semaphore_mem>>)
      %mul3A_245 = arith.constant 16 : i32
      %mul3A_246 = arith.muli %scan3A_38, %mul3A_245 : i32
      %add3A_247 = arith.constant 5 : i32
      %add3A_248 = arith.addi %mul3A_246, %add3A_247 : i32
      %slice3A_249 = vector.extract_strided_slice %get3A_43 {offsets = [5], sizes = [1], strides = [1]} : vector<16xi32> to vector<1xi32>
      %squeeze3A_250 = vector.extract %slice3A_249[0] : i32 from vector<1xi32>
      %shift_right_arithmetic3A_251 = arith.constant 3 : i32
      %shift_right_arithmetic3A_252 = arith.shrsi %squeeze3A_250, %shift_right_arithmetic3A_251 : i32
      %slice3A_253 = vector.extract_strided_slice %get3A_43 {offsets = [5], sizes = [1], strides = [1]} : vector<16xi32> to vector<1xi32>
      %squeeze3A_254 = vector.extract %slice3A_253[0] : i32 from vector<1xi32>
      %and3A_255 = arith.constant 7 : i32
      %and3A_256 = arith.andi %squeeze3A_254, %and3A_255 : i32
      %dma_start3A_257 = arith.constant 0 : i32
      %dma_start3A_258 = tpu.memref_slice %arg11[%add3A_248, %dma_start3A_257] : memref<256x64xf32, #tpu.memory_space<vmem>> -> memref<1x64xf32, #tpu.memory_space<vmem>>
      %dma_start3A_259 = arith.constant 0 : i32
      %dma_start3A_260 = tpu.memref_slice %arg4[%shift_right_arithmetic3A_252, %and3A_256, %dma_start3A_259] : memref<125000x8x64xf32, #tpu.memory_space<hbm>> -> memref<1x1x64xf32, #tpu.memory_space<hbm>>
      %dma_start3A_261 = tpu.memref_squeeze %dma_start3A_260 : memref<1x1x64xf32, #tpu.memory_space<hbm>> -> memref<1x64xf32, #tpu.memory_space<hbm>>
      %dma_start3A_262 = arith.constant 0 : i32
      %dma_start3A_263 = tpu.memref_slice %arg11[%add3A_248, %dma_start3A_262] : memref<256x64xf32, #tpu.memory_space<vmem>> -> memref<1x64xf32, #tpu.memory_space<vmem>>
      %dma_start3A_264 = arith.constant 0 : i32
      %dma_start3A_265 = tpu.memref_slice %arg4[%shift_right_arithmetic3A_252, %and3A_256, %dma_start3A_264] : memref<125000x8x64xf32, #tpu.memory_space<hbm>> -> memref<1x1x64xf32, #tpu.memory_space<hbm>>
      %dma_start3A_266 = tpu.memref_squeeze %dma_start3A_265 : memref<1x1x64xf32, #tpu.memory_space<hbm>> -> memref<1x64xf32, #tpu.memory_space<hbm>>
      tpu.enqueue_dma source(%dma_start3A_266 : memref<1x64xf32, #tpu.memory_space<hbm>>) target(%dma_start3A_263 : memref<1x64xf32, #tpu.memory_space<vmem>>) target_semaphore(%arg14 : memref<!tpu.dma_semaphore, #tpu.memory_space<semaphore_mem>>)
      %slice3A_267 = vector.extract_strided_slice %get3A_49 {offsets = [5], sizes = [1], strides = [1]} : vector<16xi32> to vector<1xi32>
      %squeeze3A_268 = vector.extract %slice3A_267[0] : i32 from vector<1xi32>
      %shift_right_arithmetic3A_269 = arith.constant 3 : i32
      %shift_right_arithmetic3A_270 = arith.shrsi %squeeze3A_268, %shift_right_arithmetic3A_269 : i32
      %slice3A_271 = vector.extract_strided_slice %get3A_49 {offsets = [5], sizes = [1], strides = [1]} : vector<16xi32> to vector<1xi32>
      %squeeze3A_272 = vector.extract %slice3A_271[0] : i32 from vector<1xi32>
      %and3A_273 = arith.constant 7 : i32
      %and3A_274 = arith.andi %squeeze3A_272, %and3A_273 : i32
      %dma_start3A_275 = arith.constant 0 : i32
      %dma_start3A_276 = tpu.memref_slice %arg12[%add3A_248, %dma_start3A_275] : memref<256x64xf32, #tpu.memory_space<vmem>> -> memref<1x64xf32, #tpu.memory_space<vmem>>
      %dma_start3A_277 = arith.constant 0 : i32
      %dma_start3A_278 = tpu.memref_slice %arg5[%shift_right_arithmetic3A_270, %and3A_274, %dma_start3A_277] : memref<125000x8x64xf32, #tpu.memory_space<hbm>> -> memref<1x1x64xf32, #tpu.memory_space<hbm>>
      %dma_start3A_279 = tpu.memref_squeeze %dma_start3A_278 : memref<1x1x64xf32, #tpu.memory_space<hbm>> -> memref<1x64xf32, #tpu.memory_space<hbm>>
      %dma_start3A_280 = arith.constant 0 : i32
      %dma_start3A_281 = tpu.memref_slice %arg12[%add3A_248, %dma_start3A_280] : memref<256x64xf32, #tpu.memory_space<vmem>> -> memref<1x64xf32, #tpu.memory_space<vmem>>
      %dma_start3A_282 = arith.constant 0 : i32
      %dma_start3A_283 = tpu.memref_slice %arg5[%shift_right_arithmetic3A_270, %and3A_274, %dma_start3A_282] : memref<125000x8x64xf32, #tpu.memory_space<hbm>> -> memref<1x1x64xf32, #tpu.memory_space<hbm>>
      %dma_start3A_284 = tpu.memref_squeeze %dma_start3A_283 : memref<1x1x64xf32, #tpu.memory_space<hbm>> -> memref<1x64xf32, #tpu.memory_space<hbm>>
      tpu.enqueue_dma source(%dma_start3A_284 : memref<1x64xf32, #tpu.memory_space<hbm>>) target(%dma_start3A_281 : memref<1x64xf32, #tpu.memory_space<vmem>>) target_semaphore(%arg14 : memref<!tpu.dma_semaphore, #tpu.memory_space<semaphore_mem>>)
      %mul3A_285 = arith.constant 16 : i32
      %mul3A_286 = arith.muli %scan3A_38, %mul3A_285 : i32
      %add3A_287 = arith.constant 6 : i32
      %add3A_288 = arith.addi %mul3A_286, %add3A_287 : i32
      %slice3A_289 = vector.extract_strided_slice %get3A_43 {offsets = [6], sizes = [1], strides = [1]} : vector<16xi32> to vector<1xi32>
      %squeeze3A_290 = vector.extract %slice3A_289[0] : i32 from vector<1xi32>
      %shift_right_arithmetic3A_291 = arith.constant 3 : i32
      %shift_right_arithmetic3A_292 = arith.shrsi %squeeze3A_290, %shift_right_arithmetic3A_291 : i32
      %slice3A_293 = vector.extract_strided_slice %get3A_43 {offsets = [6], sizes = [1], strides = [1]} : vector<16xi32> to vector<1xi32>
      %squeeze3A_294 = vector.extract %slice3A_293[0] : i32 from vector<1xi32>
      %and3A_295 = arith.constant 7 : i32
      %and3A_296 = arith.andi %squeeze3A_294, %and3A_295 : i32
      %dma_start3A_297 = arith.constant 0 : i32
      %dma_start3A_298 = tpu.memref_slice %arg11[%add3A_288, %dma_start3A_297] : memref<256x64xf32, #tpu.memory_space<vmem>> -> memref<1x64xf32, #tpu.memory_space<vmem>>
      %dma_start3A_299 = arith.constant 0 : i32
      %dma_start3A_300 = tpu.memref_slice %arg4[%shift_right_arithmetic3A_292, %and3A_296, %dma_start3A_299] : memref<125000x8x64xf32, #tpu.memory_space<hbm>> -> memref<1x1x64xf32, #tpu.memory_space<hbm>>
      %dma_start3A_301 = tpu.memref_squeeze %dma_start3A_300 : memref<1x1x64xf32, #tpu.memory_space<hbm>> -> memref<1x64xf32, #tpu.memory_space<hbm>>
      %dma_start3A_302 = arith.constant 0 : i32
      %dma_start3A_303 = tpu.memref_slice %arg11[%add3A_288, %dma_start3A_302] : memref<256x64xf32, #tpu.memory_space<vmem>> -> memref<1x64xf32, #tpu.memory_space<vmem>>
      %dma_start3A_304 = arith.constant 0 : i32
      %dma_start3A_305 = tpu.memref_slice %arg4[%shift_right_arithmetic3A_292, %and3A_296, %dma_start3A_304] : memref<125000x8x64xf32, #tpu.memory_space<hbm>> -> memref<1x1x64xf32, #tpu.memory_space<hbm>>
      %dma_start3A_306 = tpu.memref_squeeze %dma_start3A_305 : memref<1x1x64xf32, #tpu.memory_space<hbm>> -> memref<1x64xf32, #tpu.memory_space<hbm>>
      tpu.enqueue_dma source(%dma_start3A_306 : memref<1x64xf32, #tpu.memory_space<hbm>>) target(%dma_start3A_303 : memref<1x64xf32, #tpu.memory_space<vmem>>) target_semaphore(%arg14 : memref<!tpu.dma_semaphore, #tpu.memory_space<semaphore_mem>>)
      %slice3A_307 = vector.extract_strided_slice %get3A_49 {offsets = [6], sizes = [1], strides = [1]} : vector<16xi32> to vector<1xi32>
      %squeeze3A_308 = vector.extract %slice3A_307[0] : i32 from vector<1xi32>
      %shift_right_arithmetic3A_309 = arith.constant 3 : i32
      %shift_right_arithmetic3A_310 = arith.shrsi %squeeze3A_308, %shift_right_arithmetic3A_309 : i32
      %slice3A_311 = vector.extract_strided_slice %get3A_49 {offsets = [6], sizes = [1], strides = [1]} : vector<16xi32> to vector<1xi32>
      %squeeze3A_312 = vector.extract %slice3A_311[0] : i32 from vector<1xi32>
      %and3A_313 = arith.constant 7 : i32
      %and3A_314 = arith.andi %squeeze3A_312, %and3A_313 : i32
      %dma_start3A_315 = arith.constant 0 : i32
      %dma_start3A_316 = tpu.memref_slice %arg12[%add3A_288, %dma_start3A_315] : memref<256x64xf32, #tpu.memory_space<vmem>> -> memref<1x64xf32, #tpu.memory_space<vmem>>
      %dma_start3A_317 = arith.constant 0 : i32
      %dma_start3A_318 = tpu.memref_slice %arg5[%shift_right_arithmetic3A_310, %and3A_314, %dma_start3A_317] : memref<125000x8x64xf32, #tpu.memory_space<hbm>> -> memref<1x1x64xf32, #tpu.memory_space<hbm>>
      %dma_start3A_319 = tpu.memref_squeeze %dma_start3A_318 : memref<1x1x64xf32, #tpu.memory_space<hbm>> -> memref<1x64xf32, #tpu.memory_space<hbm>>
      %dma_start3A_320 = arith.constant 0 : i32
      %dma_start3A_321 = tpu.memref_slice %arg12[%add3A_288, %dma_start3A_320] : memref<256x64xf32, #tpu.memory_space<vmem>> -> memref<1x64xf32, #tpu.memory_space<vmem>>
      %dma_start3A_322 = arith.constant 0 : i32
      %dma_start3A_323 = tpu.memref_slice %arg5[%shift_right_arithmetic3A_310, %and3A_314, %dma_start3A_322] : memref<125000x8x64xf32, #tpu.memory_space<hbm>> -> memref<1x1x64xf32, #tpu.memory_space<hbm>>
      %dma_start3A_324 = tpu.memref_squeeze %dma_start3A_323 : memref<1x1x64xf32, #tpu.memory_space<hbm>> -> memref<1x64xf32, #tpu.memory_space<hbm>>
      tpu.enqueue_dma source(%dma_start3A_324 : memref<1x64xf32, #tpu.memory_space<hbm>>) target(%dma_start3A_321 : memref<1x64xf32, #tpu.memory_space<vmem>>) target_semaphore(%arg14 : memref<!tpu.dma_semaphore, #tpu.memory_space<semaphore_mem>>)
      %mul3A_325 = arith.constant 16 : i32
      %mul3A_326 = arith.muli %scan3A_38, %mul3A_325 : i32
      %add3A_327 = arith.constant 7 : i32
      %add3A_328 = arith.addi %mul3A_326, %add3A_327 : i32
      %slice3A_329 = vector.extract_strided_slice %get3A_43 {offsets = [7], sizes = [1], strides = [1]} : vector<16xi32> to vector<1xi32>
      %squeeze3A_330 = vector.extract %slice3A_329[0] : i32 from vector<1xi32>
      %shift_right_arithmetic3A_331 = arith.constant 3 : i32
      %shift_right_arithmetic3A_332 = arith.shrsi %squeeze3A_330, %shift_right_arithmetic3A_331 : i32
      %slice3A_333 = vector.extract_strided_slice %get3A_43 {offsets = [7], sizes = [1], strides = [1]} : vector<16xi32> to vector<1xi32>
      %squeeze3A_334 = vector.extract %slice3A_333[0] : i32 from vector<1xi32>
      %and3A_335 = arith.constant 7 : i32
      %and3A_336 = arith.andi %squeeze3A_334, %and3A_335 : i32
      %dma_start3A_337 = arith.constant 0 : i32
      %dma_start3A_338 = tpu.memref_slice %arg11[%add3A_328, %dma_start3A_337] : memref<256x64xf32, #tpu.memory_space<vmem>> -> memref<1x64xf32, #tpu.memory_space<vmem>>
      %dma_start3A_339 = arith.constant 0 : i32
      %dma_start3A_340 = tpu.memref_slice %arg4[%shift_right_arithmetic3A_332, %and3A_336, %dma_start3A_339] : memref<125000x8x64xf32, #tpu.memory_space<hbm>> -> memref<1x1x64xf32, #tpu.memory_space<hbm>>
      %dma_start3A_341 = tpu.memref_squeeze %dma_start3A_340 : memref<1x1x64xf32, #tpu.memory_space<hbm>> -> memref<1x64xf32, #tpu.memory_space<hbm>>
      %dma_start3A_342 = arith.constant 0 : i32
      %dma_start3A_343 = tpu.memref_slice %arg11[%add3A_328, %dma_start3A_342] : memref<256x64xf32, #tpu.memory_space<vmem>> -> memref<1x64xf32, #tpu.memory_space<vmem>>
      %dma_start3A_344 = arith.constant 0 : i32
      %dma_start3A_345 = tpu.memref_slice %arg4[%shift_right_arithmetic3A_332, %and3A_336, %dma_start3A_344] : memref<125000x8x64xf32, #tpu.memory_space<hbm>> -> memref<1x1x64xf32, #tpu.memory_space<hbm>>
      %dma_start3A_346 = tpu.memref_squeeze %dma_start3A_345 : memref<1x1x64xf32, #tpu.memory_space<hbm>> -> memref<1x64xf32, #tpu.memory_space<hbm>>
      tpu.enqueue_dma source(%dma_start3A_346 : memref<1x64xf32, #tpu.memory_space<hbm>>) target(%dma_start3A_343 : memref<1x64xf32, #tpu.memory_space<vmem>>) target_semaphore(%arg14 : memref<!tpu.dma_semaphore, #tpu.memory_space<semaphore_mem>>)
      %slice3A_347 = vector.extract_strided_slice %get3A_49 {offsets = [7], sizes = [1], strides = [1]} : vector<16xi32> to vector<1xi32>
      %squeeze3A_348 = vector.extract %slice3A_347[0] : i32 from vector<1xi32>
      %shift_right_arithmetic3A_349 = arith.constant 3 : i32
      %shift_right_arithmetic3A_350 = arith.shrsi %squeeze3A_348, %shift_right_arithmetic3A_349 : i32
      %slice3A_351 = vector.extract_strided_slice %get3A_49 {offsets = [7], sizes = [1], strides = [1]} : vector<16xi32> to vector<1xi32>
      %squeeze3A_352 = vector.extract %slice3A_351[0] : i32 from vector<1xi32>
      %and3A_353 = arith.constant 7 : i32
      %and3A_354 = arith.andi %squeeze3A_352, %and3A_353 : i32
      %dma_start3A_355 = arith.constant 0 : i32
      %dma_start3A_356 = tpu.memref_slice %arg12[%add3A_328, %dma_start3A_355] : memref<256x64xf32, #tpu.memory_space<vmem>> -> memref<1x64xf32, #tpu.memory_space<vmem>>
      %dma_start3A_357 = arith.constant 0 : i32
      %dma_start3A_358 = tpu.memref_slice %arg5[%shift_right_arithmetic3A_350, %and3A_354, %dma_start3A_357] : memref<125000x8x64xf32, #tpu.memory_space<hbm>> -> memref<1x1x64xf32, #tpu.memory_space<hbm>>
      %dma_start3A_359 = tpu.memref_squeeze %dma_start3A_358 : memref<1x1x64xf32, #tpu.memory_space<hbm>> -> memref<1x64xf32, #tpu.memory_space<hbm>>
      %dma_start3A_360 = arith.constant 0 : i32
      %dma_start3A_361 = tpu.memref_slice %arg12[%add3A_328, %dma_start3A_360] : memref<256x64xf32, #tpu.memory_space<vmem>> -> memref<1x64xf32, #tpu.memory_space<vmem>>
      %dma_start3A_362 = arith.constant 0 : i32
      %dma_start3A_363 = tpu.memref_slice %arg5[%shift_right_arithmetic3A_350, %and3A_354, %dma_start3A_362] : memref<125000x8x64xf32, #tpu.memory_space<hbm>> -> memref<1x1x64xf32, #tpu.memory_space<hbm>>
      %dma_start3A_364 = tpu.memref_squeeze %dma_start3A_363 : memref<1x1x64xf32, #tpu.memory_space<hbm>> -> memref<1x64xf32, #tpu.memory_space<hbm>>
      tpu.enqueue_dma source(%dma_start3A_364 : memref<1x64xf32, #tpu.memory_space<hbm>>) target(%dma_start3A_361 : memref<1x64xf32, #tpu.memory_space<vmem>>) target_semaphore(%arg14 : memref<!tpu.dma_semaphore, #tpu.memory_space<semaphore_mem>>)
      %mul3A_365 = arith.constant 16 : i32
      %mul3A_366 = arith.muli %scan3A_38, %mul3A_365 : i32
      %add3A_367 = arith.constant 8 : i32
      %add3A_368 = arith.addi %mul3A_366, %add3A_367 : i32
      %slice3A_369 = vector.extract_strided_slice %get3A_43 {offsets = [8], sizes = [1], strides = [1]} : vector<16xi32> to vector<1xi32>
      %squeeze3A_370 = vector.extract %slice3A_369[0] : i32 from vector<1xi32>
      %shift_right_arithmetic3A_371 = arith.constant 3 : i32
      %shift_right_arithmetic3A_372 = arith.shrsi %squeeze3A_370, %shift_right_arithmetic3A_371 : i32
      %slice3A_373 = vector.extract_strided_slice %get3A_43 {offsets = [8], sizes = [1], strides = [1]} : vector<16xi32> to vector<1xi32>
      %squeeze3A_374 = vector.extract %slice3A_373[0] : i32 from vector<1xi32>
      %and3A_375 = arith.constant 7 : i32
      %and3A_376 = arith.andi %squeeze3A_374, %and3A_375 : i32
      %dma_start3A_377 = arith.constant 0 : i32
      %dma_start3A_378 = tpu.memref_slice %arg11[%add3A_368, %dma_start3A_377] : memref<256x64xf32, #tpu.memory_space<vmem>> -> memref<1x64xf32, #tpu.memory_space<vmem>>
      %dma_start3A_379 = arith.constant 0 : i32
      %dma_start3A_380 = tpu.memref_slice %arg4[%shift_right_arithmetic3A_372, %and3A_376, %dma_start3A_379] : memref<125000x8x64xf32, #tpu.memory_space<hbm>> -> memref<1x1x64xf32, #tpu.memory_space<hbm>>
      %dma_start3A_381 = tpu.memref_squeeze %dma_start3A_380 : memref<1x1x64xf32, #tpu.memory_space<hbm>> -> memref<1x64xf32, #tpu.memory_space<hbm>>
      %dma_start3A_382 = arith.constant 0 : i32
      %dma_start3A_383 = tpu.memref_slice %arg11[%add3A_368, %dma_start3A_382] : memref<256x64xf32, #tpu.memory_space<vmem>> -> memref<1x64xf32, #tpu.memory_space<vmem>>
      %dma_start3A_384 = arith.constant 0 : i32
      %dma_start3A_385 = tpu.memref_slice %arg4[%shift_right_arithmetic3A_372, %and3A_376, %dma_start3A_384] : memref<125000x8x64xf32, #tpu.memory_space<hbm>> -> memref<1x1x64xf32, #tpu.memory_space<hbm>>
      %dma_start3A_386 = tpu.memref_squeeze %dma_start3A_385 : memref<1x1x64xf32, #tpu.memory_space<hbm>> -> memref<1x64xf32, #tpu.memory_space<hbm>>
      tpu.enqueue_dma source(%dma_start3A_386 : memref<1x64xf32, #tpu.memory_space<hbm>>) target(%dma_start3A_383 : memref<1x64xf32, #tpu.memory_space<vmem>>) target_semaphore(%arg14 : memref<!tpu.dma_semaphore, #tpu.memory_space<semaphore_mem>>)
      %slice3A_387 = vector.extract_strided_slice %get3A_49 {offsets = [8], sizes = [1], strides = [1]} : vector<16xi32> to vector<1xi32>
      %squeeze3A_388 = vector.extract %slice3A_387[0] : i32 from vector<1xi32>
      %shift_right_arithmetic3A_389 = arith.constant 3 : i32
      %shift_right_arithmetic3A_390 = arith.shrsi %squeeze3A_388, %shift_right_arithmetic3A_389 : i32
      %slice3A_391 = vector.extract_strided_slice %get3A_49 {offsets = [8], sizes = [1], strides = [1]} : vector<16xi32> to vector<1xi32>
      %squeeze3A_392 = vector.extract %slice3A_391[0] : i32 from vector<1xi32>
      %and3A_393 = arith.constant 7 : i32
      %and3A_394 = arith.andi %squeeze3A_392, %and3A_393 : i32
      %dma_start3A_395 = arith.constant 0 : i32
      %dma_start3A_396 = tpu.memref_slice %arg12[%add3A_368, %dma_start3A_395] : memref<256x64xf32, #tpu.memory_space<vmem>> -> memref<1x64xf32, #tpu.memory_space<vmem>>
      %dma_start3A_397 = arith.constant 0 : i32
      %dma_start3A_398 = tpu.memref_slice %arg5[%shift_right_arithmetic3A_390, %and3A_394, %dma_start3A_397] : memref<125000x8x64xf32, #tpu.memory_space<hbm>> -> memref<1x1x64xf32, #tpu.memory_space<hbm>>
      %dma_start3A_399 = tpu.memref_squeeze %dma_start3A_398 : memref<1x1x64xf32, #tpu.memory_space<hbm>> -> memref<1x64xf32, #tpu.memory_space<hbm>>
      %dma_start3A_400 = arith.constant 0 : i32
      %dma_start3A_401 = tpu.memref_slice %arg12[%add3A_368, %dma_start3A_400] : memref<256x64xf32, #tpu.memory_space<vmem>> -> memref<1x64xf32, #tpu.memory_space<vmem>>
      %dma_start3A_402 = arith.constant 0 : i32
      %dma_start3A_403 = tpu.memref_slice %arg5[%shift_right_arithmetic3A_390, %and3A_394, %dma_start3A_402] : memref<125000x8x64xf32, #tpu.memory_space<hbm>> -> memref<1x1x64xf32, #tpu.memory_space<hbm>>
      %dma_start3A_404 = tpu.memref_squeeze %dma_start3A_403 : memref<1x1x64xf32, #tpu.memory_space<hbm>> -> memref<1x64xf32, #tpu.memory_space<hbm>>
      tpu.enqueue_dma source(%dma_start3A_404 : memref<1x64xf32, #tpu.memory_space<hbm>>) target(%dma_start3A_401 : memref<1x64xf32, #tpu.memory_space<vmem>>) target_semaphore(%arg14 : memref<!tpu.dma_semaphore, #tpu.memory_space<semaphore_mem>>)
      %mul3A_405 = arith.constant 16 : i32
      %mul3A_406 = arith.muli %scan3A_38, %mul3A_405 : i32
      %add3A_407 = arith.constant 9 : i32
      %add3A_408 = arith.addi %mul3A_406, %add3A_407 : i32
      %slice3A_409 = vector.extract_strided_slice %get3A_43 {offsets = [9], sizes = [1], strides = [1]} : vector<16xi32> to vector<1xi32>
      %squeeze3A_410 = vector.extract %slice3A_409[0] : i32 from vector<1xi32>
      %shift_right_arithmetic3A_411 = arith.constant 3 : i32
      %shift_right_arithmetic3A_412 = arith.shrsi %squeeze3A_410, %shift_right_arithmetic3A_411 : i32
      %slice3A_413 = vector.extract_strided_slice %get3A_43 {offsets = [9], sizes = [1], strides = [1]} : vector<16xi32> to vector<1xi32>
      %squeeze3A_414 = vector.extract %slice3A_413[0] : i32 from vector<1xi32>
      %and3A_415 = arith.constant 7 : i32
      %and3A_416 = arith.andi %squeeze3A_414, %and3A_415 : i32
      %dma_start3A_417 = arith.constant 0 : i32
      %dma_start3A_418 = tpu.memref_slice %arg11[%add3A_408, %dma_start3A_417] : memref<256x64xf32, #tpu.memory_space<vmem>> -> memref<1x64xf32, #tpu.memory_space<vmem>>
      %dma_start3A_419 = arith.constant 0 : i32
      %dma_start3A_420 = tpu.memref_slice %arg4[%shift_right_arithmetic3A_412, %and3A_416, %dma_start3A_419] : memref<125000x8x64xf32, #tpu.memory_space<hbm>> -> memref<1x1x64xf32, #tpu.memory_space<hbm>>
      %dma_start3A_421 = tpu.memref_squeeze %dma_start3A_420 : memref<1x1x64xf32, #tpu.memory_space<hbm>> -> memref<1x64xf32, #tpu.memory_space<hbm>>
      %dma_start3A_422 = arith.constant 0 : i32
      %dma_start3A_423 = tpu.memref_slice %arg11[%add3A_408, %dma_start3A_422] : memref<256x64xf32, #tpu.memory_space<vmem>> -> memref<1x64xf32, #tpu.memory_space<vmem>>
      %dma_start3A_424 = arith.constant 0 : i32
      %dma_start3A_425 = tpu.memref_slice %arg4[%shift_right_arithmetic3A_412, %and3A_416, %dma_start3A_424] : memref<125000x8x64xf32, #tpu.memory_space<hbm>> -> memref<1x1x64xf32, #tpu.memory_space<hbm>>
      %dma_start3A_426 = tpu.memref_squeeze %dma_start3A_425 : memref<1x1x64xf32, #tpu.memory_space<hbm>> -> memref<1x64xf32, #tpu.memory_space<hbm>>
      tpu.enqueue_dma source(%dma_start3A_426 : memref<1x64xf32, #tpu.memory_space<hbm>>) target(%dma_start3A_423 : memref<1x64xf32, #tpu.memory_space<vmem>>) target_semaphore(%arg14 : memref<!tpu.dma_semaphore, #tpu.memory_space<semaphore_mem>>)
      %slice3A_427 = vector.extract_strided_slice %get3A_49 {offsets = [9], sizes = [1], strides = [1]} : vector<16xi32> to vector<1xi32>
      %squeeze3A_428 = vector.extract %slice3A_427[0] : i32 from vector<1xi32>
      %shift_right_arithmetic3A_429 = arith.constant 3 : i32
      %shift_right_arithmetic3A_430 = arith.shrsi %squeeze3A_428, %shift_right_arithmetic3A_429 : i32
      %slice3A_431 = vector.extract_strided_slice %get3A_49 {offsets = [9], sizes = [1], strides = [1]} : vector<16xi32> to vector<1xi32>
      %squeeze3A_432 = vector.extract %slice3A_431[0] : i32 from vector<1xi32>
      %and3A_433 = arith.constant 7 : i32
      %and3A_434 = arith.andi %squeeze3A_432, %and3A_433 : i32
      %dma_start3A_435 = arith.constant 0 : i32
      %dma_start3A_436 = tpu.memref_slice %arg12[%add3A_408, %dma_start3A_435] : memref<256x64xf32, #tpu.memory_space<vmem>> -> memref<1x64xf32, #tpu.memory_space<vmem>>
      %dma_start3A_437 = arith.constant 0 : i32
      %dma_start3A_438 = tpu.memref_slice %arg5[%shift_right_arithmetic3A_430, %and3A_434, %dma_start3A_437] : memref<125000x8x64xf32, #tpu.memory_space<hbm>> -> memref<1x1x64xf32, #tpu.memory_space<hbm>>
      %dma_start3A_439 = tpu.memref_squeeze %dma_start3A_438 : memref<1x1x64xf32, #tpu.memory_space<hbm>> -> memref<1x64xf32, #tpu.memory_space<hbm>>
      %dma_start3A_440 = arith.constant 0 : i32
      %dma_start3A_441 = tpu.memref_slice %arg12[%add3A_408, %dma_start3A_440] : memref<256x64xf32, #tpu.memory_space<vmem>> -> memref<1x64xf32, #tpu.memory_space<vmem>>
      %dma_start3A_442 = arith.constant 0 : i32
      %dma_start3A_443 = tpu.memref_slice %arg5[%shift_right_arithmetic3A_430, %and3A_434, %dma_start3A_442] : memref<125000x8x64xf32, #tpu.memory_space<hbm>> -> memref<1x1x64xf32, #tpu.memory_space<hbm>>
      %dma_start3A_444 = tpu.memref_squeeze %dma_start3A_443 : memref<1x1x64xf32, #tpu.memory_space<hbm>> -> memref<1x64xf32, #tpu.memory_space<hbm>>
      tpu.enqueue_dma source(%dma_start3A_444 : memref<1x64xf32, #tpu.memory_space<hbm>>) target(%dma_start3A_441 : memref<1x64xf32, #tpu.memory_space<vmem>>) target_semaphore(%arg14 : memref<!tpu.dma_semaphore, #tpu.memory_space<semaphore_mem>>)
      %mul3A_445 = arith.constant 16 : i32
      %mul3A_446 = arith.muli %scan3A_38, %mul3A_445 : i32
      %add3A_447 = arith.constant 10 : i32
      %add3A_448 = arith.addi %mul3A_446, %add3A_447 : i32
      %slice3A_449 = vector.extract_strided_slice %get3A_43 {offsets = [10], sizes = [1], strides = [1]} : vector<16xi32> to vector<1xi32>
      %squeeze3A_450 = vector.extract %slice3A_449[0] : i32 from vector<1xi32>
      %shift_right_arithmetic3A_451 = arith.constant 3 : i32
      %shift_right_arithmetic3A_452 = arith.shrsi %squeeze3A_450, %shift_right_arithmetic3A_451 : i32
      %slice3A_453 = vector.extract_strided_slice %get3A_43 {offsets = [10], sizes = [1], strides = [1]} : vector<16xi32> to vector<1xi32>
      %squeeze3A_454 = vector.extract %slice3A_453[0] : i32 from vector<1xi32>
      %and3A_455 = arith.constant 7 : i32
      %and3A_456 = arith.andi %squeeze3A_454, %and3A_455 : i32
      %dma_start3A_457 = arith.constant 0 : i32
      %dma_start3A_458 = tpu.memref_slice %arg11[%add3A_448, %dma_start3A_457] : memref<256x64xf32, #tpu.memory_space<vmem>> -> memref<1x64xf32, #tpu.memory_space<vmem>>
      %dma_start3A_459 = arith.constant 0 : i32
      %dma_start3A_460 = tpu.memref_slice %arg4[%shift_right_arithmetic3A_452, %and3A_456, %dma_start3A_459] : memref<125000x8x64xf32, #tpu.memory_space<hbm>> -> memref<1x1x64xf32, #tpu.memory_space<hbm>>
      %dma_start3A_461 = tpu.memref_squeeze %dma_start3A_460 : memref<1x1x64xf32, #tpu.memory_space<hbm>> -> memref<1x64xf32, #tpu.memory_space<hbm>>
      %dma_start3A_462 = arith.constant 0 : i32
      %dma_start3A_463 = tpu.memref_slice %arg11[%add3A_448, %dma_start3A_462] : memref<256x64xf32, #tpu.memory_space<vmem>> -> memref<1x64xf32, #tpu.memory_space<vmem>>
      %dma_start3A_464 = arith.constant 0 : i32
      %dma_start3A_465 = tpu.memref_slice %arg4[%shift_right_arithmetic3A_452, %and3A_456, %dma_start3A_464] : memref<125000x8x64xf32, #tpu.memory_space<hbm>> -> memref<1x1x64xf32, #tpu.memory_space<hbm>>
      %dma_start3A_466 = tpu.memref_squeeze %dma_start3A_465 : memref<1x1x64xf32, #tpu.memory_space<hbm>> -> memref<1x64xf32, #tpu.memory_space<hbm>>
      tpu.enqueue_dma source(%dma_start3A_466 : memref<1x64xf32, #tpu.memory_space<hbm>>) target(%dma_start3A_463 : memref<1x64xf32, #tpu.memory_space<vmem>>) target_semaphore(%arg14 : memref<!tpu.dma_semaphore, #tpu.memory_space<semaphore_mem>>)
      %slice3A_467 = vector.extract_strided_slice %get3A_49 {offsets = [10], sizes = [1], strides = [1]} : vector<16xi32> to vector<1xi32>
      %squeeze3A_468 = vector.extract %slice3A_467[0] : i32 from vector<1xi32>
      %shift_right_arithmetic3A_469 = arith.constant 3 : i32
      %shift_right_arithmetic3A_470 = arith.shrsi %squeeze3A_468, %shift_right_arithmetic3A_469 : i32
      %slice3A_471 = vector.extract_strided_slice %get3A_49 {offsets = [10], sizes = [1], strides = [1]} : vector<16xi32> to vector<1xi32>
      %squeeze3A_472 = vector.extract %slice3A_471[0] : i32 from vector<1xi32>
      %and3A_473 = arith.constant 7 : i32
      %and3A_474 = arith.andi %squeeze3A_472, %and3A_473 : i32
      %dma_start3A_475 = arith.constant 0 : i32
      %dma_start3A_476 = tpu.memref_slice %arg12[%add3A_448, %dma_start3A_475] : memref<256x64xf32, #tpu.memory_space<vmem>> -> memref<1x64xf32, #tpu.memory_space<vmem>>
      %dma_start3A_477 = arith.constant 0 : i32
      %dma_start3A_478 = tpu.memref_slice %arg5[%shift_right_arithmetic3A_470, %and3A_474, %dma_start3A_477] : memref<125000x8x64xf32, #tpu.memory_space<hbm>> -> memref<1x1x64xf32, #tpu.memory_space<hbm>>
      %dma_start3A_479 = tpu.memref_squeeze %dma_start3A_478 : memref<1x1x64xf32, #tpu.memory_space<hbm>> -> memref<1x64xf32, #tpu.memory_space<hbm>>
      %dma_start3A_480 = arith.constant 0 : i32
      %dma_start3A_481 = tpu.memref_slice %arg12[%add3A_448, %dma_start3A_480] : memref<256x64xf32, #tpu.memory_space<vmem>> -> memref<1x64xf32, #tpu.memory_space<vmem>>
      %dma_start3A_482 = arith.constant 0 : i32
      %dma_start3A_483 = tpu.memref_slice %arg5[%shift_right_arithmetic3A_470, %and3A_474, %dma_start3A_482] : memref<125000x8x64xf32, #tpu.memory_space<hbm>> -> memref<1x1x64xf32, #tpu.memory_space<hbm>>
      %dma_start3A_484 = tpu.memref_squeeze %dma_start3A_483 : memref<1x1x64xf32, #tpu.memory_space<hbm>> -> memref<1x64xf32, #tpu.memory_space<hbm>>
      tpu.enqueue_dma source(%dma_start3A_484 : memref<1x64xf32, #tpu.memory_space<hbm>>) target(%dma_start3A_481 : memref<1x64xf32, #tpu.memory_space<vmem>>) target_semaphore(%arg14 : memref<!tpu.dma_semaphore, #tpu.memory_space<semaphore_mem>>)
      %mul3A_485 = arith.constant 16 : i32
      %mul3A_486 = arith.muli %scan3A_38, %mul3A_485 : i32
      %add3A_487 = arith.constant 11 : i32
      %add3A_488 = arith.addi %mul3A_486, %add3A_487 : i32
      %slice3A_489 = vector.extract_strided_slice %get3A_43 {offsets = [11], sizes = [1], strides = [1]} : vector<16xi32> to vector<1xi32>
      %squeeze3A_490 = vector.extract %slice3A_489[0] : i32 from vector<1xi32>
      %shift_right_arithmetic3A_491 = arith.constant 3 : i32
      %shift_right_arithmetic3A_492 = arith.shrsi %squeeze3A_490, %shift_right_arithmetic3A_491 : i32
      %slice3A_493 = vector.extract_strided_slice %get3A_43 {offsets = [11], sizes = [1], strides = [1]} : vector<16xi32> to vector<1xi32>
      %squeeze3A_494 = vector.extract %slice3A_493[0] : i32 from vector<1xi32>
      %and3A_495 = arith.constant 7 : i32
      %and3A_496 = arith.andi %squeeze3A_494, %and3A_495 : i32
      %dma_start3A_497 = arith.constant 0 : i32
      %dma_start3A_498 = tpu.memref_slice %arg11[%add3A_488, %dma_start3A_497] : memref<256x64xf32, #tpu.memory_space<vmem>> -> memref<1x64xf32, #tpu.memory_space<vmem>>
      %dma_start3A_499 = arith.constant 0 : i32
      %dma_start3A_500 = tpu.memref_slice %arg4[%shift_right_arithmetic3A_492, %and3A_496, %dma_start3A_499] : memref<125000x8x64xf32, #tpu.memory_space<hbm>> -> memref<1x1x64xf32, #tpu.memory_space<hbm>>
      %dma_start3A_501 = tpu.memref_squeeze %dma_start3A_500 : memref<1x1x64xf32, #tpu.memory_space<hbm>> -> memref<1x64xf32, #tpu.memory_space<hbm>>
      %dma_start3A_502 = arith.constant 0 : i32
      %dma_start3A_503 = tpu.memref_slice %arg11[%add3A_488, %dma_start3A_502] : memref<256x64xf32, #tpu.memory_space<vmem>> -> memref<1x64xf32, #tpu.memory_space<vmem>>
      %dma_start3A_504 = arith.constant 0 : i32
      %dma_start3A_505 = tpu.memref_slice %arg4[%shift_right_arithmetic3A_492, %and3A_496, %dma_start3A_504] : memref<125000x8x64xf32, #tpu.memory_space<hbm>> -> memref<1x1x64xf32, #tpu.memory_space<hbm>>
      %dma_start3A_506 = tpu.memref_squeeze %dma_start3A_505 : memref<1x1x64xf32, #tpu.memory_space<hbm>> -> memref<1x64xf32, #tpu.memory_space<hbm>>
      tpu.enqueue_dma source(%dma_start3A_506 : memref<1x64xf32, #tpu.memory_space<hbm>>) target(%dma_start3A_503 : memref<1x64xf32, #tpu.memory_space<vmem>>) target_semaphore(%arg14 : memref<!tpu.dma_semaphore, #tpu.memory_space<semaphore_mem>>)
      %slice3A_507 = vector.extract_strided_slice %get3A_49 {offsets = [11], sizes = [1], strides = [1]} : vector<16xi32> to vector<1xi32>
      %squeeze3A_508 = vector.extract %slice3A_507[0] : i32 from vector<1xi32>
      %shift_right_arithmetic3A_509 = arith.constant 3 : i32
      %shift_right_arithmetic3A_510 = arith.shrsi %squeeze3A_508, %shift_right_arithmetic3A_509 : i32
      %slice3A_511 = vector.extract_strided_slice %get3A_49 {offsets = [11], sizes = [1], strides = [1]} : vector<16xi32> to vector<1xi32>
      %squeeze3A_512 = vector.extract %slice3A_511[0] : i32 from vector<1xi32>
      %and3A_513 = arith.constant 7 : i32
      %and3A_514 = arith.andi %squeeze3A_512, %and3A_513 : i32
      %dma_start3A_515 = arith.constant 0 : i32
      %dma_start3A_516 = tpu.memref_slice %arg12[%add3A_488, %dma_start3A_515] : memref<256x64xf32, #tpu.memory_space<vmem>> -> memref<1x64xf32, #tpu.memory_space<vmem>>
      %dma_start3A_517 = arith.constant 0 : i32
      %dma_start3A_518 = tpu.memref_slice %arg5[%shift_right_arithmetic3A_510, %and3A_514, %dma_start3A_517] : memref<125000x8x64xf32, #tpu.memory_space<hbm>> -> memref<1x1x64xf32, #tpu.memory_space<hbm>>
      %dma_start3A_519 = tpu.memref_squeeze %dma_start3A_518 : memref<1x1x64xf32, #tpu.memory_space<hbm>> -> memref<1x64xf32, #tpu.memory_space<hbm>>
      %dma_start3A_520 = arith.constant 0 : i32
      %dma_start3A_521 = tpu.memref_slice %arg12[%add3A_488, %dma_start3A_520] : memref<256x64xf32, #tpu.memory_space<vmem>> -> memref<1x64xf32, #tpu.memory_space<vmem>>
      %dma_start3A_522 = arith.constant 0 : i32
      %dma_start3A_523 = tpu.memref_slice %arg5[%shift_right_arithmetic3A_510, %and3A_514, %dma_start3A_522] : memref<125000x8x64xf32, #tpu.memory_space<hbm>> -> memref<1x1x64xf32, #tpu.memory_space<hbm>>
      %dma_start3A_524 = tpu.memref_squeeze %dma_start3A_523 : memref<1x1x64xf32, #tpu.memory_space<hbm>> -> memref<1x64xf32, #tpu.memory_space<hbm>>
      tpu.enqueue_dma source(%dma_start3A_524 : memref<1x64xf32, #tpu.memory_space<hbm>>) target(%dma_start3A_521 : memref<1x64xf32, #tpu.memory_space<vmem>>) target_semaphore(%arg14 : memref<!tpu.dma_semaphore, #tpu.memory_space<semaphore_mem>>)
      %mul3A_525 = arith.constant 16 : i32
      %mul3A_526 = arith.muli %scan3A_38, %mul3A_525 : i32
      %add3A_527 = arith.constant 12 : i32
      %add3A_528 = arith.addi %mul3A_526, %add3A_527 : i32
      %slice3A_529 = vector.extract_strided_slice %get3A_43 {offsets = [12], sizes = [1], strides = [1]} : vector<16xi32> to vector<1xi32>
      %squeeze3A_530 = vector.extract %slice3A_529[0] : i32 from vector<1xi32>
      %shift_right_arithmetic3A_531 = arith.constant 3 : i32
      %shift_right_arithmetic3A_532 = arith.shrsi %squeeze3A_530, %shift_right_arithmetic3A_531 : i32
      %slice3A_533 = vector.extract_strided_slice %get3A_43 {offsets = [12], sizes = [1], strides = [1]} : vector<16xi32> to vector<1xi32>
      %squeeze3A_534 = vector.extract %slice3A_533[0] : i32 from vector<1xi32>
      %and3A_535 = arith.constant 7 : i32
      %and3A_536 = arith.andi %squeeze3A_534, %and3A_535 : i32
      %dma_start3A_537 = arith.constant 0 : i32
      %dma_start3A_538 = tpu.memref_slice %arg11[%add3A_528, %dma_start3A_537] : memref<256x64xf32, #tpu.memory_space<vmem>> -> memref<1x64xf32, #tpu.memory_space<vmem>>
      %dma_start3A_539 = arith.constant 0 : i32
      %dma_start3A_540 = tpu.memref_slice %arg4[%shift_right_arithmetic3A_532, %and3A_536, %dma_start3A_539] : memref<125000x8x64xf32, #tpu.memory_space<hbm>> -> memref<1x1x64xf32, #tpu.memory_space<hbm>>
      %dma_start3A_541 = tpu.memref_squeeze %dma_start3A_540 : memref<1x1x64xf32, #tpu.memory_space<hbm>> -> memref<1x64xf32, #tpu.memory_space<hbm>>
      %dma_start3A_542 = arith.constant 0 : i32
      %dma_start3A_543 = tpu.memref_slice %arg11[%add3A_528, %dma_start3A_542] : memref<256x64xf32, #tpu.memory_space<vmem>> -> memref<1x64xf32, #tpu.memory_space<vmem>>
      %dma_start3A_544 = arith.constant 0 : i32
      %dma_start3A_545 = tpu.memref_slice %arg4[%shift_right_arithmetic3A_532, %and3A_536, %dma_start3A_544] : memref<125000x8x64xf32, #tpu.memory_space<hbm>> -> memref<1x1x64xf32, #tpu.memory_space<hbm>>
      %dma_start3A_546 = tpu.memref_squeeze %dma_start3A_545 : memref<1x1x64xf32, #tpu.memory_space<hbm>> -> memref<1x64xf32, #tpu.memory_space<hbm>>
      tpu.enqueue_dma source(%dma_start3A_546 : memref<1x64xf32, #tpu.memory_space<hbm>>) target(%dma_start3A_543 : memref<1x64xf32, #tpu.memory_space<vmem>>) target_semaphore(%arg14 : memref<!tpu.dma_semaphore, #tpu.memory_space<semaphore_mem>>)
      %slice3A_547 = vector.extract_strided_slice %get3A_49 {offsets = [12], sizes = [1], strides = [1]} : vector<16xi32> to vector<1xi32>
      %squeeze3A_548 = vector.extract %slice3A_547[0] : i32 from vector<1xi32>
      %shift_right_arithmetic3A_549 = arith.constant 3 : i32
      %shift_right_arithmetic3A_550 = arith.shrsi %squeeze3A_548, %shift_right_arithmetic3A_549 : i32
      %slice3A_551 = vector.extract_strided_slice %get3A_49 {offsets = [12], sizes = [1], strides = [1]} : vector<16xi32> to vector<1xi32>
      %squeeze3A_552 = vector.extract %slice3A_551[0] : i32 from vector<1xi32>
      %and3A_553 = arith.constant 7 : i32
      %and3A_554 = arith.andi %squeeze3A_552, %and3A_553 : i32
      %dma_start3A_555 = arith.constant 0 : i32
      %dma_start3A_556 = tpu.memref_slice %arg12[%add3A_528, %dma_start3A_555] : memref<256x64xf32, #tpu.memory_space<vmem>> -> memref<1x64xf32, #tpu.memory_space<vmem>>
      %dma_start3A_557 = arith.constant 0 : i32
      %dma_start3A_558 = tpu.memref_slice %arg5[%shift_right_arithmetic3A_550, %and3A_554, %dma_start3A_557] : memref<125000x8x64xf32, #tpu.memory_space<hbm>> -> memref<1x1x64xf32, #tpu.memory_space<hbm>>
      %dma_start3A_559 = tpu.memref_squeeze %dma_start3A_558 : memref<1x1x64xf32, #tpu.memory_space<hbm>> -> memref<1x64xf32, #tpu.memory_space<hbm>>
      %dma_start3A_560 = arith.constant 0 : i32
      %dma_start3A_561 = tpu.memref_slice %arg12[%add3A_528, %dma_start3A_560] : memref<256x64xf32, #tpu.memory_space<vmem>> -> memref<1x64xf32, #tpu.memory_space<vmem>>
      %dma_start3A_562 = arith.constant 0 : i32
      %dma_start3A_563 = tpu.memref_slice %arg5[%shift_right_arithmetic3A_550, %and3A_554, %dma_start3A_562] : memref<125000x8x64xf32, #tpu.memory_space<hbm>> -> memref<1x1x64xf32, #tpu.memory_space<hbm>>
      %dma_start3A_564 = tpu.memref_squeeze %dma_start3A_563 : memref<1x1x64xf32, #tpu.memory_space<hbm>> -> memref<1x64xf32, #tpu.memory_space<hbm>>
      tpu.enqueue_dma source(%dma_start3A_564 : memref<1x64xf32, #tpu.memory_space<hbm>>) target(%dma_start3A_561 : memref<1x64xf32, #tpu.memory_space<vmem>>) target_semaphore(%arg14 : memref<!tpu.dma_semaphore, #tpu.memory_space<semaphore_mem>>)
      %mul3A_565 = arith.constant 16 : i32
      %mul3A_566 = arith.muli %scan3A_38, %mul3A_565 : i32
      %add3A_567 = arith.constant 13 : i32
      %add3A_568 = arith.addi %mul3A_566, %add3A_567 : i32
      %slice3A_569 = vector.extract_strided_slice %get3A_43 {offsets = [13], sizes = [1], strides = [1]} : vector<16xi32> to vector<1xi32>
      %squeeze3A_570 = vector.extract %slice3A_569[0] : i32 from vector<1xi32>
      %shift_right_arithmetic3A_571 = arith.constant 3 : i32
      %shift_right_arithmetic3A_572 = arith.shrsi %squeeze3A_570, %shift_right_arithmetic3A_571 : i32
      %slice3A_573 = vector.extract_strided_slice %get3A_43 {offsets = [13], sizes = [1], strides = [1]} : vector<16xi32> to vector<1xi32>
      %squeeze3A_574 = vector.extract %slice3A_573[0] : i32 from vector<1xi32>
      %and3A_575 = arith.constant 7 : i32
      %and3A_576 = arith.andi %squeeze3A_574, %and3A_575 : i32
      %dma_start3A_577 = arith.constant 0 : i32
      %dma_start3A_578 = tpu.memref_slice %arg11[%add3A_568, %dma_start3A_577] : memref<256x64xf32, #tpu.memory_space<vmem>> -> memref<1x64xf32, #tpu.memory_space<vmem>>
      %dma_start3A_579 = arith.constant 0 : i32
      %dma_start3A_580 = tpu.memref_slice %arg4[%shift_right_arithmetic3A_572, %and3A_576, %dma_start3A_579] : memref<125000x8x64xf32, #tpu.memory_space<hbm>> -> memref<1x1x64xf32, #tpu.memory_space<hbm>>
      %dma_start3A_581 = tpu.memref_squeeze %dma_start3A_580 : memref<1x1x64xf32, #tpu.memory_space<hbm>> -> memref<1x64xf32, #tpu.memory_space<hbm>>
      %dma_start3A_582 = arith.constant 0 : i32
      %dma_start3A_583 = tpu.memref_slice %arg11[%add3A_568, %dma_start3A_582] : memref<256x64xf32, #tpu.memory_space<vmem>> -> memref<1x64xf32, #tpu.memory_space<vmem>>
      %dma_start3A_584 = arith.constant 0 : i32
      %dma_start3A_585 = tpu.memref_slice %arg4[%shift_right_arithmetic3A_572, %and3A_576, %dma_start3A_584] : memref<125000x8x64xf32, #tpu.memory_space<hbm>> -> memref<1x1x64xf32, #tpu.memory_space<hbm>>
      %dma_start3A_586 = tpu.memref_squeeze %dma_start3A_585 : memref<1x1x64xf32, #tpu.memory_space<hbm>> -> memref<1x64xf32, #tpu.memory_space<hbm>>
      tpu.enqueue_dma source(%dma_start3A_586 : memref<1x64xf32, #tpu.memory_space<hbm>>) target(%dma_start3A_583 : memref<1x64xf32, #tpu.memory_space<vmem>>) target_semaphore(%arg14 : memref<!tpu.dma_semaphore, #tpu.memory_space<semaphore_mem>>)
      %slice3A_587 = vector.extract_strided_slice %get3A_49 {offsets = [13], sizes = [1], strides = [1]} : vector<16xi32> to vector<1xi32>
      %squeeze3A_588 = vector.extract %slice3A_587[0] : i32 from vector<1xi32>
      %shift_right_arithmetic3A_589 = arith.constant 3 : i32
      %shift_right_arithmetic3A_590 = arith.shrsi %squeeze3A_588, %shift_right_arithmetic3A_589 : i32
      %slice3A_591 = vector.extract_strided_slice %get3A_49 {offsets = [13], sizes = [1], strides = [1]} : vector<16xi32> to vector<1xi32>
      %squeeze3A_592 = vector.extract %slice3A_591[0] : i32 from vector<1xi32>
      %and3A_593 = arith.constant 7 : i32
      %and3A_594 = arith.andi %squeeze3A_592, %and3A_593 : i32
      %dma_start3A_595 = arith.constant 0 : i32
      %dma_start3A_596 = tpu.memref_slice %arg12[%add3A_568, %dma_start3A_595] : memref<256x64xf32, #tpu.memory_space<vmem>> -> memref<1x64xf32, #tpu.memory_space<vmem>>
      %dma_start3A_597 = arith.constant 0 : i32
      %dma_start3A_598 = tpu.memref_slice %arg5[%shift_right_arithmetic3A_590, %and3A_594, %dma_start3A_597] : memref<125000x8x64xf32, #tpu.memory_space<hbm>> -> memref<1x1x64xf32, #tpu.memory_space<hbm>>
      %dma_start3A_599 = tpu.memref_squeeze %dma_start3A_598 : memref<1x1x64xf32, #tpu.memory_space<hbm>> -> memref<1x64xf32, #tpu.memory_space<hbm>>
      %dma_start3A_600 = arith.constant 0 : i32
      %dma_start3A_601 = tpu.memref_slice %arg12[%add3A_568, %dma_start3A_600] : memref<256x64xf32, #tpu.memory_space<vmem>> -> memref<1x64xf32, #tpu.memory_space<vmem>>
      %dma_start3A_602 = arith.constant 0 : i32
      %dma_start3A_603 = tpu.memref_slice %arg5[%shift_right_arithmetic3A_590, %and3A_594, %dma_start3A_602] : memref<125000x8x64xf32, #tpu.memory_space<hbm>> -> memref<1x1x64xf32, #tpu.memory_space<hbm>>
      %dma_start3A_604 = tpu.memref_squeeze %dma_start3A_603 : memref<1x1x64xf32, #tpu.memory_space<hbm>> -> memref<1x64xf32, #tpu.memory_space<hbm>>
      tpu.enqueue_dma source(%dma_start3A_604 : memref<1x64xf32, #tpu.memory_space<hbm>>) target(%dma_start3A_601 : memref<1x64xf32, #tpu.memory_space<vmem>>) target_semaphore(%arg14 : memref<!tpu.dma_semaphore, #tpu.memory_space<semaphore_mem>>)
      %mul3A_605 = arith.constant 16 : i32
      %mul3A_606 = arith.muli %scan3A_38, %mul3A_605 : i32
      %add3A_607 = arith.constant 14 : i32
      %add3A_608 = arith.addi %mul3A_606, %add3A_607 : i32
      %slice3A_609 = vector.extract_strided_slice %get3A_43 {offsets = [14], sizes = [1], strides = [1]} : vector<16xi32> to vector<1xi32>
      %squeeze3A_610 = vector.extract %slice3A_609[0] : i32 from vector<1xi32>
      %shift_right_arithmetic3A_611 = arith.constant 3 : i32
      %shift_right_arithmetic3A_612 = arith.shrsi %squeeze3A_610, %shift_right_arithmetic3A_611 : i32
      %slice3A_613 = vector.extract_strided_slice %get3A_43 {offsets = [14], sizes = [1], strides = [1]} : vector<16xi32> to vector<1xi32>
      %squeeze3A_614 = vector.extract %slice3A_613[0] : i32 from vector<1xi32>
      %and3A_615 = arith.constant 7 : i32
      %and3A_616 = arith.andi %squeeze3A_614, %and3A_615 : i32
      %dma_start3A_617 = arith.constant 0 : i32
      %dma_start3A_618 = tpu.memref_slice %arg11[%add3A_608, %dma_start3A_617] : memref<256x64xf32, #tpu.memory_space<vmem>> -> memref<1x64xf32, #tpu.memory_space<vmem>>
      %dma_start3A_619 = arith.constant 0 : i32
      %dma_start3A_620 = tpu.memref_slice %arg4[%shift_right_arithmetic3A_612, %and3A_616, %dma_start3A_619] : memref<125000x8x64xf32, #tpu.memory_space<hbm>> -> memref<1x1x64xf32, #tpu.memory_space<hbm>>
      %dma_start3A_621 = tpu.memref_squeeze %dma_start3A_620 : memref<1x1x64xf32, #tpu.memory_space<hbm>> -> memref<1x64xf32, #tpu.memory_space<hbm>>
      %dma_start3A_622 = arith.constant 0 : i32
      %dma_start3A_623 = tpu.memref_slice %arg11[%add3A_608, %dma_start3A_622] : memref<256x64xf32, #tpu.memory_space<vmem>> -> memref<1x64xf32, #tpu.memory_space<vmem>>
      %dma_start3A_624 = arith.constant 0 : i32
      %dma_start3A_625 = tpu.memref_slice %arg4[%shift_right_arithmetic3A_612, %and3A_616, %dma_start3A_624] : memref<125000x8x64xf32, #tpu.memory_space<hbm>> -> memref<1x1x64xf32, #tpu.memory_space<hbm>>
      %dma_start3A_626 = tpu.memref_squeeze %dma_start3A_625 : memref<1x1x64xf32, #tpu.memory_space<hbm>> -> memref<1x64xf32, #tpu.memory_space<hbm>>
      tpu.enqueue_dma source(%dma_start3A_626 : memref<1x64xf32, #tpu.memory_space<hbm>>) target(%dma_start3A_623 : memref<1x64xf32, #tpu.memory_space<vmem>>) target_semaphore(%arg14 : memref<!tpu.dma_semaphore, #tpu.memory_space<semaphore_mem>>)
      %slice3A_627 = vector.extract_strided_slice %get3A_49 {offsets = [14], sizes = [1], strides = [1]} : vector<16xi32> to vector<1xi32>
      %squeeze3A_628 = vector.extract %slice3A_627[0] : i32 from vector<1xi32>
      %shift_right_arithmetic3A_629 = arith.constant 3 : i32
      %shift_right_arithmetic3A_630 = arith.shrsi %squeeze3A_628, %shift_right_arithmetic3A_629 : i32
      %slice3A_631 = vector.extract_strided_slice %get3A_49 {offsets = [14], sizes = [1], strides = [1]} : vector<16xi32> to vector<1xi32>
      %squeeze3A_632 = vector.extract %slice3A_631[0] : i32 from vector<1xi32>
      %and3A_633 = arith.constant 7 : i32
      %and3A_634 = arith.andi %squeeze3A_632, %and3A_633 : i32
      %dma_start3A_635 = arith.constant 0 : i32
      %dma_start3A_636 = tpu.memref_slice %arg12[%add3A_608, %dma_start3A_635] : memref<256x64xf32, #tpu.memory_space<vmem>> -> memref<1x64xf32, #tpu.memory_space<vmem>>
      %dma_start3A_637 = arith.constant 0 : i32
      %dma_start3A_638 = tpu.memref_slice %arg5[%shift_right_arithmetic3A_630, %and3A_634, %dma_start3A_637] : memref<125000x8x64xf32, #tpu.memory_space<hbm>> -> memref<1x1x64xf32, #tpu.memory_space<hbm>>
      %dma_start3A_639 = tpu.memref_squeeze %dma_start3A_638 : memref<1x1x64xf32, #tpu.memory_space<hbm>> -> memref<1x64xf32, #tpu.memory_space<hbm>>
      %dma_start3A_640 = arith.constant 0 : i32
      %dma_start3A_641 = tpu.memref_slice %arg12[%add3A_608, %dma_start3A_640] : memref<256x64xf32, #tpu.memory_space<vmem>> -> memref<1x64xf32, #tpu.memory_space<vmem>>
      %dma_start3A_642 = arith.constant 0 : i32
      %dma_start3A_643 = tpu.memref_slice %arg5[%shift_right_arithmetic3A_630, %and3A_634, %dma_start3A_642] : memref<125000x8x64xf32, #tpu.memory_space<hbm>> -> memref<1x1x64xf32, #tpu.memory_space<hbm>>
      %dma_start3A_644 = tpu.memref_squeeze %dma_start3A_643 : memref<1x1x64xf32, #tpu.memory_space<hbm>> -> memref<1x64xf32, #tpu.memory_space<hbm>>
      tpu.enqueue_dma source(%dma_start3A_644 : memref<1x64xf32, #tpu.memory_space<hbm>>) target(%dma_start3A_641 : memref<1x64xf32, #tpu.memory_space<vmem>>) target_semaphore(%arg14 : memref<!tpu.dma_semaphore, #tpu.memory_space<semaphore_mem>>)
      %mul3A_645 = arith.constant 16 : i32
      %mul3A_646 = arith.muli %scan3A_38, %mul3A_645 : i32
      %add3A_647 = arith.constant 15 : i32
      %add3A_648 = arith.addi %mul3A_646, %add3A_647 : i32
      %slice3A_649 = vector.extract_strided_slice %get3A_43 {offsets = [15], sizes = [1], strides = [1]} : vector<16xi32> to vector<1xi32>
      %squeeze3A_650 = vector.extract %slice3A_649[0] : i32 from vector<1xi32>
      %shift_right_arithmetic3A_651 = arith.constant 3 : i32
      %shift_right_arithmetic3A_652 = arith.shrsi %squeeze3A_650, %shift_right_arithmetic3A_651 : i32
      %slice3A_653 = vector.extract_strided_slice %get3A_43 {offsets = [15], sizes = [1], strides = [1]} : vector<16xi32> to vector<1xi32>
      %squeeze3A_654 = vector.extract %slice3A_653[0] : i32 from vector<1xi32>
      %and3A_655 = arith.constant 7 : i32
      %and3A_656 = arith.andi %squeeze3A_654, %and3A_655 : i32
      %dma_start3A_657 = arith.constant 0 : i32
      %dma_start3A_658 = tpu.memref_slice %arg11[%add3A_648, %dma_start3A_657] : memref<256x64xf32, #tpu.memory_space<vmem>> -> memref<1x64xf32, #tpu.memory_space<vmem>>
      %dma_start3A_659 = arith.constant 0 : i32
      %dma_start3A_660 = tpu.memref_slice %arg4[%shift_right_arithmetic3A_652, %and3A_656, %dma_start3A_659] : memref<125000x8x64xf32, #tpu.memory_space<hbm>> -> memref<1x1x64xf32, #tpu.memory_space<hbm>>
      %dma_start3A_661 = tpu.memref_squeeze %dma_start3A_660 : memref<1x1x64xf32, #tpu.memory_space<hbm>> -> memref<1x64xf32, #tpu.memory_space<hbm>>
      %dma_start3A_662 = arith.constant 0 : i32
      %dma_start3A_663 = tpu.memref_slice %arg11[%add3A_648, %dma_start3A_662] : memref<256x64xf32, #tpu.memory_space<vmem>> -> memref<1x64xf32, #tpu.memory_space<vmem>>
      %dma_start3A_664 = arith.constant 0 : i32
      %dma_start3A_665 = tpu.memref_slice %arg4[%shift_right_arithmetic3A_652, %and3A_656, %dma_start3A_664] : memref<125000x8x64xf32, #tpu.memory_space<hbm>> -> memref<1x1x64xf32, #tpu.memory_space<hbm>>
      %dma_start3A_666 = tpu.memref_squeeze %dma_start3A_665 : memref<1x1x64xf32, #tpu.memory_space<hbm>> -> memref<1x64xf32, #tpu.memory_space<hbm>>
      tpu.enqueue_dma source(%dma_start3A_666 : memref<1x64xf32, #tpu.memory_space<hbm>>) target(%dma_start3A_663 : memref<1x64xf32, #tpu.memory_space<vmem>>) target_semaphore(%arg14 : memref<!tpu.dma_semaphore, #tpu.memory_space<semaphore_mem>>)
      %slice3A_667 = vector.extract_strided_slice %get3A_49 {offsets = [15], sizes = [1], strides = [1]} : vector<16xi32> to vector<1xi32>
      %squeeze3A_668 = vector.extract %slice3A_667[0] : i32 from vector<1xi32>
      %shift_right_arithmetic3A_669 = arith.constant 3 : i32
      %shift_right_arithmetic3A_670 = arith.shrsi %squeeze3A_668, %shift_right_arithmetic3A_669 : i32
      %slice3A_671 = vector.extract_strided_slice %get3A_49 {offsets = [15], sizes = [1], strides = [1]} : vector<16xi32> to vector<1xi32>
      %squeeze3A_672 = vector.extract %slice3A_671[0] : i32 from vector<1xi32>
      %and3A_673 = arith.constant 7 : i32
      %and3A_674 = arith.andi %squeeze3A_672, %and3A_673 : i32
      %dma_start3A_675 = arith.constant 0 : i32
      %dma_start3A_676 = tpu.memref_slice %arg12[%add3A_648, %dma_start3A_675] : memref<256x64xf32, #tpu.memory_space<vmem>> -> memref<1x64xf32, #tpu.memory_space<vmem>>
      %dma_start3A_677 = arith.constant 0 : i32
      %dma_start3A_678 = tpu.memref_slice %arg5[%shift_right_arithmetic3A_670, %and3A_674, %dma_start3A_677] : memref<125000x8x64xf32, #tpu.memory_space<hbm>> -> memref<1x1x64xf32, #tpu.memory_space<hbm>>
      %dma_start3A_679 = tpu.memref_squeeze %dma_start3A_678 : memref<1x1x64xf32, #tpu.memory_space<hbm>> -> memref<1x64xf32, #tpu.memory_space<hbm>>
      %dma_start3A_680 = arith.constant 0 : i32
      %dma_start3A_681 = tpu.memref_slice %arg12[%add3A_648, %dma_start3A_680] : memref<256x64xf32, #tpu.memory_space<vmem>> -> memref<1x64xf32, #tpu.memory_space<vmem>>
      %dma_start3A_682 = arith.constant 0 : i32
      %dma_start3A_683 = tpu.memref_slice %arg5[%shift_right_arithmetic3A_670, %and3A_674, %dma_start3A_682] : memref<125000x8x64xf32, #tpu.memory_space<hbm>> -> memref<1x1x64xf32, #tpu.memory_space<hbm>>
      %dma_start3A_684 = tpu.memref_squeeze %dma_start3A_683 : memref<1x1x64xf32, #tpu.memory_space<hbm>> -> memref<1x64xf32, #tpu.memory_space<hbm>>
      tpu.enqueue_dma source(%dma_start3A_684 : memref<1x64xf32, #tpu.memory_space<hbm>>) target(%dma_start3A_681 : memref<1x64xf32, #tpu.memory_space<vmem>>) target_semaphore(%arg14 : memref<!tpu.dma_semaphore, #tpu.memory_space<semaphore_mem>>)
    }
    %scan3A_7 = arith.constant 16 : i32
    %scan3A_8 = arith.constant 0 : i32
    %scan3A_9 = arith.constant 0 : i32
    %scan3A_10 = arith.constant 256 : i32
    %scan3A_11 = arith.addi %scan3A_9, %scan3A_10 : i32
    %scan3A_12 = arith.constant 1 : i32
    scf.for %scan3A_38 = %scan3A_9 to %scan3A_11 step %scan3A_12  : i32 {
      %dma_wait3A = arith.constant 0 : i32
      %dma_wait3A_39 = arith.constant 0 : i32
      %dma_wait3A_40 = tpu.memref_slice %arg11[%scan3A_38, %dma_wait3A_39] : memref<256x64xf32, #tpu.memory_space<vmem>> -> memref<1x64xf32, #tpu.memory_space<vmem>>
      %dma_wait3A_41 = arith.constant 0 : i32
      %dma_wait3A_42 = arith.constant 0 : i32
      %dma_wait3A_43 = tpu.memref_slice %arg4[%dma_wait3A, %dma_wait3A_41, %dma_wait3A_42] : memref<125000x8x64xf32, #tpu.memory_space<hbm>> -> memref<1x1x64xf32, #tpu.memory_space<hbm>>
      %dma_wait3A_44 = tpu.memref_squeeze %dma_wait3A_43 : memref<1x1x64xf32, #tpu.memory_space<hbm>> -> memref<1x64xf32, #tpu.memory_space<hbm>>
      %dma_wait3A_45 = arith.constant 0 : i32
      %dma_wait3A_46 = tpu.memref_slice %arg11[%scan3A_38, %dma_wait3A_45] : memref<256x64xf32, #tpu.memory_space<vmem>> -> memref<1x64xf32, #tpu.memory_space<vmem>>
      %dma_wait3A_47 = arith.constant 0 : i32
      %dma_wait3A_48 = arith.constant 0 : i32
      %dma_wait3A_49 = tpu.memref_slice %arg4[%dma_wait3A, %dma_wait3A_47, %dma_wait3A_48] : memref<125000x8x64xf32, #tpu.memory_space<hbm>> -> memref<1x1x64xf32, #tpu.memory_space<hbm>>
      %dma_wait3A_50 = tpu.memref_squeeze %dma_wait3A_49 : memref<1x1x64xf32, #tpu.memory_space<hbm>> -> memref<1x64xf32, #tpu.memory_space<hbm>>
      tpu.wait_dma2 semaphore(%arg14 : memref<!tpu.dma_semaphore, #tpu.memory_space<semaphore_mem>>) src(%dma_wait3A_50 : memref<1x64xf32, #tpu.memory_space<hbm>>) dst(%dma_wait3A_46 : memref<1x64xf32, #tpu.memory_space<vmem>>)
      %dma_wait3A_51 = arith.constant 0 : i32
      %dma_wait3A_52 = arith.constant 0 : i32
      %dma_wait3A_53 = tpu.memref_slice %arg12[%scan3A_38, %dma_wait3A_52] : memref<256x64xf32, #tpu.memory_space<vmem>> -> memref<1x64xf32, #tpu.memory_space<vmem>>
      %dma_wait3A_54 = arith.constant 0 : i32
      %dma_wait3A_55 = arith.constant 0 : i32
      %dma_wait3A_56 = tpu.memref_slice %arg5[%dma_wait3A_51, %dma_wait3A_54, %dma_wait3A_55] : memref<125000x8x64xf32, #tpu.memory_space<hbm>> -> memref<1x1x64xf32, #tpu.memory_space<hbm>>
      %dma_wait3A_57 = tpu.memref_squeeze %dma_wait3A_56 : memref<1x1x64xf32, #tpu.memory_space<hbm>> -> memref<1x64xf32, #tpu.memory_space<hbm>>
      %dma_wait3A_58 = arith.constant 0 : i32
      %dma_wait3A_59 = tpu.memref_slice %arg12[%scan3A_38, %dma_wait3A_58] : memref<256x64xf32, #tpu.memory_space<vmem>> -> memref<1x64xf32, #tpu.memory_space<vmem>>
      %dma_wait3A_60 = arith.constant 0 : i32
      %dma_wait3A_61 = arith.constant 0 : i32
      %dma_wait3A_62 = tpu.memref_slice %arg5[%dma_wait3A_51, %dma_wait3A_60, %dma_wait3A_61] : memref<125000x8x64xf32, #tpu.memory_space<hbm>> -> memref<1x1x64xf32, #tpu.memory_space<hbm>>
      %dma_wait3A_63 = tpu.memref_squeeze %dma_wait3A_62 : memref<1x1x64xf32, #tpu.memory_space<hbm>> -> memref<1x64xf32, #tpu.memory_space<hbm>>
      tpu.wait_dma2 semaphore(%arg14 : memref<!tpu.dma_semaphore, #tpu.memory_space<semaphore_mem>>) src(%dma_wait3A_63 : memref<1x64xf32, #tpu.memory_space<hbm>>) dst(%dma_wait3A_59 : memref<1x64xf32, #tpu.memory_space<vmem>>)
    }
    %scan3A_13 = arith.constant 256 : i32
    %scan3A_14 = arith.constant 0 : i32
    %scan3A_15 = arith.constant 0 : i32
    %scan3A_16 = arith.constant 16 : i32
    %scan3A_17 = arith.addi %scan3A_15, %scan3A_16 : i32
    %scan3A_18 = arith.constant 1 : i32
    scf.for %scan3A_38 = %scan3A_15 to %scan3A_17 step %scan3A_18  : i32 {
      %mul3A_39 = arith.constant 16 : i32
      %mul3A_40 = arith.muli %scan3A_38, %mul3A_39 : i32
      %iota3A = tpu.iota {dimensions = array<i32: 0>} : vector<16xi32>
      %add3A_41 = vector.broadcast %mul3A_40 : i32 to vector<16xi32>
      %add3A_42 = arith.addi %add3A_41, %iota3A : vector<16xi32>
      %broadcast_in_dim3A = arith.constant 0.000000e+00 : f32
      %broadcast_in_dim3A_43 = vector.broadcast %broadcast_in_dim3A : f32 to vector<16xf32>
      %broadcast_in_dim3A_44 = arith.constant 0.000000e+00 : f32
      %broadcast_in_dim3A_45 = vector.broadcast %broadcast_in_dim3A_44 : f32 to vector<16xf32>
      %broadcast_in_dim3A_46 = arith.constant 0.000000e+00 : f32
      %broadcast_in_dim3A_47 = vector.broadcast %broadcast_in_dim3A_46 : f32 to vector<16xf32>
      %broadcast_in_dim3A_48 = arith.constant 0.000000e+00 : f32
      %broadcast_in_dim3A_49 = vector.broadcast %broadcast_in_dim3A_48 : f32 to vector<16xf32>
      %broadcast_in_dim3A_50 = arith.constant 0 : i32
      %broadcast_in_dim3A_51 = vector.broadcast %broadcast_in_dim3A_50 : i32 to vector<16xi32>
      %gather3A = tpu.vector_load_idx %arg11[%add3A_42, %broadcast_in_dim3A_51] : memref<256x64xf32, #tpu.memory_space<vmem>>[vector<16xi32>, vector<16xi32>], vector<16xf32>,
      %gather3A_52 = tpu.vector_load_idx %arg12[%add3A_42, %broadcast_in_dim3A_51] : memref<256x64xf32, #tpu.memory_space<vmem>>[vector<16xi32>, vector<16xi32>], vector<16xf32>,
      %mul3A_53 = arith.mulf %gather3A, %gather3A_52 : vector<16xf32>
      %add3A_54 = arith.addf %broadcast_in_dim3A_43, %mul3A_53 : vector<16xf32>
      %broadcast_in_dim3A_55 = arith.constant 1 : i32
      %broadcast_in_dim3A_56 = vector.broadcast %broadcast_in_dim3A_55 : i32 to vector<16xi32>
      %gather3A_57 = tpu.vector_load_idx %arg11[%add3A_42, %broadcast_in_dim3A_56] : memref<256x64xf32, #tpu.memory_space<vmem>>[vector<16xi32>, vector<16xi32>], vector<16xf32>,
      %gather3A_58 = tpu.vector_load_idx %arg12[%add3A_42, %broadcast_in_dim3A_56] : memref<256x64xf32, #tpu.memory_space<vmem>>[vector<16xi32>, vector<16xi32>], vector<16xf32>,
      %mul3A_59 = arith.mulf %gather3A_57, %gather3A_58 : vector<16xf32>
      %add3A_60 = arith.addf %broadcast_in_dim3A_45, %mul3A_59 : vector<16xf32>
      %broadcast_in_dim3A_61 = arith.constant 2 : i32
      %broadcast_in_dim3A_62 = vector.broadcast %broadcast_in_dim3A_61 : i32 to vector<16xi32>
      %gather3A_63 = tpu.vector_load_idx %arg11[%add3A_42, %broadcast_in_dim3A_62] : memref<256x64xf32, #tpu.memory_space<vmem>>[vector<16xi32>, vector<16xi32>], vector<16xf32>,
      %gather3A_64 = tpu.vector_load_idx %arg12[%add3A_42, %broadcast_in_dim3A_62] : memref<256x64xf32, #tpu.memory_space<vmem>>[vector<16xi32>, vector<16xi32>], vector<16xf32>,
      %mul3A_65 = arith.mulf %gather3A_63, %gather3A_64 : vector<16xf32>
      %add3A_66 = arith.addf %broadcast_in_dim3A_47, %mul3A_65 : vector<16xf32>
      %broadcast_in_dim3A_67 = arith.constant 3 : i32
      %broadcast_in_dim3A_68 = vector.broadcast %broadcast_in_dim3A_67 : i32 to vector<16xi32>
      %gather3A_69 = tpu.vector_load_idx %arg11[%add3A_42, %broadcast_in_dim3A_68] : memref<256x64xf32, #tpu.memory_space<vmem>>[vector<16xi32>, vector<16xi32>], vector<16xf32>,
      %gather3A_70 = tpu.vector_load_idx %arg12[%add3A_42, %broadcast_in_dim3A_68] : memref<256x64xf32, #tpu.memory_space<vmem>>[vector<16xi32>, vector<16xi32>], vector<16xf32>,
      %mul3A_71 = arith.mulf %gather3A_69, %gather3A_70 : vector<16xf32>
      %add3A_72 = arith.addf %broadcast_in_dim3A_49, %mul3A_71 : vector<16xf32>
      %broadcast_in_dim3A_73 = arith.constant 4 : i32
      %broadcast_in_dim3A_74 = vector.broadcast %broadcast_in_dim3A_73 : i32 to vector<16xi32>
      %gather3A_75 = tpu.vector_load_idx %arg11[%add3A_42, %broadcast_in_dim3A_74] : memref<256x64xf32, #tpu.memory_space<vmem>>[vector<16xi32>, vector<16xi32>], vector<16xf32>,
      %gather3A_76 = tpu.vector_load_idx %arg12[%add3A_42, %broadcast_in_dim3A_74] : memref<256x64xf32, #tpu.memory_space<vmem>>[vector<16xi32>, vector<16xi32>], vector<16xf32>,
      %mul3A_77 = arith.mulf %gather3A_75, %gather3A_76 : vector<16xf32>
      %add3A_78 = arith.addf %add3A_54, %mul3A_77 : vector<16xf32>
      %broadcast_in_dim3A_79 = arith.constant 5 : i32
      %broadcast_in_dim3A_80 = vector.broadcast %broadcast_in_dim3A_79 : i32 to vector<16xi32>
      %gather3A_81 = tpu.vector_load_idx %arg11[%add3A_42, %broadcast_in_dim3A_80] : memref<256x64xf32, #tpu.memory_space<vmem>>[vector<16xi32>, vector<16xi32>], vector<16xf32>,
      %gather3A_82 = tpu.vector_load_idx %arg12[%add3A_42, %broadcast_in_dim3A_80] : memref<256x64xf32, #tpu.memory_space<vmem>>[vector<16xi32>, vector<16xi32>], vector<16xf32>,
      %mul3A_83 = arith.mulf %gather3A_81, %gather3A_82 : vector<16xf32>
      %add3A_84 = arith.addf %add3A_60, %mul3A_83 : vector<16xf32>
      %broadcast_in_dim3A_85 = arith.constant 6 : i32
      %broadcast_in_dim3A_86 = vector.broadcast %broadcast_in_dim3A_85 : i32 to vector<16xi32>
      %gather3A_87 = tpu.vector_load_idx %arg11[%add3A_42, %broadcast_in_dim3A_86] : memref<256x64xf32, #tpu.memory_space<vmem>>[vector<16xi32>, vector<16xi32>], vector<16xf32>,
      %gather3A_88 = tpu.vector_load_idx %arg12[%add3A_42, %broadcast_in_dim3A_86] : memref<256x64xf32, #tpu.memory_space<vmem>>[vector<16xi32>, vector<16xi32>], vector<16xf32>,
      %mul3A_89 = arith.mulf %gather3A_87, %gather3A_88 : vector<16xf32>
      %add3A_90 = arith.addf %add3A_66, %mul3A_89 : vector<16xf32>
      %broadcast_in_dim3A_91 = arith.constant 7 : i32
      %broadcast_in_dim3A_92 = vector.broadcast %broadcast_in_dim3A_91 : i32 to vector<16xi32>
      %gather3A_93 = tpu.vector_load_idx %arg11[%add3A_42, %broadcast_in_dim3A_92] : memref<256x64xf32, #tpu.memory_space<vmem>>[vector<16xi32>, vector<16xi32>], vector<16xf32>,
      %gather3A_94 = tpu.vector_load_idx %arg12[%add3A_42, %broadcast_in_dim3A_92] : memref<256x64xf32, #tpu.memory_space<vmem>>[vector<16xi32>, vector<16xi32>], vector<16xf32>,
      %mul3A_95 = arith.mulf %gather3A_93, %gather3A_94 : vector<16xf32>
      %add3A_96 = arith.addf %add3A_72, %mul3A_95 : vector<16xf32>
      %broadcast_in_dim3A_97 = arith.constant 8 : i32
      %broadcast_in_dim3A_98 = vector.broadcast %broadcast_in_dim3A_97 : i32 to vector<16xi32>
      %gather3A_99 = tpu.vector_load_idx %arg11[%add3A_42, %broadcast_in_dim3A_98] : memref<256x64xf32, #tpu.memory_space<vmem>>[vector<16xi32>, vector<16xi32>], vector<16xf32>,
      %gather3A_100 = tpu.vector_load_idx %arg12[%add3A_42, %broadcast_in_dim3A_98] : memref<256x64xf32, #tpu.memory_space<vmem>>[vector<16xi32>, vector<16xi32>], vector<16xf32>,
      %mul3A_101 = arith.mulf %gather3A_99, %gather3A_100 : vector<16xf32>
      %add3A_102 = arith.addf %add3A_78, %mul3A_101 : vector<16xf32>
      %broadcast_in_dim3A_103 = arith.constant 9 : i32
      %broadcast_in_dim3A_104 = vector.broadcast %broadcast_in_dim3A_103 : i32 to vector<16xi32>
      %gather3A_105 = tpu.vector_load_idx %arg11[%add3A_42, %broadcast_in_dim3A_104] : memref<256x64xf32, #tpu.memory_space<vmem>>[vector<16xi32>, vector<16xi32>], vector<16xf32>,
      %gather3A_106 = tpu.vector_load_idx %arg12[%add3A_42, %broadcast_in_dim3A_104] : memref<256x64xf32, #tpu.memory_space<vmem>>[vector<16xi32>, vector<16xi32>], vector<16xf32>,
      %mul3A_107 = arith.mulf %gather3A_105, %gather3A_106 : vector<16xf32>
      %add3A_108 = arith.addf %add3A_84, %mul3A_107 : vector<16xf32>
      %broadcast_in_dim3A_109 = arith.constant 10 : i32
      %broadcast_in_dim3A_110 = vector.broadcast %broadcast_in_dim3A_109 : i32 to vector<16xi32>
      %gather3A_111 = tpu.vector_load_idx %arg11[%add3A_42, %broadcast_in_dim3A_110] : memref<256x64xf32, #tpu.memory_space<vmem>>[vector<16xi32>, vector<16xi32>], vector<16xf32>,
      %gather3A_112 = tpu.vector_load_idx %arg12[%add3A_42, %broadcast_in_dim3A_110] : memref<256x64xf32, #tpu.memory_space<vmem>>[vector<16xi32>, vector<16xi32>], vector<16xf32>,
      %mul3A_113 = arith.mulf %gather3A_111, %gather3A_112 : vector<16xf32>
      %add3A_114 = arith.addf %add3A_90, %mul3A_113 : vector<16xf32>
      %broadcast_in_dim3A_115 = arith.constant 11 : i32
      %broadcast_in_dim3A_116 = vector.broadcast %broadcast_in_dim3A_115 : i32 to vector<16xi32>
      %gather3A_117 = tpu.vector_load_idx %arg11[%add3A_42, %broadcast_in_dim3A_116] : memref<256x64xf32, #tpu.memory_space<vmem>>[vector<16xi32>, vector<16xi32>], vector<16xf32>,
      %gather3A_118 = tpu.vector_load_idx %arg12[%add3A_42, %broadcast_in_dim3A_116] : memref<256x64xf32, #tpu.memory_space<vmem>>[vector<16xi32>, vector<16xi32>], vector<16xf32>,
      %mul3A_119 = arith.mulf %gather3A_117, %gather3A_118 : vector<16xf32>
      %add3A_120 = arith.addf %add3A_96, %mul3A_119 : vector<16xf32>
      %broadcast_in_dim3A_121 = arith.constant 12 : i32
      %broadcast_in_dim3A_122 = vector.broadcast %broadcast_in_dim3A_121 : i32 to vector<16xi32>
      %gather3A_123 = tpu.vector_load_idx %arg11[%add3A_42, %broadcast_in_dim3A_122] : memref<256x64xf32, #tpu.memory_space<vmem>>[vector<16xi32>, vector<16xi32>], vector<16xf32>,
      %gather3A_124 = tpu.vector_load_idx %arg12[%add3A_42, %broadcast_in_dim3A_122] : memref<256x64xf32, #tpu.memory_space<vmem>>[vector<16xi32>, vector<16xi32>], vector<16xf32>,
      %mul3A_125 = arith.mulf %gather3A_123, %gather3A_124 : vector<16xf32>
      %add3A_126 = arith.addf %add3A_102, %mul3A_125 : vector<16xf32>
      %broadcast_in_dim3A_127 = arith.constant 13 : i32
      %broadcast_in_dim3A_128 = vector.broadcast %broadcast_in_dim3A_127 : i32 to vector<16xi32>
      %gather3A_129 = tpu.vector_load_idx %arg11[%add3A_42, %broadcast_in_dim3A_128] : memref<256x64xf32, #tpu.memory_space<vmem>>[vector<16xi32>, vector<16xi32>], vector<16xf32>,
      %gather3A_130 = tpu.vector_load_idx %arg12[%add3A_42, %broadcast_in_dim3A_128] : memref<256x64xf32, #tpu.memory_space<vmem>>[vector<16xi32>, vector<16xi32>], vector<16xf32>,
      %mul3A_131 = arith.mulf %gather3A_129, %gather3A_130 : vector<16xf32>
      %add3A_132 = arith.addf %add3A_108, %mul3A_131 : vector<16xf32>
      %broadcast_in_dim3A_133 = arith.constant 14 : i32
      %broadcast_in_dim3A_134 = vector.broadcast %broadcast_in_dim3A_133 : i32 to vector<16xi32>
      %gather3A_135 = tpu.vector_load_idx %arg11[%add3A_42, %broadcast_in_dim3A_134] : memref<256x64xf32, #tpu.memory_space<vmem>>[vector<16xi32>, vector<16xi32>], vector<16xf32>,
      %gather3A_136 = tpu.vector_load_idx %arg12[%add3A_42, %broadcast_in_dim3A_134] : memref<256x64xf32, #tpu.memory_space<vmem>>[vector<16xi32>, vector<16xi32>], vector<16xf32>,
      %mul3A_137 = arith.mulf %gather3A_135, %gather3A_136 : vector<16xf32>
      %add3A_138 = arith.addf %add3A_114, %mul3A_137 : vector<16xf32>
      %broadcast_in_dim3A_139 = arith.constant 15 : i32
      %broadcast_in_dim3A_140 = vector.broadcast %broadcast_in_dim3A_139 : i32 to vector<16xi32>
      %gather3A_141 = tpu.vector_load_idx %arg11[%add3A_42, %broadcast_in_dim3A_140] : memref<256x64xf32, #tpu.memory_space<vmem>>[vector<16xi32>, vector<16xi32>], vector<16xf32>,
      %gather3A_142 = tpu.vector_load_idx %arg12[%add3A_42, %broadcast_in_dim3A_140] : memref<256x64xf32, #tpu.memory_space<vmem>>[vector<16xi32>, vector<16xi32>], vector<16xf32>,
      %mul3A_143 = arith.mulf %gather3A_141, %gather3A_142 : vector<16xf32>
      %add3A_144 = arith.addf %add3A_120, %mul3A_143 : vector<16xf32>
      %broadcast_in_dim3A_145 = arith.constant 16 : i32
      %broadcast_in_dim3A_146 = vector.broadcast %broadcast_in_dim3A_145 : i32 to vector<16xi32>
      %gather3A_147 = tpu.vector_load_idx %arg11[%add3A_42, %broadcast_in_dim3A_146] : memref<256x64xf32, #tpu.memory_space<vmem>>[vector<16xi32>, vector<16xi32>], vector<16xf32>,
      %gather3A_148 = tpu.vector_load_idx %arg12[%add3A_42, %broadcast_in_dim3A_146] : memref<256x64xf32, #tpu.memory_space<vmem>>[vector<16xi32>, vector<16xi32>], vector<16xf32>,
      %mul3A_149 = arith.mulf %gather3A_147, %gather3A_148 : vector<16xf32>
      %add3A_150 = arith.addf %add3A_126, %mul3A_149 : vector<16xf32>
      %broadcast_in_dim3A_151 = arith.constant 17 : i32
      %broadcast_in_dim3A_152 = vector.broadcast %broadcast_in_dim3A_151 : i32 to vector<16xi32>
      %gather3A_153 = tpu.vector_load_idx %arg11[%add3A_42, %broadcast_in_dim3A_152] : memref<256x64xf32, #tpu.memory_space<vmem>>[vector<16xi32>, vector<16xi32>], vector<16xf32>,
      %gather3A_154 = tpu.vector_load_idx %arg12[%add3A_42, %broadcast_in_dim3A_152] : memref<256x64xf32, #tpu.memory_space<vmem>>[vector<16xi32>, vector<16xi32>], vector<16xf32>,
      %mul3A_155 = arith.mulf %gather3A_153, %gather3A_154 : vector<16xf32>
      %add3A_156 = arith.addf %add3A_132, %mul3A_155 : vector<16xf32>
      %broadcast_in_dim3A_157 = arith.constant 18 : i32
      %broadcast_in_dim3A_158 = vector.broadcast %broadcast_in_dim3A_157 : i32 to vector<16xi32>
      %gather3A_159 = tpu.vector_load_idx %arg11[%add3A_42, %broadcast_in_dim3A_158] : memref<256x64xf32, #tpu.memory_space<vmem>>[vector<16xi32>, vector<16xi32>], vector<16xf32>,
      %gather3A_160 = tpu.vector_load_idx %arg12[%add3A_42, %broadcast_in_dim3A_158] : memref<256x64xf32, #tpu.memory_space<vmem>>[vector<16xi32>, vector<16xi32>], vector<16xf32>,
      %mul3A_161 = arith.mulf %gather3A_159, %gather3A_160 : vector<16xf32>
      %add3A_162 = arith.addf %add3A_138, %mul3A_161 : vector<16xf32>
      %broadcast_in_dim3A_163 = arith.constant 19 : i32
      %broadcast_in_dim3A_164 = vector.broadcast %broadcast_in_dim3A_163 : i32 to vector<16xi32>
      %gather3A_165 = tpu.vector_load_idx %arg11[%add3A_42, %broadcast_in_dim3A_164] : memref<256x64xf32, #tpu.memory_space<vmem>>[vector<16xi32>, vector<16xi32>], vector<16xf32>,
      %gather3A_166 = tpu.vector_load_idx %arg12[%add3A_42, %broadcast_in_dim3A_164] : memref<256x64xf32, #tpu.memory_space<vmem>>[vector<16xi32>, vector<16xi32>], vector<16xf32>,
      %mul3A_167 = arith.mulf %gather3A_165, %gather3A_166 : vector<16xf32>
      %add3A_168 = arith.addf %add3A_144, %mul3A_167 : vector<16xf32>
      %broadcast_in_dim3A_169 = arith.constant 20 : i32
      %broadcast_in_dim3A_170 = vector.broadcast %broadcast_in_dim3A_169 : i32 to vector<16xi32>
      %gather3A_171 = tpu.vector_load_idx %arg11[%add3A_42, %broadcast_in_dim3A_170] : memref<256x64xf32, #tpu.memory_space<vmem>>[vector<16xi32>, vector<16xi32>], vector<16xf32>,
      %gather3A_172 = tpu.vector_load_idx %arg12[%add3A_42, %broadcast_in_dim3A_170] : memref<256x64xf32, #tpu.memory_space<vmem>>[vector<16xi32>, vector<16xi32>], vector<16xf32>,
      %mul3A_173 = arith.mulf %gather3A_171, %gather3A_172 : vector<16xf32>
      %add3A_174 = arith.addf %add3A_150, %mul3A_173 : vector<16xf32>
      %broadcast_in_dim3A_175 = arith.constant 21 : i32
      %broadcast_in_dim3A_176 = vector.broadcast %broadcast_in_dim3A_175 : i32 to vector<16xi32>
      %gather3A_177 = tpu.vector_load_idx %arg11[%add3A_42, %broadcast_in_dim3A_176] : memref<256x64xf32, #tpu.memory_space<vmem>>[vector<16xi32>, vector<16xi32>], vector<16xf32>,
      %gather3A_178 = tpu.vector_load_idx %arg12[%add3A_42, %broadcast_in_dim3A_176] : memref<256x64xf32, #tpu.memory_space<vmem>>[vector<16xi32>, vector<16xi32>], vector<16xf32>,
      %mul3A_179 = arith.mulf %gather3A_177, %gather3A_178 : vector<16xf32>
      %add3A_180 = arith.addf %add3A_156, %mul3A_179 : vector<16xf32>
      %broadcast_in_dim3A_181 = arith.constant 22 : i32
      %broadcast_in_dim3A_182 = vector.broadcast %broadcast_in_dim3A_181 : i32 to vector<16xi32>
      %gather3A_183 = tpu.vector_load_idx %arg11[%add3A_42, %broadcast_in_dim3A_182] : memref<256x64xf32, #tpu.memory_space<vmem>>[vector<16xi32>, vector<16xi32>], vector<16xf32>,
      %gather3A_184 = tpu.vector_load_idx %arg12[%add3A_42, %broadcast_in_dim3A_182] : memref<256x64xf32, #tpu.memory_space<vmem>>[vector<16xi32>, vector<16xi32>], vector<16xf32>,
      %mul3A_185 = arith.mulf %gather3A_183, %gather3A_184 : vector<16xf32>
      %add3A_186 = arith.addf %add3A_162, %mul3A_185 : vector<16xf32>
      %broadcast_in_dim3A_187 = arith.constant 23 : i32
      %broadcast_in_dim3A_188 = vector.broadcast %broadcast_in_dim3A_187 : i32 to vector<16xi32>
      %gather3A_189 = tpu.vector_load_idx %arg11[%add3A_42, %broadcast_in_dim3A_188] : memref<256x64xf32, #tpu.memory_space<vmem>>[vector<16xi32>, vector<16xi32>], vector<16xf32>,
      %gather3A_190 = tpu.vector_load_idx %arg12[%add3A_42, %broadcast_in_dim3A_188] : memref<256x64xf32, #tpu.memory_space<vmem>>[vector<16xi32>, vector<16xi32>], vector<16xf32>,
      %mul3A_191 = arith.mulf %gather3A_189, %gather3A_190 : vector<16xf32>
      %add3A_192 = arith.addf %add3A_168, %mul3A_191 : vector<16xf32>
      %broadcast_in_dim3A_193 = arith.constant 24 : i32
      %broadcast_in_dim3A_194 = vector.broadcast %broadcast_in_dim3A_193 : i32 to vector<16xi32>
      %gather3A_195 = tpu.vector_load_idx %arg11[%add3A_42, %broadcast_in_dim3A_194] : memref<256x64xf32, #tpu.memory_space<vmem>>[vector<16xi32>, vector<16xi32>], vector<16xf32>,
      %gather3A_196 = tpu.vector_load_idx %arg12[%add3A_42, %broadcast_in_dim3A_194] : memref<256x64xf32, #tpu.memory_space<vmem>>[vector<16xi32>, vector<16xi32>], vector<16xf32>,
      %mul3A_197 = arith.mulf %gather3A_195, %gather3A_196 : vector<16xf32>
      %add3A_198 = arith.addf %add3A_174, %mul3A_197 : vector<16xf32>
      %broadcast_in_dim3A_199 = arith.constant 25 : i32
      %broadcast_in_dim3A_200 = vector.broadcast %broadcast_in_dim3A_199 : i32 to vector<16xi32>
      %gather3A_201 = tpu.vector_load_idx %arg11[%add3A_42, %broadcast_in_dim3A_200] : memref<256x64xf32, #tpu.memory_space<vmem>>[vector<16xi32>, vector<16xi32>], vector<16xf32>,
      %gather3A_202 = tpu.vector_load_idx %arg12[%add3A_42, %broadcast_in_dim3A_200] : memref<256x64xf32, #tpu.memory_space<vmem>>[vector<16xi32>, vector<16xi32>], vector<16xf32>,
      %mul3A_203 = arith.mulf %gather3A_201, %gather3A_202 : vector<16xf32>
      %add3A_204 = arith.addf %add3A_180, %mul3A_203 : vector<16xf32>
      %broadcast_in_dim3A_205 = arith.constant 26 : i32
      %broadcast_in_dim3A_206 = vector.broadcast %broadcast_in_dim3A_205 : i32 to vector<16xi32>
      %gather3A_207 = tpu.vector_load_idx %arg11[%add3A_42, %broadcast_in_dim3A_206] : memref<256x64xf32, #tpu.memory_space<vmem>>[vector<16xi32>, vector<16xi32>], vector<16xf32>,
      %gather3A_208 = tpu.vector_load_idx %arg12[%add3A_42, %broadcast_in_dim3A_206] : memref<256x64xf32, #tpu.memory_space<vmem>>[vector<16xi32>, vector<16xi32>], vector<16xf32>,
      %mul3A_209 = arith.mulf %gather3A_207, %gather3A_208 : vector<16xf32>
      %add3A_210 = arith.addf %add3A_186, %mul3A_209 : vector<16xf32>
      %broadcast_in_dim3A_211 = arith.constant 27 : i32
      %broadcast_in_dim3A_212 = vector.broadcast %broadcast_in_dim3A_211 : i32 to vector<16xi32>
      %gather3A_213 = tpu.vector_load_idx %arg11[%add3A_42, %broadcast_in_dim3A_212] : memref<256x64xf32, #tpu.memory_space<vmem>>[vector<16xi32>, vector<16xi32>], vector<16xf32>,
      %gather3A_214 = tpu.vector_load_idx %arg12[%add3A_42, %broadcast_in_dim3A_212] : memref<256x64xf32, #tpu.memory_space<vmem>>[vector<16xi32>, vector<16xi32>], vector<16xf32>,
      %mul3A_215 = arith.mulf %gather3A_213, %gather3A_214 : vector<16xf32>
      %add3A_216 = arith.addf %add3A_192, %mul3A_215 : vector<16xf32>
      %broadcast_in_dim3A_217 = arith.constant 28 : i32
      %broadcast_in_dim3A_218 = vector.broadcast %broadcast_in_dim3A_217 : i32 to vector<16xi32>
      %gather3A_219 = tpu.vector_load_idx %arg11[%add3A_42, %broadcast_in_dim3A_218] : memref<256x64xf32, #tpu.memory_space<vmem>>[vector<16xi32>, vector<16xi32>], vector<16xf32>,
      %gather3A_220 = tpu.vector_load_idx %arg12[%add3A_42, %broadcast_in_dim3A_218] : memref<256x64xf32, #tpu.memory_space<vmem>>[vector<16xi32>, vector<16xi32>], vector<16xf32>,
      %mul3A_221 = arith.mulf %gather3A_219, %gather3A_220 : vector<16xf32>
      %add3A_222 = arith.addf %add3A_198, %mul3A_221 : vector<16xf32>
      %broadcast_in_dim3A_223 = arith.constant 29 : i32
      %broadcast_in_dim3A_224 = vector.broadcast %broadcast_in_dim3A_223 : i32 to vector<16xi32>
      %gather3A_225 = tpu.vector_load_idx %arg11[%add3A_42, %broadcast_in_dim3A_224] : memref<256x64xf32, #tpu.memory_space<vmem>>[vector<16xi32>, vector<16xi32>], vector<16xf32>,
      %gather3A_226 = tpu.vector_load_idx %arg12[%add3A_42, %broadcast_in_dim3A_224] : memref<256x64xf32, #tpu.memory_space<vmem>>[vector<16xi32>, vector<16xi32>], vector<16xf32>,
      %mul3A_227 = arith.mulf %gather3A_225, %gather3A_226 : vector<16xf32>
      %add3A_228 = arith.addf %add3A_204, %mul3A_227 : vector<16xf32>
      %broadcast_in_dim3A_229 = arith.constant 30 : i32
      %broadcast_in_dim3A_230 = vector.broadcast %broadcast_in_dim3A_229 : i32 to vector<16xi32>
      %gather3A_231 = tpu.vector_load_idx %arg11[%add3A_42, %broadcast_in_dim3A_230] : memref<256x64xf32, #tpu.memory_space<vmem>>[vector<16xi32>, vector<16xi32>], vector<16xf32>,
      %gather3A_232 = tpu.vector_load_idx %arg12[%add3A_42, %broadcast_in_dim3A_230] : memref<256x64xf32, #tpu.memory_space<vmem>>[vector<16xi32>, vector<16xi32>], vector<16xf32>,
      %mul3A_233 = arith.mulf %gather3A_231, %gather3A_232 : vector<16xf32>
      %add3A_234 = arith.addf %add3A_210, %mul3A_233 : vector<16xf32>
      %broadcast_in_dim3A_235 = arith.constant 31 : i32
      %broadcast_in_dim3A_236 = vector.broadcast %broadcast_in_dim3A_235 : i32 to vector<16xi32>
      %gather3A_237 = tpu.vector_load_idx %arg11[%add3A_42, %broadcast_in_dim3A_236] : memref<256x64xf32, #tpu.memory_space<vmem>>[vector<16xi32>, vector<16xi32>], vector<16xf32>,
      %gather3A_238 = tpu.vector_load_idx %arg12[%add3A_42, %broadcast_in_dim3A_236] : memref<256x64xf32, #tpu.memory_space<vmem>>[vector<16xi32>, vector<16xi32>], vector<16xf32>,
      %mul3A_239 = arith.mulf %gather3A_237, %gather3A_238 : vector<16xf32>
      %add3A_240 = arith.addf %add3A_216, %mul3A_239 : vector<16xf32>
      %broadcast_in_dim3A_241 = arith.constant 32 : i32
      %broadcast_in_dim3A_242 = vector.broadcast %broadcast_in_dim3A_241 : i32 to vector<16xi32>
      %gather3A_243 = tpu.vector_load_idx %arg11[%add3A_42, %broadcast_in_dim3A_242] : memref<256x64xf32, #tpu.memory_space<vmem>>[vector<16xi32>, vector<16xi32>], vector<16xf32>,
      %gather3A_244 = tpu.vector_load_idx %arg12[%add3A_42, %broadcast_in_dim3A_242] : memref<256x64xf32, #tpu.memory_space<vmem>>[vector<16xi32>, vector<16xi32>], vector<16xf32>,
      %mul3A_245 = arith.mulf %gather3A_243, %gather3A_244 : vector<16xf32>
      %add3A_246 = arith.addf %add3A_222, %mul3A_245 : vector<16xf32>
      %broadcast_in_dim3A_247 = arith.constant 33 : i32
      %broadcast_in_dim3A_248 = vector.broadcast %broadcast_in_dim3A_247 : i32 to vector<16xi32>
      %gather3A_249 = tpu.vector_load_idx %arg11[%add3A_42, %broadcast_in_dim3A_248] : memref<256x64xf32, #tpu.memory_space<vmem>>[vector<16xi32>, vector<16xi32>], vector<16xf32>,
      %gather3A_250 = tpu.vector_load_idx %arg12[%add3A_42, %broadcast_in_dim3A_248] : memref<256x64xf32, #tpu.memory_space<vmem>>[vector<16xi32>, vector<16xi32>], vector<16xf32>,
      %mul3A_251 = arith.mulf %gather3A_249, %gather3A_250 : vector<16xf32>
      %add3A_252 = arith.addf %add3A_228, %mul3A_251 : vector<16xf32>
      %broadcast_in_dim3A_253 = arith.constant 34 : i32
      %broadcast_in_dim3A_254 = vector.broadcast %broadcast_in_dim3A_253 : i32 to vector<16xi32>
      %gather3A_255 = tpu.vector_load_idx %arg11[%add3A_42, %broadcast_in_dim3A_254] : memref<256x64xf32, #tpu.memory_space<vmem>>[vector<16xi32>, vector<16xi32>], vector<16xf32>,
      %gather3A_256 = tpu.vector_load_idx %arg12[%add3A_42, %broadcast_in_dim3A_254] : memref<256x64xf32, #tpu.memory_space<vmem>>[vector<16xi32>, vector<16xi32>], vector<16xf32>,
      %mul3A_257 = arith.mulf %gather3A_255, %gather3A_256 : vector<16xf32>
      %add3A_258 = arith.addf %add3A_234, %mul3A_257 : vector<16xf32>
      %broadcast_in_dim3A_259 = arith.constant 35 : i32
      %broadcast_in_dim3A_260 = vector.broadcast %broadcast_in_dim3A_259 : i32 to vector<16xi32>
      %gather3A_261 = tpu.vector_load_idx %arg11[%add3A_42, %broadcast_in_dim3A_260] : memref<256x64xf32, #tpu.memory_space<vmem>>[vector<16xi32>, vector<16xi32>], vector<16xf32>,
      %gather3A_262 = tpu.vector_load_idx %arg12[%add3A_42, %broadcast_in_dim3A_260] : memref<256x64xf32, #tpu.memory_space<vmem>>[vector<16xi32>, vector<16xi32>], vector<16xf32>,
      %mul3A_263 = arith.mulf %gather3A_261, %gather3A_262 : vector<16xf32>
      %add3A_264 = arith.addf %add3A_240, %mul3A_263 : vector<16xf32>
      %broadcast_in_dim3A_265 = arith.constant 36 : i32
      %broadcast_in_dim3A_266 = vector.broadcast %broadcast_in_dim3A_265 : i32 to vector<16xi32>
      %gather3A_267 = tpu.vector_load_idx %arg11[%add3A_42, %broadcast_in_dim3A_266] : memref<256x64xf32, #tpu.memory_space<vmem>>[vector<16xi32>, vector<16xi32>], vector<16xf32>,
      %gather3A_268 = tpu.vector_load_idx %arg12[%add3A_42, %broadcast_in_dim3A_266] : memref<256x64xf32, #tpu.memory_space<vmem>>[vector<16xi32>, vector<16xi32>], vector<16xf32>,
      %mul3A_269 = arith.mulf %gather3A_267, %gather3A_268 : vector<16xf32>
      %add3A_270 = arith.addf %add3A_246, %mul3A_269 : vector<16xf32>
      %broadcast_in_dim3A_271 = arith.constant 37 : i32
      %broadcast_in_dim3A_272 = vector.broadcast %broadcast_in_dim3A_271 : i32 to vector<16xi32>
      %gather3A_273 = tpu.vector_load_idx %arg11[%add3A_42, %broadcast_in_dim3A_272] : memref<256x64xf32, #tpu.memory_space<vmem>>[vector<16xi32>, vector<16xi32>], vector<16xf32>,
      %gather3A_274 = tpu.vector_load_idx %arg12[%add3A_42, %broadcast_in_dim3A_272] : memref<256x64xf32, #tpu.memory_space<vmem>>[vector<16xi32>, vector<16xi32>], vector<16xf32>,
      %mul3A_275 = arith.mulf %gather3A_273, %gather3A_274 : vector<16xf32>
      %add3A_276 = arith.addf %add3A_252, %mul3A_275 : vector<16xf32>
      %broadcast_in_dim3A_277 = arith.constant 38 : i32
      %broadcast_in_dim3A_278 = vector.broadcast %broadcast_in_dim3A_277 : i32 to vector<16xi32>
      %gather3A_279 = tpu.vector_load_idx %arg11[%add3A_42, %broadcast_in_dim3A_278] : memref<256x64xf32, #tpu.memory_space<vmem>>[vector<16xi32>, vector<16xi32>], vector<16xf32>,
      %gather3A_280 = tpu.vector_load_idx %arg12[%add3A_42, %broadcast_in_dim3A_278] : memref<256x64xf32, #tpu.memory_space<vmem>>[vector<16xi32>, vector<16xi32>], vector<16xf32>,
      %mul3A_281 = arith.mulf %gather3A_279, %gather3A_280 : vector<16xf32>
      %add3A_282 = arith.addf %add3A_258, %mul3A_281 : vector<16xf32>
      %broadcast_in_dim3A_283 = arith.constant 39 : i32
      %broadcast_in_dim3A_284 = vector.broadcast %broadcast_in_dim3A_283 : i32 to vector<16xi32>
      %gather3A_285 = tpu.vector_load_idx %arg11[%add3A_42, %broadcast_in_dim3A_284] : memref<256x64xf32, #tpu.memory_space<vmem>>[vector<16xi32>, vector<16xi32>], vector<16xf32>,
      %gather3A_286 = tpu.vector_load_idx %arg12[%add3A_42, %broadcast_in_dim3A_284] : memref<256x64xf32, #tpu.memory_space<vmem>>[vector<16xi32>, vector<16xi32>], vector<16xf32>,
      %mul3A_287 = arith.mulf %gather3A_285, %gather3A_286 : vector<16xf32>
      %add3A_288 = arith.addf %add3A_264, %mul3A_287 : vector<16xf32>
      %broadcast_in_dim3A_289 = arith.constant 40 : i32
      %broadcast_in_dim3A_290 = vector.broadcast %broadcast_in_dim3A_289 : i32 to vector<16xi32>
      %gather3A_291 = tpu.vector_load_idx %arg11[%add3A_42, %broadcast_in_dim3A_290] : memref<256x64xf32, #tpu.memory_space<vmem>>[vector<16xi32>, vector<16xi32>], vector<16xf32>,
      %gather3A_292 = tpu.vector_load_idx %arg12[%add3A_42, %broadcast_in_dim3A_290] : memref<256x64xf32, #tpu.memory_space<vmem>>[vector<16xi32>, vector<16xi32>], vector<16xf32>,
      %mul3A_293 = arith.mulf %gather3A_291, %gather3A_292 : vector<16xf32>
      %add3A_294 = arith.addf %add3A_270, %mul3A_293 : vector<16xf32>
      %broadcast_in_dim3A_295 = arith.constant 41 : i32
      %broadcast_in_dim3A_296 = vector.broadcast %broadcast_in_dim3A_295 : i32 to vector<16xi32>
      %gather3A_297 = tpu.vector_load_idx %arg11[%add3A_42, %broadcast_in_dim3A_296] : memref<256x64xf32, #tpu.memory_space<vmem>>[vector<16xi32>, vector<16xi32>], vector<16xf32>,
      %gather3A_298 = tpu.vector_load_idx %arg12[%add3A_42, %broadcast_in_dim3A_296] : memref<256x64xf32, #tpu.memory_space<vmem>>[vector<16xi32>, vector<16xi32>], vector<16xf32>,
      %mul3A_299 = arith.mulf %gather3A_297, %gather3A_298 : vector<16xf32>
      %add3A_300 = arith.addf %add3A_276, %mul3A_299 : vector<16xf32>
      %broadcast_in_dim3A_301 = arith.constant 42 : i32
      %broadcast_in_dim3A_302 = vector.broadcast %broadcast_in_dim3A_301 : i32 to vector<16xi32>
      %gather3A_303 = tpu.vector_load_idx %arg11[%add3A_42, %broadcast_in_dim3A_302] : memref<256x64xf32, #tpu.memory_space<vmem>>[vector<16xi32>, vector<16xi32>], vector<16xf32>,
      %gather3A_304 = tpu.vector_load_idx %arg12[%add3A_42, %broadcast_in_dim3A_302] : memref<256x64xf32, #tpu.memory_space<vmem>>[vector<16xi32>, vector<16xi32>], vector<16xf32>,
      %mul3A_305 = arith.mulf %gather3A_303, %gather3A_304 : vector<16xf32>
      %add3A_306 = arith.addf %add3A_282, %mul3A_305 : vector<16xf32>
      %broadcast_in_dim3A_307 = arith.constant 43 : i32
      %broadcast_in_dim3A_308 = vector.broadcast %broadcast_in_dim3A_307 : i32 to vector<16xi32>
      %gather3A_309 = tpu.vector_load_idx %arg11[%add3A_42, %broadcast_in_dim3A_308] : memref<256x64xf32, #tpu.memory_space<vmem>>[vector<16xi32>, vector<16xi32>], vector<16xf32>,
      %gather3A_310 = tpu.vector_load_idx %arg12[%add3A_42, %broadcast_in_dim3A_308] : memref<256x64xf32, #tpu.memory_space<vmem>>[vector<16xi32>, vector<16xi32>], vector<16xf32>,
      %mul3A_311 = arith.mulf %gather3A_309, %gather3A_310 : vector<16xf32>
      %add3A_312 = arith.addf %add3A_288, %mul3A_311 : vector<16xf32>
      %broadcast_in_dim3A_313 = arith.constant 44 : i32
      %broadcast_in_dim3A_314 = vector.broadcast %broadcast_in_dim3A_313 : i32 to vector<16xi32>
      %gather3A_315 = tpu.vector_load_idx %arg11[%add3A_42, %broadcast_in_dim3A_314] : memref<256x64xf32, #tpu.memory_space<vmem>>[vector<16xi32>, vector<16xi32>], vector<16xf32>,
      %gather3A_316 = tpu.vector_load_idx %arg12[%add3A_42, %broadcast_in_dim3A_314] : memref<256x64xf32, #tpu.memory_space<vmem>>[vector<16xi32>, vector<16xi32>], vector<16xf32>,
      %mul3A_317 = arith.mulf %gather3A_315, %gather3A_316 : vector<16xf32>
      %add3A_318 = arith.addf %add3A_294, %mul3A_317 : vector<16xf32>
      %broadcast_in_dim3A_319 = arith.constant 45 : i32
      %broadcast_in_dim3A_320 = vector.broadcast %broadcast_in_dim3A_319 : i32 to vector<16xi32>
      %gather3A_321 = tpu.vector_load_idx %arg11[%add3A_42, %broadcast_in_dim3A_320] : memref<256x64xf32, #tpu.memory_space<vmem>>[vector<16xi32>, vector<16xi32>], vector<16xf32>,
      %gather3A_322 = tpu.vector_load_idx %arg12[%add3A_42, %broadcast_in_dim3A_320] : memref<256x64xf32, #tpu.memory_space<vmem>>[vector<16xi32>, vector<16xi32>], vector<16xf32>,
      %mul3A_323 = arith.mulf %gather3A_321, %gather3A_322 : vector<16xf32>
      %add3A_324 = arith.addf %add3A_300, %mul3A_323 : vector<16xf32>
      %broadcast_in_dim3A_325 = arith.constant 46 : i32
      %broadcast_in_dim3A_326 = vector.broadcast %broadcast_in_dim3A_325 : i32 to vector<16xi32>
      %gather3A_327 = tpu.vector_load_idx %arg11[%add3A_42, %broadcast_in_dim3A_326] : memref<256x64xf32, #tpu.memory_space<vmem>>[vector<16xi32>, vector<16xi32>], vector<16xf32>,
      %gather3A_328 = tpu.vector_load_idx %arg12[%add3A_42, %broadcast_in_dim3A_326] : memref<256x64xf32, #tpu.memory_space<vmem>>[vector<16xi32>, vector<16xi32>], vector<16xf32>,
      %mul3A_329 = arith.mulf %gather3A_327, %gather3A_328 : vector<16xf32>
      %add3A_330 = arith.addf %add3A_306, %mul3A_329 : vector<16xf32>
      %broadcast_in_dim3A_331 = arith.constant 47 : i32
      %broadcast_in_dim3A_332 = vector.broadcast %broadcast_in_dim3A_331 : i32 to vector<16xi32>
      %gather3A_333 = tpu.vector_load_idx %arg11[%add3A_42, %broadcast_in_dim3A_332] : memref<256x64xf32, #tpu.memory_space<vmem>>[vector<16xi32>, vector<16xi32>], vector<16xf32>,
      %gather3A_334 = tpu.vector_load_idx %arg12[%add3A_42, %broadcast_in_dim3A_332] : memref<256x64xf32, #tpu.memory_space<vmem>>[vector<16xi32>, vector<16xi32>], vector<16xf32>,
      %mul3A_335 = arith.mulf %gather3A_333, %gather3A_334 : vector<16xf32>
      %add3A_336 = arith.addf %add3A_312, %mul3A_335 : vector<16xf32>
      %broadcast_in_dim3A_337 = arith.constant 48 : i32
      %broadcast_in_dim3A_338 = vector.broadcast %broadcast_in_dim3A_337 : i32 to vector<16xi32>
      %gather3A_339 = tpu.vector_load_idx %arg11[%add3A_42, %broadcast_in_dim3A_338] : memref<256x64xf32, #tpu.memory_space<vmem>>[vector<16xi32>, vector<16xi32>], vector<16xf32>,
      %gather3A_340 = tpu.vector_load_idx %arg12[%add3A_42, %broadcast_in_dim3A_338] : memref<256x64xf32, #tpu.memory_space<vmem>>[vector<16xi32>, vector<16xi32>], vector<16xf32>,
      %mul3A_341 = arith.mulf %gather3A_339, %gather3A_340 : vector<16xf32>
      %add3A_342 = arith.addf %add3A_318, %mul3A_341 : vector<16xf32>
      %broadcast_in_dim3A_343 = arith.constant 49 : i32
      %broadcast_in_dim3A_344 = vector.broadcast %broadcast_in_dim3A_343 : i32 to vector<16xi32>
      %gather3A_345 = tpu.vector_load_idx %arg11[%add3A_42, %broadcast_in_dim3A_344] : memref<256x64xf32, #tpu.memory_space<vmem>>[vector<16xi32>, vector<16xi32>], vector<16xf32>,
      %gather3A_346 = tpu.vector_load_idx %arg12[%add3A_42, %broadcast_in_dim3A_344] : memref<256x64xf32, #tpu.memory_space<vmem>>[vector<16xi32>, vector<16xi32>], vector<16xf32>,
      %mul3A_347 = arith.mulf %gather3A_345, %gather3A_346 : vector<16xf32>
      %add3A_348 = arith.addf %add3A_324, %mul3A_347 : vector<16xf32>
      %broadcast_in_dim3A_349 = arith.constant 50 : i32
      %broadcast_in_dim3A_350 = vector.broadcast %broadcast_in_dim3A_349 : i32 to vector<16xi32>
      %gather3A_351 = tpu.vector_load_idx %arg11[%add3A_42, %broadcast_in_dim3A_350] : memref<256x64xf32, #tpu.memory_space<vmem>>[vector<16xi32>, vector<16xi32>], vector<16xf32>,
      %gather3A_352 = tpu.vector_load_idx %arg12[%add3A_42, %broadcast_in_dim3A_350] : memref<256x64xf32, #tpu.memory_space<vmem>>[vector<16xi32>, vector<16xi32>], vector<16xf32>,
      %mul3A_353 = arith.mulf %gather3A_351, %gather3A_352 : vector<16xf32>
      %add3A_354 = arith.addf %add3A_330, %mul3A_353 : vector<16xf32>
      %broadcast_in_dim3A_355 = arith.constant 51 : i32
      %broadcast_in_dim3A_356 = vector.broadcast %broadcast_in_dim3A_355 : i32 to vector<16xi32>
      %gather3A_357 = tpu.vector_load_idx %arg11[%add3A_42, %broadcast_in_dim3A_356] : memref<256x64xf32, #tpu.memory_space<vmem>>[vector<16xi32>, vector<16xi32>], vector<16xf32>,
      %gather3A_358 = tpu.vector_load_idx %arg12[%add3A_42, %broadcast_in_dim3A_356] : memref<256x64xf32, #tpu.memory_space<vmem>>[vector<16xi32>, vector<16xi32>], vector<16xf32>,
      %mul3A_359 = arith.mulf %gather3A_357, %gather3A_358 : vector<16xf32>
      %add3A_360 = arith.addf %add3A_336, %mul3A_359 : vector<16xf32>
      %broadcast_in_dim3A_361 = arith.constant 52 : i32
      %broadcast_in_dim3A_362 = vector.broadcast %broadcast_in_dim3A_361 : i32 to vector<16xi32>
      %gather3A_363 = tpu.vector_load_idx %arg11[%add3A_42, %broadcast_in_dim3A_362] : memref<256x64xf32, #tpu.memory_space<vmem>>[vector<16xi32>, vector<16xi32>], vector<16xf32>,
      %gather3A_364 = tpu.vector_load_idx %arg12[%add3A_42, %broadcast_in_dim3A_362] : memref<256x64xf32, #tpu.memory_space<vmem>>[vector<16xi32>, vector<16xi32>], vector<16xf32>,
      %mul3A_365 = arith.mulf %gather3A_363, %gather3A_364 : vector<16xf32>
      %add3A_366 = arith.addf %add3A_342, %mul3A_365 : vector<16xf32>
      %broadcast_in_dim3A_367 = arith.constant 53 : i32
      %broadcast_in_dim3A_368 = vector.broadcast %broadcast_in_dim3A_367 : i32 to vector<16xi32>
      %gather3A_369 = tpu.vector_load_idx %arg11[%add3A_42, %broadcast_in_dim3A_368] : memref<256x64xf32, #tpu.memory_space<vmem>>[vector<16xi32>, vector<16xi32>], vector<16xf32>,
      %gather3A_370 = tpu.vector_load_idx %arg12[%add3A_42, %broadcast_in_dim3A_368] : memref<256x64xf32, #tpu.memory_space<vmem>>[vector<16xi32>, vector<16xi32>], vector<16xf32>,
      %mul3A_371 = arith.mulf %gather3A_369, %gather3A_370 : vector<16xf32>
      %add3A_372 = arith.addf %add3A_348, %mul3A_371 : vector<16xf32>
      %broadcast_in_dim3A_373 = arith.constant 54 : i32
      %broadcast_in_dim3A_374 = vector.broadcast %broadcast_in_dim3A_373 : i32 to vector<16xi32>
      %gather3A_375 = tpu.vector_load_idx %arg11[%add3A_42, %broadcast_in_dim3A_374] : memref<256x64xf32, #tpu.memory_space<vmem>>[vector<16xi32>, vector<16xi32>], vector<16xf32>,
      %gather3A_376 = tpu.vector_load_idx %arg12[%add3A_42, %broadcast_in_dim3A_374] : memref<256x64xf32, #tpu.memory_space<vmem>>[vector<16xi32>, vector<16xi32>], vector<16xf32>,
      %mul3A_377 = arith.mulf %gather3A_375, %gather3A_376 : vector<16xf32>
      %add3A_378 = arith.addf %add3A_354, %mul3A_377 : vector<16xf32>
      %broadcast_in_dim3A_379 = arith.constant 55 : i32
      %broadcast_in_dim3A_380 = vector.broadcast %broadcast_in_dim3A_379 : i32 to vector<16xi32>
      %gather3A_381 = tpu.vector_load_idx %arg11[%add3A_42, %broadcast_in_dim3A_380] : memref<256x64xf32, #tpu.memory_space<vmem>>[vector<16xi32>, vector<16xi32>], vector<16xf32>,
      %gather3A_382 = tpu.vector_load_idx %arg12[%add3A_42, %broadcast_in_dim3A_380] : memref<256x64xf32, #tpu.memory_space<vmem>>[vector<16xi32>, vector<16xi32>], vector<16xf32>,
      %mul3A_383 = arith.mulf %gather3A_381, %gather3A_382 : vector<16xf32>
      %add3A_384 = arith.addf %add3A_360, %mul3A_383 : vector<16xf32>
      %broadcast_in_dim3A_385 = arith.constant 56 : i32
      %broadcast_in_dim3A_386 = vector.broadcast %broadcast_in_dim3A_385 : i32 to vector<16xi32>
      %gather3A_387 = tpu.vector_load_idx %arg11[%add3A_42, %broadcast_in_dim3A_386] : memref<256x64xf32, #tpu.memory_space<vmem>>[vector<16xi32>, vector<16xi32>], vector<16xf32>,
      %gather3A_388 = tpu.vector_load_idx %arg12[%add3A_42, %broadcast_in_dim3A_386] : memref<256x64xf32, #tpu.memory_space<vmem>>[vector<16xi32>, vector<16xi32>], vector<16xf32>,
      %mul3A_389 = arith.mulf %gather3A_387, %gather3A_388 : vector<16xf32>
      %add3A_390 = arith.addf %add3A_366, %mul3A_389 : vector<16xf32>
      %broadcast_in_dim3A_391 = arith.constant 57 : i32
      %broadcast_in_dim3A_392 = vector.broadcast %broadcast_in_dim3A_391 : i32 to vector<16xi32>
      %gather3A_393 = tpu.vector_load_idx %arg11[%add3A_42, %broadcast_in_dim3A_392] : memref<256x64xf32, #tpu.memory_space<vmem>>[vector<16xi32>, vector<16xi32>], vector<16xf32>,
      %gather3A_394 = tpu.vector_load_idx %arg12[%add3A_42, %broadcast_in_dim3A_392] : memref<256x64xf32, #tpu.memory_space<vmem>>[vector<16xi32>, vector<16xi32>], vector<16xf32>,
      %mul3A_395 = arith.mulf %gather3A_393, %gather3A_394 : vector<16xf32>
      %add3A_396 = arith.addf %add3A_372, %mul3A_395 : vector<16xf32>
      %broadcast_in_dim3A_397 = arith.constant 58 : i32
      %broadcast_in_dim3A_398 = vector.broadcast %broadcast_in_dim3A_397 : i32 to vector<16xi32>
      %gather3A_399 = tpu.vector_load_idx %arg11[%add3A_42, %broadcast_in_dim3A_398] : memref<256x64xf32, #tpu.memory_space<vmem>>[vector<16xi32>, vector<16xi32>], vector<16xf32>,
      %gather3A_400 = tpu.vector_load_idx %arg12[%add3A_42, %broadcast_in_dim3A_398] : memref<256x64xf32, #tpu.memory_space<vmem>>[vector<16xi32>, vector<16xi32>], vector<16xf32>,
      %mul3A_401 = arith.mulf %gather3A_399, %gather3A_400 : vector<16xf32>
      %add3A_402 = arith.addf %add3A_378, %mul3A_401 : vector<16xf32>
      %broadcast_in_dim3A_403 = arith.constant 59 : i32
      %broadcast_in_dim3A_404 = vector.broadcast %broadcast_in_dim3A_403 : i32 to vector<16xi32>
      %gather3A_405 = tpu.vector_load_idx %arg11[%add3A_42, %broadcast_in_dim3A_404] : memref<256x64xf32, #tpu.memory_space<vmem>>[vector<16xi32>, vector<16xi32>], vector<16xf32>,
      %gather3A_406 = tpu.vector_load_idx %arg12[%add3A_42, %broadcast_in_dim3A_404] : memref<256x64xf32, #tpu.memory_space<vmem>>[vector<16xi32>, vector<16xi32>], vector<16xf32>,
      %mul3A_407 = arith.mulf %gather3A_405, %gather3A_406 : vector<16xf32>
      %add3A_408 = arith.addf %add3A_384, %mul3A_407 : vector<16xf32>
      %broadcast_in_dim3A_409 = arith.constant 60 : i32
      %broadcast_in_dim3A_410 = vector.broadcast %broadcast_in_dim3A_409 : i32 to vector<16xi32>
      %gather3A_411 = tpu.vector_load_idx %arg11[%add3A_42, %broadcast_in_dim3A_410] : memref<256x64xf32, #tpu.memory_space<vmem>>[vector<16xi32>, vector<16xi32>], vector<16xf32>,
      %gather3A_412 = tpu.vector_load_idx %arg12[%add3A_42, %broadcast_in_dim3A_410] : memref<256x64xf32, #tpu.memory_space<vmem>>[vector<16xi32>, vector<16xi32>], vector<16xf32>,
      %mul3A_413 = arith.mulf %gather3A_411, %gather3A_412 : vector<16xf32>
      %add3A_414 = arith.addf %add3A_390, %mul3A_413 : vector<16xf32>
      %broadcast_in_dim3A_415 = arith.constant 61 : i32
      %broadcast_in_dim3A_416 = vector.broadcast %broadcast_in_dim3A_415 : i32 to vector<16xi32>
      %gather3A_417 = tpu.vector_load_idx %arg11[%add3A_42, %broadcast_in_dim3A_416] : memref<256x64xf32, #tpu.memory_space<vmem>>[vector<16xi32>, vector<16xi32>], vector<16xf32>,
      %gather3A_418 = tpu.vector_load_idx %arg12[%add3A_42, %broadcast_in_dim3A_416] : memref<256x64xf32, #tpu.memory_space<vmem>>[vector<16xi32>, vector<16xi32>], vector<16xf32>,
      %mul3A_419 = arith.mulf %gather3A_417, %gather3A_418 : vector<16xf32>
      %add3A_420 = arith.addf %add3A_396, %mul3A_419 : vector<16xf32>
      %broadcast_in_dim3A_421 = arith.constant 62 : i32
      %broadcast_in_dim3A_422 = vector.broadcast %broadcast_in_dim3A_421 : i32 to vector<16xi32>
      %gather3A_423 = tpu.vector_load_idx %arg11[%add3A_42, %broadcast_in_dim3A_422] : memref<256x64xf32, #tpu.memory_space<vmem>>[vector<16xi32>, vector<16xi32>], vector<16xf32>,
      %gather3A_424 = tpu.vector_load_idx %arg12[%add3A_42, %broadcast_in_dim3A_422] : memref<256x64xf32, #tpu.memory_space<vmem>>[vector<16xi32>, vector<16xi32>], vector<16xf32>,
      %mul3A_425 = arith.mulf %gather3A_423, %gather3A_424 : vector<16xf32>
      %add3A_426 = arith.addf %add3A_402, %mul3A_425 : vector<16xf32>
      %broadcast_in_dim3A_427 = arith.constant 63 : i32
      %broadcast_in_dim3A_428 = vector.broadcast %broadcast_in_dim3A_427 : i32 to vector<16xi32>
      %gather3A_429 = tpu.vector_load_idx %arg11[%add3A_42, %broadcast_in_dim3A_428] : memref<256x64xf32, #tpu.memory_space<vmem>>[vector<16xi32>, vector<16xi32>], vector<16xf32>,
      %gather3A_430 = tpu.vector_load_idx %arg12[%add3A_42, %broadcast_in_dim3A_428] : memref<256x64xf32, #tpu.memory_space<vmem>>[vector<16xi32>, vector<16xi32>], vector<16xf32>,
      %mul3A_431 = arith.mulf %gather3A_429, %gather3A_430 : vector<16xf32>
      %add3A_432 = arith.addf %add3A_408, %mul3A_431 : vector<16xf32>
      %add3A_433 = arith.addf %add3A_414, %add3A_420 : vector<16xf32>
      %add3A_434 = arith.addf %add3A_426, %add3A_432 : vector<16xf32>
      %add3A_435 = arith.addf %add3A_433, %add3A_434 : vector<16xf32>
      %mul3A_436 = arith.constant 16 : i32
      %mul3A_437 = arith.muli %scan3A_38, %mul3A_436 : i32
      %add3A_438 = arith.constant 0 : i32
      %add3A_439 = arith.addi %add3A_438, %mul3A_437 : i32
      %get3A = arith.index_cast %add3A_439 : i32 to index
      %get3A_440 = tpu.vector_load %arg10[%get3A] {strides = array<i32>} : memref<512xf32, #tpu.memory_space<vmem>>, vector<16xf32>,
      %add3A_441 = arith.addf %add3A_435, %get3A_440 : vector<16xf32>
      %mul3A_442 = arith.constant 16 : i32
      %mul3A_443 = arith.muli %scan3A_38, %mul3A_442 : i32
      %add3A_444 = arith.constant 0 : i32
      %add3A_445 = arith.addi %add3A_444, %mul3A_443 : i32
      %swap3A = arith.index_cast %add3A_445 : i32 to index
      %swap3A_446 = tpu.vector_load %arg13[%swap3A] {strides = array<i32>} : memref<512xf32, #tpu.memory_space<vmem>>, vector<16xf32>,
      tpu.vector_store %arg13[%swap3A], %add3A_441 {strides = array<i32>} : memref<512xf32, #tpu.memory_space<vmem>>, vector<16xf32>,
    }
    %scan3A_19 = arith.constant 16 : i32
    %scan3A_20 = arith.constant 0 : i32
    %scan3A_21 = arith.constant 0 : i32
    %scan3A_22 = arith.constant 16 : i32
    %scan3A_23 = arith.addi %scan3A_21, %scan3A_22 : i32
    %scan3A_24 = arith.constant 1 : i32
    scf.for %scan3A_38 = %scan3A_21 to %scan3A_23 step %scan3A_24  : i32 {
      %mul3A_39 = arith.constant 16 : i32
      %mul3A_40 = arith.muli %scan3A_38, %mul3A_39 : i32
      %add3A_41 = arith.constant 256 : i32
      %add3A_42 = arith.addi %add3A_41, %mul3A_40 : i32
      %get3A = arith.index_cast %add3A_42 : i32 to index
      %get3A_43 = tpu.vector_load %arg8[%get3A] {strides = array<i32>} : memref<512xi32, #tpu.memory_space<vmem>>, vector<16xi32>,
      %mul3A_44 = arith.constant 16 : i32
      %mul3A_45 = arith.muli %scan3A_38, %mul3A_44 : i32
      %add3A_46 = arith.constant 256 : i32
      %add3A_47 = arith.addi %add3A_46, %mul3A_45 : i32
      %get3A_48 = arith.index_cast %add3A_47 : i32 to index
      %get3A_49 = tpu.vector_load %arg9[%get3A_48] {strides = array<i32>} : memref<512xi32, #tpu.memory_space<vmem>>, vector<16xi32>,
      %mul3A_50 = arith.constant 16 : i32
      %mul3A_51 = arith.muli %scan3A_38, %mul3A_50 : i32
      %add3A_52 = arith.constant 0 : i32
      %add3A_53 = arith.addi %mul3A_51, %add3A_52 : i32
      %slice3A = vector.extract_strided_slice %get3A_43 {offsets = [0], sizes = [1], strides = [1]} : vector<16xi32> to vector<1xi32>
      %squeeze3A = vector.extract %slice3A[0] : i32 from vector<1xi32>
      %shift_right_arithmetic3A = arith.constant 3 : i32
      %shift_right_arithmetic3A_54 = arith.shrsi %squeeze3A, %shift_right_arithmetic3A : i32
      %slice3A_55 = vector.extract_strided_slice %get3A_43 {offsets = [0], sizes = [1], strides = [1]} : vector<16xi32> to vector<1xi32>
      %squeeze3A_56 = vector.extract %slice3A_55[0] : i32 from vector<1xi32>
      %and3A = arith.constant 7 : i32
      %and3A_57 = arith.andi %squeeze3A_56, %and3A : i32
      %dma_start3A = arith.constant 0 : i32
      %dma_start3A_58 = tpu.memref_slice %arg11[%add3A_53, %dma_start3A] : memref<256x64xf32, #tpu.memory_space<vmem>> -> memref<1x64xf32, #tpu.memory_space<vmem>>
      %dma_start3A_59 = arith.constant 0 : i32
      %dma_start3A_60 = tpu.memref_slice %arg4[%shift_right_arithmetic3A_54, %and3A_57, %dma_start3A_59] : memref<125000x8x64xf32, #tpu.memory_space<hbm>> -> memref<1x1x64xf32, #tpu.memory_space<hbm>>
      %dma_start3A_61 = tpu.memref_squeeze %dma_start3A_60 : memref<1x1x64xf32, #tpu.memory_space<hbm>> -> memref<1x64xf32, #tpu.memory_space<hbm>>
      %dma_start3A_62 = arith.constant 0 : i32
      %dma_start3A_63 = tpu.memref_slice %arg11[%add3A_53, %dma_start3A_62] : memref<256x64xf32, #tpu.memory_space<vmem>> -> memref<1x64xf32, #tpu.memory_space<vmem>>
      %dma_start3A_64 = arith.constant 0 : i32
      %dma_start3A_65 = tpu.memref_slice %arg4[%shift_right_arithmetic3A_54, %and3A_57, %dma_start3A_64] : memref<125000x8x64xf32, #tpu.memory_space<hbm>> -> memref<1x1x64xf32, #tpu.memory_space<hbm>>
      %dma_start3A_66 = tpu.memref_squeeze %dma_start3A_65 : memref<1x1x64xf32, #tpu.memory_space<hbm>> -> memref<1x64xf32, #tpu.memory_space<hbm>>
      tpu.enqueue_dma source(%dma_start3A_66 : memref<1x64xf32, #tpu.memory_space<hbm>>) target(%dma_start3A_63 : memref<1x64xf32, #tpu.memory_space<vmem>>) target_semaphore(%arg14 : memref<!tpu.dma_semaphore, #tpu.memory_space<semaphore_mem>>)
      %slice3A_67 = vector.extract_strided_slice %get3A_49 {offsets = [0], sizes = [1], strides = [1]} : vector<16xi32> to vector<1xi32>
      %squeeze3A_68 = vector.extract %slice3A_67[0] : i32 from vector<1xi32>
      %shift_right_arithmetic3A_69 = arith.constant 3 : i32
      %shift_right_arithmetic3A_70 = arith.shrsi %squeeze3A_68, %shift_right_arithmetic3A_69 : i32
      %slice3A_71 = vector.extract_strided_slice %get3A_49 {offsets = [0], sizes = [1], strides = [1]} : vector<16xi32> to vector<1xi32>
      %squeeze3A_72 = vector.extract %slice3A_71[0] : i32 from vector<1xi32>
      %and3A_73 = arith.constant 7 : i32
      %and3A_74 = arith.andi %squeeze3A_72, %and3A_73 : i32
      %dma_start3A_75 = arith.constant 0 : i32
      %dma_start3A_76 = tpu.memref_slice %arg12[%add3A_53, %dma_start3A_75] : memref<256x64xf32, #tpu.memory_space<vmem>> -> memref<1x64xf32, #tpu.memory_space<vmem>>
      %dma_start3A_77 = arith.constant 0 : i32
      %dma_start3A_78 = tpu.memref_slice %arg5[%shift_right_arithmetic3A_70, %and3A_74, %dma_start3A_77] : memref<125000x8x64xf32, #tpu.memory_space<hbm>> -> memref<1x1x64xf32, #tpu.memory_space<hbm>>
      %dma_start3A_79 = tpu.memref_squeeze %dma_start3A_78 : memref<1x1x64xf32, #tpu.memory_space<hbm>> -> memref<1x64xf32, #tpu.memory_space<hbm>>
      %dma_start3A_80 = arith.constant 0 : i32
      %dma_start3A_81 = tpu.memref_slice %arg12[%add3A_53, %dma_start3A_80] : memref<256x64xf32, #tpu.memory_space<vmem>> -> memref<1x64xf32, #tpu.memory_space<vmem>>
      %dma_start3A_82 = arith.constant 0 : i32
      %dma_start3A_83 = tpu.memref_slice %arg5[%shift_right_arithmetic3A_70, %and3A_74, %dma_start3A_82] : memref<125000x8x64xf32, #tpu.memory_space<hbm>> -> memref<1x1x64xf32, #tpu.memory_space<hbm>>
      %dma_start3A_84 = tpu.memref_squeeze %dma_start3A_83 : memref<1x1x64xf32, #tpu.memory_space<hbm>> -> memref<1x64xf32, #tpu.memory_space<hbm>>
      tpu.enqueue_dma source(%dma_start3A_84 : memref<1x64xf32, #tpu.memory_space<hbm>>) target(%dma_start3A_81 : memref<1x64xf32, #tpu.memory_space<vmem>>) target_semaphore(%arg14 : memref<!tpu.dma_semaphore, #tpu.memory_space<semaphore_mem>>)
      %mul3A_85 = arith.constant 16 : i32
      %mul3A_86 = arith.muli %scan3A_38, %mul3A_85 : i32
      %add3A_87 = arith.constant 1 : i32
      %add3A_88 = arith.addi %mul3A_86, %add3A_87 : i32
      %slice3A_89 = vector.extract_strided_slice %get3A_43 {offsets = [1], sizes = [1], strides = [1]} : vector<16xi32> to vector<1xi32>
      %squeeze3A_90 = vector.extract %slice3A_89[0] : i32 from vector<1xi32>
      %shift_right_arithmetic3A_91 = arith.constant 3 : i32
      %shift_right_arithmetic3A_92 = arith.shrsi %squeeze3A_90, %shift_right_arithmetic3A_91 : i32
      %slice3A_93 = vector.extract_strided_slice %get3A_43 {offsets = [1], sizes = [1], strides = [1]} : vector<16xi32> to vector<1xi32>
      %squeeze3A_94 = vector.extract %slice3A_93[0] : i32 from vector<1xi32>
      %and3A_95 = arith.constant 7 : i32
      %and3A_96 = arith.andi %squeeze3A_94, %and3A_95 : i32
      %dma_start3A_97 = arith.constant 0 : i32
      %dma_start3A_98 = tpu.memref_slice %arg11[%add3A_88, %dma_start3A_97] : memref<256x64xf32, #tpu.memory_space<vmem>> -> memref<1x64xf32, #tpu.memory_space<vmem>>
      %dma_start3A_99 = arith.constant 0 : i32
      %dma_start3A_100 = tpu.memref_slice %arg4[%shift_right_arithmetic3A_92, %and3A_96, %dma_start3A_99] : memref<125000x8x64xf32, #tpu.memory_space<hbm>> -> memref<1x1x64xf32, #tpu.memory_space<hbm>>
      %dma_start3A_101 = tpu.memref_squeeze %dma_start3A_100 : memref<1x1x64xf32, #tpu.memory_space<hbm>> -> memref<1x64xf32, #tpu.memory_space<hbm>>
      %dma_start3A_102 = arith.constant 0 : i32
      %dma_start3A_103 = tpu.memref_slice %arg11[%add3A_88, %dma_start3A_102] : memref<256x64xf32, #tpu.memory_space<vmem>> -> memref<1x64xf32, #tpu.memory_space<vmem>>
      %dma_start3A_104 = arith.constant 0 : i32
      %dma_start3A_105 = tpu.memref_slice %arg4[%shift_right_arithmetic3A_92, %and3A_96, %dma_start3A_104] : memref<125000x8x64xf32, #tpu.memory_space<hbm>> -> memref<1x1x64xf32, #tpu.memory_space<hbm>>
      %dma_start3A_106 = tpu.memref_squeeze %dma_start3A_105 : memref<1x1x64xf32, #tpu.memory_space<hbm>> -> memref<1x64xf32, #tpu.memory_space<hbm>>
      tpu.enqueue_dma source(%dma_start3A_106 : memref<1x64xf32, #tpu.memory_space<hbm>>) target(%dma_start3A_103 : memref<1x64xf32, #tpu.memory_space<vmem>>) target_semaphore(%arg14 : memref<!tpu.dma_semaphore, #tpu.memory_space<semaphore_mem>>)
      %slice3A_107 = vector.extract_strided_slice %get3A_49 {offsets = [1], sizes = [1], strides = [1]} : vector<16xi32> to vector<1xi32>
      %squeeze3A_108 = vector.extract %slice3A_107[0] : i32 from vector<1xi32>
      %shift_right_arithmetic3A_109 = arith.constant 3 : i32
      %shift_right_arithmetic3A_110 = arith.shrsi %squeeze3A_108, %shift_right_arithmetic3A_109 : i32
      %slice3A_111 = vector.extract_strided_slice %get3A_49 {offsets = [1], sizes = [1], strides = [1]} : vector<16xi32> to vector<1xi32>
      %squeeze3A_112 = vector.extract %slice3A_111[0] : i32 from vector<1xi32>
      %and3A_113 = arith.constant 7 : i32
      %and3A_114 = arith.andi %squeeze3A_112, %and3A_113 : i32
      %dma_start3A_115 = arith.constant 0 : i32
      %dma_start3A_116 = tpu.memref_slice %arg12[%add3A_88, %dma_start3A_115] : memref<256x64xf32, #tpu.memory_space<vmem>> -> memref<1x64xf32, #tpu.memory_space<vmem>>
      %dma_start3A_117 = arith.constant 0 : i32
      %dma_start3A_118 = tpu.memref_slice %arg5[%shift_right_arithmetic3A_110, %and3A_114, %dma_start3A_117] : memref<125000x8x64xf32, #tpu.memory_space<hbm>> -> memref<1x1x64xf32, #tpu.memory_space<hbm>>
      %dma_start3A_119 = tpu.memref_squeeze %dma_start3A_118 : memref<1x1x64xf32, #tpu.memory_space<hbm>> -> memref<1x64xf32, #tpu.memory_space<hbm>>
      %dma_start3A_120 = arith.constant 0 : i32
      %dma_start3A_121 = tpu.memref_slice %arg12[%add3A_88, %dma_start3A_120] : memref<256x64xf32, #tpu.memory_space<vmem>> -> memref<1x64xf32, #tpu.memory_space<vmem>>
      %dma_start3A_122 = arith.constant 0 : i32
      %dma_start3A_123 = tpu.memref_slice %arg5[%shift_right_arithmetic3A_110, %and3A_114, %dma_start3A_122] : memref<125000x8x64xf32, #tpu.memory_space<hbm>> -> memref<1x1x64xf32, #tpu.memory_space<hbm>>
      %dma_start3A_124 = tpu.memref_squeeze %dma_start3A_123 : memref<1x1x64xf32, #tpu.memory_space<hbm>> -> memref<1x64xf32, #tpu.memory_space<hbm>>
      tpu.enqueue_dma source(%dma_start3A_124 : memref<1x64xf32, #tpu.memory_space<hbm>>) target(%dma_start3A_121 : memref<1x64xf32, #tpu.memory_space<vmem>>) target_semaphore(%arg14 : memref<!tpu.dma_semaphore, #tpu.memory_space<semaphore_mem>>)
      %mul3A_125 = arith.constant 16 : i32
      %mul3A_126 = arith.muli %scan3A_38, %mul3A_125 : i32
      %add3A_127 = arith.constant 2 : i32
      %add3A_128 = arith.addi %mul3A_126, %add3A_127 : i32
      %slice3A_129 = vector.extract_strided_slice %get3A_43 {offsets = [2], sizes = [1], strides = [1]} : vector<16xi32> to vector<1xi32>
      %squeeze3A_130 = vector.extract %slice3A_129[0] : i32 from vector<1xi32>
      %shift_right_arithmetic3A_131 = arith.constant 3 : i32
      %shift_right_arithmetic3A_132 = arith.shrsi %squeeze3A_130, %shift_right_arithmetic3A_131 : i32
      %slice3A_133 = vector.extract_strided_slice %get3A_43 {offsets = [2], sizes = [1], strides = [1]} : vector<16xi32> to vector<1xi32>
      %squeeze3A_134 = vector.extract %slice3A_133[0] : i32 from vector<1xi32>
      %and3A_135 = arith.constant 7 : i32
      %and3A_136 = arith.andi %squeeze3A_134, %and3A_135 : i32
      %dma_start3A_137 = arith.constant 0 : i32
      %dma_start3A_138 = tpu.memref_slice %arg11[%add3A_128, %dma_start3A_137] : memref<256x64xf32, #tpu.memory_space<vmem>> -> memref<1x64xf32, #tpu.memory_space<vmem>>
      %dma_start3A_139 = arith.constant 0 : i32
      %dma_start3A_140 = tpu.memref_slice %arg4[%shift_right_arithmetic3A_132, %and3A_136, %dma_start3A_139] : memref<125000x8x64xf32, #tpu.memory_space<hbm>> -> memref<1x1x64xf32, #tpu.memory_space<hbm>>
      %dma_start3A_141 = tpu.memref_squeeze %dma_start3A_140 : memref<1x1x64xf32, #tpu.memory_space<hbm>> -> memref<1x64xf32, #tpu.memory_space<hbm>>
      %dma_start3A_142 = arith.constant 0 : i32
      %dma_start3A_143 = tpu.memref_slice %arg11[%add3A_128, %dma_start3A_142] : memref<256x64xf32, #tpu.memory_space<vmem>> -> memref<1x64xf32, #tpu.memory_space<vmem>>
      %dma_start3A_144 = arith.constant 0 : i32
      %dma_start3A_145 = tpu.memref_slice %arg4[%shift_right_arithmetic3A_132, %and3A_136, %dma_start3A_144] : memref<125000x8x64xf32, #tpu.memory_space<hbm>> -> memref<1x1x64xf32, #tpu.memory_space<hbm>>
      %dma_start3A_146 = tpu.memref_squeeze %dma_start3A_145 : memref<1x1x64xf32, #tpu.memory_space<hbm>> -> memref<1x64xf32, #tpu.memory_space<hbm>>
      tpu.enqueue_dma source(%dma_start3A_146 : memref<1x64xf32, #tpu.memory_space<hbm>>) target(%dma_start3A_143 : memref<1x64xf32, #tpu.memory_space<vmem>>) target_semaphore(%arg14 : memref<!tpu.dma_semaphore, #tpu.memory_space<semaphore_mem>>)
      %slice3A_147 = vector.extract_strided_slice %get3A_49 {offsets = [2], sizes = [1], strides = [1]} : vector<16xi32> to vector<1xi32>
      %squeeze3A_148 = vector.extract %slice3A_147[0] : i32 from vector<1xi32>
      %shift_right_arithmetic3A_149 = arith.constant 3 : i32
      %shift_right_arithmetic3A_150 = arith.shrsi %squeeze3A_148, %shift_right_arithmetic3A_149 : i32
      %slice3A_151 = vector.extract_strided_slice %get3A_49 {offsets = [2], sizes = [1], strides = [1]} : vector<16xi32> to vector<1xi32>
      %squeeze3A_152 = vector.extract %slice3A_151[0] : i32 from vector<1xi32>
      %and3A_153 = arith.constant 7 : i32
      %and3A_154 = arith.andi %squeeze3A_152, %and3A_153 : i32
      %dma_start3A_155 = arith.constant 0 : i32
      %dma_start3A_156 = tpu.memref_slice %arg12[%add3A_128, %dma_start3A_155] : memref<256x64xf32, #tpu.memory_space<vmem>> -> memref<1x64xf32, #tpu.memory_space<vmem>>
      %dma_start3A_157 = arith.constant 0 : i32
      %dma_start3A_158 = tpu.memref_slice %arg5[%shift_right_arithmetic3A_150, %and3A_154, %dma_start3A_157] : memref<125000x8x64xf32, #tpu.memory_space<hbm>> -> memref<1x1x64xf32, #tpu.memory_space<hbm>>
      %dma_start3A_159 = tpu.memref_squeeze %dma_start3A_158 : memref<1x1x64xf32, #tpu.memory_space<hbm>> -> memref<1x64xf32, #tpu.memory_space<hbm>>
      %dma_start3A_160 = arith.constant 0 : i32
      %dma_start3A_161 = tpu.memref_slice %arg12[%add3A_128, %dma_start3A_160] : memref<256x64xf32, #tpu.memory_space<vmem>> -> memref<1x64xf32, #tpu.memory_space<vmem>>
      %dma_start3A_162 = arith.constant 0 : i32
      %dma_start3A_163 = tpu.memref_slice %arg5[%shift_right_arithmetic3A_150, %and3A_154, %dma_start3A_162] : memref<125000x8x64xf32, #tpu.memory_space<hbm>> -> memref<1x1x64xf32, #tpu.memory_space<hbm>>
      %dma_start3A_164 = tpu.memref_squeeze %dma_start3A_163 : memref<1x1x64xf32, #tpu.memory_space<hbm>> -> memref<1x64xf32, #tpu.memory_space<hbm>>
      tpu.enqueue_dma source(%dma_start3A_164 : memref<1x64xf32, #tpu.memory_space<hbm>>) target(%dma_start3A_161 : memref<1x64xf32, #tpu.memory_space<vmem>>) target_semaphore(%arg14 : memref<!tpu.dma_semaphore, #tpu.memory_space<semaphore_mem>>)
      %mul3A_165 = arith.constant 16 : i32
      %mul3A_166 = arith.muli %scan3A_38, %mul3A_165 : i32
      %add3A_167 = arith.constant 3 : i32
      %add3A_168 = arith.addi %mul3A_166, %add3A_167 : i32
      %slice3A_169 = vector.extract_strided_slice %get3A_43 {offsets = [3], sizes = [1], strides = [1]} : vector<16xi32> to vector<1xi32>
      %squeeze3A_170 = vector.extract %slice3A_169[0] : i32 from vector<1xi32>
      %shift_right_arithmetic3A_171 = arith.constant 3 : i32
      %shift_right_arithmetic3A_172 = arith.shrsi %squeeze3A_170, %shift_right_arithmetic3A_171 : i32
      %slice3A_173 = vector.extract_strided_slice %get3A_43 {offsets = [3], sizes = [1], strides = [1]} : vector<16xi32> to vector<1xi32>
      %squeeze3A_174 = vector.extract %slice3A_173[0] : i32 from vector<1xi32>
      %and3A_175 = arith.constant 7 : i32
      %and3A_176 = arith.andi %squeeze3A_174, %and3A_175 : i32
      %dma_start3A_177 = arith.constant 0 : i32
      %dma_start3A_178 = tpu.memref_slice %arg11[%add3A_168, %dma_start3A_177] : memref<256x64xf32, #tpu.memory_space<vmem>> -> memref<1x64xf32, #tpu.memory_space<vmem>>
      %dma_start3A_179 = arith.constant 0 : i32
      %dma_start3A_180 = tpu.memref_slice %arg4[%shift_right_arithmetic3A_172, %and3A_176, %dma_start3A_179] : memref<125000x8x64xf32, #tpu.memory_space<hbm>> -> memref<1x1x64xf32, #tpu.memory_space<hbm>>
      %dma_start3A_181 = tpu.memref_squeeze %dma_start3A_180 : memref<1x1x64xf32, #tpu.memory_space<hbm>> -> memref<1x64xf32, #tpu.memory_space<hbm>>
      %dma_start3A_182 = arith.constant 0 : i32
      %dma_start3A_183 = tpu.memref_slice %arg11[%add3A_168, %dma_start3A_182] : memref<256x64xf32, #tpu.memory_space<vmem>> -> memref<1x64xf32, #tpu.memory_space<vmem>>
      %dma_start3A_184 = arith.constant 0 : i32
      %dma_start3A_185 = tpu.memref_slice %arg4[%shift_right_arithmetic3A_172, %and3A_176, %dma_start3A_184] : memref<125000x8x64xf32, #tpu.memory_space<hbm>> -> memref<1x1x64xf32, #tpu.memory_space<hbm>>
      %dma_start3A_186 = tpu.memref_squeeze %dma_start3A_185 : memref<1x1x64xf32, #tpu.memory_space<hbm>> -> memref<1x64xf32, #tpu.memory_space<hbm>>
      tpu.enqueue_dma source(%dma_start3A_186 : memref<1x64xf32, #tpu.memory_space<hbm>>) target(%dma_start3A_183 : memref<1x64xf32, #tpu.memory_space<vmem>>) target_semaphore(%arg14 : memref<!tpu.dma_semaphore, #tpu.memory_space<semaphore_mem>>)
      %slice3A_187 = vector.extract_strided_slice %get3A_49 {offsets = [3], sizes = [1], strides = [1]} : vector<16xi32> to vector<1xi32>
      %squeeze3A_188 = vector.extract %slice3A_187[0] : i32 from vector<1xi32>
      %shift_right_arithmetic3A_189 = arith.constant 3 : i32
      %shift_right_arithmetic3A_190 = arith.shrsi %squeeze3A_188, %shift_right_arithmetic3A_189 : i32
      %slice3A_191 = vector.extract_strided_slice %get3A_49 {offsets = [3], sizes = [1], strides = [1]} : vector<16xi32> to vector<1xi32>
      %squeeze3A_192 = vector.extract %slice3A_191[0] : i32 from vector<1xi32>
      %and3A_193 = arith.constant 7 : i32
      %and3A_194 = arith.andi %squeeze3A_192, %and3A_193 : i32
      %dma_start3A_195 = arith.constant 0 : i32
      %dma_start3A_196 = tpu.memref_slice %arg12[%add3A_168, %dma_start3A_195] : memref<256x64xf32, #tpu.memory_space<vmem>> -> memref<1x64xf32, #tpu.memory_space<vmem>>
      %dma_start3A_197 = arith.constant 0 : i32
      %dma_start3A_198 = tpu.memref_slice %arg5[%shift_right_arithmetic3A_190, %and3A_194, %dma_start3A_197] : memref<125000x8x64xf32, #tpu.memory_space<hbm>> -> memref<1x1x64xf32, #tpu.memory_space<hbm>>
      %dma_start3A_199 = tpu.memref_squeeze %dma_start3A_198 : memref<1x1x64xf32, #tpu.memory_space<hbm>> -> memref<1x64xf32, #tpu.memory_space<hbm>>
      %dma_start3A_200 = arith.constant 0 : i32
      %dma_start3A_201 = tpu.memref_slice %arg12[%add3A_168, %dma_start3A_200] : memref<256x64xf32, #tpu.memory_space<vmem>> -> memref<1x64xf32, #tpu.memory_space<vmem>>
      %dma_start3A_202 = arith.constant 0 : i32
      %dma_start3A_203 = tpu.memref_slice %arg5[%shift_right_arithmetic3A_190, %and3A_194, %dma_start3A_202] : memref<125000x8x64xf32, #tpu.memory_space<hbm>> -> memref<1x1x64xf32, #tpu.memory_space<hbm>>
      %dma_start3A_204 = tpu.memref_squeeze %dma_start3A_203 : memref<1x1x64xf32, #tpu.memory_space<hbm>> -> memref<1x64xf32, #tpu.memory_space<hbm>>
      tpu.enqueue_dma source(%dma_start3A_204 : memref<1x64xf32, #tpu.memory_space<hbm>>) target(%dma_start3A_201 : memref<1x64xf32, #tpu.memory_space<vmem>>) target_semaphore(%arg14 : memref<!tpu.dma_semaphore, #tpu.memory_space<semaphore_mem>>)
      %mul3A_205 = arith.constant 16 : i32
      %mul3A_206 = arith.muli %scan3A_38, %mul3A_205 : i32
      %add3A_207 = arith.constant 4 : i32
      %add3A_208 = arith.addi %mul3A_206, %add3A_207 : i32
      %slice3A_209 = vector.extract_strided_slice %get3A_43 {offsets = [4], sizes = [1], strides = [1]} : vector<16xi32> to vector<1xi32>
      %squeeze3A_210 = vector.extract %slice3A_209[0] : i32 from vector<1xi32>
      %shift_right_arithmetic3A_211 = arith.constant 3 : i32
      %shift_right_arithmetic3A_212 = arith.shrsi %squeeze3A_210, %shift_right_arithmetic3A_211 : i32
      %slice3A_213 = vector.extract_strided_slice %get3A_43 {offsets = [4], sizes = [1], strides = [1]} : vector<16xi32> to vector<1xi32>
      %squeeze3A_214 = vector.extract %slice3A_213[0] : i32 from vector<1xi32>
      %and3A_215 = arith.constant 7 : i32
      %and3A_216 = arith.andi %squeeze3A_214, %and3A_215 : i32
      %dma_start3A_217 = arith.constant 0 : i32
      %dma_start3A_218 = tpu.memref_slice %arg11[%add3A_208, %dma_start3A_217] : memref<256x64xf32, #tpu.memory_space<vmem>> -> memref<1x64xf32, #tpu.memory_space<vmem>>
      %dma_start3A_219 = arith.constant 0 : i32
      %dma_start3A_220 = tpu.memref_slice %arg4[%shift_right_arithmetic3A_212, %and3A_216, %dma_start3A_219] : memref<125000x8x64xf32, #tpu.memory_space<hbm>> -> memref<1x1x64xf32, #tpu.memory_space<hbm>>
      %dma_start3A_221 = tpu.memref_squeeze %dma_start3A_220 : memref<1x1x64xf32, #tpu.memory_space<hbm>> -> memref<1x64xf32, #tpu.memory_space<hbm>>
      %dma_start3A_222 = arith.constant 0 : i32
      %dma_start3A_223 = tpu.memref_slice %arg11[%add3A_208, %dma_start3A_222] : memref<256x64xf32, #tpu.memory_space<vmem>> -> memref<1x64xf32, #tpu.memory_space<vmem>>
      %dma_start3A_224 = arith.constant 0 : i32
      %dma_start3A_225 = tpu.memref_slice %arg4[%shift_right_arithmetic3A_212, %and3A_216, %dma_start3A_224] : memref<125000x8x64xf32, #tpu.memory_space<hbm>> -> memref<1x1x64xf32, #tpu.memory_space<hbm>>
      %dma_start3A_226 = tpu.memref_squeeze %dma_start3A_225 : memref<1x1x64xf32, #tpu.memory_space<hbm>> -> memref<1x64xf32, #tpu.memory_space<hbm>>
      tpu.enqueue_dma source(%dma_start3A_226 : memref<1x64xf32, #tpu.memory_space<hbm>>) target(%dma_start3A_223 : memref<1x64xf32, #tpu.memory_space<vmem>>) target_semaphore(%arg14 : memref<!tpu.dma_semaphore, #tpu.memory_space<semaphore_mem>>)
      %slice3A_227 = vector.extract_strided_slice %get3A_49 {offsets = [4], sizes = [1], strides = [1]} : vector<16xi32> to vector<1xi32>
      %squeeze3A_228 = vector.extract %slice3A_227[0] : i32 from vector<1xi32>
      %shift_right_arithmetic3A_229 = arith.constant 3 : i32
      %shift_right_arithmetic3A_230 = arith.shrsi %squeeze3A_228, %shift_right_arithmetic3A_229 : i32
      %slice3A_231 = vector.extract_strided_slice %get3A_49 {offsets = [4], sizes = [1], strides = [1]} : vector<16xi32> to vector<1xi32>
      %squeeze3A_232 = vector.extract %slice3A_231[0] : i32 from vector<1xi32>
      %and3A_233 = arith.constant 7 : i32
      %and3A_234 = arith.andi %squeeze3A_232, %and3A_233 : i32
      %dma_start3A_235 = arith.constant 0 : i32
      %dma_start3A_236 = tpu.memref_slice %arg12[%add3A_208, %dma_start3A_235] : memref<256x64xf32, #tpu.memory_space<vmem>> -> memref<1x64xf32, #tpu.memory_space<vmem>>
      %dma_start3A_237 = arith.constant 0 : i32
      %dma_start3A_238 = tpu.memref_slice %arg5[%shift_right_arithmetic3A_230, %and3A_234, %dma_start3A_237] : memref<125000x8x64xf32, #tpu.memory_space<hbm>> -> memref<1x1x64xf32, #tpu.memory_space<hbm>>
      %dma_start3A_239 = tpu.memref_squeeze %dma_start3A_238 : memref<1x1x64xf32, #tpu.memory_space<hbm>> -> memref<1x64xf32, #tpu.memory_space<hbm>>
      %dma_start3A_240 = arith.constant 0 : i32
      %dma_start3A_241 = tpu.memref_slice %arg12[%add3A_208, %dma_start3A_240] : memref<256x64xf32, #tpu.memory_space<vmem>> -> memref<1x64xf32, #tpu.memory_space<vmem>>
      %dma_start3A_242 = arith.constant 0 : i32
      %dma_start3A_243 = tpu.memref_slice %arg5[%shift_right_arithmetic3A_230, %and3A_234, %dma_start3A_242] : memref<125000x8x64xf32, #tpu.memory_space<hbm>> -> memref<1x1x64xf32, #tpu.memory_space<hbm>>
      %dma_start3A_244 = tpu.memref_squeeze %dma_start3A_243 : memref<1x1x64xf32, #tpu.memory_space<hbm>> -> memref<1x64xf32, #tpu.memory_space<hbm>>
      tpu.enqueue_dma source(%dma_start3A_244 : memref<1x64xf32, #tpu.memory_space<hbm>>) target(%dma_start3A_241 : memref<1x64xf32, #tpu.memory_space<vmem>>) target_semaphore(%arg14 : memref<!tpu.dma_semaphore, #tpu.memory_space<semaphore_mem>>)
      %mul3A_245 = arith.constant 16 : i32
      %mul3A_246 = arith.muli %scan3A_38, %mul3A_245 : i32
      %add3A_247 = arith.constant 5 : i32
      %add3A_248 = arith.addi %mul3A_246, %add3A_247 : i32
      %slice3A_249 = vector.extract_strided_slice %get3A_43 {offsets = [5], sizes = [1], strides = [1]} : vector<16xi32> to vector<1xi32>
      %squeeze3A_250 = vector.extract %slice3A_249[0] : i32 from vector<1xi32>
      %shift_right_arithmetic3A_251 = arith.constant 3 : i32
      %shift_right_arithmetic3A_252 = arith.shrsi %squeeze3A_250, %shift_right_arithmetic3A_251 : i32
      %slice3A_253 = vector.extract_strided_slice %get3A_43 {offsets = [5], sizes = [1], strides = [1]} : vector<16xi32> to vector<1xi32>
      %squeeze3A_254 = vector.extract %slice3A_253[0] : i32 from vector<1xi32>
      %and3A_255 = arith.constant 7 : i32
      %and3A_256 = arith.andi %squeeze3A_254, %and3A_255 : i32
      %dma_start3A_257 = arith.constant 0 : i32
      %dma_start3A_258 = tpu.memref_slice %arg11[%add3A_248, %dma_start3A_257] : memref<256x64xf32, #tpu.memory_space<vmem>> -> memref<1x64xf32, #tpu.memory_space<vmem>>
      %dma_start3A_259 = arith.constant 0 : i32
      %dma_start3A_260 = tpu.memref_slice %arg4[%shift_right_arithmetic3A_252, %and3A_256, %dma_start3A_259] : memref<125000x8x64xf32, #tpu.memory_space<hbm>> -> memref<1x1x64xf32, #tpu.memory_space<hbm>>
      %dma_start3A_261 = tpu.memref_squeeze %dma_start3A_260 : memref<1x1x64xf32, #tpu.memory_space<hbm>> -> memref<1x64xf32, #tpu.memory_space<hbm>>
      %dma_start3A_262 = arith.constant 0 : i32
      %dma_start3A_263 = tpu.memref_slice %arg11[%add3A_248, %dma_start3A_262] : memref<256x64xf32, #tpu.memory_space<vmem>> -> memref<1x64xf32, #tpu.memory_space<vmem>>
      %dma_start3A_264 = arith.constant 0 : i32
      %dma_start3A_265 = tpu.memref_slice %arg4[%shift_right_arithmetic3A_252, %and3A_256, %dma_start3A_264] : memref<125000x8x64xf32, #tpu.memory_space<hbm>> -> memref<1x1x64xf32, #tpu.memory_space<hbm>>
      %dma_start3A_266 = tpu.memref_squeeze %dma_start3A_265 : memref<1x1x64xf32, #tpu.memory_space<hbm>> -> memref<1x64xf32, #tpu.memory_space<hbm>>
      tpu.enqueue_dma source(%dma_start3A_266 : memref<1x64xf32, #tpu.memory_space<hbm>>) target(%dma_start3A_263 : memref<1x64xf32, #tpu.memory_space<vmem>>) target_semaphore(%arg14 : memref<!tpu.dma_semaphore, #tpu.memory_space<semaphore_mem>>)
      %slice3A_267 = vector.extract_strided_slice %get3A_49 {offsets = [5], sizes = [1], strides = [1]} : vector<16xi32> to vector<1xi32>
      %squeeze3A_268 = vector.extract %slice3A_267[0] : i32 from vector<1xi32>
      %shift_right_arithmetic3A_269 = arith.constant 3 : i32
      %shift_right_arithmetic3A_270 = arith.shrsi %squeeze3A_268, %shift_right_arithmetic3A_269 : i32
      %slice3A_271 = vector.extract_strided_slice %get3A_49 {offsets = [5], sizes = [1], strides = [1]} : vector<16xi32> to vector<1xi32>
      %squeeze3A_272 = vector.extract %slice3A_271[0] : i32 from vector<1xi32>
      %and3A_273 = arith.constant 7 : i32
      %and3A_274 = arith.andi %squeeze3A_272, %and3A_273 : i32
      %dma_start3A_275 = arith.constant 0 : i32
      %dma_start3A_276 = tpu.memref_slice %arg12[%add3A_248, %dma_start3A_275] : memref<256x64xf32, #tpu.memory_space<vmem>> -> memref<1x64xf32, #tpu.memory_space<vmem>>
      %dma_start3A_277 = arith.constant 0 : i32
      %dma_start3A_278 = tpu.memref_slice %arg5[%shift_right_arithmetic3A_270, %and3A_274, %dma_start3A_277] : memref<125000x8x64xf32, #tpu.memory_space<hbm>> -> memref<1x1x64xf32, #tpu.memory_space<hbm>>
      %dma_start3A_279 = tpu.memref_squeeze %dma_start3A_278 : memref<1x1x64xf32, #tpu.memory_space<hbm>> -> memref<1x64xf32, #tpu.memory_space<hbm>>
      %dma_start3A_280 = arith.constant 0 : i32
      %dma_start3A_281 = tpu.memref_slice %arg12[%add3A_248, %dma_start3A_280] : memref<256x64xf32, #tpu.memory_space<vmem>> -> memref<1x64xf32, #tpu.memory_space<vmem>>
      %dma_start3A_282 = arith.constant 0 : i32
      %dma_start3A_283 = tpu.memref_slice %arg5[%shift_right_arithmetic3A_270, %and3A_274, %dma_start3A_282] : memref<125000x8x64xf32, #tpu.memory_space<hbm>> -> memref<1x1x64xf32, #tpu.memory_space<hbm>>
      %dma_start3A_284 = tpu.memref_squeeze %dma_start3A_283 : memref<1x1x64xf32, #tpu.memory_space<hbm>> -> memref<1x64xf32, #tpu.memory_space<hbm>>
      tpu.enqueue_dma source(%dma_start3A_284 : memref<1x64xf32, #tpu.memory_space<hbm>>) target(%dma_start3A_281 : memref<1x64xf32, #tpu.memory_space<vmem>>) target_semaphore(%arg14 : memref<!tpu.dma_semaphore, #tpu.memory_space<semaphore_mem>>)
      %mul3A_285 = arith.constant 16 : i32
      %mul3A_286 = arith.muli %scan3A_38, %mul3A_285 : i32
      %add3A_287 = arith.constant 6 : i32
      %add3A_288 = arith.addi %mul3A_286, %add3A_287 : i32
      %slice3A_289 = vector.extract_strided_slice %get3A_43 {offsets = [6], sizes = [1], strides = [1]} : vector<16xi32> to vector<1xi32>
      %squeeze3A_290 = vector.extract %slice3A_289[0] : i32 from vector<1xi32>
      %shift_right_arithmetic3A_291 = arith.constant 3 : i32
      %shift_right_arithmetic3A_292 = arith.shrsi %squeeze3A_290, %shift_right_arithmetic3A_291 : i32
      %slice3A_293 = vector.extract_strided_slice %get3A_43 {offsets = [6], sizes = [1], strides = [1]} : vector<16xi32> to vector<1xi32>
      %squeeze3A_294 = vector.extract %slice3A_293[0] : i32 from vector<1xi32>
      %and3A_295 = arith.constant 7 : i32
      %and3A_296 = arith.andi %squeeze3A_294, %and3A_295 : i32
      %dma_start3A_297 = arith.constant 0 : i32
      %dma_start3A_298 = tpu.memref_slice %arg11[%add3A_288, %dma_start3A_297] : memref<256x64xf32, #tpu.memory_space<vmem>> -> memref<1x64xf32, #tpu.memory_space<vmem>>
      %dma_start3A_299 = arith.constant 0 : i32
      %dma_start3A_300 = tpu.memref_slice %arg4[%shift_right_arithmetic3A_292, %and3A_296, %dma_start3A_299] : memref<125000x8x64xf32, #tpu.memory_space<hbm>> -> memref<1x1x64xf32, #tpu.memory_space<hbm>>
      %dma_start3A_301 = tpu.memref_squeeze %dma_start3A_300 : memref<1x1x64xf32, #tpu.memory_space<hbm>> -> memref<1x64xf32, #tpu.memory_space<hbm>>
      %dma_start3A_302 = arith.constant 0 : i32
      %dma_start3A_303 = tpu.memref_slice %arg11[%add3A_288, %dma_start3A_302] : memref<256x64xf32, #tpu.memory_space<vmem>> -> memref<1x64xf32, #tpu.memory_space<vmem>>
      %dma_start3A_304 = arith.constant 0 : i32
      %dma_start3A_305 = tpu.memref_slice %arg4[%shift_right_arithmetic3A_292, %and3A_296, %dma_start3A_304] : memref<125000x8x64xf32, #tpu.memory_space<hbm>> -> memref<1x1x64xf32, #tpu.memory_space<hbm>>
      %dma_start3A_306 = tpu.memref_squeeze %dma_start3A_305 : memref<1x1x64xf32, #tpu.memory_space<hbm>> -> memref<1x64xf32, #tpu.memory_space<hbm>>
      tpu.enqueue_dma source(%dma_start3A_306 : memref<1x64xf32, #tpu.memory_space<hbm>>) target(%dma_start3A_303 : memref<1x64xf32, #tpu.memory_space<vmem>>) target_semaphore(%arg14 : memref<!tpu.dma_semaphore, #tpu.memory_space<semaphore_mem>>)
      %slice3A_307 = vector.extract_strided_slice %get3A_49 {offsets = [6], sizes = [1], strides = [1]} : vector<16xi32> to vector<1xi32>
      %squeeze3A_308 = vector.extract %slice3A_307[0] : i32 from vector<1xi32>
      %shift_right_arithmetic3A_309 = arith.constant 3 : i32
      %shift_right_arithmetic3A_310 = arith.shrsi %squeeze3A_308, %shift_right_arithmetic3A_309 : i32
      %slice3A_311 = vector.extract_strided_slice %get3A_49 {offsets = [6], sizes = [1], strides = [1]} : vector<16xi32> to vector<1xi32>
      %squeeze3A_312 = vector.extract %slice3A_311[0] : i32 from vector<1xi32>
      %and3A_313 = arith.constant 7 : i32
      %and3A_314 = arith.andi %squeeze3A_312, %and3A_313 : i32
      %dma_start3A_315 = arith.constant 0 : i32
      %dma_start3A_316 = tpu.memref_slice %arg12[%add3A_288, %dma_start3A_315] : memref<256x64xf32, #tpu.memory_space<vmem>> -> memref<1x64xf32, #tpu.memory_space<vmem>>
      %dma_start3A_317 = arith.constant 0 : i32
      %dma_start3A_318 = tpu.memref_slice %arg5[%shift_right_arithmetic3A_310, %and3A_314, %dma_start3A_317] : memref<125000x8x64xf32, #tpu.memory_space<hbm>> -> memref<1x1x64xf32, #tpu.memory_space<hbm>>
      %dma_start3A_319 = tpu.memref_squeeze %dma_start3A_318 : memref<1x1x64xf32, #tpu.memory_space<hbm>> -> memref<1x64xf32, #tpu.memory_space<hbm>>
      %dma_start3A_320 = arith.constant 0 : i32
      %dma_start3A_321 = tpu.memref_slice %arg12[%add3A_288, %dma_start3A_320] : memref<256x64xf32, #tpu.memory_space<vmem>> -> memref<1x64xf32, #tpu.memory_space<vmem>>
      %dma_start3A_322 = arith.constant 0 : i32
      %dma_start3A_323 = tpu.memref_slice %arg5[%shift_right_arithmetic3A_310, %and3A_314, %dma_start3A_322] : memref<125000x8x64xf32, #tpu.memory_space<hbm>> -> memref<1x1x64xf32, #tpu.memory_space<hbm>>
      %dma_start3A_324 = tpu.memref_squeeze %dma_start3A_323 : memref<1x1x64xf32, #tpu.memory_space<hbm>> -> memref<1x64xf32, #tpu.memory_space<hbm>>
      tpu.enqueue_dma source(%dma_start3A_324 : memref<1x64xf32, #tpu.memory_space<hbm>>) target(%dma_start3A_321 : memref<1x64xf32, #tpu.memory_space<vmem>>) target_semaphore(%arg14 : memref<!tpu.dma_semaphore, #tpu.memory_space<semaphore_mem>>)
      %mul3A_325 = arith.constant 16 : i32
      %mul3A_326 = arith.muli %scan3A_38, %mul3A_325 : i32
      %add3A_327 = arith.constant 7 : i32
      %add3A_328 = arith.addi %mul3A_326, %add3A_327 : i32
      %slice3A_329 = vector.extract_strided_slice %get3A_43 {offsets = [7], sizes = [1], strides = [1]} : vector<16xi32> to vector<1xi32>
      %squeeze3A_330 = vector.extract %slice3A_329[0] : i32 from vector<1xi32>
      %shift_right_arithmetic3A_331 = arith.constant 3 : i32
      %shift_right_arithmetic3A_332 = arith.shrsi %squeeze3A_330, %shift_right_arithmetic3A_331 : i32
      %slice3A_333 = vector.extract_strided_slice %get3A_43 {offsets = [7], sizes = [1], strides = [1]} : vector<16xi32> to vector<1xi32>
      %squeeze3A_334 = vector.extract %slice3A_333[0] : i32 from vector<1xi32>
      %and3A_335 = arith.constant 7 : i32
      %and3A_336 = arith.andi %squeeze3A_334, %and3A_335 : i32
      %dma_start3A_337 = arith.constant 0 : i32
      %dma_start3A_338 = tpu.memref_slice %arg11[%add3A_328, %dma_start3A_337] : memref<256x64xf32, #tpu.memory_space<vmem>> -> memref<1x64xf32, #tpu.memory_space<vmem>>
      %dma_start3A_339 = arith.constant 0 : i32
      %dma_start3A_340 = tpu.memref_slice %arg4[%shift_right_arithmetic3A_332, %and3A_336, %dma_start3A_339] : memref<125000x8x64xf32, #tpu.memory_space<hbm>> -> memref<1x1x64xf32, #tpu.memory_space<hbm>>
      %dma_start3A_341 = tpu.memref_squeeze %dma_start3A_340 : memref<1x1x64xf32, #tpu.memory_space<hbm>> -> memref<1x64xf32, #tpu.memory_space<hbm>>
      %dma_start3A_342 = arith.constant 0 : i32
      %dma_start3A_343 = tpu.memref_slice %arg11[%add3A_328, %dma_start3A_342] : memref<256x64xf32, #tpu.memory_space<vmem>> -> memref<1x64xf32, #tpu.memory_space<vmem>>
      %dma_start3A_344 = arith.constant 0 : i32
      %dma_start3A_345 = tpu.memref_slice %arg4[%shift_right_arithmetic3A_332, %and3A_336, %dma_start3A_344] : memref<125000x8x64xf32, #tpu.memory_space<hbm>> -> memref<1x1x64xf32, #tpu.memory_space<hbm>>
      %dma_start3A_346 = tpu.memref_squeeze %dma_start3A_345 : memref<1x1x64xf32, #tpu.memory_space<hbm>> -> memref<1x64xf32, #tpu.memory_space<hbm>>
      tpu.enqueue_dma source(%dma_start3A_346 : memref<1x64xf32, #tpu.memory_space<hbm>>) target(%dma_start3A_343 : memref<1x64xf32, #tpu.memory_space<vmem>>) target_semaphore(%arg14 : memref<!tpu.dma_semaphore, #tpu.memory_space<semaphore_mem>>)
      %slice3A_347 = vector.extract_strided_slice %get3A_49 {offsets = [7], sizes = [1], strides = [1]} : vector<16xi32> to vector<1xi32>
      %squeeze3A_348 = vector.extract %slice3A_347[0] : i32 from vector<1xi32>
      %shift_right_arithmetic3A_349 = arith.constant 3 : i32
      %shift_right_arithmetic3A_350 = arith.shrsi %squeeze3A_348, %shift_right_arithmetic3A_349 : i32
      %slice3A_351 = vector.extract_strided_slice %get3A_49 {offsets = [7], sizes = [1], strides = [1]} : vector<16xi32> to vector<1xi32>
      %squeeze3A_352 = vector.extract %slice3A_351[0] : i32 from vector<1xi32>
      %and3A_353 = arith.constant 7 : i32
      %and3A_354 = arith.andi %squeeze3A_352, %and3A_353 : i32
      %dma_start3A_355 = arith.constant 0 : i32
      %dma_start3A_356 = tpu.memref_slice %arg12[%add3A_328, %dma_start3A_355] : memref<256x64xf32, #tpu.memory_space<vmem>> -> memref<1x64xf32, #tpu.memory_space<vmem>>
      %dma_start3A_357 = arith.constant 0 : i32
      %dma_start3A_358 = tpu.memref_slice %arg5[%shift_right_arithmetic3A_350, %and3A_354, %dma_start3A_357] : memref<125000x8x64xf32, #tpu.memory_space<hbm>> -> memref<1x1x64xf32, #tpu.memory_space<hbm>>
      %dma_start3A_359 = tpu.memref_squeeze %dma_start3A_358 : memref<1x1x64xf32, #tpu.memory_space<hbm>> -> memref<1x64xf32, #tpu.memory_space<hbm>>
      %dma_start3A_360 = arith.constant 0 : i32
      %dma_start3A_361 = tpu.memref_slice %arg12[%add3A_328, %dma_start3A_360] : memref<256x64xf32, #tpu.memory_space<vmem>> -> memref<1x64xf32, #tpu.memory_space<vmem>>
      %dma_start3A_362 = arith.constant 0 : i32
      %dma_start3A_363 = tpu.memref_slice %arg5[%shift_right_arithmetic3A_350, %and3A_354, %dma_start3A_362] : memref<125000x8x64xf32, #tpu.memory_space<hbm>> -> memref<1x1x64xf32, #tpu.memory_space<hbm>>
      %dma_start3A_364 = tpu.memref_squeeze %dma_start3A_363 : memref<1x1x64xf32, #tpu.memory_space<hbm>> -> memref<1x64xf32, #tpu.memory_space<hbm>>
      tpu.enqueue_dma source(%dma_start3A_364 : memref<1x64xf32, #tpu.memory_space<hbm>>) target(%dma_start3A_361 : memref<1x64xf32, #tpu.memory_space<vmem>>) target_semaphore(%arg14 : memref<!tpu.dma_semaphore, #tpu.memory_space<semaphore_mem>>)
      %mul3A_365 = arith.constant 16 : i32
      %mul3A_366 = arith.muli %scan3A_38, %mul3A_365 : i32
      %add3A_367 = arith.constant 8 : i32
      %add3A_368 = arith.addi %mul3A_366, %add3A_367 : i32
      %slice3A_369 = vector.extract_strided_slice %get3A_43 {offsets = [8], sizes = [1], strides = [1]} : vector<16xi32> to vector<1xi32>
      %squeeze3A_370 = vector.extract %slice3A_369[0] : i32 from vector<1xi32>
      %shift_right_arithmetic3A_371 = arith.constant 3 : i32
      %shift_right_arithmetic3A_372 = arith.shrsi %squeeze3A_370, %shift_right_arithmetic3A_371 : i32
      %slice3A_373 = vector.extract_strided_slice %get3A_43 {offsets = [8], sizes = [1], strides = [1]} : vector<16xi32> to vector<1xi32>
      %squeeze3A_374 = vector.extract %slice3A_373[0] : i32 from vector<1xi32>
      %and3A_375 = arith.constant 7 : i32
      %and3A_376 = arith.andi %squeeze3A_374, %and3A_375 : i32
      %dma_start3A_377 = arith.constant 0 : i32
      %dma_start3A_378 = tpu.memref_slice %arg11[%add3A_368, %dma_start3A_377] : memref<256x64xf32, #tpu.memory_space<vmem>> -> memref<1x64xf32, #tpu.memory_space<vmem>>
      %dma_start3A_379 = arith.constant 0 : i32
      %dma_start3A_380 = tpu.memref_slice %arg4[%shift_right_arithmetic3A_372, %and3A_376, %dma_start3A_379] : memref<125000x8x64xf32, #tpu.memory_space<hbm>> -> memref<1x1x64xf32, #tpu.memory_space<hbm>>
      %dma_start3A_381 = tpu.memref_squeeze %dma_start3A_380 : memref<1x1x64xf32, #tpu.memory_space<hbm>> -> memref<1x64xf32, #tpu.memory_space<hbm>>
      %dma_start3A_382 = arith.constant 0 : i32
      %dma_start3A_383 = tpu.memref_slice %arg11[%add3A_368, %dma_start3A_382] : memref<256x64xf32, #tpu.memory_space<vmem>> -> memref<1x64xf32, #tpu.memory_space<vmem>>
      %dma_start3A_384 = arith.constant 0 : i32
      %dma_start3A_385 = tpu.memref_slice %arg4[%shift_right_arithmetic3A_372, %and3A_376, %dma_start3A_384] : memref<125000x8x64xf32, #tpu.memory_space<hbm>> -> memref<1x1x64xf32, #tpu.memory_space<hbm>>
      %dma_start3A_386 = tpu.memref_squeeze %dma_start3A_385 : memref<1x1x64xf32, #tpu.memory_space<hbm>> -> memref<1x64xf32, #tpu.memory_space<hbm>>
      tpu.enqueue_dma source(%dma_start3A_386 : memref<1x64xf32, #tpu.memory_space<hbm>>) target(%dma_start3A_383 : memref<1x64xf32, #tpu.memory_space<vmem>>) target_semaphore(%arg14 : memref<!tpu.dma_semaphore, #tpu.memory_space<semaphore_mem>>)
      %slice3A_387 = vector.extract_strided_slice %get3A_49 {offsets = [8], sizes = [1], strides = [1]} : vector<16xi32> to vector<1xi32>
      %squeeze3A_388 = vector.extract %slice3A_387[0] : i32 from vector<1xi32>
      %shift_right_arithmetic3A_389 = arith.constant 3 : i32
      %shift_right_arithmetic3A_390 = arith.shrsi %squeeze3A_388, %shift_right_arithmetic3A_389 : i32
      %slice3A_391 = vector.extract_strided_slice %get3A_49 {offsets = [8], sizes = [1], strides = [1]} : vector<16xi32> to vector<1xi32>
      %squeeze3A_392 = vector.extract %slice3A_391[0] : i32 from vector<1xi32>
      %and3A_393 = arith.constant 7 : i32
      %and3A_394 = arith.andi %squeeze3A_392, %and3A_393 : i32
      %dma_start3A_395 = arith.constant 0 : i32
      %dma_start3A_396 = tpu.memref_slice %arg12[%add3A_368, %dma_start3A_395] : memref<256x64xf32, #tpu.memory_space<vmem>> -> memref<1x64xf32, #tpu.memory_space<vmem>>
      %dma_start3A_397 = arith.constant 0 : i32
      %dma_start3A_398 = tpu.memref_slice %arg5[%shift_right_arithmetic3A_390, %and3A_394, %dma_start3A_397] : memref<125000x8x64xf32, #tpu.memory_space<hbm>> -> memref<1x1x64xf32, #tpu.memory_space<hbm>>
      %dma_start3A_399 = tpu.memref_squeeze %dma_start3A_398 : memref<1x1x64xf32, #tpu.memory_space<hbm>> -> memref<1x64xf32, #tpu.memory_space<hbm>>
      %dma_start3A_400 = arith.constant 0 : i32
      %dma_start3A_401 = tpu.memref_slice %arg12[%add3A_368, %dma_start3A_400] : memref<256x64xf32, #tpu.memory_space<vmem>> -> memref<1x64xf32, #tpu.memory_space<vmem>>
      %dma_start3A_402 = arith.constant 0 : i32
      %dma_start3A_403 = tpu.memref_slice %arg5[%shift_right_arithmetic3A_390, %and3A_394, %dma_start3A_402] : memref<125000x8x64xf32, #tpu.memory_space<hbm>> -> memref<1x1x64xf32, #tpu.memory_space<hbm>>
      %dma_start3A_404 = tpu.memref_squeeze %dma_start3A_403 : memref<1x1x64xf32, #tpu.memory_space<hbm>> -> memref<1x64xf32, #tpu.memory_space<hbm>>
      tpu.enqueue_dma source(%dma_start3A_404 : memref<1x64xf32, #tpu.memory_space<hbm>>) target(%dma_start3A_401 : memref<1x64xf32, #tpu.memory_space<vmem>>) target_semaphore(%arg14 : memref<!tpu.dma_semaphore, #tpu.memory_space<semaphore_mem>>)
      %mul3A_405 = arith.constant 16 : i32
      %mul3A_406 = arith.muli %scan3A_38, %mul3A_405 : i32
      %add3A_407 = arith.constant 9 : i32
      %add3A_408 = arith.addi %mul3A_406, %add3A_407 : i32
      %slice3A_409 = vector.extract_strided_slice %get3A_43 {offsets = [9], sizes = [1], strides = [1]} : vector<16xi32> to vector<1xi32>
      %squeeze3A_410 = vector.extract %slice3A_409[0] : i32 from vector<1xi32>
      %shift_right_arithmetic3A_411 = arith.constant 3 : i32
      %shift_right_arithmetic3A_412 = arith.shrsi %squeeze3A_410, %shift_right_arithmetic3A_411 : i32
      %slice3A_413 = vector.extract_strided_slice %get3A_43 {offsets = [9], sizes = [1], strides = [1]} : vector<16xi32> to vector<1xi32>
      %squeeze3A_414 = vector.extract %slice3A_413[0] : i32 from vector<1xi32>
      %and3A_415 = arith.constant 7 : i32
      %and3A_416 = arith.andi %squeeze3A_414, %and3A_415 : i32
      %dma_start3A_417 = arith.constant 0 : i32
      %dma_start3A_418 = tpu.memref_slice %arg11[%add3A_408, %dma_start3A_417] : memref<256x64xf32, #tpu.memory_space<vmem>> -> memref<1x64xf32, #tpu.memory_space<vmem>>
      %dma_start3A_419 = arith.constant 0 : i32
      %dma_start3A_420 = tpu.memref_slice %arg4[%shift_right_arithmetic3A_412, %and3A_416, %dma_start3A_419] : memref<125000x8x64xf32, #tpu.memory_space<hbm>> -> memref<1x1x64xf32, #tpu.memory_space<hbm>>
      %dma_start3A_421 = tpu.memref_squeeze %dma_start3A_420 : memref<1x1x64xf32, #tpu.memory_space<hbm>> -> memref<1x64xf32, #tpu.memory_space<hbm>>
      %dma_start3A_422 = arith.constant 0 : i32
      %dma_start3A_423 = tpu.memref_slice %arg11[%add3A_408, %dma_start3A_422] : memref<256x64xf32, #tpu.memory_space<vmem>> -> memref<1x64xf32, #tpu.memory_space<vmem>>
      %dma_start3A_424 = arith.constant 0 : i32
      %dma_start3A_425 = tpu.memref_slice %arg4[%shift_right_arithmetic3A_412, %and3A_416, %dma_start3A_424] : memref<125000x8x64xf32, #tpu.memory_space<hbm>> -> memref<1x1x64xf32, #tpu.memory_space<hbm>>
      %dma_start3A_426 = tpu.memref_squeeze %dma_start3A_425 : memref<1x1x64xf32, #tpu.memory_space<hbm>> -> memref<1x64xf32, #tpu.memory_space<hbm>>
      tpu.enqueue_dma source(%dma_start3A_426 : memref<1x64xf32, #tpu.memory_space<hbm>>) target(%dma_start3A_423 : memref<1x64xf32, #tpu.memory_space<vmem>>) target_semaphore(%arg14 : memref<!tpu.dma_semaphore, #tpu.memory_space<semaphore_mem>>)
      %slice3A_427 = vector.extract_strided_slice %get3A_49 {offsets = [9], sizes = [1], strides = [1]} : vector<16xi32> to vector<1xi32>
      %squeeze3A_428 = vector.extract %slice3A_427[0] : i32 from vector<1xi32>
      %shift_right_arithmetic3A_429 = arith.constant 3 : i32
      %shift_right_arithmetic3A_430 = arith.shrsi %squeeze3A_428, %shift_right_arithmetic3A_429 : i32
      %slice3A_431 = vector.extract_strided_slice %get3A_49 {offsets = [9], sizes = [1], strides = [1]} : vector<16xi32> to vector<1xi32>
      %squeeze3A_432 = vector.extract %slice3A_431[0] : i32 from vector<1xi32>
      %and3A_433 = arith.constant 7 : i32
      %and3A_434 = arith.andi %squeeze3A_432, %and3A_433 : i32
      %dma_start3A_435 = arith.constant 0 : i32
      %dma_start3A_436 = tpu.memref_slice %arg12[%add3A_408, %dma_start3A_435] : memref<256x64xf32, #tpu.memory_space<vmem>> -> memref<1x64xf32, #tpu.memory_space<vmem>>
      %dma_start3A_437 = arith.constant 0 : i32
      %dma_start3A_438 = tpu.memref_slice %arg5[%shift_right_arithmetic3A_430, %and3A_434, %dma_start3A_437] : memref<125000x8x64xf32, #tpu.memory_space<hbm>> -> memref<1x1x64xf32, #tpu.memory_space<hbm>>
      %dma_start3A_439 = tpu.memref_squeeze %dma_start3A_438 : memref<1x1x64xf32, #tpu.memory_space<hbm>> -> memref<1x64xf32, #tpu.memory_space<hbm>>
      %dma_start3A_440 = arith.constant 0 : i32
      %dma_start3A_441 = tpu.memref_slice %arg12[%add3A_408, %dma_start3A_440] : memref<256x64xf32, #tpu.memory_space<vmem>> -> memref<1x64xf32, #tpu.memory_space<vmem>>
      %dma_start3A_442 = arith.constant 0 : i32
      %dma_start3A_443 = tpu.memref_slice %arg5[%shift_right_arithmetic3A_430, %and3A_434, %dma_start3A_442] : memref<125000x8x64xf32, #tpu.memory_space<hbm>> -> memref<1x1x64xf32, #tpu.memory_space<hbm>>
      %dma_start3A_444 = tpu.memref_squeeze %dma_start3A_443 : memref<1x1x64xf32, #tpu.memory_space<hbm>> -> memref<1x64xf32, #tpu.memory_space<hbm>>
      tpu.enqueue_dma source(%dma_start3A_444 : memref<1x64xf32, #tpu.memory_space<hbm>>) target(%dma_start3A_441 : memref<1x64xf32, #tpu.memory_space<vmem>>) target_semaphore(%arg14 : memref<!tpu.dma_semaphore, #tpu.memory_space<semaphore_mem>>)
      %mul3A_445 = arith.constant 16 : i32
      %mul3A_446 = arith.muli %scan3A_38, %mul3A_445 : i32
      %add3A_447 = arith.constant 10 : i32
      %add3A_448 = arith.addi %mul3A_446, %add3A_447 : i32
      %slice3A_449 = vector.extract_strided_slice %get3A_43 {offsets = [10], sizes = [1], strides = [1]} : vector<16xi32> to vector<1xi32>
      %squeeze3A_450 = vector.extract %slice3A_449[0] : i32 from vector<1xi32>
      %shift_right_arithmetic3A_451 = arith.constant 3 : i32
      %shift_right_arithmetic3A_452 = arith.shrsi %squeeze3A_450, %shift_right_arithmetic3A_451 : i32
      %slice3A_453 = vector.extract_strided_slice %get3A_43 {offsets = [10], sizes = [1], strides = [1]} : vector<16xi32> to vector<1xi32>
      %squeeze3A_454 = vector.extract %slice3A_453[0] : i32 from vector<1xi32>
      %and3A_455 = arith.constant 7 : i32
      %and3A_456 = arith.andi %squeeze3A_454, %and3A_455 : i32
      %dma_start3A_457 = arith.constant 0 : i32
      %dma_start3A_458 = tpu.memref_slice %arg11[%add3A_448, %dma_start3A_457] : memref<256x64xf32, #tpu.memory_space<vmem>> -> memref<1x64xf32, #tpu.memory_space<vmem>>
      %dma_start3A_459 = arith.constant 0 : i32
      %dma_start3A_460 = tpu.memref_slice %arg4[%shift_right_arithmetic3A_452, %and3A_456, %dma_start3A_459] : memref<125000x8x64xf32, #tpu.memory_space<hbm>> -> memref<1x1x64xf32, #tpu.memory_space<hbm>>
      %dma_start3A_461 = tpu.memref_squeeze %dma_start3A_460 : memref<1x1x64xf32, #tpu.memory_space<hbm>> -> memref<1x64xf32, #tpu.memory_space<hbm>>
      %dma_start3A_462 = arith.constant 0 : i32
      %dma_start3A_463 = tpu.memref_slice %arg11[%add3A_448, %dma_start3A_462] : memref<256x64xf32, #tpu.memory_space<vmem>> -> memref<1x64xf32, #tpu.memory_space<vmem>>
      %dma_start3A_464 = arith.constant 0 : i32
      %dma_start3A_465 = tpu.memref_slice %arg4[%shift_right_arithmetic3A_452, %and3A_456, %dma_start3A_464] : memref<125000x8x64xf32, #tpu.memory_space<hbm>> -> memref<1x1x64xf32, #tpu.memory_space<hbm>>
      %dma_start3A_466 = tpu.memref_squeeze %dma_start3A_465 : memref<1x1x64xf32, #tpu.memory_space<hbm>> -> memref<1x64xf32, #tpu.memory_space<hbm>>
      tpu.enqueue_dma source(%dma_start3A_466 : memref<1x64xf32, #tpu.memory_space<hbm>>) target(%dma_start3A_463 : memref<1x64xf32, #tpu.memory_space<vmem>>) target_semaphore(%arg14 : memref<!tpu.dma_semaphore, #tpu.memory_space<semaphore_mem>>)
      %slice3A_467 = vector.extract_strided_slice %get3A_49 {offsets = [10], sizes = [1], strides = [1]} : vector<16xi32> to vector<1xi32>
      %squeeze3A_468 = vector.extract %slice3A_467[0] : i32 from vector<1xi32>
      %shift_right_arithmetic3A_469 = arith.constant 3 : i32
      %shift_right_arithmetic3A_470 = arith.shrsi %squeeze3A_468, %shift_right_arithmetic3A_469 : i32
      %slice3A_471 = vector.extract_strided_slice %get3A_49 {offsets = [10], sizes = [1], strides = [1]} : vector<16xi32> to vector<1xi32>
      %squeeze3A_472 = vector.extract %slice3A_471[0] : i32 from vector<1xi32>
      %and3A_473 = arith.constant 7 : i32
      %and3A_474 = arith.andi %squeeze3A_472, %and3A_473 : i32
      %dma_start3A_475 = arith.constant 0 : i32
      %dma_start3A_476 = tpu.memref_slice %arg12[%add3A_448, %dma_start3A_475] : memref<256x64xf32, #tpu.memory_space<vmem>> -> memref<1x64xf32, #tpu.memory_space<vmem>>
      %dma_start3A_477 = arith.constant 0 : i32
      %dma_start3A_478 = tpu.memref_slice %arg5[%shift_right_arithmetic3A_470, %and3A_474, %dma_start3A_477] : memref<125000x8x64xf32, #tpu.memory_space<hbm>> -> memref<1x1x64xf32, #tpu.memory_space<hbm>>
      %dma_start3A_479 = tpu.memref_squeeze %dma_start3A_478 : memref<1x1x64xf32, #tpu.memory_space<hbm>> -> memref<1x64xf32, #tpu.memory_space<hbm>>
      %dma_start3A_480 = arith.constant 0 : i32
      %dma_start3A_481 = tpu.memref_slice %arg12[%add3A_448, %dma_start3A_480] : memref<256x64xf32, #tpu.memory_space<vmem>> -> memref<1x64xf32, #tpu.memory_space<vmem>>
      %dma_start3A_482 = arith.constant 0 : i32
      %dma_start3A_483 = tpu.memref_slice %arg5[%shift_right_arithmetic3A_470, %and3A_474, %dma_start3A_482] : memref<125000x8x64xf32, #tpu.memory_space<hbm>> -> memref<1x1x64xf32, #tpu.memory_space<hbm>>
      %dma_start3A_484 = tpu.memref_squeeze %dma_start3A_483 : memref<1x1x64xf32, #tpu.memory_space<hbm>> -> memref<1x64xf32, #tpu.memory_space<hbm>>
      tpu.enqueue_dma source(%dma_start3A_484 : memref<1x64xf32, #tpu.memory_space<hbm>>) target(%dma_start3A_481 : memref<1x64xf32, #tpu.memory_space<vmem>>) target_semaphore(%arg14 : memref<!tpu.dma_semaphore, #tpu.memory_space<semaphore_mem>>)
      %mul3A_485 = arith.constant 16 : i32
      %mul3A_486 = arith.muli %scan3A_38, %mul3A_485 : i32
      %add3A_487 = arith.constant 11 : i32
      %add3A_488 = arith.addi %mul3A_486, %add3A_487 : i32
      %slice3A_489 = vector.extract_strided_slice %get3A_43 {offsets = [11], sizes = [1], strides = [1]} : vector<16xi32> to vector<1xi32>
      %squeeze3A_490 = vector.extract %slice3A_489[0] : i32 from vector<1xi32>
      %shift_right_arithmetic3A_491 = arith.constant 3 : i32
      %shift_right_arithmetic3A_492 = arith.shrsi %squeeze3A_490, %shift_right_arithmetic3A_491 : i32
      %slice3A_493 = vector.extract_strided_slice %get3A_43 {offsets = [11], sizes = [1], strides = [1]} : vector<16xi32> to vector<1xi32>
      %squeeze3A_494 = vector.extract %slice3A_493[0] : i32 from vector<1xi32>
      %and3A_495 = arith.constant 7 : i32
      %and3A_496 = arith.andi %squeeze3A_494, %and3A_495 : i32
      %dma_start3A_497 = arith.constant 0 : i32
      %dma_start3A_498 = tpu.memref_slice %arg11[%add3A_488, %dma_start3A_497] : memref<256x64xf32, #tpu.memory_space<vmem>> -> memref<1x64xf32, #tpu.memory_space<vmem>>
      %dma_start3A_499 = arith.constant 0 : i32
      %dma_start3A_500 = tpu.memref_slice %arg4[%shift_right_arithmetic3A_492, %and3A_496, %dma_start3A_499] : memref<125000x8x64xf32, #tpu.memory_space<hbm>> -> memref<1x1x64xf32, #tpu.memory_space<hbm>>
      %dma_start3A_501 = tpu.memref_squeeze %dma_start3A_500 : memref<1x1x64xf32, #tpu.memory_space<hbm>> -> memref<1x64xf32, #tpu.memory_space<hbm>>
      %dma_start3A_502 = arith.constant 0 : i32
      %dma_start3A_503 = tpu.memref_slice %arg11[%add3A_488, %dma_start3A_502] : memref<256x64xf32, #tpu.memory_space<vmem>> -> memref<1x64xf32, #tpu.memory_space<vmem>>
      %dma_start3A_504 = arith.constant 0 : i32
      %dma_start3A_505 = tpu.memref_slice %arg4[%shift_right_arithmetic3A_492, %and3A_496, %dma_start3A_504] : memref<125000x8x64xf32, #tpu.memory_space<hbm>> -> memref<1x1x64xf32, #tpu.memory_space<hbm>>
      %dma_start3A_506 = tpu.memref_squeeze %dma_start3A_505 : memref<1x1x64xf32, #tpu.memory_space<hbm>> -> memref<1x64xf32, #tpu.memory_space<hbm>>
      tpu.enqueue_dma source(%dma_start3A_506 : memref<1x64xf32, #tpu.memory_space<hbm>>) target(%dma_start3A_503 : memref<1x64xf32, #tpu.memory_space<vmem>>) target_semaphore(%arg14 : memref<!tpu.dma_semaphore, #tpu.memory_space<semaphore_mem>>)
      %slice3A_507 = vector.extract_strided_slice %get3A_49 {offsets = [11], sizes = [1], strides = [1]} : vector<16xi32> to vector<1xi32>
      %squeeze3A_508 = vector.extract %slice3A_507[0] : i32 from vector<1xi32>
      %shift_right_arithmetic3A_509 = arith.constant 3 : i32
      %shift_right_arithmetic3A_510 = arith.shrsi %squeeze3A_508, %shift_right_arithmetic3A_509 : i32
      %slice3A_511 = vector.extract_strided_slice %get3A_49 {offsets = [11], sizes = [1], strides = [1]} : vector<16xi32> to vector<1xi32>
      %squeeze3A_512 = vector.extract %slice3A_511[0] : i32 from vector<1xi32>
      %and3A_513 = arith.constant 7 : i32
      %and3A_514 = arith.andi %squeeze3A_512, %and3A_513 : i32
      %dma_start3A_515 = arith.constant 0 : i32
      %dma_start3A_516 = tpu.memref_slice %arg12[%add3A_488, %dma_start3A_515] : memref<256x64xf32, #tpu.memory_space<vmem>> -> memref<1x64xf32, #tpu.memory_space<vmem>>
      %dma_start3A_517 = arith.constant 0 : i32
      %dma_start3A_518 = tpu.memref_slice %arg5[%shift_right_arithmetic3A_510, %and3A_514, %dma_start3A_517] : memref<125000x8x64xf32, #tpu.memory_space<hbm>> -> memref<1x1x64xf32, #tpu.memory_space<hbm>>
      %dma_start3A_519 = tpu.memref_squeeze %dma_start3A_518 : memref<1x1x64xf32, #tpu.memory_space<hbm>> -> memref<1x64xf32, #tpu.memory_space<hbm>>
      %dma_start3A_520 = arith.constant 0 : i32
      %dma_start3A_521 = tpu.memref_slice %arg12[%add3A_488, %dma_start3A_520] : memref<256x64xf32, #tpu.memory_space<vmem>> -> memref<1x64xf32, #tpu.memory_space<vmem>>
      %dma_start3A_522 = arith.constant 0 : i32
      %dma_start3A_523 = tpu.memref_slice %arg5[%shift_right_arithmetic3A_510, %and3A_514, %dma_start3A_522] : memref<125000x8x64xf32, #tpu.memory_space<hbm>> -> memref<1x1x64xf32, #tpu.memory_space<hbm>>
      %dma_start3A_524 = tpu.memref_squeeze %dma_start3A_523 : memref<1x1x64xf32, #tpu.memory_space<hbm>> -> memref<1x64xf32, #tpu.memory_space<hbm>>
      tpu.enqueue_dma source(%dma_start3A_524 : memref<1x64xf32, #tpu.memory_space<hbm>>) target(%dma_start3A_521 : memref<1x64xf32, #tpu.memory_space<vmem>>) target_semaphore(%arg14 : memref<!tpu.dma_semaphore, #tpu.memory_space<semaphore_mem>>)
      %mul3A_525 = arith.constant 16 : i32
      %mul3A_526 = arith.muli %scan3A_38, %mul3A_525 : i32
      %add3A_527 = arith.constant 12 : i32
      %add3A_528 = arith.addi %mul3A_526, %add3A_527 : i32
      %slice3A_529 = vector.extract_strided_slice %get3A_43 {offsets = [12], sizes = [1], strides = [1]} : vector<16xi32> to vector<1xi32>
      %squeeze3A_530 = vector.extract %slice3A_529[0] : i32 from vector<1xi32>
      %shift_right_arithmetic3A_531 = arith.constant 3 : i32
      %shift_right_arithmetic3A_532 = arith.shrsi %squeeze3A_530, %shift_right_arithmetic3A_531 : i32
      %slice3A_533 = vector.extract_strided_slice %get3A_43 {offsets = [12], sizes = [1], strides = [1]} : vector<16xi32> to vector<1xi32>
      %squeeze3A_534 = vector.extract %slice3A_533[0] : i32 from vector<1xi32>
      %and3A_535 = arith.constant 7 : i32
      %and3A_536 = arith.andi %squeeze3A_534, %and3A_535 : i32
      %dma_start3A_537 = arith.constant 0 : i32
      %dma_start3A_538 = tpu.memref_slice %arg11[%add3A_528, %dma_start3A_537] : memref<256x64xf32, #tpu.memory_space<vmem>> -> memref<1x64xf32, #tpu.memory_space<vmem>>
      %dma_start3A_539 = arith.constant 0 : i32
      %dma_start3A_540 = tpu.memref_slice %arg4[%shift_right_arithmetic3A_532, %and3A_536, %dma_start3A_539] : memref<125000x8x64xf32, #tpu.memory_space<hbm>> -> memref<1x1x64xf32, #tpu.memory_space<hbm>>
      %dma_start3A_541 = tpu.memref_squeeze %dma_start3A_540 : memref<1x1x64xf32, #tpu.memory_space<hbm>> -> memref<1x64xf32, #tpu.memory_space<hbm>>
      %dma_start3A_542 = arith.constant 0 : i32
      %dma_start3A_543 = tpu.memref_slice %arg11[%add3A_528, %dma_start3A_542] : memref<256x64xf32, #tpu.memory_space<vmem>> -> memref<1x64xf32, #tpu.memory_space<vmem>>
      %dma_start3A_544 = arith.constant 0 : i32
      %dma_start3A_545 = tpu.memref_slice %arg4[%shift_right_arithmetic3A_532, %and3A_536, %dma_start3A_544] : memref<125000x8x64xf32, #tpu.memory_space<hbm>> -> memref<1x1x64xf32, #tpu.memory_space<hbm>>
      %dma_start3A_546 = tpu.memref_squeeze %dma_start3A_545 : memref<1x1x64xf32, #tpu.memory_space<hbm>> -> memref<1x64xf32, #tpu.memory_space<hbm>>
      tpu.enqueue_dma source(%dma_start3A_546 : memref<1x64xf32, #tpu.memory_space<hbm>>) target(%dma_start3A_543 : memref<1x64xf32, #tpu.memory_space<vmem>>) target_semaphore(%arg14 : memref<!tpu.dma_semaphore, #tpu.memory_space<semaphore_mem>>)
      %slice3A_547 = vector.extract_strided_slice %get3A_49 {offsets = [12], sizes = [1], strides = [1]} : vector<16xi32> to vector<1xi32>
      %squeeze3A_548 = vector.extract %slice3A_547[0] : i32 from vector<1xi32>
      %shift_right_arithmetic3A_549 = arith.constant 3 : i32
      %shift_right_arithmetic3A_550 = arith.shrsi %squeeze3A_548, %shift_right_arithmetic3A_549 : i32
      %slice3A_551 = vector.extract_strided_slice %get3A_49 {offsets = [12], sizes = [1], strides = [1]} : vector<16xi32> to vector<1xi32>
      %squeeze3A_552 = vector.extract %slice3A_551[0] : i32 from vector<1xi32>
      %and3A_553 = arith.constant 7 : i32
      %and3A_554 = arith.andi %squeeze3A_552, %and3A_553 : i32
      %dma_start3A_555 = arith.constant 0 : i32
      %dma_start3A_556 = tpu.memref_slice %arg12[%add3A_528, %dma_start3A_555] : memref<256x64xf32, #tpu.memory_space<vmem>> -> memref<1x64xf32, #tpu.memory_space<vmem>>
      %dma_start3A_557 = arith.constant 0 : i32
      %dma_start3A_558 = tpu.memref_slice %arg5[%shift_right_arithmetic3A_550, %and3A_554, %dma_start3A_557] : memref<125000x8x64xf32, #tpu.memory_space<hbm>> -> memref<1x1x64xf32, #tpu.memory_space<hbm>>
      %dma_start3A_559 = tpu.memref_squeeze %dma_start3A_558 : memref<1x1x64xf32, #tpu.memory_space<hbm>> -> memref<1x64xf32, #tpu.memory_space<hbm>>
      %dma_start3A_560 = arith.constant 0 : i32
      %dma_start3A_561 = tpu.memref_slice %arg12[%add3A_528, %dma_start3A_560] : memref<256x64xf32, #tpu.memory_space<vmem>> -> memref<1x64xf32, #tpu.memory_space<vmem>>
      %dma_start3A_562 = arith.constant 0 : i32
      %dma_start3A_563 = tpu.memref_slice %arg5[%shift_right_arithmetic3A_550, %and3A_554, %dma_start3A_562] : memref<125000x8x64xf32, #tpu.memory_space<hbm>> -> memref<1x1x64xf32, #tpu.memory_space<hbm>>
      %dma_start3A_564 = tpu.memref_squeeze %dma_start3A_563 : memref<1x1x64xf32, #tpu.memory_space<hbm>> -> memref<1x64xf32, #tpu.memory_space<hbm>>
      tpu.enqueue_dma source(%dma_start3A_564 : memref<1x64xf32, #tpu.memory_space<hbm>>) target(%dma_start3A_561 : memref<1x64xf32, #tpu.memory_space<vmem>>) target_semaphore(%arg14 : memref<!tpu.dma_semaphore, #tpu.memory_space<semaphore_mem>>)
      %mul3A_565 = arith.constant 16 : i32
      %mul3A_566 = arith.muli %scan3A_38, %mul3A_565 : i32
      %add3A_567 = arith.constant 13 : i32
      %add3A_568 = arith.addi %mul3A_566, %add3A_567 : i32
      %slice3A_569 = vector.extract_strided_slice %get3A_43 {offsets = [13], sizes = [1], strides = [1]} : vector<16xi32> to vector<1xi32>
      %squeeze3A_570 = vector.extract %slice3A_569[0] : i32 from vector<1xi32>
      %shift_right_arithmetic3A_571 = arith.constant 3 : i32
      %shift_right_arithmetic3A_572 = arith.shrsi %squeeze3A_570, %shift_right_arithmetic3A_571 : i32
      %slice3A_573 = vector.extract_strided_slice %get3A_43 {offsets = [13], sizes = [1], strides = [1]} : vector<16xi32> to vector<1xi32>
      %squeeze3A_574 = vector.extract %slice3A_573[0] : i32 from vector<1xi32>
      %and3A_575 = arith.constant 7 : i32
      %and3A_576 = arith.andi %squeeze3A_574, %and3A_575 : i32
      %dma_start3A_577 = arith.constant 0 : i32
      %dma_start3A_578 = tpu.memref_slice %arg11[%add3A_568, %dma_start3A_577] : memref<256x64xf32, #tpu.memory_space<vmem>> -> memref<1x64xf32, #tpu.memory_space<vmem>>
      %dma_start3A_579 = arith.constant 0 : i32
      %dma_start3A_580 = tpu.memref_slice %arg4[%shift_right_arithmetic3A_572, %and3A_576, %dma_start3A_579] : memref<125000x8x64xf32, #tpu.memory_space<hbm>> -> memref<1x1x64xf32, #tpu.memory_space<hbm>>
      %dma_start3A_581 = tpu.memref_squeeze %dma_start3A_580 : memref<1x1x64xf32, #tpu.memory_space<hbm>> -> memref<1x64xf32, #tpu.memory_space<hbm>>
      %dma_start3A_582 = arith.constant 0 : i32
      %dma_start3A_583 = tpu.memref_slice %arg11[%add3A_568, %dma_start3A_582] : memref<256x64xf32, #tpu.memory_space<vmem>> -> memref<1x64xf32, #tpu.memory_space<vmem>>
      %dma_start3A_584 = arith.constant 0 : i32
      %dma_start3A_585 = tpu.memref_slice %arg4[%shift_right_arithmetic3A_572, %and3A_576, %dma_start3A_584] : memref<125000x8x64xf32, #tpu.memory_space<hbm>> -> memref<1x1x64xf32, #tpu.memory_space<hbm>>
      %dma_start3A_586 = tpu.memref_squeeze %dma_start3A_585 : memref<1x1x64xf32, #tpu.memory_space<hbm>> -> memref<1x64xf32, #tpu.memory_space<hbm>>
      tpu.enqueue_dma source(%dma_start3A_586 : memref<1x64xf32, #tpu.memory_space<hbm>>) target(%dma_start3A_583 : memref<1x64xf32, #tpu.memory_space<vmem>>) target_semaphore(%arg14 : memref<!tpu.dma_semaphore, #tpu.memory_space<semaphore_mem>>)
      %slice3A_587 = vector.extract_strided_slice %get3A_49 {offsets = [13], sizes = [1], strides = [1]} : vector<16xi32> to vector<1xi32>
      %squeeze3A_588 = vector.extract %slice3A_587[0] : i32 from vector<1xi32>
      %shift_right_arithmetic3A_589 = arith.constant 3 : i32
      %shift_right_arithmetic3A_590 = arith.shrsi %squeeze3A_588, %shift_right_arithmetic3A_589 : i32
      %slice3A_591 = vector.extract_strided_slice %get3A_49 {offsets = [13], sizes = [1], strides = [1]} : vector<16xi32> to vector<1xi32>
      %squeeze3A_592 = vector.extract %slice3A_591[0] : i32 from vector<1xi32>
      %and3A_593 = arith.constant 7 : i32
      %and3A_594 = arith.andi %squeeze3A_592, %and3A_593 : i32
      %dma_start3A_595 = arith.constant 0 : i32
      %dma_start3A_596 = tpu.memref_slice %arg12[%add3A_568, %dma_start3A_595] : memref<256x64xf32, #tpu.memory_space<vmem>> -> memref<1x64xf32, #tpu.memory_space<vmem>>
      %dma_start3A_597 = arith.constant 0 : i32
      %dma_start3A_598 = tpu.memref_slice %arg5[%shift_right_arithmetic3A_590, %and3A_594, %dma_start3A_597] : memref<125000x8x64xf32, #tpu.memory_space<hbm>> -> memref<1x1x64xf32, #tpu.memory_space<hbm>>
      %dma_start3A_599 = tpu.memref_squeeze %dma_start3A_598 : memref<1x1x64xf32, #tpu.memory_space<hbm>> -> memref<1x64xf32, #tpu.memory_space<hbm>>
      %dma_start3A_600 = arith.constant 0 : i32
      %dma_start3A_601 = tpu.memref_slice %arg12[%add3A_568, %dma_start3A_600] : memref<256x64xf32, #tpu.memory_space<vmem>> -> memref<1x64xf32, #tpu.memory_space<vmem>>
      %dma_start3A_602 = arith.constant 0 : i32
      %dma_start3A_603 = tpu.memref_slice %arg5[%shift_right_arithmetic3A_590, %and3A_594, %dma_start3A_602] : memref<125000x8x64xf32, #tpu.memory_space<hbm>> -> memref<1x1x64xf32, #tpu.memory_space<hbm>>
      %dma_start3A_604 = tpu.memref_squeeze %dma_start3A_603 : memref<1x1x64xf32, #tpu.memory_space<hbm>> -> memref<1x64xf32, #tpu.memory_space<hbm>>
      tpu.enqueue_dma source(%dma_start3A_604 : memref<1x64xf32, #tpu.memory_space<hbm>>) target(%dma_start3A_601 : memref<1x64xf32, #tpu.memory_space<vmem>>) target_semaphore(%arg14 : memref<!tpu.dma_semaphore, #tpu.memory_space<semaphore_mem>>)
      %mul3A_605 = arith.constant 16 : i32
      %mul3A_606 = arith.muli %scan3A_38, %mul3A_605 : i32
      %add3A_607 = arith.constant 14 : i32
      %add3A_608 = arith.addi %mul3A_606, %add3A_607 : i32
      %slice3A_609 = vector.extract_strided_slice %get3A_43 {offsets = [14], sizes = [1], strides = [1]} : vector<16xi32> to vector<1xi32>
      %squeeze3A_610 = vector.extract %slice3A_609[0] : i32 from vector<1xi32>
      %shift_right_arithmetic3A_611 = arith.constant 3 : i32
      %shift_right_arithmetic3A_612 = arith.shrsi %squeeze3A_610, %shift_right_arithmetic3A_611 : i32
      %slice3A_613 = vector.extract_strided_slice %get3A_43 {offsets = [14], sizes = [1], strides = [1]} : vector<16xi32> to vector<1xi32>
      %squeeze3A_614 = vector.extract %slice3A_613[0] : i32 from vector<1xi32>
      %and3A_615 = arith.constant 7 : i32
      %and3A_616 = arith.andi %squeeze3A_614, %and3A_615 : i32
      %dma_start3A_617 = arith.constant 0 : i32
      %dma_start3A_618 = tpu.memref_slice %arg11[%add3A_608, %dma_start3A_617] : memref<256x64xf32, #tpu.memory_space<vmem>> -> memref<1x64xf32, #tpu.memory_space<vmem>>
      %dma_start3A_619 = arith.constant 0 : i32
      %dma_start3A_620 = tpu.memref_slice %arg4[%shift_right_arithmetic3A_612, %and3A_616, %dma_start3A_619] : memref<125000x8x64xf32, #tpu.memory_space<hbm>> -> memref<1x1x64xf32, #tpu.memory_space<hbm>>
      %dma_start3A_621 = tpu.memref_squeeze %dma_start3A_620 : memref<1x1x64xf32, #tpu.memory_space<hbm>> -> memref<1x64xf32, #tpu.memory_space<hbm>>
      %dma_start3A_622 = arith.constant 0 : i32
      %dma_start3A_623 = tpu.memref_slice %arg11[%add3A_608, %dma_start3A_622] : memref<256x64xf32, #tpu.memory_space<vmem>> -> memref<1x64xf32, #tpu.memory_space<vmem>>
      %dma_start3A_624 = arith.constant 0 : i32
      %dma_start3A_625 = tpu.memref_slice %arg4[%shift_right_arithmetic3A_612, %and3A_616, %dma_start3A_624] : memref<125000x8x64xf32, #tpu.memory_space<hbm>> -> memref<1x1x64xf32, #tpu.memory_space<hbm>>
      %dma_start3A_626 = tpu.memref_squeeze %dma_start3A_625 : memref<1x1x64xf32, #tpu.memory_space<hbm>> -> memref<1x64xf32, #tpu.memory_space<hbm>>
      tpu.enqueue_dma source(%dma_start3A_626 : memref<1x64xf32, #tpu.memory_space<hbm>>) target(%dma_start3A_623 : memref<1x64xf32, #tpu.memory_space<vmem>>) target_semaphore(%arg14 : memref<!tpu.dma_semaphore, #tpu.memory_space<semaphore_mem>>)
      %slice3A_627 = vector.extract_strided_slice %get3A_49 {offsets = [14], sizes = [1], strides = [1]} : vector<16xi32> to vector<1xi32>
      %squeeze3A_628 = vector.extract %slice3A_627[0] : i32 from vector<1xi32>
      %shift_right_arithmetic3A_629 = arith.constant 3 : i32
      %shift_right_arithmetic3A_630 = arith.shrsi %squeeze3A_628, %shift_right_arithmetic3A_629 : i32
      %slice3A_631 = vector.extract_strided_slice %get3A_49 {offsets = [14], sizes = [1], strides = [1]} : vector<16xi32> to vector<1xi32>
      %squeeze3A_632 = vector.extract %slice3A_631[0] : i32 from vector<1xi32>
      %and3A_633 = arith.constant 7 : i32
      %and3A_634 = arith.andi %squeeze3A_632, %and3A_633 : i32
      %dma_start3A_635 = arith.constant 0 : i32
      %dma_start3A_636 = tpu.memref_slice %arg12[%add3A_608, %dma_start3A_635] : memref<256x64xf32, #tpu.memory_space<vmem>> -> memref<1x64xf32, #tpu.memory_space<vmem>>
      %dma_start3A_637 = arith.constant 0 : i32
      %dma_start3A_638 = tpu.memref_slice %arg5[%shift_right_arithmetic3A_630, %and3A_634, %dma_start3A_637] : memref<125000x8x64xf32, #tpu.memory_space<hbm>> -> memref<1x1x64xf32, #tpu.memory_space<hbm>>
      %dma_start3A_639 = tpu.memref_squeeze %dma_start3A_638 : memref<1x1x64xf32, #tpu.memory_space<hbm>> -> memref<1x64xf32, #tpu.memory_space<hbm>>
      %dma_start3A_640 = arith.constant 0 : i32
      %dma_start3A_641 = tpu.memref_slice %arg12[%add3A_608, %dma_start3A_640] : memref<256x64xf32, #tpu.memory_space<vmem>> -> memref<1x64xf32, #tpu.memory_space<vmem>>
      %dma_start3A_642 = arith.constant 0 : i32
      %dma_start3A_643 = tpu.memref_slice %arg5[%shift_right_arithmetic3A_630, %and3A_634, %dma_start3A_642] : memref<125000x8x64xf32, #tpu.memory_space<hbm>> -> memref<1x1x64xf32, #tpu.memory_space<hbm>>
      %dma_start3A_644 = tpu.memref_squeeze %dma_start3A_643 : memref<1x1x64xf32, #tpu.memory_space<hbm>> -> memref<1x64xf32, #tpu.memory_space<hbm>>
      tpu.enqueue_dma source(%dma_start3A_644 : memref<1x64xf32, #tpu.memory_space<hbm>>) target(%dma_start3A_641 : memref<1x64xf32, #tpu.memory_space<vmem>>) target_semaphore(%arg14 : memref<!tpu.dma_semaphore, #tpu.memory_space<semaphore_mem>>)
      %mul3A_645 = arith.constant 16 : i32
      %mul3A_646 = arith.muli %scan3A_38, %mul3A_645 : i32
      %add3A_647 = arith.constant 15 : i32
      %add3A_648 = arith.addi %mul3A_646, %add3A_647 : i32
      %slice3A_649 = vector.extract_strided_slice %get3A_43 {offsets = [15], sizes = [1], strides = [1]} : vector<16xi32> to vector<1xi32>
      %squeeze3A_650 = vector.extract %slice3A_649[0] : i32 from vector<1xi32>
      %shift_right_arithmetic3A_651 = arith.constant 3 : i32
      %shift_right_arithmetic3A_652 = arith.shrsi %squeeze3A_650, %shift_right_arithmetic3A_651 : i32
      %slice3A_653 = vector.extract_strided_slice %get3A_43 {offsets = [15], sizes = [1], strides = [1]} : vector<16xi32> to vector<1xi32>
      %squeeze3A_654 = vector.extract %slice3A_653[0] : i32 from vector<1xi32>
      %and3A_655 = arith.constant 7 : i32
      %and3A_656 = arith.andi %squeeze3A_654, %and3A_655 : i32
      %dma_start3A_657 = arith.constant 0 : i32
      %dma_start3A_658 = tpu.memref_slice %arg11[%add3A_648, %dma_start3A_657] : memref<256x64xf32, #tpu.memory_space<vmem>> -> memref<1x64xf32, #tpu.memory_space<vmem>>
      %dma_start3A_659 = arith.constant 0 : i32
      %dma_start3A_660 = tpu.memref_slice %arg4[%shift_right_arithmetic3A_652, %and3A_656, %dma_start3A_659] : memref<125000x8x64xf32, #tpu.memory_space<hbm>> -> memref<1x1x64xf32, #tpu.memory_space<hbm>>
      %dma_start3A_661 = tpu.memref_squeeze %dma_start3A_660 : memref<1x1x64xf32, #tpu.memory_space<hbm>> -> memref<1x64xf32, #tpu.memory_space<hbm>>
      %dma_start3A_662 = arith.constant 0 : i32
      %dma_start3A_663 = tpu.memref_slice %arg11[%add3A_648, %dma_start3A_662] : memref<256x64xf32, #tpu.memory_space<vmem>> -> memref<1x64xf32, #tpu.memory_space<vmem>>
      %dma_start3A_664 = arith.constant 0 : i32
      %dma_start3A_665 = tpu.memref_slice %arg4[%shift_right_arithmetic3A_652, %and3A_656, %dma_start3A_664] : memref<125000x8x64xf32, #tpu.memory_space<hbm>> -> memref<1x1x64xf32, #tpu.memory_space<hbm>>
      %dma_start3A_666 = tpu.memref_squeeze %dma_start3A_665 : memref<1x1x64xf32, #tpu.memory_space<hbm>> -> memref<1x64xf32, #tpu.memory_space<hbm>>
      tpu.enqueue_dma source(%dma_start3A_666 : memref<1x64xf32, #tpu.memory_space<hbm>>) target(%dma_start3A_663 : memref<1x64xf32, #tpu.memory_space<vmem>>) target_semaphore(%arg14 : memref<!tpu.dma_semaphore, #tpu.memory_space<semaphore_mem>>)
      %slice3A_667 = vector.extract_strided_slice %get3A_49 {offsets = [15], sizes = [1], strides = [1]} : vector<16xi32> to vector<1xi32>
      %squeeze3A_668 = vector.extract %slice3A_667[0] : i32 from vector<1xi32>
      %shift_right_arithmetic3A_669 = arith.constant 3 : i32
      %shift_right_arithmetic3A_670 = arith.shrsi %squeeze3A_668, %shift_right_arithmetic3A_669 : i32
      %slice3A_671 = vector.extract_strided_slice %get3A_49 {offsets = [15], sizes = [1], strides = [1]} : vector<16xi32> to vector<1xi32>
      %squeeze3A_672 = vector.extract %slice3A_671[0] : i32 from vector<1xi32>
      %and3A_673 = arith.constant 7 : i32
      %and3A_674 = arith.andi %squeeze3A_672, %and3A_673 : i32
      %dma_start3A_675 = arith.constant 0 : i32
      %dma_start3A_676 = tpu.memref_slice %arg12[%add3A_648, %dma_start3A_675] : memref<256x64xf32, #tpu.memory_space<vmem>> -> memref<1x64xf32, #tpu.memory_space<vmem>>
      %dma_start3A_677 = arith.constant 0 : i32
      %dma_start3A_678 = tpu.memref_slice %arg5[%shift_right_arithmetic3A_670, %and3A_674, %dma_start3A_677] : memref<125000x8x64xf32, #tpu.memory_space<hbm>> -> memref<1x1x64xf32, #tpu.memory_space<hbm>>
      %dma_start3A_679 = tpu.memref_squeeze %dma_start3A_678 : memref<1x1x64xf32, #tpu.memory_space<hbm>> -> memref<1x64xf32, #tpu.memory_space<hbm>>
      %dma_start3A_680 = arith.constant 0 : i32
      %dma_start3A_681 = tpu.memref_slice %arg12[%add3A_648, %dma_start3A_680] : memref<256x64xf32, #tpu.memory_space<vmem>> -> memref<1x64xf32, #tpu.memory_space<vmem>>
      %dma_start3A_682 = arith.constant 0 : i32
      %dma_start3A_683 = tpu.memref_slice %arg5[%shift_right_arithmetic3A_670, %and3A_674, %dma_start3A_682] : memref<125000x8x64xf32, #tpu.memory_space<hbm>> -> memref<1x1x64xf32, #tpu.memory_space<hbm>>
      %dma_start3A_684 = tpu.memref_squeeze %dma_start3A_683 : memref<1x1x64xf32, #tpu.memory_space<hbm>> -> memref<1x64xf32, #tpu.memory_space<hbm>>
      tpu.enqueue_dma source(%dma_start3A_684 : memref<1x64xf32, #tpu.memory_space<hbm>>) target(%dma_start3A_681 : memref<1x64xf32, #tpu.memory_space<vmem>>) target_semaphore(%arg14 : memref<!tpu.dma_semaphore, #tpu.memory_space<semaphore_mem>>)
    }
    %scan3A_25 = arith.constant 16 : i32
    %scan3A_26 = arith.constant 0 : i32
    %scan3A_27 = arith.constant 0 : i32
    %scan3A_28 = arith.constant 256 : i32
    %scan3A_29 = arith.addi %scan3A_27, %scan3A_28 : i32
    %scan3A_30 = arith.constant 1 : i32
    scf.for %scan3A_38 = %scan3A_27 to %scan3A_29 step %scan3A_30  : i32 {
      %dma_wait3A = arith.constant 0 : i32
      %dma_wait3A_39 = arith.constant 0 : i32
      %dma_wait3A_40 = tpu.memref_slice %arg11[%scan3A_38, %dma_wait3A_39] : memref<256x64xf32, #tpu.memory_space<vmem>> -> memref<1x64xf32, #tpu.memory_space<vmem>>
      %dma_wait3A_41 = arith.constant 0 : i32
      %dma_wait3A_42 = arith.constant 0 : i32
      %dma_wait3A_43 = tpu.memref_slice %arg4[%dma_wait3A, %dma_wait3A_41, %dma_wait3A_42] : memref<125000x8x64xf32, #tpu.memory_space<hbm>> -> memref<1x1x64xf32, #tpu.memory_space<hbm>>
      %dma_wait3A_44 = tpu.memref_squeeze %dma_wait3A_43 : memref<1x1x64xf32, #tpu.memory_space<hbm>> -> memref<1x64xf32, #tpu.memory_space<hbm>>
      %dma_wait3A_45 = arith.constant 0 : i32
      %dma_wait3A_46 = tpu.memref_slice %arg11[%scan3A_38, %dma_wait3A_45] : memref<256x64xf32, #tpu.memory_space<vmem>> -> memref<1x64xf32, #tpu.memory_space<vmem>>
      %dma_wait3A_47 = arith.constant 0 : i32
      %dma_wait3A_48 = arith.constant 0 : i32
      %dma_wait3A_49 = tpu.memref_slice %arg4[%dma_wait3A, %dma_wait3A_47, %dma_wait3A_48] : memref<125000x8x64xf32, #tpu.memory_space<hbm>> -> memref<1x1x64xf32, #tpu.memory_space<hbm>>
      %dma_wait3A_50 = tpu.memref_squeeze %dma_wait3A_49 : memref<1x1x64xf32, #tpu.memory_space<hbm>> -> memref<1x64xf32, #tpu.memory_space<hbm>>
      tpu.wait_dma2 semaphore(%arg14 : memref<!tpu.dma_semaphore, #tpu.memory_space<semaphore_mem>>) src(%dma_wait3A_50 : memref<1x64xf32, #tpu.memory_space<hbm>>) dst(%dma_wait3A_46 : memref<1x64xf32, #tpu.memory_space<vmem>>)
      %dma_wait3A_51 = arith.constant 0 : i32
      %dma_wait3A_52 = arith.constant 0 : i32
      %dma_wait3A_53 = tpu.memref_slice %arg12[%scan3A_38, %dma_wait3A_52] : memref<256x64xf32, #tpu.memory_space<vmem>> -> memref<1x64xf32, #tpu.memory_space<vmem>>
      %dma_wait3A_54 = arith.constant 0 : i32
      %dma_wait3A_55 = arith.constant 0 : i32
      %dma_wait3A_56 = tpu.memref_slice %arg5[%dma_wait3A_51, %dma_wait3A_54, %dma_wait3A_55] : memref<125000x8x64xf32, #tpu.memory_space<hbm>> -> memref<1x1x64xf32, #tpu.memory_space<hbm>>
      %dma_wait3A_57 = tpu.memref_squeeze %dma_wait3A_56 : memref<1x1x64xf32, #tpu.memory_space<hbm>> -> memref<1x64xf32, #tpu.memory_space<hbm>>
      %dma_wait3A_58 = arith.constant 0 : i32
      %dma_wait3A_59 = tpu.memref_slice %arg12[%scan3A_38, %dma_wait3A_58] : memref<256x64xf32, #tpu.memory_space<vmem>> -> memref<1x64xf32, #tpu.memory_space<vmem>>
      %dma_wait3A_60 = arith.constant 0 : i32
      %dma_wait3A_61 = arith.constant 0 : i32
      %dma_wait3A_62 = tpu.memref_slice %arg5[%dma_wait3A_51, %dma_wait3A_60, %dma_wait3A_61] : memref<125000x8x64xf32, #tpu.memory_space<hbm>> -> memref<1x1x64xf32, #tpu.memory_space<hbm>>
      %dma_wait3A_63 = tpu.memref_squeeze %dma_wait3A_62 : memref<1x1x64xf32, #tpu.memory_space<hbm>> -> memref<1x64xf32, #tpu.memory_space<hbm>>
      tpu.wait_dma2 semaphore(%arg14 : memref<!tpu.dma_semaphore, #tpu.memory_space<semaphore_mem>>) src(%dma_wait3A_63 : memref<1x64xf32, #tpu.memory_space<hbm>>) dst(%dma_wait3A_59 : memref<1x64xf32, #tpu.memory_space<vmem>>)
    }
    %scan3A_31 = arith.constant 256 : i32
    %scan3A_32 = arith.constant 0 : i32
    %scan3A_33 = arith.constant 0 : i32
    %scan3A_34 = arith.constant 16 : i32
    %scan3A_35 = arith.addi %scan3A_33, %scan3A_34 : i32
    %scan3A_36 = arith.constant 1 : i32
    scf.for %scan3A_38 = %scan3A_33 to %scan3A_35 step %scan3A_36  : i32 {
      %mul3A_39 = arith.constant 16 : i32
      %mul3A_40 = arith.muli %scan3A_38, %mul3A_39 : i32
      %iota3A = tpu.iota {dimensions = array<i32: 0>} : vector<16xi32>
      %add3A_41 = vector.broadcast %mul3A_40 : i32 to vector<16xi32>
      %add3A_42 = arith.addi %add3A_41, %iota3A : vector<16xi32>
      %broadcast_in_dim3A = arith.constant 0.000000e+00 : f32
      %broadcast_in_dim3A_43 = vector.broadcast %broadcast_in_dim3A : f32 to vector<16xf32>
      %broadcast_in_dim3A_44 = arith.constant 0.000000e+00 : f32
      %broadcast_in_dim3A_45 = vector.broadcast %broadcast_in_dim3A_44 : f32 to vector<16xf32>
      %broadcast_in_dim3A_46 = arith.constant 0.000000e+00 : f32
      %broadcast_in_dim3A_47 = vector.broadcast %broadcast_in_dim3A_46 : f32 to vector<16xf32>
      %broadcast_in_dim3A_48 = arith.constant 0.000000e+00 : f32
      %broadcast_in_dim3A_49 = vector.broadcast %broadcast_in_dim3A_48 : f32 to vector<16xf32>
      %broadcast_in_dim3A_50 = arith.constant 0 : i32
      %broadcast_in_dim3A_51 = vector.broadcast %broadcast_in_dim3A_50 : i32 to vector<16xi32>
      %gather3A = tpu.vector_load_idx %arg11[%add3A_42, %broadcast_in_dim3A_51] : memref<256x64xf32, #tpu.memory_space<vmem>>[vector<16xi32>, vector<16xi32>], vector<16xf32>,
      %gather3A_52 = tpu.vector_load_idx %arg12[%add3A_42, %broadcast_in_dim3A_51] : memref<256x64xf32, #tpu.memory_space<vmem>>[vector<16xi32>, vector<16xi32>], vector<16xf32>,
      %mul3A_53 = arith.mulf %gather3A, %gather3A_52 : vector<16xf32>
      %add3A_54 = arith.addf %broadcast_in_dim3A_43, %mul3A_53 : vector<16xf32>
      %broadcast_in_dim3A_55 = arith.constant 1 : i32
      %broadcast_in_dim3A_56 = vector.broadcast %broadcast_in_dim3A_55 : i32 to vector<16xi32>
      %gather3A_57 = tpu.vector_load_idx %arg11[%add3A_42, %broadcast_in_dim3A_56] : memref<256x64xf32, #tpu.memory_space<vmem>>[vector<16xi32>, vector<16xi32>], vector<16xf32>,
      %gather3A_58 = tpu.vector_load_idx %arg12[%add3A_42, %broadcast_in_dim3A_56] : memref<256x64xf32, #tpu.memory_space<vmem>>[vector<16xi32>, vector<16xi32>], vector<16xf32>,
      %mul3A_59 = arith.mulf %gather3A_57, %gather3A_58 : vector<16xf32>
      %add3A_60 = arith.addf %broadcast_in_dim3A_45, %mul3A_59 : vector<16xf32>
      %broadcast_in_dim3A_61 = arith.constant 2 : i32
      %broadcast_in_dim3A_62 = vector.broadcast %broadcast_in_dim3A_61 : i32 to vector<16xi32>
      %gather3A_63 = tpu.vector_load_idx %arg11[%add3A_42, %broadcast_in_dim3A_62] : memref<256x64xf32, #tpu.memory_space<vmem>>[vector<16xi32>, vector<16xi32>], vector<16xf32>,
      %gather3A_64 = tpu.vector_load_idx %arg12[%add3A_42, %broadcast_in_dim3A_62] : memref<256x64xf32, #tpu.memory_space<vmem>>[vector<16xi32>, vector<16xi32>], vector<16xf32>,
      %mul3A_65 = arith.mulf %gather3A_63, %gather3A_64 : vector<16xf32>
      %add3A_66 = arith.addf %broadcast_in_dim3A_47, %mul3A_65 : vector<16xf32>
      %broadcast_in_dim3A_67 = arith.constant 3 : i32
      %broadcast_in_dim3A_68 = vector.broadcast %broadcast_in_dim3A_67 : i32 to vector<16xi32>
      %gather3A_69 = tpu.vector_load_idx %arg11[%add3A_42, %broadcast_in_dim3A_68] : memref<256x64xf32, #tpu.memory_space<vmem>>[vector<16xi32>, vector<16xi32>], vector<16xf32>,
      %gather3A_70 = tpu.vector_load_idx %arg12[%add3A_42, %broadcast_in_dim3A_68] : memref<256x64xf32, #tpu.memory_space<vmem>>[vector<16xi32>, vector<16xi32>], vector<16xf32>,
      %mul3A_71 = arith.mulf %gather3A_69, %gather3A_70 : vector<16xf32>
      %add3A_72 = arith.addf %broadcast_in_dim3A_49, %mul3A_71 : vector<16xf32>
      %broadcast_in_dim3A_73 = arith.constant 4 : i32
      %broadcast_in_dim3A_74 = vector.broadcast %broadcast_in_dim3A_73 : i32 to vector<16xi32>
      %gather3A_75 = tpu.vector_load_idx %arg11[%add3A_42, %broadcast_in_dim3A_74] : memref<256x64xf32, #tpu.memory_space<vmem>>[vector<16xi32>, vector<16xi32>], vector<16xf32>,
      %gather3A_76 = tpu.vector_load_idx %arg12[%add3A_42, %broadcast_in_dim3A_74] : memref<256x64xf32, #tpu.memory_space<vmem>>[vector<16xi32>, vector<16xi32>], vector<16xf32>,
      %mul3A_77 = arith.mulf %gather3A_75, %gather3A_76 : vector<16xf32>
      %add3A_78 = arith.addf %add3A_54, %mul3A_77 : vector<16xf32>
      %broadcast_in_dim3A_79 = arith.constant 5 : i32
      %broadcast_in_dim3A_80 = vector.broadcast %broadcast_in_dim3A_79 : i32 to vector<16xi32>
      %gather3A_81 = tpu.vector_load_idx %arg11[%add3A_42, %broadcast_in_dim3A_80] : memref<256x64xf32, #tpu.memory_space<vmem>>[vector<16xi32>, vector<16xi32>], vector<16xf32>,
      %gather3A_82 = tpu.vector_load_idx %arg12[%add3A_42, %broadcast_in_dim3A_80] : memref<256x64xf32, #tpu.memory_space<vmem>>[vector<16xi32>, vector<16xi32>], vector<16xf32>,
      %mul3A_83 = arith.mulf %gather3A_81, %gather3A_82 : vector<16xf32>
      %add3A_84 = arith.addf %add3A_60, %mul3A_83 : vector<16xf32>
      %broadcast_in_dim3A_85 = arith.constant 6 : i32
      %broadcast_in_dim3A_86 = vector.broadcast %broadcast_in_dim3A_85 : i32 to vector<16xi32>
      %gather3A_87 = tpu.vector_load_idx %arg11[%add3A_42, %broadcast_in_dim3A_86] : memref<256x64xf32, #tpu.memory_space<vmem>>[vector<16xi32>, vector<16xi32>], vector<16xf32>,
      %gather3A_88 = tpu.vector_load_idx %arg12[%add3A_42, %broadcast_in_dim3A_86] : memref<256x64xf32, #tpu.memory_space<vmem>>[vector<16xi32>, vector<16xi32>], vector<16xf32>,
      %mul3A_89 = arith.mulf %gather3A_87, %gather3A_88 : vector<16xf32>
      %add3A_90 = arith.addf %add3A_66, %mul3A_89 : vector<16xf32>
      %broadcast_in_dim3A_91 = arith.constant 7 : i32
      %broadcast_in_dim3A_92 = vector.broadcast %broadcast_in_dim3A_91 : i32 to vector<16xi32>
      %gather3A_93 = tpu.vector_load_idx %arg11[%add3A_42, %broadcast_in_dim3A_92] : memref<256x64xf32, #tpu.memory_space<vmem>>[vector<16xi32>, vector<16xi32>], vector<16xf32>,
      %gather3A_94 = tpu.vector_load_idx %arg12[%add3A_42, %broadcast_in_dim3A_92] : memref<256x64xf32, #tpu.memory_space<vmem>>[vector<16xi32>, vector<16xi32>], vector<16xf32>,
      %mul3A_95 = arith.mulf %gather3A_93, %gather3A_94 : vector<16xf32>
      %add3A_96 = arith.addf %add3A_72, %mul3A_95 : vector<16xf32>
      %broadcast_in_dim3A_97 = arith.constant 8 : i32
      %broadcast_in_dim3A_98 = vector.broadcast %broadcast_in_dim3A_97 : i32 to vector<16xi32>
      %gather3A_99 = tpu.vector_load_idx %arg11[%add3A_42, %broadcast_in_dim3A_98] : memref<256x64xf32, #tpu.memory_space<vmem>>[vector<16xi32>, vector<16xi32>], vector<16xf32>,
      %gather3A_100 = tpu.vector_load_idx %arg12[%add3A_42, %broadcast_in_dim3A_98] : memref<256x64xf32, #tpu.memory_space<vmem>>[vector<16xi32>, vector<16xi32>], vector<16xf32>,
      %mul3A_101 = arith.mulf %gather3A_99, %gather3A_100 : vector<16xf32>
      %add3A_102 = arith.addf %add3A_78, %mul3A_101 : vector<16xf32>
      %broadcast_in_dim3A_103 = arith.constant 9 : i32
      %broadcast_in_dim3A_104 = vector.broadcast %broadcast_in_dim3A_103 : i32 to vector<16xi32>
      %gather3A_105 = tpu.vector_load_idx %arg11[%add3A_42, %broadcast_in_dim3A_104] : memref<256x64xf32, #tpu.memory_space<vmem>>[vector<16xi32>, vector<16xi32>], vector<16xf32>,
      %gather3A_106 = tpu.vector_load_idx %arg12[%add3A_42, %broadcast_in_dim3A_104] : memref<256x64xf32, #tpu.memory_space<vmem>>[vector<16xi32>, vector<16xi32>], vector<16xf32>,
      %mul3A_107 = arith.mulf %gather3A_105, %gather3A_106 : vector<16xf32>
      %add3A_108 = arith.addf %add3A_84, %mul3A_107 : vector<16xf32>
      %broadcast_in_dim3A_109 = arith.constant 10 : i32
      %broadcast_in_dim3A_110 = vector.broadcast %broadcast_in_dim3A_109 : i32 to vector<16xi32>
      %gather3A_111 = tpu.vector_load_idx %arg11[%add3A_42, %broadcast_in_dim3A_110] : memref<256x64xf32, #tpu.memory_space<vmem>>[vector<16xi32>, vector<16xi32>], vector<16xf32>,
      %gather3A_112 = tpu.vector_load_idx %arg12[%add3A_42, %broadcast_in_dim3A_110] : memref<256x64xf32, #tpu.memory_space<vmem>>[vector<16xi32>, vector<16xi32>], vector<16xf32>,
      %mul3A_113 = arith.mulf %gather3A_111, %gather3A_112 : vector<16xf32>
      %add3A_114 = arith.addf %add3A_90, %mul3A_113 : vector<16xf32>
      %broadcast_in_dim3A_115 = arith.constant 11 : i32
      %broadcast_in_dim3A_116 = vector.broadcast %broadcast_in_dim3A_115 : i32 to vector<16xi32>
      %gather3A_117 = tpu.vector_load_idx %arg11[%add3A_42, %broadcast_in_dim3A_116] : memref<256x64xf32, #tpu.memory_space<vmem>>[vector<16xi32>, vector<16xi32>], vector<16xf32>,
      %gather3A_118 = tpu.vector_load_idx %arg12[%add3A_42, %broadcast_in_dim3A_116] : memref<256x64xf32, #tpu.memory_space<vmem>>[vector<16xi32>, vector<16xi32>], vector<16xf32>,
      %mul3A_119 = arith.mulf %gather3A_117, %gather3A_118 : vector<16xf32>
      %add3A_120 = arith.addf %add3A_96, %mul3A_119 : vector<16xf32>
      %broadcast_in_dim3A_121 = arith.constant 12 : i32
      %broadcast_in_dim3A_122 = vector.broadcast %broadcast_in_dim3A_121 : i32 to vector<16xi32>
      %gather3A_123 = tpu.vector_load_idx %arg11[%add3A_42, %broadcast_in_dim3A_122] : memref<256x64xf32, #tpu.memory_space<vmem>>[vector<16xi32>, vector<16xi32>], vector<16xf32>,
      %gather3A_124 = tpu.vector_load_idx %arg12[%add3A_42, %broadcast_in_dim3A_122] : memref<256x64xf32, #tpu.memory_space<vmem>>[vector<16xi32>, vector<16xi32>], vector<16xf32>,
      %mul3A_125 = arith.mulf %gather3A_123, %gather3A_124 : vector<16xf32>
      %add3A_126 = arith.addf %add3A_102, %mul3A_125 : vector<16xf32>
      %broadcast_in_dim3A_127 = arith.constant 13 : i32
      %broadcast_in_dim3A_128 = vector.broadcast %broadcast_in_dim3A_127 : i32 to vector<16xi32>
      %gather3A_129 = tpu.vector_load_idx %arg11[%add3A_42, %broadcast_in_dim3A_128] : memref<256x64xf32, #tpu.memory_space<vmem>>[vector<16xi32>, vector<16xi32>], vector<16xf32>,
      %gather3A_130 = tpu.vector_load_idx %arg12[%add3A_42, %broadcast_in_dim3A_128] : memref<256x64xf32, #tpu.memory_space<vmem>>[vector<16xi32>, vector<16xi32>], vector<16xf32>,
      %mul3A_131 = arith.mulf %gather3A_129, %gather3A_130 : vector<16xf32>
      %add3A_132 = arith.addf %add3A_108, %mul3A_131 : vector<16xf32>
      %broadcast_in_dim3A_133 = arith.constant 14 : i32
      %broadcast_in_dim3A_134 = vector.broadcast %broadcast_in_dim3A_133 : i32 to vector<16xi32>
      %gather3A_135 = tpu.vector_load_idx %arg11[%add3A_42, %broadcast_in_dim3A_134] : memref<256x64xf32, #tpu.memory_space<vmem>>[vector<16xi32>, vector<16xi32>], vector<16xf32>,
      %gather3A_136 = tpu.vector_load_idx %arg12[%add3A_42, %broadcast_in_dim3A_134] : memref<256x64xf32, #tpu.memory_space<vmem>>[vector<16xi32>, vector<16xi32>], vector<16xf32>,
      %mul3A_137 = arith.mulf %gather3A_135, %gather3A_136 : vector<16xf32>
      %add3A_138 = arith.addf %add3A_114, %mul3A_137 : vector<16xf32>
      %broadcast_in_dim3A_139 = arith.constant 15 : i32
      %broadcast_in_dim3A_140 = vector.broadcast %broadcast_in_dim3A_139 : i32 to vector<16xi32>
      %gather3A_141 = tpu.vector_load_idx %arg11[%add3A_42, %broadcast_in_dim3A_140] : memref<256x64xf32, #tpu.memory_space<vmem>>[vector<16xi32>, vector<16xi32>], vector<16xf32>,
      %gather3A_142 = tpu.vector_load_idx %arg12[%add3A_42, %broadcast_in_dim3A_140] : memref<256x64xf32, #tpu.memory_space<vmem>>[vector<16xi32>, vector<16xi32>], vector<16xf32>,
      %mul3A_143 = arith.mulf %gather3A_141, %gather3A_142 : vector<16xf32>
      %add3A_144 = arith.addf %add3A_120, %mul3A_143 : vector<16xf32>
      %broadcast_in_dim3A_145 = arith.constant 16 : i32
      %broadcast_in_dim3A_146 = vector.broadcast %broadcast_in_dim3A_145 : i32 to vector<16xi32>
      %gather3A_147 = tpu.vector_load_idx %arg11[%add3A_42, %broadcast_in_dim3A_146] : memref<256x64xf32, #tpu.memory_space<vmem>>[vector<16xi32>, vector<16xi32>], vector<16xf32>,
      %gather3A_148 = tpu.vector_load_idx %arg12[%add3A_42, %broadcast_in_dim3A_146] : memref<256x64xf32, #tpu.memory_space<vmem>>[vector<16xi32>, vector<16xi32>], vector<16xf32>,
      %mul3A_149 = arith.mulf %gather3A_147, %gather3A_148 : vector<16xf32>
      %add3A_150 = arith.addf %add3A_126, %mul3A_149 : vector<16xf32>
      %broadcast_in_dim3A_151 = arith.constant 17 : i32
      %broadcast_in_dim3A_152 = vector.broadcast %broadcast_in_dim3A_151 : i32 to vector<16xi32>
      %gather3A_153 = tpu.vector_load_idx %arg11[%add3A_42, %broadcast_in_dim3A_152] : memref<256x64xf32, #tpu.memory_space<vmem>>[vector<16xi32>, vector<16xi32>], vector<16xf32>,
      %gather3A_154 = tpu.vector_load_idx %arg12[%add3A_42, %broadcast_in_dim3A_152] : memref<256x64xf32, #tpu.memory_space<vmem>>[vector<16xi32>, vector<16xi32>], vector<16xf32>,
      %mul3A_155 = arith.mulf %gather3A_153, %gather3A_154 : vector<16xf32>
      %add3A_156 = arith.addf %add3A_132, %mul3A_155 : vector<16xf32>
      %broadcast_in_dim3A_157 = arith.constant 18 : i32
      %broadcast_in_dim3A_158 = vector.broadcast %broadcast_in_dim3A_157 : i32 to vector<16xi32>
      %gather3A_159 = tpu.vector_load_idx %arg11[%add3A_42, %broadcast_in_dim3A_158] : memref<256x64xf32, #tpu.memory_space<vmem>>[vector<16xi32>, vector<16xi32>], vector<16xf32>,
      %gather3A_160 = tpu.vector_load_idx %arg12[%add3A_42, %broadcast_in_dim3A_158] : memref<256x64xf32, #tpu.memory_space<vmem>>[vector<16xi32>, vector<16xi32>], vector<16xf32>,
      %mul3A_161 = arith.mulf %gather3A_159, %gather3A_160 : vector<16xf32>
      %add3A_162 = arith.addf %add3A_138, %mul3A_161 : vector<16xf32>
      %broadcast_in_dim3A_163 = arith.constant 19 : i32
      %broadcast_in_dim3A_164 = vector.broadcast %broadcast_in_dim3A_163 : i32 to vector<16xi32>
      %gather3A_165 = tpu.vector_load_idx %arg11[%add3A_42, %broadcast_in_dim3A_164] : memref<256x64xf32, #tpu.memory_space<vmem>>[vector<16xi32>, vector<16xi32>], vector<16xf32>,
      %gather3A_166 = tpu.vector_load_idx %arg12[%add3A_42, %broadcast_in_dim3A_164] : memref<256x64xf32, #tpu.memory_space<vmem>>[vector<16xi32>, vector<16xi32>], vector<16xf32>,
      %mul3A_167 = arith.mulf %gather3A_165, %gather3A_166 : vector<16xf32>
      %add3A_168 = arith.addf %add3A_144, %mul3A_167 : vector<16xf32>
      %broadcast_in_dim3A_169 = arith.constant 20 : i32
      %broadcast_in_dim3A_170 = vector.broadcast %broadcast_in_dim3A_169 : i32 to vector<16xi32>
      %gather3A_171 = tpu.vector_load_idx %arg11[%add3A_42, %broadcast_in_dim3A_170] : memref<256x64xf32, #tpu.memory_space<vmem>>[vector<16xi32>, vector<16xi32>], vector<16xf32>,
      %gather3A_172 = tpu.vector_load_idx %arg12[%add3A_42, %broadcast_in_dim3A_170] : memref<256x64xf32, #tpu.memory_space<vmem>>[vector<16xi32>, vector<16xi32>], vector<16xf32>,
      %mul3A_173 = arith.mulf %gather3A_171, %gather3A_172 : vector<16xf32>
      %add3A_174 = arith.addf %add3A_150, %mul3A_173 : vector<16xf32>
      %broadcast_in_dim3A_175 = arith.constant 21 : i32
      %broadcast_in_dim3A_176 = vector.broadcast %broadcast_in_dim3A_175 : i32 to vector<16xi32>
      %gather3A_177 = tpu.vector_load_idx %arg11[%add3A_42, %broadcast_in_dim3A_176] : memref<256x64xf32, #tpu.memory_space<vmem>>[vector<16xi32>, vector<16xi32>], vector<16xf32>,
      %gather3A_178 = tpu.vector_load_idx %arg12[%add3A_42, %broadcast_in_dim3A_176] : memref<256x64xf32, #tpu.memory_space<vmem>>[vector<16xi32>, vector<16xi32>], vector<16xf32>,
      %mul3A_179 = arith.mulf %gather3A_177, %gather3A_178 : vector<16xf32>
      %add3A_180 = arith.addf %add3A_156, %mul3A_179 : vector<16xf32>
      %broadcast_in_dim3A_181 = arith.constant 22 : i32
      %broadcast_in_dim3A_182 = vector.broadcast %broadcast_in_dim3A_181 : i32 to vector<16xi32>
      %gather3A_183 = tpu.vector_load_idx %arg11[%add3A_42, %broadcast_in_dim3A_182] : memref<256x64xf32, #tpu.memory_space<vmem>>[vector<16xi32>, vector<16xi32>], vector<16xf32>,
      %gather3A_184 = tpu.vector_load_idx %arg12[%add3A_42, %broadcast_in_dim3A_182] : memref<256x64xf32, #tpu.memory_space<vmem>>[vector<16xi32>, vector<16xi32>], vector<16xf32>,
      %mul3A_185 = arith.mulf %gather3A_183, %gather3A_184 : vector<16xf32>
      %add3A_186 = arith.addf %add3A_162, %mul3A_185 : vector<16xf32>
      %broadcast_in_dim3A_187 = arith.constant 23 : i32
      %broadcast_in_dim3A_188 = vector.broadcast %broadcast_in_dim3A_187 : i32 to vector<16xi32>
      %gather3A_189 = tpu.vector_load_idx %arg11[%add3A_42, %broadcast_in_dim3A_188] : memref<256x64xf32, #tpu.memory_space<vmem>>[vector<16xi32>, vector<16xi32>], vector<16xf32>,
      %gather3A_190 = tpu.vector_load_idx %arg12[%add3A_42, %broadcast_in_dim3A_188] : memref<256x64xf32, #tpu.memory_space<vmem>>[vector<16xi32>, vector<16xi32>], vector<16xf32>,
      %mul3A_191 = arith.mulf %gather3A_189, %gather3A_190 : vector<16xf32>
      %add3A_192 = arith.addf %add3A_168, %mul3A_191 : vector<16xf32>
      %broadcast_in_dim3A_193 = arith.constant 24 : i32
      %broadcast_in_dim3A_194 = vector.broadcast %broadcast_in_dim3A_193 : i32 to vector<16xi32>
      %gather3A_195 = tpu.vector_load_idx %arg11[%add3A_42, %broadcast_in_dim3A_194] : memref<256x64xf32, #tpu.memory_space<vmem>>[vector<16xi32>, vector<16xi32>], vector<16xf32>,
      %gather3A_196 = tpu.vector_load_idx %arg12[%add3A_42, %broadcast_in_dim3A_194] : memref<256x64xf32, #tpu.memory_space<vmem>>[vector<16xi32>, vector<16xi32>], vector<16xf32>,
      %mul3A_197 = arith.mulf %gather3A_195, %gather3A_196 : vector<16xf32>
      %add3A_198 = arith.addf %add3A_174, %mul3A_197 : vector<16xf32>
      %broadcast_in_dim3A_199 = arith.constant 25 : i32
      %broadcast_in_dim3A_200 = vector.broadcast %broadcast_in_dim3A_199 : i32 to vector<16xi32>
      %gather3A_201 = tpu.vector_load_idx %arg11[%add3A_42, %broadcast_in_dim3A_200] : memref<256x64xf32, #tpu.memory_space<vmem>>[vector<16xi32>, vector<16xi32>], vector<16xf32>,
      %gather3A_202 = tpu.vector_load_idx %arg12[%add3A_42, %broadcast_in_dim3A_200] : memref<256x64xf32, #tpu.memory_space<vmem>>[vector<16xi32>, vector<16xi32>], vector<16xf32>,
      %mul3A_203 = arith.mulf %gather3A_201, %gather3A_202 : vector<16xf32>
      %add3A_204 = arith.addf %add3A_180, %mul3A_203 : vector<16xf32>
      %broadcast_in_dim3A_205 = arith.constant 26 : i32
      %broadcast_in_dim3A_206 = vector.broadcast %broadcast_in_dim3A_205 : i32 to vector<16xi32>
      %gather3A_207 = tpu.vector_load_idx %arg11[%add3A_42, %broadcast_in_dim3A_206] : memref<256x64xf32, #tpu.memory_space<vmem>>[vector<16xi32>, vector<16xi32>], vector<16xf32>,
      %gather3A_208 = tpu.vector_load_idx %arg12[%add3A_42, %broadcast_in_dim3A_206] : memref<256x64xf32, #tpu.memory_space<vmem>>[vector<16xi32>, vector<16xi32>], vector<16xf32>,
      %mul3A_209 = arith.mulf %gather3A_207, %gather3A_208 : vector<16xf32>
      %add3A_210 = arith.addf %add3A_186, %mul3A_209 : vector<16xf32>
      %broadcast_in_dim3A_211 = arith.constant 27 : i32
      %broadcast_in_dim3A_212 = vector.broadcast %broadcast_in_dim3A_211 : i32 to vector<16xi32>
      %gather3A_213 = tpu.vector_load_idx %arg11[%add3A_42, %broadcast_in_dim3A_212] : memref<256x64xf32, #tpu.memory_space<vmem>>[vector<16xi32>, vector<16xi32>], vector<16xf32>,
      %gather3A_214 = tpu.vector_load_idx %arg12[%add3A_42, %broadcast_in_dim3A_212] : memref<256x64xf32, #tpu.memory_space<vmem>>[vector<16xi32>, vector<16xi32>], vector<16xf32>,
      %mul3A_215 = arith.mulf %gather3A_213, %gather3A_214 : vector<16xf32>
      %add3A_216 = arith.addf %add3A_192, %mul3A_215 : vector<16xf32>
      %broadcast_in_dim3A_217 = arith.constant 28 : i32
      %broadcast_in_dim3A_218 = vector.broadcast %broadcast_in_dim3A_217 : i32 to vector<16xi32>
      %gather3A_219 = tpu.vector_load_idx %arg11[%add3A_42, %broadcast_in_dim3A_218] : memref<256x64xf32, #tpu.memory_space<vmem>>[vector<16xi32>, vector<16xi32>], vector<16xf32>,
      %gather3A_220 = tpu.vector_load_idx %arg12[%add3A_42, %broadcast_in_dim3A_218] : memref<256x64xf32, #tpu.memory_space<vmem>>[vector<16xi32>, vector<16xi32>], vector<16xf32>,
      %mul3A_221 = arith.mulf %gather3A_219, %gather3A_220 : vector<16xf32>
      %add3A_222 = arith.addf %add3A_198, %mul3A_221 : vector<16xf32>
      %broadcast_in_dim3A_223 = arith.constant 29 : i32
      %broadcast_in_dim3A_224 = vector.broadcast %broadcast_in_dim3A_223 : i32 to vector<16xi32>
      %gather3A_225 = tpu.vector_load_idx %arg11[%add3A_42, %broadcast_in_dim3A_224] : memref<256x64xf32, #tpu.memory_space<vmem>>[vector<16xi32>, vector<16xi32>], vector<16xf32>,
      %gather3A_226 = tpu.vector_load_idx %arg12[%add3A_42, %broadcast_in_dim3A_224] : memref<256x64xf32, #tpu.memory_space<vmem>>[vector<16xi32>, vector<16xi32>], vector<16xf32>,
      %mul3A_227 = arith.mulf %gather3A_225, %gather3A_226 : vector<16xf32>
      %add3A_228 = arith.addf %add3A_204, %mul3A_227 : vector<16xf32>
      %broadcast_in_dim3A_229 = arith.constant 30 : i32
      %broadcast_in_dim3A_230 = vector.broadcast %broadcast_in_dim3A_229 : i32 to vector<16xi32>
      %gather3A_231 = tpu.vector_load_idx %arg11[%add3A_42, %broadcast_in_dim3A_230] : memref<256x64xf32, #tpu.memory_space<vmem>>[vector<16xi32>, vector<16xi32>], vector<16xf32>,
      %gather3A_232 = tpu.vector_load_idx %arg12[%add3A_42, %broadcast_in_dim3A_230] : memref<256x64xf32, #tpu.memory_space<vmem>>[vector<16xi32>, vector<16xi32>], vector<16xf32>,
      %mul3A_233 = arith.mulf %gather3A_231, %gather3A_232 : vector<16xf32>
      %add3A_234 = arith.addf %add3A_210, %mul3A_233 : vector<16xf32>
      %broadcast_in_dim3A_235 = arith.constant 31 : i32
      %broadcast_in_dim3A_236 = vector.broadcast %broadcast_in_dim3A_235 : i32 to vector<16xi32>
      %gather3A_237 = tpu.vector_load_idx %arg11[%add3A_42, %broadcast_in_dim3A_236] : memref<256x64xf32, #tpu.memory_space<vmem>>[vector<16xi32>, vector<16xi32>], vector<16xf32>,
      %gather3A_238 = tpu.vector_load_idx %arg12[%add3A_42, %broadcast_in_dim3A_236] : memref<256x64xf32, #tpu.memory_space<vmem>>[vector<16xi32>, vector<16xi32>], vector<16xf32>,
      %mul3A_239 = arith.mulf %gather3A_237, %gather3A_238 : vector<16xf32>
      %add3A_240 = arith.addf %add3A_216, %mul3A_239 : vector<16xf32>
      %broadcast_in_dim3A_241 = arith.constant 32 : i32
      %broadcast_in_dim3A_242 = vector.broadcast %broadcast_in_dim3A_241 : i32 to vector<16xi32>
      %gather3A_243 = tpu.vector_load_idx %arg11[%add3A_42, %broadcast_in_dim3A_242] : memref<256x64xf32, #tpu.memory_space<vmem>>[vector<16xi32>, vector<16xi32>], vector<16xf32>,
      %gather3A_244 = tpu.vector_load_idx %arg12[%add3A_42, %broadcast_in_dim3A_242] : memref<256x64xf32, #tpu.memory_space<vmem>>[vector<16xi32>, vector<16xi32>], vector<16xf32>,
      %mul3A_245 = arith.mulf %gather3A_243, %gather3A_244 : vector<16xf32>
      %add3A_246 = arith.addf %add3A_222, %mul3A_245 : vector<16xf32>
      %broadcast_in_dim3A_247 = arith.constant 33 : i32
      %broadcast_in_dim3A_248 = vector.broadcast %broadcast_in_dim3A_247 : i32 to vector<16xi32>
      %gather3A_249 = tpu.vector_load_idx %arg11[%add3A_42, %broadcast_in_dim3A_248] : memref<256x64xf32, #tpu.memory_space<vmem>>[vector<16xi32>, vector<16xi32>], vector<16xf32>,
      %gather3A_250 = tpu.vector_load_idx %arg12[%add3A_42, %broadcast_in_dim3A_248] : memref<256x64xf32, #tpu.memory_space<vmem>>[vector<16xi32>, vector<16xi32>], vector<16xf32>,
      %mul3A_251 = arith.mulf %gather3A_249, %gather3A_250 : vector<16xf32>
      %add3A_252 = arith.addf %add3A_228, %mul3A_251 : vector<16xf32>
      %broadcast_in_dim3A_253 = arith.constant 34 : i32
      %broadcast_in_dim3A_254 = vector.broadcast %broadcast_in_dim3A_253 : i32 to vector<16xi32>
      %gather3A_255 = tpu.vector_load_idx %arg11[%add3A_42, %broadcast_in_dim3A_254] : memref<256x64xf32, #tpu.memory_space<vmem>>[vector<16xi32>, vector<16xi32>], vector<16xf32>,
      %gather3A_256 = tpu.vector_load_idx %arg12[%add3A_42, %broadcast_in_dim3A_254] : memref<256x64xf32, #tpu.memory_space<vmem>>[vector<16xi32>, vector<16xi32>], vector<16xf32>,
      %mul3A_257 = arith.mulf %gather3A_255, %gather3A_256 : vector<16xf32>
      %add3A_258 = arith.addf %add3A_234, %mul3A_257 : vector<16xf32>
      %broadcast_in_dim3A_259 = arith.constant 35 : i32
      %broadcast_in_dim3A_260 = vector.broadcast %broadcast_in_dim3A_259 : i32 to vector<16xi32>
      %gather3A_261 = tpu.vector_load_idx %arg11[%add3A_42, %broadcast_in_dim3A_260] : memref<256x64xf32, #tpu.memory_space<vmem>>[vector<16xi32>, vector<16xi32>], vector<16xf32>,
      %gather3A_262 = tpu.vector_load_idx %arg12[%add3A_42, %broadcast_in_dim3A_260] : memref<256x64xf32, #tpu.memory_space<vmem>>[vector<16xi32>, vector<16xi32>], vector<16xf32>,
      %mul3A_263 = arith.mulf %gather3A_261, %gather3A_262 : vector<16xf32>
      %add3A_264 = arith.addf %add3A_240, %mul3A_263 : vector<16xf32>
      %broadcast_in_dim3A_265 = arith.constant 36 : i32
      %broadcast_in_dim3A_266 = vector.broadcast %broadcast_in_dim3A_265 : i32 to vector<16xi32>
      %gather3A_267 = tpu.vector_load_idx %arg11[%add3A_42, %broadcast_in_dim3A_266] : memref<256x64xf32, #tpu.memory_space<vmem>>[vector<16xi32>, vector<16xi32>], vector<16xf32>,
      %gather3A_268 = tpu.vector_load_idx %arg12[%add3A_42, %broadcast_in_dim3A_266] : memref<256x64xf32, #tpu.memory_space<vmem>>[vector<16xi32>, vector<16xi32>], vector<16xf32>,
      %mul3A_269 = arith.mulf %gather3A_267, %gather3A_268 : vector<16xf32>
      %add3A_270 = arith.addf %add3A_246, %mul3A_269 : vector<16xf32>
      %broadcast_in_dim3A_271 = arith.constant 37 : i32
      %broadcast_in_dim3A_272 = vector.broadcast %broadcast_in_dim3A_271 : i32 to vector<16xi32>
      %gather3A_273 = tpu.vector_load_idx %arg11[%add3A_42, %broadcast_in_dim3A_272] : memref<256x64xf32, #tpu.memory_space<vmem>>[vector<16xi32>, vector<16xi32>], vector<16xf32>,
      %gather3A_274 = tpu.vector_load_idx %arg12[%add3A_42, %broadcast_in_dim3A_272] : memref<256x64xf32, #tpu.memory_space<vmem>>[vector<16xi32>, vector<16xi32>], vector<16xf32>,
      %mul3A_275 = arith.mulf %gather3A_273, %gather3A_274 : vector<16xf32>
      %add3A_276 = arith.addf %add3A_252, %mul3A_275 : vector<16xf32>
      %broadcast_in_dim3A_277 = arith.constant 38 : i32
      %broadcast_in_dim3A_278 = vector.broadcast %broadcast_in_dim3A_277 : i32 to vector<16xi32>
      %gather3A_279 = tpu.vector_load_idx %arg11[%add3A_42, %broadcast_in_dim3A_278] : memref<256x64xf32, #tpu.memory_space<vmem>>[vector<16xi32>, vector<16xi32>], vector<16xf32>,
      %gather3A_280 = tpu.vector_load_idx %arg12[%add3A_42, %broadcast_in_dim3A_278] : memref<256x64xf32, #tpu.memory_space<vmem>>[vector<16xi32>, vector<16xi32>], vector<16xf32>,
      %mul3A_281 = arith.mulf %gather3A_279, %gather3A_280 : vector<16xf32>
      %add3A_282 = arith.addf %add3A_258, %mul3A_281 : vector<16xf32>
      %broadcast_in_dim3A_283 = arith.constant 39 : i32
      %broadcast_in_dim3A_284 = vector.broadcast %broadcast_in_dim3A_283 : i32 to vector<16xi32>
      %gather3A_285 = tpu.vector_load_idx %arg11[%add3A_42, %broadcast_in_dim3A_284] : memref<256x64xf32, #tpu.memory_space<vmem>>[vector<16xi32>, vector<16xi32>], vector<16xf32>,
      %gather3A_286 = tpu.vector_load_idx %arg12[%add3A_42, %broadcast_in_dim3A_284] : memref<256x64xf32, #tpu.memory_space<vmem>>[vector<16xi32>, vector<16xi32>], vector<16xf32>,
      %mul3A_287 = arith.mulf %gather3A_285, %gather3A_286 : vector<16xf32>
      %add3A_288 = arith.addf %add3A_264, %mul3A_287 : vector<16xf32>
      %broadcast_in_dim3A_289 = arith.constant 40 : i32
      %broadcast_in_dim3A_290 = vector.broadcast %broadcast_in_dim3A_289 : i32 to vector<16xi32>
      %gather3A_291 = tpu.vector_load_idx %arg11[%add3A_42, %broadcast_in_dim3A_290] : memref<256x64xf32, #tpu.memory_space<vmem>>[vector<16xi32>, vector<16xi32>], vector<16xf32>,
      %gather3A_292 = tpu.vector_load_idx %arg12[%add3A_42, %broadcast_in_dim3A_290] : memref<256x64xf32, #tpu.memory_space<vmem>>[vector<16xi32>, vector<16xi32>], vector<16xf32>,
      %mul3A_293 = arith.mulf %gather3A_291, %gather3A_292 : vector<16xf32>
      %add3A_294 = arith.addf %add3A_270, %mul3A_293 : vector<16xf32>
      %broadcast_in_dim3A_295 = arith.constant 41 : i32
      %broadcast_in_dim3A_296 = vector.broadcast %broadcast_in_dim3A_295 : i32 to vector<16xi32>
      %gather3A_297 = tpu.vector_load_idx %arg11[%add3A_42, %broadcast_in_dim3A_296] : memref<256x64xf32, #tpu.memory_space<vmem>>[vector<16xi32>, vector<16xi32>], vector<16xf32>,
      %gather3A_298 = tpu.vector_load_idx %arg12[%add3A_42, %broadcast_in_dim3A_296] : memref<256x64xf32, #tpu.memory_space<vmem>>[vector<16xi32>, vector<16xi32>], vector<16xf32>,
      %mul3A_299 = arith.mulf %gather3A_297, %gather3A_298 : vector<16xf32>
      %add3A_300 = arith.addf %add3A_276, %mul3A_299 : vector<16xf32>
      %broadcast_in_dim3A_301 = arith.constant 42 : i32
      %broadcast_in_dim3A_302 = vector.broadcast %broadcast_in_dim3A_301 : i32 to vector<16xi32>
      %gather3A_303 = tpu.vector_load_idx %arg11[%add3A_42, %broadcast_in_dim3A_302] : memref<256x64xf32, #tpu.memory_space<vmem>>[vector<16xi32>, vector<16xi32>], vector<16xf32>,
      %gather3A_304 = tpu.vector_load_idx %arg12[%add3A_42, %broadcast_in_dim3A_302] : memref<256x64xf32, #tpu.memory_space<vmem>>[vector<16xi32>, vector<16xi32>], vector<16xf32>,
      %mul3A_305 = arith.mulf %gather3A_303, %gather3A_304 : vector<16xf32>
      %add3A_306 = arith.addf %add3A_282, %mul3A_305 : vector<16xf32>
      %broadcast_in_dim3A_307 = arith.constant 43 : i32
      %broadcast_in_dim3A_308 = vector.broadcast %broadcast_in_dim3A_307 : i32 to vector<16xi32>
      %gather3A_309 = tpu.vector_load_idx %arg11[%add3A_42, %broadcast_in_dim3A_308] : memref<256x64xf32, #tpu.memory_space<vmem>>[vector<16xi32>, vector<16xi32>], vector<16xf32>,
      %gather3A_310 = tpu.vector_load_idx %arg12[%add3A_42, %broadcast_in_dim3A_308] : memref<256x64xf32, #tpu.memory_space<vmem>>[vector<16xi32>, vector<16xi32>], vector<16xf32>,
      %mul3A_311 = arith.mulf %gather3A_309, %gather3A_310 : vector<16xf32>
      %add3A_312 = arith.addf %add3A_288, %mul3A_311 : vector<16xf32>
      %broadcast_in_dim3A_313 = arith.constant 44 : i32
      %broadcast_in_dim3A_314 = vector.broadcast %broadcast_in_dim3A_313 : i32 to vector<16xi32>
      %gather3A_315 = tpu.vector_load_idx %arg11[%add3A_42, %broadcast_in_dim3A_314] : memref<256x64xf32, #tpu.memory_space<vmem>>[vector<16xi32>, vector<16xi32>], vector<16xf32>,
      %gather3A_316 = tpu.vector_load_idx %arg12[%add3A_42, %broadcast_in_dim3A_314] : memref<256x64xf32, #tpu.memory_space<vmem>>[vector<16xi32>, vector<16xi32>], vector<16xf32>,
      %mul3A_317 = arith.mulf %gather3A_315, %gather3A_316 : vector<16xf32>
      %add3A_318 = arith.addf %add3A_294, %mul3A_317 : vector<16xf32>
      %broadcast_in_dim3A_319 = arith.constant 45 : i32
      %broadcast_in_dim3A_320 = vector.broadcast %broadcast_in_dim3A_319 : i32 to vector<16xi32>
      %gather3A_321 = tpu.vector_load_idx %arg11[%add3A_42, %broadcast_in_dim3A_320] : memref<256x64xf32, #tpu.memory_space<vmem>>[vector<16xi32>, vector<16xi32>], vector<16xf32>,
      %gather3A_322 = tpu.vector_load_idx %arg12[%add3A_42, %broadcast_in_dim3A_320] : memref<256x64xf32, #tpu.memory_space<vmem>>[vector<16xi32>, vector<16xi32>], vector<16xf32>,
      %mul3A_323 = arith.mulf %gather3A_321, %gather3A_322 : vector<16xf32>
      %add3A_324 = arith.addf %add3A_300, %mul3A_323 : vector<16xf32>
      %broadcast_in_dim3A_325 = arith.constant 46 : i32
      %broadcast_in_dim3A_326 = vector.broadcast %broadcast_in_dim3A_325 : i32 to vector<16xi32>
      %gather3A_327 = tpu.vector_load_idx %arg11[%add3A_42, %broadcast_in_dim3A_326] : memref<256x64xf32, #tpu.memory_space<vmem>>[vector<16xi32>, vector<16xi32>], vector<16xf32>,
      %gather3A_328 = tpu.vector_load_idx %arg12[%add3A_42, %broadcast_in_dim3A_326] : memref<256x64xf32, #tpu.memory_space<vmem>>[vector<16xi32>, vector<16xi32>], vector<16xf32>,
      %mul3A_329 = arith.mulf %gather3A_327, %gather3A_328 : vector<16xf32>
      %add3A_330 = arith.addf %add3A_306, %mul3A_329 : vector<16xf32>
      %broadcast_in_dim3A_331 = arith.constant 47 : i32
      %broadcast_in_dim3A_332 = vector.broadcast %broadcast_in_dim3A_331 : i32 to vector<16xi32>
      %gather3A_333 = tpu.vector_load_idx %arg11[%add3A_42, %broadcast_in_dim3A_332] : memref<256x64xf32, #tpu.memory_space<vmem>>[vector<16xi32>, vector<16xi32>], vector<16xf32>,
      %gather3A_334 = tpu.vector_load_idx %arg12[%add3A_42, %broadcast_in_dim3A_332] : memref<256x64xf32, #tpu.memory_space<vmem>>[vector<16xi32>, vector<16xi32>], vector<16xf32>,
      %mul3A_335 = arith.mulf %gather3A_333, %gather3A_334 : vector<16xf32>
      %add3A_336 = arith.addf %add3A_312, %mul3A_335 : vector<16xf32>
      %broadcast_in_dim3A_337 = arith.constant 48 : i32
      %broadcast_in_dim3A_338 = vector.broadcast %broadcast_in_dim3A_337 : i32 to vector<16xi32>
      %gather3A_339 = tpu.vector_load_idx %arg11[%add3A_42, %broadcast_in_dim3A_338] : memref<256x64xf32, #tpu.memory_space<vmem>>[vector<16xi32>, vector<16xi32>], vector<16xf32>,
      %gather3A_340 = tpu.vector_load_idx %arg12[%add3A_42, %broadcast_in_dim3A_338] : memref<256x64xf32, #tpu.memory_space<vmem>>[vector<16xi32>, vector<16xi32>], vector<16xf32>,
      %mul3A_341 = arith.mulf %gather3A_339, %gather3A_340 : vector<16xf32>
      %add3A_342 = arith.addf %add3A_318, %mul3A_341 : vector<16xf32>
      %broadcast_in_dim3A_343 = arith.constant 49 : i32
      %broadcast_in_dim3A_344 = vector.broadcast %broadcast_in_dim3A_343 : i32 to vector<16xi32>
      %gather3A_345 = tpu.vector_load_idx %arg11[%add3A_42, %broadcast_in_dim3A_344] : memref<256x64xf32, #tpu.memory_space<vmem>>[vector<16xi32>, vector<16xi32>], vector<16xf32>,
      %gather3A_346 = tpu.vector_load_idx %arg12[%add3A_42, %broadcast_in_dim3A_344] : memref<256x64xf32, #tpu.memory_space<vmem>>[vector<16xi32>, vector<16xi32>], vector<16xf32>,
      %mul3A_347 = arith.mulf %gather3A_345, %gather3A_346 : vector<16xf32>
      %add3A_348 = arith.addf %add3A_324, %mul3A_347 : vector<16xf32>
      %broadcast_in_dim3A_349 = arith.constant 50 : i32
      %broadcast_in_dim3A_350 = vector.broadcast %broadcast_in_dim3A_349 : i32 to vector<16xi32>
      %gather3A_351 = tpu.vector_load_idx %arg11[%add3A_42, %broadcast_in_dim3A_350] : memref<256x64xf32, #tpu.memory_space<vmem>>[vector<16xi32>, vector<16xi32>], vector<16xf32>,
      %gather3A_352 = tpu.vector_load_idx %arg12[%add3A_42, %broadcast_in_dim3A_350] : memref<256x64xf32, #tpu.memory_space<vmem>>[vector<16xi32>, vector<16xi32>], vector<16xf32>,
      %mul3A_353 = arith.mulf %gather3A_351, %gather3A_352 : vector<16xf32>
      %add3A_354 = arith.addf %add3A_330, %mul3A_353 : vector<16xf32>
      %broadcast_in_dim3A_355 = arith.constant 51 : i32
      %broadcast_in_dim3A_356 = vector.broadcast %broadcast_in_dim3A_355 : i32 to vector<16xi32>
      %gather3A_357 = tpu.vector_load_idx %arg11[%add3A_42, %broadcast_in_dim3A_356] : memref<256x64xf32, #tpu.memory_space<vmem>>[vector<16xi32>, vector<16xi32>], vector<16xf32>,
      %gather3A_358 = tpu.vector_load_idx %arg12[%add3A_42, %broadcast_in_dim3A_356] : memref<256x64xf32, #tpu.memory_space<vmem>>[vector<16xi32>, vector<16xi32>], vector<16xf32>,
      %mul3A_359 = arith.mulf %gather3A_357, %gather3A_358 : vector<16xf32>
      %add3A_360 = arith.addf %add3A_336, %mul3A_359 : vector<16xf32>
      %broadcast_in_dim3A_361 = arith.constant 52 : i32
      %broadcast_in_dim3A_362 = vector.broadcast %broadcast_in_dim3A_361 : i32 to vector<16xi32>
      %gather3A_363 = tpu.vector_load_idx %arg11[%add3A_42, %broadcast_in_dim3A_362] : memref<256x64xf32, #tpu.memory_space<vmem>>[vector<16xi32>, vector<16xi32>], vector<16xf32>,
      %gather3A_364 = tpu.vector_load_idx %arg12[%add3A_42, %broadcast_in_dim3A_362] : memref<256x64xf32, #tpu.memory_space<vmem>>[vector<16xi32>, vector<16xi32>], vector<16xf32>,
      %mul3A_365 = arith.mulf %gather3A_363, %gather3A_364 : vector<16xf32>
      %add3A_366 = arith.addf %add3A_342, %mul3A_365 : vector<16xf32>
      %broadcast_in_dim3A_367 = arith.constant 53 : i32
      %broadcast_in_dim3A_368 = vector.broadcast %broadcast_in_dim3A_367 : i32 to vector<16xi32>
      %gather3A_369 = tpu.vector_load_idx %arg11[%add3A_42, %broadcast_in_dim3A_368] : memref<256x64xf32, #tpu.memory_space<vmem>>[vector<16xi32>, vector<16xi32>], vector<16xf32>,
      %gather3A_370 = tpu.vector_load_idx %arg12[%add3A_42, %broadcast_in_dim3A_368] : memref<256x64xf32, #tpu.memory_space<vmem>>[vector<16xi32>, vector<16xi32>], vector<16xf32>,
      %mul3A_371 = arith.mulf %gather3A_369, %gather3A_370 : vector<16xf32>
      %add3A_372 = arith.addf %add3A_348, %mul3A_371 : vector<16xf32>
      %broadcast_in_dim3A_373 = arith.constant 54 : i32
      %broadcast_in_dim3A_374 = vector.broadcast %broadcast_in_dim3A_373 : i32 to vector<16xi32>
      %gather3A_375 = tpu.vector_load_idx %arg11[%add3A_42, %broadcast_in_dim3A_374] : memref<256x64xf32, #tpu.memory_space<vmem>>[vector<16xi32>, vector<16xi32>], vector<16xf32>,
      %gather3A_376 = tpu.vector_load_idx %arg12[%add3A_42, %broadcast_in_dim3A_374] : memref<256x64xf32, #tpu.memory_space<vmem>>[vector<16xi32>, vector<16xi32>], vector<16xf32>,
      %mul3A_377 = arith.mulf %gather3A_375, %gather3A_376 : vector<16xf32>
      %add3A_378 = arith.addf %add3A_354, %mul3A_377 : vector<16xf32>
      %broadcast_in_dim3A_379 = arith.constant 55 : i32
      %broadcast_in_dim3A_380 = vector.broadcast %broadcast_in_dim3A_379 : i32 to vector<16xi32>
      %gather3A_381 = tpu.vector_load_idx %arg11[%add3A_42, %broadcast_in_dim3A_380] : memref<256x64xf32, #tpu.memory_space<vmem>>[vector<16xi32>, vector<16xi32>], vector<16xf32>,
      %gather3A_382 = tpu.vector_load_idx %arg12[%add3A_42, %broadcast_in_dim3A_380] : memref<256x64xf32, #tpu.memory_space<vmem>>[vector<16xi32>, vector<16xi32>], vector<16xf32>,
      %mul3A_383 = arith.mulf %gather3A_381, %gather3A_382 : vector<16xf32>
      %add3A_384 = arith.addf %add3A_360, %mul3A_383 : vector<16xf32>
      %broadcast_in_dim3A_385 = arith.constant 56 : i32
      %broadcast_in_dim3A_386 = vector.broadcast %broadcast_in_dim3A_385 : i32 to vector<16xi32>
      %gather3A_387 = tpu.vector_load_idx %arg11[%add3A_42, %broadcast_in_dim3A_386] : memref<256x64xf32, #tpu.memory_space<vmem>>[vector<16xi32>, vector<16xi32>], vector<16xf32>,
      %gather3A_388 = tpu.vector_load_idx %arg12[%add3A_42, %broadcast_in_dim3A_386] : memref<256x64xf32, #tpu.memory_space<vmem>>[vector<16xi32>, vector<16xi32>], vector<16xf32>,
      %mul3A_389 = arith.mulf %gather3A_387, %gather3A_388 : vector<16xf32>
      %add3A_390 = arith.addf %add3A_366, %mul3A_389 : vector<16xf32>
      %broadcast_in_dim3A_391 = arith.constant 57 : i32
      %broadcast_in_dim3A_392 = vector.broadcast %broadcast_in_dim3A_391 : i32 to vector<16xi32>
      %gather3A_393 = tpu.vector_load_idx %arg11[%add3A_42, %broadcast_in_dim3A_392] : memref<256x64xf32, #tpu.memory_space<vmem>>[vector<16xi32>, vector<16xi32>], vector<16xf32>,
      %gather3A_394 = tpu.vector_load_idx %arg12[%add3A_42, %broadcast_in_dim3A_392] : memref<256x64xf32, #tpu.memory_space<vmem>>[vector<16xi32>, vector<16xi32>], vector<16xf32>,
      %mul3A_395 = arith.mulf %gather3A_393, %gather3A_394 : vector<16xf32>
      %add3A_396 = arith.addf %add3A_372, %mul3A_395 : vector<16xf32>
      %broadcast_in_dim3A_397 = arith.constant 58 : i32
      %broadcast_in_dim3A_398 = vector.broadcast %broadcast_in_dim3A_397 : i32 to vector<16xi32>
      %gather3A_399 = tpu.vector_load_idx %arg11[%add3A_42, %broadcast_in_dim3A_398] : memref<256x64xf32, #tpu.memory_space<vmem>>[vector<16xi32>, vector<16xi32>], vector<16xf32>,
      %gather3A_400 = tpu.vector_load_idx %arg12[%add3A_42, %broadcast_in_dim3A_398] : memref<256x64xf32, #tpu.memory_space<vmem>>[vector<16xi32>, vector<16xi32>], vector<16xf32>,
      %mul3A_401 = arith.mulf %gather3A_399, %gather3A_400 : vector<16xf32>
      %add3A_402 = arith.addf %add3A_378, %mul3A_401 : vector<16xf32>
      %broadcast_in_dim3A_403 = arith.constant 59 : i32
      %broadcast_in_dim3A_404 = vector.broadcast %broadcast_in_dim3A_403 : i32 to vector<16xi32>
      %gather3A_405 = tpu.vector_load_idx %arg11[%add3A_42, %broadcast_in_dim3A_404] : memref<256x64xf32, #tpu.memory_space<vmem>>[vector<16xi32>, vector<16xi32>], vector<16xf32>,
      %gather3A_406 = tpu.vector_load_idx %arg12[%add3A_42, %broadcast_in_dim3A_404] : memref<256x64xf32, #tpu.memory_space<vmem>>[vector<16xi32>, vector<16xi32>], vector<16xf32>,
      %mul3A_407 = arith.mulf %gather3A_405, %gather3A_406 : vector<16xf32>
      %add3A_408 = arith.addf %add3A_384, %mul3A_407 : vector<16xf32>
      %broadcast_in_dim3A_409 = arith.constant 60 : i32
      %broadcast_in_dim3A_410 = vector.broadcast %broadcast_in_dim3A_409 : i32 to vector<16xi32>
      %gather3A_411 = tpu.vector_load_idx %arg11[%add3A_42, %broadcast_in_dim3A_410] : memref<256x64xf32, #tpu.memory_space<vmem>>[vector<16xi32>, vector<16xi32>], vector<16xf32>,
      %gather3A_412 = tpu.vector_load_idx %arg12[%add3A_42, %broadcast_in_dim3A_410] : memref<256x64xf32, #tpu.memory_space<vmem>>[vector<16xi32>, vector<16xi32>], vector<16xf32>,
      %mul3A_413 = arith.mulf %gather3A_411, %gather3A_412 : vector<16xf32>
      %add3A_414 = arith.addf %add3A_390, %mul3A_413 : vector<16xf32>
      %broadcast_in_dim3A_415 = arith.constant 61 : i32
      %broadcast_in_dim3A_416 = vector.broadcast %broadcast_in_dim3A_415 : i32 to vector<16xi32>
      %gather3A_417 = tpu.vector_load_idx %arg11[%add3A_42, %broadcast_in_dim3A_416] : memref<256x64xf32, #tpu.memory_space<vmem>>[vector<16xi32>, vector<16xi32>], vector<16xf32>,
      %gather3A_418 = tpu.vector_load_idx %arg12[%add3A_42, %broadcast_in_dim3A_416] : memref<256x64xf32, #tpu.memory_space<vmem>>[vector<16xi32>, vector<16xi32>], vector<16xf32>,
      %mul3A_419 = arith.mulf %gather3A_417, %gather3A_418 : vector<16xf32>
      %add3A_420 = arith.addf %add3A_396, %mul3A_419 : vector<16xf32>
      %broadcast_in_dim3A_421 = arith.constant 62 : i32
      %broadcast_in_dim3A_422 = vector.broadcast %broadcast_in_dim3A_421 : i32 to vector<16xi32>
      %gather3A_423 = tpu.vector_load_idx %arg11[%add3A_42, %broadcast_in_dim3A_422] : memref<256x64xf32, #tpu.memory_space<vmem>>[vector<16xi32>, vector<16xi32>], vector<16xf32>,
      %gather3A_424 = tpu.vector_load_idx %arg12[%add3A_42, %broadcast_in_dim3A_422] : memref<256x64xf32, #tpu.memory_space<vmem>>[vector<16xi32>, vector<16xi32>], vector<16xf32>,
      %mul3A_425 = arith.mulf %gather3A_423, %gather3A_424 : vector<16xf32>
      %add3A_426 = arith.addf %add3A_402, %mul3A_425 : vector<16xf32>
      %broadcast_in_dim3A_427 = arith.constant 63 : i32
      %broadcast_in_dim3A_428 = vector.broadcast %broadcast_in_dim3A_427 : i32 to vector<16xi32>
      %gather3A_429 = tpu.vector_load_idx %arg11[%add3A_42, %broadcast_in_dim3A_428] : memref<256x64xf32, #tpu.memory_space<vmem>>[vector<16xi32>, vector<16xi32>], vector<16xf32>,
      %gather3A_430 = tpu.vector_load_idx %arg12[%add3A_42, %broadcast_in_dim3A_428] : memref<256x64xf32, #tpu.memory_space<vmem>>[vector<16xi32>, vector<16xi32>], vector<16xf32>,
      %mul3A_431 = arith.mulf %gather3A_429, %gather3A_430 : vector<16xf32>
      %add3A_432 = arith.addf %add3A_408, %mul3A_431 : vector<16xf32>
      %add3A_433 = arith.addf %add3A_414, %add3A_420 : vector<16xf32>
      %add3A_434 = arith.addf %add3A_426, %add3A_432 : vector<16xf32>
      %add3A_435 = arith.addf %add3A_433, %add3A_434 : vector<16xf32>
      %mul3A_436 = arith.constant 16 : i32
      %mul3A_437 = arith.muli %scan3A_38, %mul3A_436 : i32
      %add3A_438 = arith.constant 256 : i32
      %add3A_439 = arith.addi %add3A_438, %mul3A_437 : i32
      %get3A = arith.index_cast %add3A_439 : i32 to index
      %get3A_440 = tpu.vector_load %arg10[%get3A] {strides = array<i32>} : memref<512xf32, #tpu.memory_space<vmem>>, vector<16xf32>,
      %add3A_441 = arith.addf %add3A_435, %get3A_440 : vector<16xf32>
      %mul3A_442 = arith.constant 16 : i32
      %mul3A_443 = arith.muli %scan3A_38, %mul3A_442 : i32
      %add3A_444 = arith.constant 256 : i32
      %add3A_445 = arith.addi %add3A_444, %mul3A_443 : i32
      %swap3A = arith.index_cast %add3A_445 : i32 to index
      %swap3A_446 = tpu.vector_load %arg13[%swap3A] {strides = array<i32>} : memref<512xf32, #tpu.memory_space<vmem>>, vector<16xf32>,
      tpu.vector_store %arg13[%swap3A], %add3A_441 {strides = array<i32>} : memref<512xf32, #tpu.memory_space<vmem>>, vector<16xf32>,
    }
    %scan3A_37 = arith.constant 16 : i32
    "tpu.region"() ({
      %run_scoped3A = tpu.sem_alloc : memref<!tpu.dma_semaphore, #tpu.memory_space<semaphore_mem>>
      %dma_start3A = tpu.memref_slice %arg7[%mul3A_2] : memref<16384xf32, #tpu.memory_space<hbm>> -> memref<512xf32, #tpu.memory_space<hbm>>
      %dma_start3A_38 = tpu.memref_slice %arg7[%mul3A_2] : memref<16384xf32, #tpu.memory_space<hbm>> -> memref<512xf32, #tpu.memory_space<hbm>>
      tpu.enqueue_dma source(%arg13 : memref<512xf32, #tpu.memory_space<vmem>>) target(%dma_start3A_38 : memref<512xf32, #tpu.memory_space<hbm>>) target_semaphore(%run_scoped3A : memref<!tpu.dma_semaphore, #tpu.memory_space<semaphore_mem>>)
      %dma_wait3A = tpu.memref_slice %arg7[%mul3A_2] : memref<16384xf32, #tpu.memory_space<hbm>> -> memref<512xf32, #tpu.memory_space<hbm>>
      %dma_wait3A_39 = tpu.memref_slice %arg7[%mul3A_2] : memref<16384xf32, #tpu.memory_space<hbm>> -> memref<512xf32, #tpu.memory_space<hbm>>
      tpu.wait_dma2 semaphore(%run_scoped3A : memref<!tpu.dma_semaphore, #tpu.memory_space<semaphore_mem>>) src(%arg13 : memref<512xf32, #tpu.memory_space<vmem>>) dst(%dma_wait3A_39 : memref<512xf32, #tpu.memory_space<hbm>>)
      tpu.yield
    }) : () -> ()
    return
  }
}

</mosaic_0001>

<sc_bundles>
// kernel: kernel.4.cloned.1.call-start
scs
__scs_entry_jumppad:
0x0: {  	(pc) =	sbr.rel $0x88, $3  }
0x1: {  	(tag) =	ssettag $0x0;
	lr =	simm.s32 $0x1  }
0x2: {  	[smem:$0x3F9C] =	sst lr;
	_ =	strace $0xD0000000  }
0x3: {  	_ = 	snop  }
0x4: {  	_ = 	snop  }
0x5: {  	_ = 	snop  }
0x6: {  	_ = 	snop  }
0x7: {  	_ = 	snop  }
__scs_overlays_trampoline_lowered:
0x8: {  	[smem:$0x3FAB] =	sst s0  }
0x9: {  	[smem:$0x3FAC] =	sst s1  }
0xa: {  	[smem:$0x3FAD] =	sst s2  }
0xb: {  	[smem:$0x3FAE] =	sst s3  }
0xc: {  	[smem:$0x3FAF] =	sst s4  }
0xd: {  	[smem:$0x3FB0] =	sst s5  }
0xe: {  	[smem:$0x3FB1] =	sst s6  }
0xf: {  	[smem:$0x3FB2] =	sst s7  }
0x10: {  	[smem:$0x3FB3] =	sst s8  }
0x11: {  	[smem:$0x3FB4] =	sst s9;
	s0 =	simm.s32 @!p0 $0x0  }
0x12: {  	s1 =	sld [smem:$0x3F9A];
	s0 =	simm.s32 @p0 $0x1  }
0x13: {  	[smem:$0x3FB5] =	sst s0;
	s0 =	simm.s32 @!p1 $0x0  }
0x14: {  	s2 =	sld [smem:$0x3F99];
	s0 =	simm.s32 @p1 $0x1  }
0x15: {  	[smem:$0x3FB6] =	sst s0;
	s0 =	simm.s32 @!p2 $0x0  }
0x16: {  	s3 =	sld [smem:$0x3FDB];
	s0 =	simm.s32 @p2 $0x1  }
0x17: {  	s4 =	simm.s32 $0x1BF5;
	[smem:$0x3FB8] =	sst s0  }
0x18: {  	s0 =	sld [smem:$0x3F9B];
	_ =	swait.ge [sflag:s4], $0x0  }
0x19: {  	s7 =	sld [smem:$0x3F9C]  }
0x1a: {  	s8 =	sadd.s32 $0xFFFFE003, lr  }
0x1b: {  	s9 =	sadd.s32 $0xFFFFFEF7, lr;
	s5 =	simm.s32 $0xFFFFFFFF;
	p2 =	slt.u32 s8, $0xFFFFF086  }
0x1c: {  	p1 =	slt.u32 s9, $0xF7A;
	s5 =	simm.s32 @!p2 $0x0  }
0x1d: {  	s5 =	simm.s32 @p1 $0x1;
	p0 =	seq.s32 s7, s2  }
0x1e: {  	s7 =	smul.u32 @!p0 $0xF7A, s2;
	p2 =	seq.s32 @!p0 s5, $0x0  }
0x1f: {  	s9 =	smul.u32 $0xF7A, s1;
	s8 =	simm.s32 @!p0 $0x1BF5;
	p2 =	por !p2, p0  }
0x20: {  	[sflag:s8] =	ssyncset.s32 @!p0 $0xFFFFF086;
	s6 =	sadd.s32 @!p0 s3, s7;
	s7 =	simm.s32 @!p0 $0x108  }
0x21: {  	s3 =	sadd.s32 s3, s9;
	s6 =	sadd.s32 @!p0 $0x88, s6;
	s7 =	simm.s32 @p2 $0x1082  }
0x22: {  	[simem:s7], [sflag:s8] =	dma.local @!p0 [hbm:s6], $0xF7A  }
0x23: {  	s9 =	sor.u32 $0xD0000000, s2;
	s6 =	simm.s32 $0x108;
	_ =	swait.ge @!p0 [sflag:s8], $0x0  }
0x24: {  	s3 =	sadd.s32 $0x88, s3;
	s6 =	simm.s32 @!p1 $0x1082;
	[sflag:s4] =	ssyncset.s32 $0xFFFFF086  }
0x25: {  	[simem:s6], [sflag:s4] =	dma.local [hbm:s3], $0xF7A  }
0x26: {  	[smem:$0x3F9C] =	sst s1;
	(tag) =	ssettag s2;
	_ =	strace s9  }
0x27: {  	s1 =	sld [smem:$0x3FAC]  }
0x28: {  	s2 =	sld [smem:$0x3FAD]  }
0x29: {  	s4 =	sld [smem:$0x3FAF]  }
0x2a: {  	p0 =	seq.s32 s5, $0x0;
	s5 =	sld [smem:$0x3FB0]  }
0x2b: {  	s6 =	sld [smem:$0x3FB1]  }
0x2c: {  	s7 =	sld [smem:$0x3FB2]  }
0x2d: {  	s3 =	simm.s32 $0x108;
	s8 =	sld [smem:$0x3FB3]  }
0x2e: {  	s3 =	simm.s32 @!p0 $0x1082;
	s9 =	sld [smem:$0x3FB4]  }
0x2f: {  	lr =	sadd.s32 s0, s3;
	s0 =	sld [smem:$0x3FAB]  }
0x30: {  	s3 =	sld [smem:$0x3FAE]  }
0x31: {  	[smem:$0x3FB7] =	sst s10  }
0x32: {  	s10 =	sld [smem:$0x3FB5];
	_ =	sdelay $0x3  }
0x33: {  	p0 =	seq.s32 s10, $0x1;
	s10 =	sld [smem:$0x3FB7];
	_ =	sdelay $0x3  }
0x34: {  	[smem:$0x3FB7] =	sst s10  }
0x35: {  	s10 =	sld [smem:$0x3FB6];
	_ =	sdelay $0x3  }
0x36: {  	p1 =	seq.s32 s10, $0x1;
	s10 =	sld [smem:$0x3FB7];
	_ =	sdelay $0x3  }
0x37: {  	[smem:$0x3FB7] =	sst s10  }
0x38: {  	s10 =	sld [smem:$0x3FB8]  }
0x39: {  	_ = 	snop;
	(pc) =	sbr.ind lr, $3  }
0x3a: {  	_ = 	snop  }
0x3b: {  	_ = 	snop  }
0x3c: {  	p2 =	seq.s32 s10, $0x1;
	s10 =	sld [smem:$0x3FB7]  }
0x3d: {  	_ =	shalt  }
0x3e: {  	_ =	shalt  }
0x3f: {  	_ =	shalt  }
0x40: {  	_ =	shalt  }
0x41: {  	_ =	shalt  }
0x42: {  	_ =	shalt  }
0x43: {  	_ =	shalt  }
0x44: {  	_ =	shalt  }
0x45: {  	_ =	shalt  }
0x46: {  	_ =	shalt  }
0x47: {  	_ =	shalt  }
0x48: {  	_ =	shalt  }
0x49: {  	_ =	shalt  }
0x4a: {  	_ =	shalt  }
0x4b: {  	_ =	shalt  }
0x4c: {  	_ =	shalt  }
0x4d: {  	_ =	shalt  }
0x4e: {  	_ =	shalt  }
0x4f: {  	_ =	shalt  }
0x50: {  	_ =	shalt  }
0x51: {  	_ =	shalt  }
0x52: {  	_ =	shalt  }
0x53: {  	_ =	shalt  }
0x54: {  	_ =	shalt  }
0x55: {  	_ =	shalt  }
0x56: {  	_ =	shalt  }
0x57: {  	_ =	shalt  }
0x58: {  	_ =	shalt  }
0x59: {  	_ =	shalt  }
0x5a: {  	_ =	shalt  }
0x5b: {  	_ =	shalt  }
0x5c: {  	_ =	shalt  }
0x5d: {  	_ =	shalt  }
0x5e: {  	_ =	shalt  }
0x5f: {  	_ =	shalt  }
0x60: {  	_ =	shalt  }
0x61: {  	_ =	shalt  }
0x62: {  	_ =	shalt  }
0x63: {  	_ =	shalt  }
0x64: {  	_ =	shalt  }
0x65: {  	_ =	shalt  }
0x66: {  	_ =	shalt  }
0x67: {  	_ =	shalt  }
0x68: {  	_ =	shalt  }
0x69: {  	_ =	shalt  }
0x6a: {  	_ =	shalt  }
0x6b: {  	_ =	shalt  }
0x6c: {  	_ =	shalt  }
0x6d: {  	_ =	shalt  }
0x6e: {  	_ =	shalt  }
0x6f: {  	_ =	shalt  }
0x70: {  	_ =	shalt  }
0x71: {  	_ =	shalt  }
0x72: {  	_ =	shalt  }
0x73: {  	_ =	shalt  }
0x74: {  	_ =	shalt  }
0x75: {  	_ =	shalt  }
0x76: {  	_ =	shalt  }
0x77: {  	_ =	shalt  }
0x78: {  	_ =	shalt  }
0x79: {  	_ =	shalt  }
0x7a: {  	_ =	shalt  }
0x7b: {  	_ =	shalt  }
0x7c: {  	_ =	shalt  }
0x7d: {  	_ =	shalt  }
0x7e: {  	_ =	shalt  }
0x7f: {  	_ =	shalt  }
0x80: {  	_ =	shalt  }
0x81: {  	_ =	shalt  }
0x82: {  	_ =	shalt  }
0x83: {  	_ =	shalt  }
0x84: {  	_ =	shalt  }
0x85: {  	_ =	shalt  }
0x86: {  	_ =	shalt  }
0x87: {  	_ =	shalt  }
.Lfunc_end0:
.L_simem_size_0:
called_computation_lowered:
.L_overlay_start_0:
0x88: {  	s2 =	sld [smem:$0x3FD9]  }
0x89: {  	s3 =	sld [smem:$0x3FFE];
	_ =	sdelay $0x1  }
0x8a: {  	s1 =	srdreg.scid  }
0x8b: {  	s0 =	sand.u32 $0x1, s1  }
0x8c: {  	s17 =	sshll.u32 s0, $0xA;
	s2 =	sadd.s32 s3, s2  }
0x8d: {  	s2 =	sadd.s32 s2, s17  }
0x8e: {  	[smem:$0x3FC3] =	sst s2  }
0x8f: {  	_ = 	snop  }
0x90: {  	s2 =	sld [smem:$0x3FD0];
	(tm) =	ssettm $0x1  }
0x91: {  	s18 =	sld [smem:$0x3FFB];
	_ =	sdelay $0x3  }
0x92: {  	_ =	strace s18  }
0x93: {  	s3 =	sld [smem:$0x3FFC];
	_ =	sdelay $0x3  }
0x94: {  	_ =	strace s3  }
0x95: {  	s3 =	sld [smem:$0x3FFD];
	_ =	sdelay $0x3  }
0x96: {  	_ =	strace s3  }
0x97: {  	_ =	strace $0x8FFFFFFF  }
0x98: {  	s19 =	sld [smem:$0x3FDB];
	_ =	sdelay $0x1  }
0x99: {  	s4 =	simm.s32 $_scs_section_size  }
0x9a: {  	s5 =	simm.s32 $_size__tile_overlayer_lowered;
	s6 =	simm.s32 $_tile_overlayer_lowered  }
0x9b: {  	s22 =	simm.s32 $0x1BFF;
	s21 =	sshll.u32 s6, $0x1;
	s3 =	sadd.s32 s4, s19  }
0x9c: {  	s7 =	simm.s32 $0x0;
	s20 =	sshll.u32 s5, $0x1;
	s5 =	sadd.s32 s21, s3  }
0x9d: {  	[timem:s7], [sflag:s22] =	dma.local [hbm:s5], s20  }
0x9e: {  	_ =	swait.ge [sflag:s22], s20  }
0x9f: {  	s4 =	ssub.s32 $0x0, s20;
	[sflag:s22] =	ssyncset.done $0x0  }
0xa0: {  	[sflag:s22] =	ssyncadd.s32 s4;
	_ =	sdelay $0x1  }
0xa1: {  	s23 =	simm.s32 $0x1B8B  }
0xa2: {  	_ =	swait.ge [sflag:s23], $0x1  }
0xa3: {  	[sflag:s23] =	ssyncset.done $0x0  }
0xa4: {  	s25 =	simm.s32 $0x1B8E;
	s24 =	sld [smem:$0x3FFE];
	[sflag:s23] =	ssyncadd.s32 $0xFFFFFFFF  }
0xa5: {  	s26 =	simm.s32 $execute0_lowered;
	[smem:$0x3FD2] =	sst s25  }
0xa6: {  	s5 =	sshll.u32 s26, $0x1;
	_ =	strace $0x80000046;
	[dreg:$0x1] =	wrdreg $0xFFFFFFFF  }
0xa7: {  	s28 =	simm.s32 $_size_execute0_lowered;
	s3 =	sadd.s32 s3, s5;
	[dreg:$0x0] =	wrdreg $0x0  }
0xa8: {  	s5 =	sshll.u32 s28, $0x1;
	[dreg:$0x2] =	wrdreg s3  }
0xa9: {  	[dreg:$0x3] =	wrdreg s5  }
0xaa: {  	[dreg:$0x4] =	wrdreg $0xC0  }
0xab: {  	_ =	task [dreg:s7], $0x5FFFF  }
0xac: {  	[dreg:$0x1] =	wrdreg $0xFFFFFFFF  }
0xad: {  	[dreg:$0x0] =	wrdreg $0x60  }
0xae: {  	[dreg:$0x2] =	wrdreg s24  }
0xaf: {  	[dreg:$0x3] =	wrdreg s2  }
0xb0: {  	[dreg:$0x4] =	wrdreg $0x9  }
0xb1: {  	_ =	task.clear_ibuf [dreg:s7], $0x5FFFF;
	_ =	strace $0x90000046  }
0xb2: {  	s29 =	simm.s32 $0x9;
	_ =	strace $0x80000048  }
0xb3: {  	_ =	swait.ge [sflag:s29], $0x1  }
0xb4: {  	[sflag:s29] =	ssyncadd.s32 $0xFFFFFFFF  }
0xb5: {  	_ =	strace $0x90000048  }
0xb6: {  	_ =	sfence  }
0xb7: {  	s30 =	sld [smem:$0x0];
	_ =	sdelay $0x2  }
0xb8: {  	s31 =	sshll.u32 s1, $0xD;
	s1 =	sshrl.u32 s1, $0x2  }
0xb9: {  	s3 =	sand.u32 $0x4000, s31;
	s1 =	sadd.s32 s1, s30  }
0xba: {  	s0 =	sor.u32 s3, s0;
	s1 =	sshll.u32 s1, $0x11  }
0xbb: {  	s0 =	sor.u32 s1, s0  }
0xbc: {  	s0 =	sadd.s32 $0x8F2B, s0  }
0xbd: {  	[sflag:s0] =	ssyncadd.remote.s32 $0x1  }
0xbe: {  	_ =	sfence.sel $0xFFFF  }
0xbf: {  	[dreg:$0x0] =	wrdreg $0xFFFFFFFF;
	(pc) =	sbr.abs _section_cstart, $3  }
0xc0: {  	[dreg:$0x1] =	wrdreg $0xFFFFFFFF  }
0xc1: {  	_ =	task.clear_ibuf [dreg:s7], $0x2FFFF;
	_ =	strace $0x9FFFFFFF  }
0xc2: {  	(tm) =	ssettm $0x7FFFFFFF  }
0xc3: {  	_ =	shalt  }
tec
execute0_lowered:
.L_overlay_start_1:
0x0: {  	(tag) =	ssettag $0x1  }
0x1: {  	s5 =	rddreg [dreg:$0x0]  }
0x2: {  	s6 =	rddreg [dreg:$0x1]  }
0x3: {  	s0 =	rddreg [dreg:$0x2];
	s1 =	simm.s32 $0x0  }
0x4: {  	s4 =	srdreg.scid;
	s2 =	stileid.u32;
	s11 =	simm.s32 $0x2  }
0x5: {  	s12 =	simm.s32 $0x400;
	s13 =	simm.s32 $0x600;
	s14 =	simm.s32 $0x800  }
0x6: {  	s15 =	simm.s32 $0x2800;
	s16 =	simm.s32 $0x1;
	s17 =	simm.s32 $0x4800  }
0x7: {  	s18 =	simm.s32 $0x0;
	[smem:$0x7FF] =	sst s1;
	s4 =	sand.u32 $0x1, s4  }
0x8: {  	s3 =	sadd.s32 $0x2800, s5;
	s8 =	sshll.u32 s2, $0x7;
	s9 =	sshll.u32 s4, $0x6  }
0x9: {  	_ =	strace $0x80000047;
	s7 =	ssub.s32 $0x2, s4;
	s8 =	sor.u32 s9, s8  }
0xa: {  	s4 =	sadd.s32 $0x21200, s5;
	s10 =	sshrl.u32 s7, $0x1;
	s5 =	sadd.s32 s5, s8  }
0xb: {  	v0 =	vlaneseq.u32;
	s10 =	ssub.s32 s7, s10;
	s6 =	sadd.s32 s6, s8;
	s7 =	sadd.s32 $0x1800, s5  }
0xc: {  	v0 =	vmul.u32 $0x10, v0;
	s8 =	sadd.s32 $0x2000, s5;
	s9 =	sadd.s32 $0x3FC00, s5;
	s10 =	smax.u32 s10, $0x1  }
.LBB2_1:
0xd: {  	[tilespmem:s1], [sflag:$0x2] =	stream.linear.gather [hbm4b:s5+s1], $0x200, $0x38;
	[tilespmem:$0x4A00] =	vst v63  }
0xe: {  	_ =	swait.ge [sflag:s11], $0x200  }
0xf: {  	[sflag:s11] =	ssyncset.done $0x0  }
0x10: {  	s19 =	simm.s32 $0x200;
	[sflag:s11] =	ssyncadd.s32 $0xFFFFFE00  }
0x11: {  	[tilespmem:s19], [sflag:$0x2] =	stream.linear.gather [hbm4b:s6+s1], $0x200, $0x38;
	[tilespmem:$0x4A00] =	vst v63  }
0x12: {  	_ =	swait.ge [sflag:s11], $0x200  }
0x13: {  	[sflag:s11] =	ssyncset.done $0x0  }
0x14: {  	[sflag:s11] =	ssyncadd.s32 $0xFFFFFE00  }
0x15: {  	[tilespmem:s12], [sflag:$0x2] =	stream.linear.gather [hbm4b:s7+s1], $0x200, $0x38;
	[tilespmem:$0x4A00] =	vst v63  }
0x16: {  	_ =	swait.ge [sflag:s11], $0x200  }
0x17: {  	[sflag:s11] =	ssyncset.done $0x0  }
0x18: {  	[sflag:s11] =	ssyncadd.s32 $0xFFFFFE00  }
0x19: {  	[tilespmem:s13], [sflag:$0x2] =	stream.linear.gather [hbm4b:s8+s1], $0x200, $0x38;
	[tilespmem:$0x4A00] =	vst v63  }
0x1a: {  	_ =	swait.ge [sflag:s11], $0x200  }
0x1b: {  	[sflag:s11] =	ssyncset.done $0x0  }
0x1c: {  	[sflag:s11] =	ssyncadd.s32 $0xFFFFFE00  }
0x1d: {  	[tilespmem:s14], [sflag:$0x1] =	stream.indirect.gather [hbm4b:s3+s19], $0x10, s12, s19, $0xb8;
	[tilespmem:$0x4A00] =	vst v63  }
0x1e: {  	_ = 	snop  }
0x1f: {  	[tilespmem:s15], [sflag:$0x1] =	stream.indirect.gather [hbm4b:s4+s19], $0x10, s13, s19, $0xb8;
	[tilespmem:$0x4A00] =	vst v63  }
0x20: {  	_ =	swait.ge [sflag:s16], $0x2000  }
0x21: {  	[sflag:s16] =	ssyncset.done $0x0  }
0x22: {  	[sflag:s16] =	ssyncadd.s32 $0xFFFFE000  }
0x23: {  	_ =	swait.ge [sflag:s16], $0x2000  }
0x24: {  	[sflag:s16] =	ssyncset.done $0x0  }
0x25: {  	[sflag:s16] =	ssyncadd.s32 $0xFFFFE000  }
0x26: {  	v1 =	vld [tilespmem:s1+$0x0]  }
0x27: {  	v2 =	vld [tilespmem:s19+$0x0];
	_ =	sdelay $0x1  }
0x28: {  	v3 =	vmov s1  }
0x29: {  	v3 =	vshll.u32 v3, $0x4  }
0x2a: {  	v3 =	vor.u32 v0, v3;
	v1 =	vand.u32 $0xF, v1  }
0x2b: {  	v2 =	vand.u32 $0xF, v2;
	v1 =	vor.u32 v3, v1  }
0x2c: {  	v2 =	vor.u32 v3, v2;
	_ =	sdelay $0x3  }
0x2d: {  	v1 =	vld.idx.msk [tilespmem:v1+s14+$0x0], $0xffff  }
0x2e: {  	v2 =	vld.idx.msk [tilespmem:v2+s15+$0x0], $0xffff;
	_ =	sdelay $0x4  }
0x2f: {  	v1 =	vadd.f32 v2, v1;
	_ =	sdelay $0x1  }
0x30: {  	s20 =	simm.s32 $0x10;
	[tilespmem:s17+$0x0] =	vst v1  }
0x31: {  	s21 =	simm.s32 $0x210;
	v1 =	vld [tilespmem:s20+$0x0]  }
0x32: {  	s22 =	simm.s32 $0x20;
	s23 =	simm.s32 $0x10;
	s19 =	simm.s32 $0x4800;
	v2 =	vld [tilespmem:s21+$0x0]  }
.LBB2_2:
0x33: {  	p0 =	sne.s32 s22, $0x1F0  }
0x34: {  	v3 =	vmov s20;
	s20 =	smov.u32 s22  }
0x35: {  	v3 =	vshll.u32 v3, $0x4  }
0x36: {  	v3 =	vor.u32 v0, v3;
	v1 =	vand.u32 $0xF, v1  }
0x37: {  	v1 =	vor.u32 v3, v1;
	v2 =	vand.u32 $0xF, v2  }
0x38: {  	v2 =	vor.u32 v3, v2;
	_ =	sdelay $0x3  }
0x39: {  	v1 =	vld.idx.msk [tilespmem:v1+s14+$0x0], $0xffff  }
0x3a: {  	v2 =	vld.idx.msk [tilespmem:v2+s15+$0x0], $0xffff;
	_ =	sdelay $0x5  }
.Ltmp0:
0x3b: {  	v1 =	vadd.f32 v2, v1;
	(pc) =	sbr.rel @p0 .LBB2_2-.Ltmp0, $4  }
0x3c: {  	s19 =	sadd.s32 $0x10, s19  }
0x3d: {  	s23 =	sadd.s32 $0x10, s23;
	[tilespmem:s19+$0x0] =	vst v1  }
0x3e: {  	s21 =	sadd.s32 $0x10, s21;
	v1 =	vld [tilespmem:s23+$0x0]  }
0x3f: {  	s22 =	sadd.s32 $0x10, s22;
	v2 =	vld [tilespmem:s21+$0x0]  }
0x40: {  	_ = 	snop  }
0x41: {  	v3 =	vmov s20  }
0x42: {  	v3 =	vshll.u32 v3, $0x4  }
0x43: {  	v3 =	vor.u32 v0, v3;
	v1 =	vand.u32 $0xF, v1  }
0x44: {  	v1 =	vor.u32 v3, v1;
	v2 =	vand.u32 $0xF, v2  }
0x45: {  	v2 =	vor.u32 v3, v2;
	_ =	sdelay $0x3  }
0x46: {  	v1 =	vld.idx.msk [tilespmem:v1+s14+$0x0], $0xffff  }
0x47: {  	v2 =	vld.idx.msk [tilespmem:v2+s15+$0x0], $0xffff;
	_ =	sdelay $0x4  }
0x48: {  	s18 =	sadd.s32 $0x1, s18;
	v1 =	vadd.f32 v2, v1  }
0x49: {  	s19 =	sadd.s32 $0x10, s19;
	p0 =	sne.s32 s18, s10  }
.Ltmp1:
0x4a: {  	[tilespmem:s19+$0x0] =	vst v1;
	(pc) =	sbr.rel @p0 .LBB2_1-.Ltmp1, $4  }
0x4b: {  	[hbm4b:s9+s1] =	stream.linear.scatter [tilespmem:s17], [sflag:$0x2], $0x200, $0x38;
	[tilespmem:$0x4A00] =	vst v63  }
0x4c: {  	_ =	swait.ge [sflag:s11], $0x200  }
0x4d: {  	[sflag:s11] =	ssyncset.done $0x0  }
0x4e: {  	[sflag:s11] =	ssyncadd.s32 $0xFFFFFE00  }
0x4f: {  	_ =	sfence.sel $0x180000  }
0x50: {  	[bflag:$0x0] =	sbarrier.arrive $0xFFFF  }
0x51: {  	p0 =	sne.s32 s2, $0x0;
	_ =	strace $0x90000047  }
0x52: {  	s0 =	sadd.s32 @!p0 $0x100000, s0;
	[bflag:$0x2] =	sbarrier.arrive $0xFFFF  }
0x53: {  	[sflag:s0] =	ssyncadd.tile.s32 @!p0 $0x1;
	_ =	shalt  }
.Lfunc_end2:
_tile_overlayer_lowered:
.L_overlay_start_2:
0x54: {  	(tag) =	ssettag $0x2  }
0x55: {  	s0 =	rddreg [dreg:$0x0];
	s2 =	stileid.u32  }
0x56: {  	s1 =	rddreg [dreg:$0x1];
	p0 =	sne.s32 s2, $0x0  }
0x57: {  	s3 =	rddreg [dreg:$0x2];
	[bflag:$0x3] =	sbarrier.arrive $0xFFFF;
	s2 =	simm.s32 @!p0 $0x1C02  }
0x58: {  	[timem:s3], [sflag:s2] =	dma.local @!p0 [hbm:s0], s1  }
0x59: {  	s0 =	simm.s32 @!p0 $0x2  }
0x5a: {  	_ =	swait.ge @!p0 [sflag:s0], s1  }
0x5b: {  	s1 =	ssub.s32 @!p0 $0x0, s1;
	[sflag:s0] =	ssyncset.done @!p0 $0x0  }
0x5c: {  	[sflag:s0] =	ssyncadd.s32 @!p0 s1  }
0x5d: {  	[bflag:$0x3] =	sbarrier.arrive $0xFFFF  }
0x5e: {  	_ =	shalt  }

// kernel: kernel.7.cloned.1.call-start
scs
__scs_entry_jumppad:
0x0: {  	(pc) =	sbr.rel $0x88, $3  }
0x1: {  	(tag) =	ssettag $0x0;
	lr =	simm.s32 $0x1  }
0x2: {  	[smem:$0x3F9C] =	sst lr;
	_ =	strace $0xD0000000  }
0x3: {  	_ = 	snop  }
0x4: {  	_ = 	snop  }
0x5: {  	_ = 	snop  }
0x6: {  	_ = 	snop  }
0x7: {  	_ = 	snop  }
__scs_overlays_trampoline_lowered:
0x8: {  	[smem:$0x3FAB] =	sst s0  }
0x9: {  	[smem:$0x3FAC] =	sst s1  }
0xa: {  	[smem:$0x3FAD] =	sst s2  }
0xb: {  	[smem:$0x3FAE] =	sst s3  }
0xc: {  	[smem:$0x3FAF] =	sst s4  }
0xd: {  	[smem:$0x3FB0] =	sst s5  }
0xe: {  	[smem:$0x3FB1] =	sst s6  }
0xf: {  	[smem:$0x3FB2] =	sst s7  }
0x10: {  	[smem:$0x3FB3] =	sst s8  }
0x11: {  	[smem:$0x3FB4] =	sst s9;
	s0 =	simm.s32 @!p0 $0x0  }
0x12: {  	s1 =	sld [smem:$0x3F9A];
	s0 =	simm.s32 @p0 $0x1  }
0x13: {  	[smem:$0x3FB5] =	sst s0;
	s0 =	simm.s32 @!p1 $0x0  }
0x14: {  	s2 =	sld [smem:$0x3F99];
	s0 =	simm.s32 @p1 $0x1  }
0x15: {  	[smem:$0x3FB6] =	sst s0;
	s0 =	simm.s32 @!p2 $0x0  }
0x16: {  	s3 =	sld [smem:$0x3FDB];
	s0 =	simm.s32 @p2 $0x1  }
0x17: {  	s4 =	simm.s32 $0x1BF5;
	[smem:$0x3FB8] =	sst s0  }
0x18: {  	s0 =	sld [smem:$0x3F9B];
	_ =	swait.ge [sflag:s4], $0x0  }
0x19: {  	s7 =	sld [smem:$0x3F9C]  }
0x1a: {  	s8 =	sadd.s32 $0xFFFFE003, lr  }
0x1b: {  	s9 =	sadd.s32 $0xFFFFFEF7, lr;
	s5 =	simm.s32 $0xFFFFFFFF;
	p2 =	slt.u32 s8, $0xFFFFF086  }
0x1c: {  	p1 =	slt.u32 s9, $0xF7A;
	s5 =	simm.s32 @!p2 $0x0  }
0x1d: {  	s5 =	simm.s32 @p1 $0x1;
	p0 =	seq.s32 s7, s2  }
0x1e: {  	s7 =	smul.u32 @!p0 $0xF7A, s2;
	p2 =	seq.s32 @!p0 s5, $0x0  }
0x1f: {  	s9 =	smul.u32 $0xF7A, s1;
	s8 =	simm.s32 @!p0 $0x1BF5;
	p2 =	por !p2, p0  }
0x20: {  	[sflag:s8] =	ssyncset.s32 @!p0 $0xFFFFF086;
	s6 =	sadd.s32 @!p0 s3, s7;
	s7 =	simm.s32 @!p0 $0x108  }
0x21: {  	s3 =	sadd.s32 s3, s9;
	s6 =	sadd.s32 @!p0 $0x88, s6;
	s7 =	simm.s32 @p2 $0x1082  }
0x22: {  	[simem:s7], [sflag:s8] =	dma.local @!p0 [hbm:s6], $0xF7A  }
0x23: {  	s9 =	sor.u32 $0xD0000000, s2;
	s6 =	simm.s32 $0x108;
	_ =	swait.ge @!p0 [sflag:s8], $0x0  }
0x24: {  	s3 =	sadd.s32 $0x88, s3;
	s6 =	simm.s32 @!p1 $0x1082;
	[sflag:s4] =	ssyncset.s32 $0xFFFFF086  }
0x25: {  	[simem:s6], [sflag:s4] =	dma.local [hbm:s3], $0xF7A  }
0x26: {  	[smem:$0x3F9C] =	sst s1;
	(tag) =	ssettag s2;
	_ =	strace s9  }
0x27: {  	s1 =	sld [smem:$0x3FAC]  }
0x28: {  	s2 =	sld [smem:$0x3FAD]  }
0x29: {  	s4 =	sld [smem:$0x3FAF]  }
0x2a: {  	p0 =	seq.s32 s5, $0x0;
	s5 =	sld [smem:$0x3FB0]  }
0x2b: {  	s6 =	sld [smem:$0x3FB1]  }
0x2c: {  	s7 =	sld [smem:$0x3FB2]  }
0x2d: {  	s3 =	simm.s32 $0x108;
	s8 =	sld [smem:$0x3FB3]  }
0x2e: {  	s3 =	simm.s32 @!p0 $0x1082;
	s9 =	sld [smem:$0x3FB4]  }
0x2f: {  	lr =	sadd.s32 s0, s3;
	s0 =	sld [smem:$0x3FAB]  }
0x30: {  	s3 =	sld [smem:$0x3FAE]  }
0x31: {  	[smem:$0x3FB7] =	sst s10  }
0x32: {  	s10 =	sld [smem:$0x3FB5];
	_ =	sdelay $0x3  }
0x33: {  	p0 =	seq.s32 s10, $0x1;
	s10 =	sld [smem:$0x3FB7];
	_ =	sdelay $0x3  }
0x34: {  	[smem:$0x3FB7] =	sst s10  }
0x35: {  	s10 =	sld [smem:$0x3FB6];
	_ =	sdelay $0x3  }
0x36: {  	p1 =	seq.s32 s10, $0x1;
	s10 =	sld [smem:$0x3FB7];
	_ =	sdelay $0x3  }
0x37: {  	[smem:$0x3FB7] =	sst s10  }
0x38: {  	s10 =	sld [smem:$0x3FB8]  }
0x39: {  	_ = 	snop;
	(pc) =	sbr.ind lr, $3  }
0x3a: {  	_ = 	snop  }
0x3b: {  	_ = 	snop  }
0x3c: {  	p2 =	seq.s32 s10, $0x1;
	s10 =	sld [smem:$0x3FB7]  }
0x3d: {  	_ =	shalt  }
0x3e: {  	_ =	shalt  }
0x3f: {  	_ =	shalt  }
0x40: {  	_ =	shalt  }
0x41: {  	_ =	shalt  }
0x42: {  	_ =	shalt  }
0x43: {  	_ =	shalt  }
0x44: {  	_ =	shalt  }
0x45: {  	_ =	shalt  }
0x46: {  	_ =	shalt  }
0x47: {  	_ =	shalt  }
0x48: {  	_ =	shalt  }
0x49: {  	_ =	shalt  }
0x4a: {  	_ =	shalt  }
0x4b: {  	_ =	shalt  }
0x4c: {  	_ =	shalt  }
0x4d: {  	_ =	shalt  }
0x4e: {  	_ =	shalt  }
0x4f: {  	_ =	shalt  }
0x50: {  	_ =	shalt  }
0x51: {  	_ =	shalt  }
0x52: {  	_ =	shalt  }
0x53: {  	_ =	shalt  }
0x54: {  	_ =	shalt  }
0x55: {  	_ =	shalt  }
0x56: {  	_ =	shalt  }
0x57: {  	_ =	shalt  }
0x58: {  	_ =	shalt  }
0x59: {  	_ =	shalt  }
0x5a: {  	_ =	shalt  }
0x5b: {  	_ =	shalt  }
0x5c: {  	_ =	shalt  }
0x5d: {  	_ =	shalt  }
0x5e: {  	_ =	shalt  }
0x5f: {  	_ =	shalt  }
0x60: {  	_ =	shalt  }
0x61: {  	_ =	shalt  }
0x62: {  	_ =	shalt  }
0x63: {  	_ =	shalt  }
0x64: {  	_ =	shalt  }
0x65: {  	_ =	shalt  }
0x66: {  	_ =	shalt  }
0x67: {  	_ =	shalt  }
0x68: {  	_ =	shalt  }
0x69: {  	_ =	shalt  }
0x6a: {  	_ =	shalt  }
0x6b: {  	_ =	shalt  }
0x6c: {  	_ =	shalt  }
0x6d: {  	_ =	shalt  }
0x6e: {  	_ =	shalt  }
0x6f: {  	_ =	shalt  }
0x70: {  	_ =	shalt  }
0x71: {  	_ =	shalt  }
0x72: {  	_ =	shalt  }
0x73: {  	_ =	shalt  }
0x74: {  	_ =	shalt  }
0x75: {  	_ =	shalt  }
0x76: {  	_ =	shalt  }
0x77: {  	_ =	shalt  }
0x78: {  	_ =	shalt  }
0x79: {  	_ =	shalt  }
0x7a: {  	_ =	shalt  }
0x7b: {  	_ =	shalt  }
0x7c: {  	_ =	shalt  }
0x7d: {  	_ =	shalt  }
0x7e: {  	_ =	shalt  }
0x7f: {  	_ =	shalt  }
0x80: {  	_ =	shalt  }
0x81: {  	_ =	shalt  }
0x82: {  	_ =	shalt  }
0x83: {  	_ =	shalt  }
0x84: {  	_ =	shalt  }
0x85: {  	_ =	shalt  }
0x86: {  	_ =	shalt  }
0x87: {  	_ =	shalt  }
.Lfunc_end0:
.L_simem_size_0:
called_computation.1_lowered:
.L_overlay_start_0:
0x88: {  	s2 =	sld [smem:$0x3FD9]  }
0x89: {  	s3 =	sld [smem:$0x3FFE];
	_ =	sdelay $0x1  }
0x8a: {  	s1 =	srdreg.scid  }
0x8b: {  	s0 =	sand.u32 $0x1, s1  }
0x8c: {  	s17 =	sshll.u32 s0, $0xA;
	s2 =	sadd.s32 s3, s2  }
0x8d: {  	s2 =	sadd.s32 s2, s17  }
0x8e: {  	[smem:$0x3FC3] =	sst s2  }
0x8f: {  	_ = 	snop  }
0x90: {  	s2 =	sld [smem:$0x3FD0];
	(tm) =	ssettm $0x1  }
0x91: {  	s18 =	sld [smem:$0x3FFB];
	_ =	sdelay $0x3  }
0x92: {  	_ =	strace s18  }
0x93: {  	s3 =	sld [smem:$0x3FFC];
	_ =	sdelay $0x3  }
0x94: {  	_ =	strace s3  }
0x95: {  	s3 =	sld [smem:$0x3FFD];
	_ =	sdelay $0x3  }
0x96: {  	_ =	strace s3  }
0x97: {  	_ =	strace $0x8FFFFFFF  }
0x98: {  	s19 =	sld [smem:$0x3FDB];
	_ =	sdelay $0x1  }
0x99: {  	s4 =	simm.s32 $_scs_section_size  }
0x9a: {  	s5 =	simm.s32 $_size__tile_overlayer_lowered;
	s6 =	simm.s32 $_tile_overlayer_lowered  }
0x9b: {  	s22 =	simm.s32 $0x1BFF;
	s21 =	sshll.u32 s6, $0x1;
	s3 =	sadd.s32 s4, s19  }
0x9c: {  	s7 =	simm.s32 $0x0;
	s20 =	sshll.u32 s5, $0x1;
	s5 =	sadd.s32 s21, s3  }
0x9d: {  	[timem:s7], [sflag:s22] =	dma.local [hbm:s5], s20  }
0x9e: {  	_ =	swait.ge [sflag:s22], s20  }
0x9f: {  	s4 =	ssub.s32 $0x0, s20;
	[sflag:s22] =	ssyncset.done $0x0  }
0xa0: {  	[sflag:s22] =	ssyncadd.s32 s4;
	_ =	sdelay $0x1  }
0xa1: {  	s23 =	simm.s32 $0x1B8B  }
0xa2: {  	_ =	swait.ge [sflag:s23], $0x1  }
0xa3: {  	[sflag:s23] =	ssyncset.done $0x0  }
0xa4: {  	s25 =	simm.s32 $0x1B8E;
	s24 =	sld [smem:$0x3FFE];
	[sflag:s23] =	ssyncadd.s32 $0xFFFFFFFF  }
0xa5: {  	s26 =	simm.s32 $execute0_lowered;
	[smem:$0x3FD2] =	sst s25  }
0xa6: {  	s5 =	sshll.u32 s26, $0x1;
	_ =	strace $0x80000049;
	[dreg:$0x1] =	wrdreg $0xFFFFFFFF  }
0xa7: {  	s28 =	simm.s32 $_size_execute0_lowered;
	s3 =	sadd.s32 s3, s5;
	[dreg:$0x0] =	wrdreg $0x0  }
0xa8: {  	s5 =	sshll.u32 s28, $0x1;
	[dreg:$0x2] =	wrdreg s3  }
0xa9: {  	[dreg:$0x3] =	wrdreg s5  }
0xaa: {  	[dreg:$0x4] =	wrdreg $0xC0  }
0xab: {  	_ =	task [dreg:s7], $0x5FFFF  }
0xac: {  	[dreg:$0x1] =	wrdreg $0xFFFFFFFF  }
0xad: {  	[dreg:$0x0] =	wrdreg $0x60  }
0xae: {  	[dreg:$0x2] =	wrdreg s24  }
0xaf: {  	[dreg:$0x3] =	wrdreg s2  }
0xb0: {  	[dreg:$0x4] =	wrdreg $0x9  }
0xb1: {  	_ =	task.clear_ibuf [dreg:s7], $0x5FFFF;
	_ =	strace $0x90000049  }
0xb2: {  	s29 =	simm.s32 $0x9;
	_ =	strace $0x8000004B  }
0xb3: {  	_ =	swait.ge [sflag:s29], $0x1  }
0xb4: {  	[sflag:s29] =	ssyncadd.s32 $0xFFFFFFFF  }
0xb5: {  	_ =	strace $0x9000004B  }
0xb6: {  	_ =	sfence  }
0xb7: {  	s30 =	sld [smem:$0x0];
	_ =	sdelay $0x2  }
0xb8: {  	s31 =	sshll.u32 s1, $0xD;
	s1 =	sshrl.u32 s1, $0x2  }
0xb9: {  	s3 =	sand.u32 $0x4000, s31;
	s1 =	sadd.s32 s1, s30  }
0xba: {  	s0 =	sor.u32 s3, s0;
	s1 =	sshll.u32 s1, $0x11  }
0xbb: {  	s0 =	sor.u32 s1, s0  }
0xbc: {  	s0 =	sadd.s32 $0x8F2B, s0  }
0xbd: {  	[sflag:s0] =	ssyncadd.remote.s32 $0x1  }
0xbe: {  	_ =	sfence.sel $0xFFFF  }
0xbf: {  	[dreg:$0x0] =	wrdreg $0xFFFFFFFF;
	(pc) =	sbr.abs _section_cstart, $3  }
0xc0: {  	[dreg:$0x1] =	wrdreg $0xFFFFFFFF  }
0xc1: {  	_ =	task.clear_ibuf [dreg:s7], $0x2FFFF;
	_ =	strace $0x9FFFFFFF  }
0xc2: {  	(tm) =	ssettm $0x7FFFFFFF  }
0xc3: {  	_ =	shalt  }
tec
execute0_lowered:
.L_overlay_start_1:
0x0: {  	(tag) =	ssettag $0x1  }
0x1: {  	s0 =	rddreg [dreg:$0x0];
	s1 =	srdreg.scid  }
0x2: {  	s4 =	stileid.u32;
	s2 =	rddreg [dreg:$0x1];
	s11 =	simm.s32 $0x0  }
0x3: {  	s1 =	sand.u32 $0x1, s1;
	s3 =	sshll.u32 s4, $0x1;
	s4 =	sshll.u32 s4, $0x7  }
0x4: {  	[smem:$0x7FF] =	sst s11;
	s10 =	sadd.s32 $0x40400, s0;
	s12 =	sadd.s32 $0xF82800, s0  }
0x5: {  	s3 =	sor.u32 s1, s3;
	_ =	strace $0x8000004A;
	[dreg:$0x3] =	wrdreg s10  }
0x6: {  	s1 =	ssub.s32 $0x2, s1;
	[dreg:$0x4] =	wrdreg s12;
	s5 =	sshll.u32 s3, $0x4  }
0x7: {  	s3 =	sshll.u32 s3, $0x6;
	s28 =	sshrl.u32 s1, $0x1;
	s4 =	sor.u32 s4, s5  }
0x8: {  	s1 =	ssub.s32 s1, s28;
	s30 =	sadd.s32 s2, s3;
	s4 =	sand.u32 $0x670, s4  }
0x9: {  	[dreg:$0x1a] =	wrdreg s30;
	s31 =	smax.u32 s1, $0x1;
	s4 =	sadd.s32 s4, s0  }
0xa: {  	v0 =	vlaneseq.u32;
	s14 =	simm.s32 $0x600;
	[dreg:$0x1b] =	wrdreg s31;
	s29 =	sadd.s32 $0x1000, s4  }
0xb: {  	v3 =	vmul.u32 $0x80, v0;
	s0 =	sadd.s32 s3, s0;
	s4 =	sadd.s32 $0x800, s4;
	[dreg:$0x17] =	wrdreg s29  }
0xc: {  	s15 =	simm.s32 $0x8600;
	s0 =	sadd.s32 $0x3FC00, s0;
	[dreg:$0x18] =	wrdreg s4  }
0xd: {  	[tilespmem:$0x1FFF0] =	vst v3;
	s1 =	simm.s32 $0x0;
	[dreg:$0x19] =	wrdreg s0;
	s4 =	simm.s32 $0x2  }
.LBB2_1:
0xe: {  	[dreg:$0x1c] =	wrdreg s1  }
0xf: {  	s0 =	rddreg [dreg:$0x17];
	s2 =	simm.s32 $0x80;
	s3 =	simm.s32 $0x400  }
0x10: {  	[tilespmem:s11], [sflag:$0x2] =	stream.strided.gather [hbm4b:s0+s2], $0x200, s3, s2, $0x38;
	[tilespmem:$0x10800] =	vst v63  }
0x11: {  	_ =	swait.ge [sflag:s4], $0x200  }
0x12: {  	[sflag:s4] =	ssyncset.done $0x0  }
0x13: {  	s23 =	simm.s32 $0x200;
	s24 =	rddreg [dreg:$0x18];
	[sflag:s4] =	ssyncadd.s32 $0xFFFFFE00  }
0x14: {  	[tilespmem:s23], [sflag:$0x2] =	stream.strided.gather [hbm4b:s24+s2], $0x200, s3, s2, $0x38;
	[tilespmem:$0x10800] =	vst v63  }
0x15: {  	_ =	swait.ge [sflag:s4], $0x200  }
0x16: {  	[sflag:s4] =	ssyncset.done $0x0  }
0x17: {  	s25 =	rddreg [dreg:$0x19];
	[sflag:s4] =	ssyncadd.s32 $0xFFFFFE00  }
0x18: {  	[tilespmem:s3], [sflag:$0x2] =	stream.linear.gather [hbm4b:s25+s11], $0x200, $0x38;
	[tilespmem:$0x10800] =	vst v63  }
0x19: {  	_ =	swait.ge [sflag:s4], $0x200  }
0x1a: {  	[sflag:s4] =	ssyncset.done $0x0  }
0x1b: {  	[sflag:s4] =	ssyncadd.s32 $0xFFFFFE00  }
0x1c: {  	v0 =	vld [tilespmem:s11+$0x0]  }
0x1d: {  	v2 =	vld [tilespmem:s23+$0x0];
	_ =	sdelay $0x3  }
0x1e: {  	v1 =	vshll.u32 v0, $0x4  }
0x1f: {  	v0 =	vshll.u32 v2, $0x4;
	(v2sf) =	vpush v1, $0x0  }
0x20: {  	(v2sf) =	vpush v0, $0x0  }
0x21: {  	(v2sf) =	vpush v1, $0x1;
	_ =	sdelay $0x2  }
0x22: {  	(v2sf) =	vpush v0, $0x1;
	_ =	sdelay $0x1  }
0x23: {  	(v2sf) =	vpush v1, $0x2;
	_ =	sdelay $0x1  }
0x24: {  	(v2sf) =	vpush v0, $0x2;
	_ =	sdelay $0x1  }
0x25: {  	s19 =	simm.s32 $0x2000;
	(v2sf) =	vpush v1, $0x3  }
0x26: {  	s18 =	simm.s32 $0x0;
	s26 =	simm.s32 $0x8600;
	s1 =	simm.s32 $0xA80  }
0x27: {  	s29 =	simm.s32 $0x600;
	s6 =	simm.s32 $0x800;
	s7 =	simm.s32 $0x780  }
0x28: {  	s13 =	simm.s32 $0x8680;
	s17 =	simm.s32 $0x700;
	s22 =	simm.s32 $0x8700  }
0x29: {  	s28 =	simm.s32 $0xC00;
	s0 =	simm.s32 $0x8B00;
	s5 =	spop (v2sf);
	(v2sf) =	vpush v0, $0x3  }
0x2a: {  	s2 =	simm.s32 $0x880;
	s5 =	sand.u32 $0x1FFFFFF0, s5;
	s8 =	spop (v2sf)  }
0x2b: {  	(v2sf) =	vpush v1, $0x4;
	s5 =	sadd.s32 s10, s5;
	s30 =	sand.u32 $0x1FFFFFF0, s8;
	s31 =	spop (v2sf)  }
0x2c: {  	(v2sf) =	vpush v0, $0x4;
	[tilespmem:s29], [sflag:$0x1] =	stream.linear.gather [hbm4b:s5+s11], $0x80, $0x38;
	[tilespmem:$0x10800] =	vst v63  }
0x2d: {  	s4 =	simm.s32 $0x8780;
	s5 =	sadd.s32 s12, s30;
	s8 =	sand.u32 $0x1FFFFFF0, s31  }
0x2e: {  	s9 =	spop (v2sf);
	(v2sf) =	vpush v1, $0x5;
	s29 =	simm.s32 $0x8800;
	s8 =	sadd.s32 s10, s8  }
0x2f: {  	(v2sf) =	vpush v0, $0x5;
	[tilespmem:s26], [sflag:$0x1] =	stream.linear.gather [hbm4b:s5+s11], $0x80, $0x38;
	[tilespmem:$0x10800] =	vst v63  }
0x30: {  	s9 =	sand.u32 $0x1FFFFFF0, s9;
	s16 =	spop (v2sf);
	s5 =	simm.s32 $0x680  }
0x31: {  	[tilespmem:s5], [sflag:$0x1] =	stream.linear.gather [hbm4b:s8+s11], $0x80, $0x38;
	[tilespmem:$0x10800] =	vst v63  }
0x32: {  	s20 =	spop (v2sf);
	s8 =	sadd.s32 s12, s9;
	s5 =	sand.u32 $0x1FFFFFF0, s16  }
0x33: {  	(v2sf) =	vpush v1, $0x6;
	[tilespmem:s13], [sflag:$0x1] =	stream.linear.gather [hbm4b:s8+s11], $0x80, $0x38;
	[tilespmem:$0x10800] =	vst v63  }
0x34: {  	s21 =	spop (v2sf);
	s5 =	sadd.s32 s10, s5;
	s8 =	sand.u32 $0x1FFFFFF0, s20  }
0x35: {  	(v2sf) =	vpush v0, $0x6;
	[tilespmem:s17], [sflag:$0x1] =	stream.linear.gather [hbm4b:s5+s11], $0x80, $0x38;
	[tilespmem:$0x10800] =	vst v63  }
0x36: {  	s24 =	sand.u32 $0x1FFFFFF0, s21;
	s9 =	simm.s32 $0x8C00;
	s23 =	sadd.s32 s12, s8  }
0x37: {  	[tilespmem:s22], [sflag:$0x1] =	stream.linear.gather [hbm4b:s23+s11], $0x80, $0x38;
	[tilespmem:$0x10800] =	vst v63  }
0x38: {  	s26 =	sadd.s32 s10, s24;
	s13 =	simm.s32 $0xC80;
	s25 =	spop (v2sf)  }
0x39: {  	(v2sf) =	vpush v1, $0x7;
	[tilespmem:s7], [sflag:$0x1] =	stream.linear.gather [hbm4b:s26+s11], $0x80, $0x38;
	[tilespmem:$0x10800] =	vst v63  }
0x3a: {  	s8 =	simm.s32 $0x8880;
	s3 =	sand.u32 $0x1FFFFFF0, s25;
	s30 =	spop (v2sf)  }
0x3b: {  	s3 =	sadd.s32 s12, s3;
	s7 =	sand.u32 $0x1FFFFFF0, s30;
	s31 =	spop (v2sf)  }
0x3c: {  	(v2sf) =	vpush v0, $0x7;
	[tilespmem:s4], [sflag:$0x1] =	stream.linear.gather [hbm4b:s3+s11], $0x80, $0x38;
	[tilespmem:$0x10800] =	vst v63  }
0x3d: {  	s17 =	simm.s32 $0x900;
	(v2sf) =	vpush v1, $0x8;
	s4 =	sadd.s32 s10, s7;
	s16 =	spop (v2sf)  }
0x3e: {  	s7 =	sand.u32 $0x1FFFFFF0, s31;
	s20 =	sand.u32 $0x1FFFFFF0, s16;
	s21 =	spop (v2sf)  }
0x3f: {  	(v2sf) =	vpush v0, $0x8;
	[tilespmem:s6], [sflag:$0x1] =	stream.linear.gather [hbm4b:s4+s11], $0x80, $0x38;
	[tilespmem:$0x10800] =	vst v63  }
0x40: {  	s4 =	sadd.s32 s12, s7;
	s5 =	sadd.s32 s10, s20;
	s6 =	sand.u32 $0x1FFFFFF0, s21  }
0x41: {  	(v2sf) =	vpush v1, $0x9;
	[tilespmem:s29], [sflag:$0x1] =	stream.linear.gather [hbm4b:s4+s11], $0x80, $0x38;
	[tilespmem:$0x10800] =	vst v63  }
0x42: {  	s22 =	spop (v2sf);
	s7 =	simm.s32 $0x8C80;
	s21 =	simm.s32 $0xA00  }
0x43: {  	(v2sf) =	vpush v0, $0x9;
	[tilespmem:s2], [sflag:$0x1] =	stream.linear.gather [hbm4b:s5+s11], $0x80, $0x38;
	[tilespmem:$0x10800] =	vst v63  }
0x44: {  	s23 =	sadd.s32 s12, s6;
	s24 =	sand.u32 $0x1FFFFFF0, s22;
	s25 =	spop (v2sf)  }
0x45: {  	(v2sf) =	vpush v1, $0xA;
	[tilespmem:s8], [sflag:$0x1] =	stream.linear.gather [hbm4b:s23+s11], $0x80, $0x38;
	[tilespmem:$0x10800] =	vst v63  }
0x46: {  	s26 =	sadd.s32 s10, s24;
	s29 =	simm.s32 $0x8900;
	s3 =	sand.u32 $0x1FFFFFF0, s25  }
0x47: {  	(v2sf) =	vpush v0, $0xA;
	[tilespmem:s17], [sflag:$0x1] =	stream.linear.gather [hbm4b:s26+s11], $0x80, $0x38;
	[tilespmem:$0x10800] =	vst v63  }
0x48: {  	s4 =	simm.s32 $0x980;
	s3 =	sadd.s32 s12, s3;
	s30 =	spop (v2sf)  }
0x49: {  	(v2sf) =	vpush v1, $0xB;
	[tilespmem:s29], [sflag:$0x1] =	stream.linear.gather [hbm4b:s3+s11], $0x80, $0x38;
	[tilespmem:$0x10800] =	vst v63  }
0x4a: {  	s24 =	simm.s32 $0x8A00;
	s17 =	simm.s32 $0x8980;
	s5 =	sand.u32 $0x1FFFFFF0, s30  }
0x4b: {  	s29 =	simm.s32 $0x8A80;
	s31 =	spop (v2sf);
	s8 =	sadd.s32 s10, s5  }
0x4c: {  	s16 =	sand.u32 $0x1FFFFFF0, s31;
	s20 =	spop (v2sf);
	s31 =	simm.s32 $0xB00  }
0x4d: {  	(v2sf) =	vpush v0, $0xB;
	[tilespmem:s4], [sflag:$0x1] =	stream.linear.gather [hbm4b:s8+s11], $0x80, $0x38;
	[tilespmem:$0x10800] =	vst v63  }
0x4e: {  	s5 =	sadd.s32 s12, s16;
	s4 =	sand.u32 $0x1FFFFFF0, s20;
	s22 =	spop (v2sf)  }
0x4f: {  	[tilespmem:s17], [sflag:$0x1] =	stream.linear.gather [hbm4b:s5+s11], $0x80, $0x38;
	[tilespmem:$0x10800] =	vst v63  }
0x50: {  	(v2sf) =	vpush v1, $0xC;
	s4 =	sadd.s32 s10, s4;
	s23 =	spop (v2sf);
	s5 =	sand.u32 $0x1FFFFFF0, s22  }
0x51: {  	(v2sf) =	vpush v0, $0xC;
	[tilespmem:s21], [sflag:$0x1] =	stream.linear.gather [hbm4b:s4+s11], $0x80, $0x38;
	[tilespmem:$0x10800] =	vst v63  }
0x52: {  	s26 =	sand.u32 $0x1FFFFFF0, s23;
	s30 =	spop (v2sf);
	s25 =	sadd.s32 s12, s5  }
0x53: {  	[tilespmem:s24], [sflag:$0x1] =	stream.linear.gather [hbm4b:s25+s11], $0x80, $0x38;
	[tilespmem:$0x10800] =	vst v63  }
0x54: {  	s5 =	sadd.s32 s10, s26;
	s8 =	spop (v2sf);
	s4 =	sand.u32 $0x1FFFFFF0, s30  }
0x55: {  	[tilespmem:s1], [sflag:$0x1] =	stream.linear.gather [hbm4b:s5+s11], $0x80, $0x38;
	[tilespmem:$0x10800] =	vst v63  }
0x56: {  	s16 =	spop (v2sf);
	s4 =	sadd.s32 s12, s4;
	s5 =	sand.u32 $0x1FFFFFF0, s8  }
0x57: {  	[tilespmem:s29], [sflag:$0x1] =	stream.linear.gather [hbm4b:s4+s11], $0x80, $0x38;
	[tilespmem:$0x10800] =	vst v63  }
0x58: {  	s20 =	sand.u32 $0x1FFFFFF0, s16;
	s17 =	sadd.s32 s10, s5;
	s21 =	spop (v2sf)  }
0x59: {  	[tilespmem:s31], [sflag:$0x1] =	stream.linear.gather [hbm4b:s17+s11], $0x80, $0x38;
	[tilespmem:$0x10800] =	vst v63  }
0x5a: {  	s2 =	simm.s32 $0x8B80;
	s22 =	sadd.s32 s12, s20;
	s23 =	sand.u32 $0x1FFFFFF0, s21  }
0x5b: {  	[tilespmem:s0], [sflag:$0x1] =	stream.linear.gather [hbm4b:s22+s11], $0x80, $0x38;
	[tilespmem:$0x10800] =	vst v63  }
0x5c: {  	s25 =	simm.s32 $0xB80;
	(v2sf) =	vpush v1, $0xD;
	s24 =	spop (v2sf);
	s26 =	sadd.s32 s10, s23  }
0x5d: {  	(v2sf) =	vpush v0, $0xD;
	s29 =	sand.u32 $0x1FFFFFF0, s24;
	s23 =	simm.s32 $0x10;
	s24 =	simm.s32 $0x210  }
0x5e: {  	(v2sf) =	vpush v1, $0xE;
	[tilespmem:s25], [sflag:$0x1] =	stream.linear.gather [hbm4b:s26+s11], $0x80, $0x38;
	[tilespmem:$0x10800] =	vst v63  }
0x5f: {  	s30 =	sadd.s32 s12, s29;
	(v2sf) =	vpush v0, $0xE;
	s31 =	spop (v2sf);
	s26 =	simm.s32 $0xD00  }
0x60: {  	(v2sf) =	vpush v1, $0xF;
	s25 =	simm.s32 $0x8D00;
	s0 =	sand.u32 $0x1FFFFFF0, s31;
	s1 =	spop (v2sf)  }
0x61: {  	(v2sf) =	vpush v0, $0xF;
	[tilespmem:s2], [sflag:$0x1] =	stream.linear.gather [hbm4b:s30+s11], $0x80, $0x38;
	[tilespmem:$0x10800] =	vst v63  }
.LBB2_2:
0x62: {  	_ =	sdelay $0x4  }
0x63: {  	s0 =	sadd.s32 s10, s0;
	s1 =	sand.u32 $0x1FFFFFF0, s1  }
0x64: {  	[tilespmem:s28], [sflag:$0x1] =	stream.linear.gather [hbm4b:s0+s11], $0x80, $0x38;
	[tilespmem:$0x10800] =	vst v63  }
0x65: {  	s20 =	sadd.s32 s12, s1  }
0x66: {  	[tilespmem:s9], [sflag:$0x1] =	stream.linear.gather [hbm4b:s20+s11], $0x80, $0x38;
	[tilespmem:$0x10800] =	vst v63  }
0x67: {  	s2 =	spop (v2sf)  }
0x68: {  	s21 =	sand.u32 $0x1FFFFFF0, s2;
	s22 =	spop (v2sf)  }
0x69: {  	s29 =	sadd.s32 s10, s21;
	s30 =	sand.u32 $0x1FFFFFF0, s22;
	s31 =	spop (v2sf)  }
0x6a: {  	[tilespmem:s13], [sflag:$0x1] =	stream.linear.gather [hbm4b:s29+s11], $0x80, $0x38;
	[tilespmem:$0x10800] =	vst v63  }
0x6b: {  	s1 =	sadd.s32 s12, s30;
	s3 =	sand.u32 $0x1FFFFFF0, s31;
	s4 =	spop (v2sf)  }
0x6c: {  	[tilespmem:s7], [sflag:$0x1] =	stream.linear.gather [hbm4b:s1+s11], $0x80, $0x38;
	[tilespmem:$0x10800] =	vst v63  }
0x6d: {  	s5 =	sadd.s32 s10, s3;
	s6 =	sand.u32 $0x1FFFFFF0, s4;
	s7 =	spop (v2sf)  }
0x6e: {  	[tilespmem:s26], [sflag:$0x1] =	stream.linear.gather [hbm4b:s5+s11], $0x80, $0x38;
	[tilespmem:$0x10800] =	vst v63  }
0x6f: {  	s8 =	sadd.s32 s12, s6;
	s9 =	sand.u32 $0x1FFFFFF0, s7;
	s13 =	spop (v2sf)  }
0x70: {  	[tilespmem:s25], [sflag:$0x1] =	stream.linear.gather [hbm4b:s8+s11], $0x80, $0x38;
	[tilespmem:$0x10800] =	vst v63  }
0x71: {  	s16 =	sadd.s32 $0xD80, s18;
	s1 =	sadd.s32 s10, s9;
	s2 =	sand.u32 $0x1FFFFFF0, s13  }
0x72: {  	[tilespmem:s16], [sflag:$0x1] =	stream.linear.gather [hbm4b:s1+s11], $0x80, $0x38;
	[tilespmem:$0x10800] =	vst v63  }
0x73: {  	s17 =	sadd.s32 $0x8D80, s18;
	s18 =	sadd.s32 s12, s2  }
0x74: {  	[tilespmem:s17], [sflag:$0x1] =	stream.linear.gather [hbm4b:s18+s11], $0x80, $0x38;
	[tilespmem:$0x10800] =	vst v63  }
0x75: {  	v0 =	vld [tilespmem:s23+$0x0];
	_ =	sdelay $0x1  }
0x76: {  	v1 =	vld [tilespmem:s24+$0x0];
	_ =	sdelay $0x2  }
0x77: {  	v2 =	vshll.u32 v0, $0x4  }
0x78: {  	(v2sf) =	vpush v2, $0x0  }
0x79: {  	s20 =	smov.u32 s19;
	v1 =	vshll.u32 v1, $0x4  }
0x7a: {  	p0 =	sne.s32 s19, $0x1E000;
	s18 =	sshra.s32 s20, $0x2;
	(v2sf) =	vpush v1, $0x0  }
0x7b: {  	s19 =	sadd.s32 $0x2000, s19;
	s10 =	simm.s32 $0x0;
	s0 =	sadd.s32 $0x8600, s18  }
0x7c: {  	s6 =	sadd.s32 $0x880, s18;
	s21 =	sadd.s32 $0xA80, s18;
	s31 =	sadd.s32 $0x600, s18  }
0x7d: {  	s17 =	sadd.s32 $0x800, s18;
	s22 =	sadd.s32 $0x8B00, s18;
	s30 =	sadd.s32 $0x780, s18;
	(v2sf) =	vpush v2, $0x1  }
0x7e: {  	s2 =	sadd.s32 $0x8780, s18;
	s25 =	sadd.s32 $0x8C00, s18;
	s4 =	sadd.s32 $0x700, s18  }
0x7f: {  	s5 =	sadd.s32 $0x8800, s18;
	s13 =	sadd.s32 $0xC80, s18;
	s20 =	sadd.s32 $0x8680, s18  }
0x80: {  	s3 =	sadd.s32 $0x8700, s18;
	s12 =	sadd.s32 $0x8880, s18;
	[dreg:$0x9] =	wrdreg s21;
	(v2sf) =	vpush v1, $0x1  }
0x81: {  	s11 =	sadd.s32 $0x900, s18;
	s26 =	sadd.s32 $0x8B80, s18;
	[dreg:$0x5] =	wrdreg s22;
	(v2sf) =	vpush v2, $0x2  }
0x82: {  	s29 =	sadd.s32 $0x8C80, s18;
	s9 =	sadd.s32 $0x8900, s18;
	[dreg:$0x12] =	wrdreg s25  }
0x83: {  	s7 =	sadd.s32 $0x8A80, s18;
	s8 =	sadd.s32 $0xB00, s18;
	[dreg:$0x7] =	wrdreg s26  }
0x84: {  	s16 =	sadd.s32 $0x8A00, s18;
	s28 =	sadd.s32 $0xC00, s18;
	[dreg:$0x14] =	wrdreg s29  }
0x85: {  	s23 =	sadd.s32 $0x10, s23;
	s24 =	sadd.s32 $0x10, s24;
	[dreg:$0xd] =	wrdreg s7;
	(v2sf) =	vpush v1, $0x2  }
0x86: {  	s1 =	sadd.s32 $0xB80, s18;
	[dreg:$0xb] =	wrdreg s8;
	s8 =	sadd.s32 $0x980, s18  }
0x87: {  	[dreg:$0xf] =	wrdreg s16;
	s29 =	sadd.s32 $0x680, s18;
	(v2sf) =	vpush v2, $0x3;
	s22 =	spop (v2sf)  }
0x88: {  	s21 =	sadd.s32 $0xA00, s18;
	(v2sf) =	vpush v1, $0x3;
	s16 =	sand.u32 $0x1FFFFFF0, s22;
	s22 =	rddreg [dreg:$0x3]  }
0x89: {  	[dreg:$0x15] =	wrdreg s21;
	s21 =	spop (v2sf);
	s16 =	sadd.s32 s22, s16  }
0x8a: {  	(v2sf) =	vpush v2, $0x4;
	[tilespmem:s31], [sflag:$0x1] =	stream.linear.gather [hbm4b:s16+s10], $0x80, $0x38;
	[tilespmem:$0x10800] =	vst v63  }
0x8b: {  	s7 =	sadd.s32 $0x8980, s18;
	s21 =	sand.u32 $0x1FFFFFF0, s21;
	s31 =	rddreg [dreg:$0x4]  }
0x8c: {  	s26 =	sadd.s32 $0xD00, s18;
	s22 =	spop (v2sf);
	s16 =	sadd.s32 s31, s21  }
0x8d: {  	[tilespmem:s0], [sflag:$0x1] =	stream.linear.gather [hbm4b:s16+s10], $0x80, $0x38;
	[tilespmem:$0x10800] =	vst v63  }
0x8e: {  	s25 =	sadd.s32 $0x8D00, s18;
	(v2sf) =	vpush v1, $0x4;
	s22 =	sand.u32 $0x1FFFFFF0, s22;
	s16 =	rddreg [dreg:$0x3]  }
0x8f: {  	(v2sf) =	vpush v2, $0x5;
	s31 =	spop (v2sf);
	s0 =	sadd.s32 s16, s22;
	s22 =	rddreg [dreg:$0x4]  }
0x90: {  	s21 =	sand.u32 $0x1FFFFFF0, s31;
	s31 =	spop (v2sf);
	s16 =	rddreg [dreg:$0x4]  }
0x91: {  	(v2sf) =	vpush v1, $0x5;
	[tilespmem:s29], [sflag:$0x1] =	stream.linear.gather [hbm4b:s0+s10], $0x80, $0x38;
	[tilespmem:$0x10800] =	vst v63  }
0x92: {  	s0 =	sadd.s32 s22, s21;
	s29 =	sand.u32 $0x1FFFFFF0, s31;
	s22 =	rddreg [dreg:$0x3]  }
0x93: {  	(v2sf) =	vpush v2, $0x6;
	[tilespmem:s20], [sflag:$0x1] =	stream.linear.gather [hbm4b:s0+s10], $0x80, $0x38;
	[tilespmem:$0x10800] =	vst v63  }
0x94: {  	s31 =	spop (v2sf);
	(v2sf) =	vpush v1, $0x6;
	s0 =	sadd.s32 s22, s29;
	s22 =	rddreg [dreg:$0x3]  }
0x95: {  	[tilespmem:s4], [sflag:$0x1] =	stream.linear.gather [hbm4b:s0+s10], $0x80, $0x38;
	[tilespmem:$0x10800] =	vst v63  }
0x96: {  	s29 =	sand.u32 $0x1FFFFFF0, s31;
	s31 =	spop (v2sf);
	s4 =	rddreg [dreg:$0x4]  }
0x97: {  	s20 =	sand.u32 $0x1FFFFFF0, s31;
	s21 =	spop (v2sf);
	s0 =	sadd.s32 s4, s29  }
0x98: {  	(v2sf) =	vpush v2, $0x7;
	[tilespmem:s3], [sflag:$0x1] =	stream.linear.gather [hbm4b:s0+s10], $0x80, $0x38;
	[tilespmem:$0x10800] =	vst v63  }
0x99: {  	(v2sf) =	vpush v1, $0x7;
	s31 =	spop (v2sf);
	s29 =	sand.u32 $0x1FFFFFF0, s21;
	s0 =	sadd.s32 s22, s20  }
0x9a: {  	(v2sf) =	vpush v2, $0x8;
	[tilespmem:s30], [sflag:$0x1] =	stream.linear.gather [hbm4b:s0+s10], $0x80, $0x38;
	[tilespmem:$0x10800] =	vst v63  }
0x9b: {  	s20 =	sand.u32 $0x1FFFFFF0, s31;
	s22 =	rddreg [dreg:$0x3];
	s0 =	sadd.s32 s16, s29  }
0x9c: {  	[tilespmem:s2], [sflag:$0x1] =	stream.linear.gather [hbm4b:s0+s10], $0x80, $0x38;
	[tilespmem:$0x10800] =	vst v63  }
0x9d: {  	s31 =	rddreg [dreg:$0x4];
	s21 =	spop (v2sf);
	s0 =	sadd.s32 s22, s20  }
0x9e: {  	s29 =	sand.u32 $0x1FFFFFF0, s21;
	s30 =	spop (v2sf);
	s20 =	rddreg [dreg:$0x4]  }
0x9f: {  	[tilespmem:s17], [sflag:$0x1] =	stream.linear.gather [hbm4b:s0+s10], $0x80, $0x38;
	[tilespmem:$0x10800] =	vst v63  }
0xa0: {  	(v2sf) =	vpush v1, $0x8;
	s0 =	sadd.s32 s31, s29;
	s4 =	spop (v2sf);
	s29 =	rddreg [dreg:$0x3]  }
0xa1: {  	(v2sf) =	vpush v2, $0x9;
	[tilespmem:s5], [sflag:$0x1] =	stream.linear.gather [hbm4b:s0+s10], $0x80, $0x38;
	[tilespmem:$0x10800] =	vst v63  }
0xa2: {  	s3 =	sand.u32 $0x1FFFFFF0, s30;
	s17 =	spop (v2sf);
	s5 =	rddreg [dreg:$0x3]  }
0xa3: {  	(v2sf) =	vpush v1, $0x9;
	s16 =	sand.u32 $0x1FFFFFF0, s4;
	s0 =	sadd.s32 s5, s3;
	s22 =	spop (v2sf)  }
0xa4: {  	[tilespmem:s6], [sflag:$0x1] =	stream.linear.gather [hbm4b:s0+s10], $0x80, $0x38;
	[tilespmem:$0x10800] =	vst v63  }
0xa5: {  	(v2sf) =	vpush v2, $0xA;
	s21 =	sand.u32 $0x1FFFFFF0, s17;
	s0 =	sadd.s32 s20, s16;
	s30 =	sand.u32 $0x1FFFFFF0, s22  }
0xa6: {  	[tilespmem:s12], [sflag:$0x1] =	stream.linear.gather [hbm4b:s0+s10], $0x80, $0x38;
	[tilespmem:$0x10800] =	vst v63  }
0xa7: {  	s31 =	spop (v2sf);
	s12 =	rddreg [dreg:$0x4];
	s0 =	sadd.s32 s29, s21  }
0xa8: {  	s3 =	sand.u32 $0x1FFFFFF0, s31;
	s4 =	spop (v2sf);
	s31 =	rddreg [dreg:$0x15]  }
0xa9: {  	(v2sf) =	vpush v1, $0xA;
	s2 =	sadd.s32 s12, s30;
	s6 =	sand.u32 $0x1FFFFFF0, s4;
	s16 =	spop (v2sf)  }
0xaa: {  	[tilespmem:s11], [sflag:$0x1] =	stream.linear.gather [hbm4b:s0+s10], $0x80, $0x38;
	[tilespmem:$0x10800] =	vst v63  }
0xab: {  	(v2sf) =	vpush v2, $0xB;
	s10 =	rddreg [dreg:$0x3];
	s11 =	simm.s32 $0x0;
	s17 =	sadd.s32 s12, s6  }
0xac: {  	[tilespmem:s9], [sflag:$0x1] =	stream.linear.gather [hbm4b:s2+s11], $0x80, $0x38;
	[tilespmem:$0x10800] =	vst v63  }
0xad: {  	s20 =	sand.u32 $0x1FFFFFF0, s16;
	s5 =	sadd.s32 s10, s3;
	s9 =	rddreg [dreg:$0x12]  }
0xae: {  	[tilespmem:s8], [sflag:$0x1] =	stream.linear.gather [hbm4b:s5+s11], $0x80, $0x38;
	[tilespmem:$0x10800] =	vst v63  }
0xaf: {  	(v2sf) =	vpush v1, $0xB;
	s22 =	sadd.s32 s10, s20;
	s21 =	spop (v2sf);
	s8 =	rddreg [dreg:$0xf]  }
0xb0: {  	(v2sf) =	vpush v2, $0xC;
	s29 =	sand.u32 $0x1FFFFFF0, s21;
	s30 =	spop (v2sf);
	s21 =	rddreg [dreg:$0x9]  }
0xb1: {  	[tilespmem:s7], [sflag:$0x1] =	stream.linear.gather [hbm4b:s17+s11], $0x80, $0x38;
	[tilespmem:$0x10800] =	vst v63  }
0xb2: {  	(v2sf) =	vpush v1, $0xC;
	s7 =	rddreg [dreg:$0x14];
	s5 =	sand.u32 $0x1FFFFFF0, s30;
	s6 =	spop (v2sf)  }
0xb3: {  	[tilespmem:s31], [sflag:$0x1] =	stream.linear.gather [hbm4b:s22+s11], $0x80, $0x38;
	[tilespmem:$0x10800] =	vst v63  }
0xb4: {  	s4 =	sadd.s32 s12, s29;
	s16 =	sadd.s32 s10, s5;
	s20 =	spop (v2sf)  }
0xb5: {  	[tilespmem:s8], [sflag:$0x1] =	stream.linear.gather [hbm4b:s4+s11], $0x80, $0x38;
	[tilespmem:$0x10800] =	vst v63  }
0xb6: {  	s17 =	sand.u32 $0x1FFFFFF0, s6;
	s31 =	rddreg [dreg:$0xd];
	s29 =	sand.u32 $0x1FFFFFF0, s20  }
0xb7: {  	[tilespmem:s21], [sflag:$0x1] =	stream.linear.gather [hbm4b:s16+s11], $0x80, $0x38;
	[tilespmem:$0x10800] =	vst v63  }
0xb8: {  	s22 =	sadd.s32 s12, s17;
	s30 =	spop (v2sf);
	s4 =	sadd.s32 s10, s29  }
0xb9: {  	[tilespmem:s31], [sflag:$0x1] =	stream.linear.gather [hbm4b:s22+s11], $0x80, $0x38;
	[tilespmem:$0x10800] =	vst v63  }
0xba: {  	s8 =	rddreg [dreg:$0xb];
	s5 =	sand.u32 $0x1FFFFFF0, s30;
	s6 =	spop (v2sf)  }
0xbb: {  	[tilespmem:s8], [sflag:$0x1] =	stream.linear.gather [hbm4b:s4+s11], $0x80, $0x38;
	[tilespmem:$0x10800] =	vst v63  }
0xbc: {  	s16 =	sadd.s32 s12, s5;
	s21 =	rddreg [dreg:$0x5];
	s17 =	sand.u32 $0x1FFFFFF0, s6  }
0xbd: {  	(v2sf) =	vpush v2, $0xD;
	[tilespmem:s21], [sflag:$0x1] =	stream.linear.gather [hbm4b:s16+s11], $0x80, $0x38;
	[tilespmem:$0x10800] =	vst v63  }
.Ltmp0:
0xbe: {  	(v2sf) =	vpush v1, $0xD;
	s20 =	spop (v2sf);
	s22 =	sadd.s32 s10, s17;
	(pc) =	sbr.rel @p0 .LBB2_2-.Ltmp0, $4  }
0xbf: {  	(v2sf) =	vpush v2, $0xE;
	s29 =	sand.u32 $0x1FFFFFF0, s20;
	s30 =	spop (v2sf);
	s31 =	rddreg [dreg:$0x7]  }
0xc0: {  	(v2sf) =	vpush v1, $0xE;
	[tilespmem:s1], [sflag:$0x1] =	stream.linear.gather [hbm4b:s22+s11], $0x80, $0x38;
	[tilespmem:$0x10800] =	vst v63  }
0xc1: {  	(v2sf) =	vpush v2, $0xF;
	s2 =	sadd.s32 s12, s29;
	s0 =	sand.u32 $0x1FFFFFF0, s30;
	s1 =	spop (v2sf)  }
0xc2: {  	(v2sf) =	vpush v1, $0xF;
	[tilespmem:s31], [sflag:$0x1] =	stream.linear.gather [hbm4b:s2+s11], $0x80, $0x38;
	[tilespmem:$0x10800] =	vst v63  }
0xc3: {  	_ =	sdelay $0x4  }
0xc4: {  	s0 =	sadd.s32 s10, s0;
	s1 =	sand.u32 $0x1FFFFFF0, s1  }
0xc5: {  	[tilespmem:s28], [sflag:$0x1] =	stream.linear.gather [hbm4b:s0+s11], $0x80, $0x38;
	[tilespmem:$0x10800] =	vst v63  }
0xc6: {  	s4 =	sadd.s32 s12, s1  }
0xc7: {  	[tilespmem:s9], [sflag:$0x1] =	stream.linear.gather [hbm4b:s4+s11], $0x80, $0x38;
	[tilespmem:$0x10800] =	vst v63  }
0xc8: {  	s2 =	spop (v2sf)  }
0xc9: {  	s5 =	sand.u32 $0x1FFFFFF0, s2;
	s6 =	spop (v2sf)  }
0xca: {  	s8 =	sadd.s32 s10, s5;
	s9 =	sand.u32 $0x1FFFFFF0, s6;
	s16 =	spop (v2sf)  }
0xcb: {  	[tilespmem:s13], [sflag:$0x1] =	stream.linear.gather [hbm4b:s8+s11], $0x80, $0x38;
	[tilespmem:$0x10800] =	vst v63  }
0xcc: {  	s17 =	sadd.s32 s12, s9;
	s19 =	sand.u32 $0x1FFFFFF0, s16;
	s20 =	spop (v2sf)  }
0xcd: {  	[tilespmem:s7], [sflag:$0x1] =	stream.linear.gather [hbm4b:s17+s11], $0x80, $0x38;
	[tilespmem:$0x10800] =	vst v63  }
0xce: {  	s21 =	sadd.s32 s10, s19;
	s22 =	sand.u32 $0x1FFFFFF0, s20;
	s23 =	spop (v2sf)  }
0xcf: {  	[tilespmem:s26], [sflag:$0x1] =	stream.linear.gather [hbm4b:s21+s11], $0x80, $0x38;
	[tilespmem:$0x10800] =	vst v63  }
0xd0: {  	s24 =	sadd.s32 s12, s22;
	s28 =	spop (v2sf);
	s26 =	sand.u32 $0x1FFFFFF0, s23  }
0xd1: {  	[tilespmem:s25], [sflag:$0x1] =	stream.linear.gather [hbm4b:s24+s11], $0x80, $0x38;
	[tilespmem:$0x10800] =	vst v63  }
0xd2: {  	s29 =	sadd.s32 $0xD80, s18;
	s2 =	sand.u32 $0x1FFFFFF0, s28;
	s1 =	sadd.s32 s10, s26  }
0xd3: {  	[tilespmem:s29], [sflag:$0x1] =	stream.linear.gather [hbm4b:s1+s11], $0x80, $0x38;
	[tilespmem:$0x10800] =	vst v63  }
0xd4: {  	s30 =	sadd.s32 $0x8D80, s18;
	s31 =	sadd.s32 s12, s2;
	s1 =	simm.s32 $0x1  }
0xd5: {  	[tilespmem:s30], [sflag:$0x1] =	stream.linear.gather [hbm4b:s31+s11], $0x80, $0x38;
	[tilespmem:$0x10800] =	vst v63  }
0xd6: {  	_ =	swait.ge [sflag:s1], $0x80  }
0xd7: {  	[sflag:s1] =	ssyncset.done $0x0  }
0xd8: {  	[sflag:s1] =	ssyncadd.s32 $0xFFFFFF80  }
0xd9: {  	_ =	swait.ge [sflag:s1], $0x80  }
0xda: {  	s0 =	simm.s32 $0xFF;
	[sflag:s1] =	ssyncset.done $0x0  }
.LBB2_4:
0xdb: {  	p0 =	sne.s32 s0, $0x1;
	s0 =	sadd.s32 $0xFFFFFFFF, s0;
	[sflag:s1] =	ssyncadd.s32 $0xFFFFFF80  }
.Ltmp1:
0xdc: {  	_ =	swait.ge [sflag:s1], $0x80;
	(pc) =	sbr.rel @p0 .LBB2_4-.Ltmp1, $4  }
0xdd: {  	[sflag:s1] =	ssyncset.done $0x0  }
0xde: {  	[sflag:s1] =	ssyncadd.s32 $0xFFFFFF80  }
0xdf: {  	_ =	swait.ge [sflag:s1], $0x80  }
0xe0: {  	[sflag:s1] =	ssyncset.done $0x0  }
0xe1: {  	s0 =	simm.s32 $0x0  }
0xe2: {  	v0 =	vmov s0  }
0xe3: {  	v0 =	vshll.u32 v0, $0x7  }
0xe4: {  	v11 =	vor.u32 v3, v0  }
0xe5: {  	v0 =	vor.u32 $0x3C, v11;
	_ =	sdelay $0x3  }
0xe6: {  	[sflag:s1] =	ssyncadd.s32 $0xFFFFFF80  }
0xe7: {  	v4 =	vld.idx.msk [tilespmem:v0+s14+$0x0], $0xffff  }
0xe8: {  	v1 =	vor.u32 $0x3D, v11;
	v0 =	vld.idx.msk [tilespmem:v0+s15+$0x0], $0xffff;
	_ =	sdelay $0x4  }
0xe9: {  	[tilespmem:$0x1FC20] =	vst v0;
	v0 =	vld.idx.msk [tilespmem:v1+s14+$0x0], $0xffff;
	_ =	sdelay $0x4  }
0xea: {  	v2 =	vor.u32 $0x3E, v11;
	[tilespmem:$0x1FC30] =	vst v0;
	v0 =	vld.idx.msk [tilespmem:v1+s15+$0x0], $0xffff;
	_ =	sdelay $0x4  }
0xeb: {  	[tilespmem:$0x1FC40] =	vst v0;
	v0 =	vld.idx.msk [tilespmem:v2+s14+$0x0], $0xffff;
	_ =	sdelay $0x4  }
0xec: {  	v3 =	vor.u32 $0x38, v11;
	[tilespmem:$0x1FDB0] =	vst v0;
	v0 =	vld.idx.msk [tilespmem:v2+s15+$0x0], $0xffff;
	_ =	sdelay $0x4  }
0xed: {  	v5 =	vor.u32 $0x3A, v11;
	[tilespmem:$0x1FDC0] =	vst v0;
	v0 =	vld.idx.msk [tilespmem:v3+s14+$0x0], $0xffff;
	_ =	sdelay $0x4  }
0xee: {  	[tilespmem:$0x1FC50] =	vst v0;
	v0 =	vld.idx.msk [tilespmem:v5+s14+$0x0], $0xffff;
	_ =	sdelay $0x4  }
0xef: {  	v8 =	vor.u32 $0x36, v11;
	[tilespmem:$0x1FD80] =	vst v0;
	v0 =	vld.idx.msk [tilespmem:v5+s15+$0x0], $0xffff;
	_ =	sdelay $0x4  }
0xf0: {  	[tilespmem:$0x1FD90] =	vst v0;
	v0 =	vld.idx.msk [tilespmem:v8+s14+$0x0], $0xffff;
	_ =	sdelay $0x4  }
0xf1: {  	v12 =	vor.u32 $0x32, v11;
	[tilespmem:$0x1FD40] =	vst v0;
	v0 =	vld.idx.msk [tilespmem:v8+s15+$0x0], $0xffff;
	_ =	sdelay $0x2  }
0xf2: {  	v10 =	vor.u32 $0x31, v11;
	_ =	sdelay $0x1  }
0xf3: {  	[tilespmem:$0x1FD50] =	vst v0;
	v0 =	vld.idx.msk [tilespmem:v12+s14+$0x0], $0xffff;
	_ =	sdelay $0x1  }
0xf4: {  	v6 =	vor.u32 $0x34, v11  }
0xf5: {  	v35 =	vld.idx.msk [tilespmem:v10+s14+$0x0], $0xffff  }
0xf6: {  	v7 =	vor.u32 $0x35, v11;
	v36 =	vld.idx.msk [tilespmem:v10+s15+$0x0], $0xffff  }
0xf7: {  	v10 =	vor.u32 $0x2E, v11;
	[tilespmem:$0x1FD20] =	vst v0;
	v0 =	vld.idx.msk [tilespmem:v12+s15+$0x0], $0xffff;
	_ =	sdelay $0x1  }
0xf8: {  	v9 =	vor.u32 $0x30, v11;
	v29 =	vld.idx.msk [tilespmem:v6+s14+$0x0], $0xffff  }
0xf9: {  	v30 =	vld.idx.msk [tilespmem:v6+s15+$0x0], $0xffff  }
0xfa: {  	v13 =	vor.u32 $0x2C, v11;
	v31 =	vld.idx.msk [tilespmem:v7+s14+$0x0], $0xffff  }
0xfb: {  	[tilespmem:$0x1FD30] =	vst v0;
	v0 =	vld.idx.msk [tilespmem:v10+s14+$0x0], $0xffff  }
0xfc: {  	v32 =	vld.idx.msk [tilespmem:v7+s15+$0x0], $0xffff  }
0xfd: {  	v15 =	vor.u32 $0x24, v11;
	v33 =	vld.idx.msk [tilespmem:v9+s14+$0x0], $0xffff  }
0xfe: {  	v34 =	vld.idx.msk [tilespmem:v9+s15+$0x0], $0xffff  }
0xff: {  	v17 =	vor.u32 $0x25, v11;
	v37 =	vld.idx.msk [tilespmem:v13+s14+$0x0], $0xffff  }
0x100: {  	v14 =	vor.u32 $0x2A, v11;
	[tilespmem:$0x1FD00] =	vst v0;
	v0 =	vld.idx.msk [tilespmem:v10+s15+$0x0], $0xffff  }
0x101: {  	v38 =	vld.idx.msk [tilespmem:v13+s15+$0x0], $0xffff  }
0x102: {  	v21 =	vor.u32 $0x20, v11;
	v45 =	vld.idx.msk [tilespmem:v15+s14+$0x0], $0xffff  }
0x103: {  	v46 =	vld.idx.msk [tilespmem:v15+s15+$0x0], $0xffff  }
0x104: {  	v24 =	vor.u32 $0x21, v11;
	v47 =	vld.idx.msk [tilespmem:v17+s14+$0x0], $0xffff  }
0x105: {  	[tilespmem:$0x1FD10] =	vst v0;
	v0 =	vld.idx.msk [tilespmem:v14+s14+$0x0], $0xffff  }
0x106: {  	v48 =	vld.idx.msk [tilespmem:v17+s15+$0x0], $0xffff  }
0x107: {  	v28 =	vor.u32 $0x1C, v11;
	v49 =	vld.idx.msk [tilespmem:v21+s14+$0x0], $0xffff  }
0x108: {  	v50 =	vld.idx.msk [tilespmem:v21+s15+$0x0], $0xffff  }
0x109: {  	v59 =	vor.u32 $0x14, v11;
	v51 =	vld.idx.msk [tilespmem:v24+s14+$0x0], $0xffff  }
0x10a: {  	v18 =	vor.u32 $0x26, v11;
	[tilespmem:$0x1FCE0] =	vst v0;
	v0 =	vld.idx.msk [tilespmem:v14+s15+$0x0], $0xffff  }
0x10b: {  	v52 =	vld.idx.msk [tilespmem:v24+s15+$0x0], $0xffff  }
0x10c: {  	v62 =	vor.u32 $0x15, v11;
	v53 =	vld.idx.msk [tilespmem:v28+s14+$0x0], $0xffff  }
0x10d: {  	v54 =	vld.idx.msk [tilespmem:v28+s15+$0x0], $0xffff  }
0x10e: {  	v9 =	vor.u32 $0x2D, v11;
	v20 =	vld.idx.msk [tilespmem:v59+s14+$0x0], $0xffff  }
0x10f: {  	[tilespmem:$0x1FCF0] =	vst v0;
	v0 =	vld.idx.msk [tilespmem:v18+s14+$0x0], $0xffff  }
0x110: {  	v59 =	vld.idx.msk [tilespmem:v59+s15+$0x0], $0xffff  }
0x111: {  	v13 =	vor.u32 $0x29, v11;
	v19 =	vld.idx.msk [tilespmem:v62+s14+$0x0], $0xffff  }
0x112: {  	v62 =	vld.idx.msk [tilespmem:v62+s15+$0x0], $0xffff;
	[tilespmem:$0x1FC10] =	vst v4;
	v4 =	vor.u32 $0x39, v11  }
0x113: {  	v39 =	vld.idx.msk [tilespmem:v9+s14+$0x0], $0xffff  }
0x114: {  	v27 =	vor.u32 $0x22, v11;
	[tilespmem:$0x1FCC0] =	vst v0;
	v0 =	vld.idx.msk [tilespmem:v18+s15+$0x0], $0xffff  }
0x115: {  	v40 =	vld.idx.msk [tilespmem:v9+s15+$0x0], $0xffff  }
0x116: {  	v21 =	vor.u32 $0x1D, v11;
	v43 =	vld.idx.msk [tilespmem:v13+s14+$0x0], $0xffff  }
0x117: {  	v25 =	vld.idx.msk [tilespmem:v4+s14+$0x0], $0xffff  }
0x118: {  	v28 =	vor.u32 $0x19, v11;
	v26 =	vld.idx.msk [tilespmem:v4+s15+$0x0], $0xffff  }
0x119: {  	[tilespmem:$0x1FCD0] =	vst v0;
	v0 =	vld.idx.msk [tilespmem:v27+s14+$0x0], $0xffff  }
0x11a: {  	v44 =	vld.idx.msk [tilespmem:v13+s15+$0x0], $0xffff  }
0x11b: {  	v55 =	vld.idx.msk [tilespmem:v21+s14+$0x0], $0xffff  }
0x11c: {  	v56 =	vld.idx.msk [tilespmem:v21+s15+$0x0], $0xffff;
	v1 =	vor.u32 $0x12, v11  }
0x11d: {  	v61 =	vld.idx.msk [tilespmem:v28+s14+$0x0], $0xffff;
	v25 =	vmul.f32 v26, v25;
	v26 =	vmul.f32 v32, v31  }
0x11e: {  	v24 =	vor.u32 $0x1E, v11;
	[tilespmem:$0x1FCA0] =	vst v0;
	v0 =	vld.idx.msk [tilespmem:v27+s15+$0x0], $0xffff  }
0x11f: {  	v63 =	vld.idx.msk [tilespmem:v28+s15+$0x0], $0xffff;
	[tilespmem:$0x1FD70] =	vst v26;
	v26 =	vmul.f32 v36, v35;
	v35 =	vor.u32 $0x3, v11  }
0x120: {  	v4 =	vld [tilespmem:$0x1FC10]  }
0x121: {  	v23 =	vld.idx.msk [tilespmem:v1+s15+$0x0], $0xffff;
	v2 =	vor.u32 $0xC, v11  }
0x122: {  	v28 =	vld [tilespmem:$0x1FC40]  }
0x123: {  	[tilespmem:$0x1FCB0] =	vst v0;
	v0 =	vld.idx.msk [tilespmem:v24+s14+$0x0], $0xffff  }
0x124: {  	v20 =	vmul.f32 v59, v20;
	v59 =	vld.idx.msk [tilespmem:v35+s14+$0x0], $0xffff  }
0x125: {  	v35 =	vld.idx.msk [tilespmem:v35+s15+$0x0], $0xffff;
	v12 =	vor.u32 $0x28, v11  }
0x126: {  	v15 =	vld.idx.msk [tilespmem:v2+s14+$0x0], $0xffff  }
0x127: {  	v14 =	vld.idx.msk [tilespmem:v2+s15+$0x0], $0xffff;
	v2 =	vor.u32 $0x9, v11  }
0x128: {  	v57 =	vor.u32 $0x1A, v11;
	[tilespmem:$0x1FC80] =	vst v0;
	v0 =	vld.idx.msk [tilespmem:v24+s15+$0x0], $0xffff  }
0x129: {  	v3 =	vld.idx.msk [tilespmem:v3+s15+$0x0], $0xffff  }
0x12a: {  	v41 =	vld.idx.msk [tilespmem:v12+s14+$0x0], $0xffff;
	v27 =	vor.u32 $0x18, v11  }
0x12b: {  	v42 =	vld.idx.msk [tilespmem:v12+s15+$0x0], $0xffff  }
0x12c: {  	v9 =	vld.idx.msk [tilespmem:v2+s14+$0x0], $0xffff  }
0x12d: {  	[tilespmem:$0x1FC90] =	vst v0;
	v0 =	vld.idx.msk [tilespmem:v57+s14+$0x0], $0xffff  }
0x12e: {  	v8 =	vld.idx.msk [tilespmem:v2+s15+$0x0], $0xffff  }
0x12f: {  	v58 =	vld.idx.msk [tilespmem:v27+s14+$0x0], $0xffff  }
0x130: {  	[tilespmem:$0x1FDA0] =	vst v25;
	v25 =	vmul.f32 v30, v29;
	v60 =	vld.idx.msk [tilespmem:v27+s15+$0x0], $0xffff  }
0x131: {  	v30 =	vmul.f32 v40, v39;
	v40 =	vor.u32 $0x7, v11;
	v31 =	vmul.f32 v42, v41;
	v27 =	vld [tilespmem:$0x1FC20]  }
0x132: {  	v42 =	vmul.f32 v54, v53;
	v53 =	vmul.f32 v56, v55;
	v56 =	vor.u32 $0xB, v11;
	[tilespmem:$0x1FC60] =	vst v0;
	v0 =	vld.idx.msk [tilespmem:v57+s15+$0x0], $0xffff  }
0x133: {  	v41 =	vmul.f32 v52, v51;
	v52 =	vld.idx.msk [tilespmem:v11+s15+$0x0], $0xffff  }
0x134: {  	v55 =	vld.idx.msk [tilespmem:v11+s14+$0x0], $0xffff;
	v2 =	vor.u32 $0x5, v11  }
0x135: {  	v24 =	vld.idx.msk [tilespmem:v1+s14+$0x0], $0xffff;
	v1 =	vor.u32 $0x8, v11  }
0x136: {  	v14 =	vmul.f32 v14, v15;
	v15 =	vld.idx.msk [tilespmem:v40+s14+$0x0], $0xffff  }
0x137: {  	v8 =	vmul.f32 v8, v9;
	v9 =	vld.idx.msk [tilespmem:v56+s15+$0x0], $0xffff;
	v4 =	vmul.f32 v27, v4;
	[tilespmem:$0x1FC70] =	vst v0;
	v0 =	vor.u32 $0x11, v11  }
0x138: {  	v27 =	vld [tilespmem:$0x1FC30]  }
0x139: {  	v54 =	vmul.f32 v60, v58;
	v60 =	vor.u32 $0xE, v11;
	[tilespmem:$0x1FDD0] =	vst v4;
	v4 =	vld.idx.msk [tilespmem:v2+s14+$0x0], $0xffff  }
0x13a: {  	v10 =	vld.idx.msk [tilespmem:v1+s14+$0x0], $0xffff  }
0x13b: {  	v7 =	vld.idx.msk [tilespmem:v1+s15+$0x0], $0xffff;
	v1 =	vor.u32 $0x4, v11  }
0x13c: {  	v17 =	vld.idx.msk [tilespmem:v0+s14+$0x0], $0xffff  }
0x13d: {  	v27 =	vmul.f32 v28, v27;
	v16 =	vld.idx.msk [tilespmem:v0+s15+$0x0], $0xffff;
	v0 =	vor.u32 $0xD, v11  }
0x13e: {  	v58 =	vmul.f32 v63, v61;
	v61 =	vld.idx.msk [tilespmem:v60+s14+$0x0], $0xffff  }
0x13f: {  	[tilespmem:$0x1FDE0] =	vst v27;
	v27 =	vld [tilespmem:$0x1FC50]  }
0x140: {  	v6 =	vld.idx.msk [tilespmem:v1+s14+$0x0], $0xffff  }
0x141: {  	v5 =	vld.idx.msk [tilespmem:v1+s15+$0x0], $0xffff;
	v1 =	vor.u32 $0x1, v11  }
0x142: {  	v13 =	vld.idx.msk [tilespmem:v0+s14+$0x0], $0xffff  }
0x143: {  	v12 =	vld.idx.msk [tilespmem:v0+s15+$0x0], $0xffff;
	v0 =	vor.u32 $0xA, v11  }
0x144: {  	v7 =	vmul.f32 v7, v10;
	v10 =	vld.idx.msk [tilespmem:v40+s15+$0x0], $0xffff  }
0x145: {  	v57 =	vor.u32 $0x10, v11;
	v27 =	vmul.f32 v3, v27;
	v3 =	vld.idx.msk [tilespmem:v2+s15+$0x0], $0xffff  }
0x146: {  	v33 =	vmul.f32 v34, v33;
	v34 =	vld.idx.msk [tilespmem:v1+s14+$0x0], $0xffff  }
0x147: {  	v2 =	vor.u32 $0x2, v11;
	v1 =	vld.idx.msk [tilespmem:v1+s15+$0x0], $0xffff  }
0x148: {  	v22 =	vld.idx.msk [tilespmem:v0+s14+$0x0], $0xffff  }
0x149: {  	v21 =	vld.idx.msk [tilespmem:v0+s15+$0x0], $0xffff;
	v0 =	vor.u32 $0x6, v11  }
0x14a: {  	v19 =	vmul.f32 v62, v19;
	v18 =	vld.idx.msk [tilespmem:v57+s14+$0x0], $0xffff  }
0x14b: {  	v5 =	vmul.f32 v5, v6;
	v6 =	vld.idx.msk [tilespmem:v56+s14+$0x0], $0xffff;
	v12 =	vmul.f32 v12, v13;
	v13 =	vor.u32 $0xF, v11  }
0x14c: {  	v29 =	vmul.f32 v38, v37;
	v37 =	vld.idx.msk [tilespmem:v2+s14+$0x0], $0xffff;
	v1 =	vmul.f32 v1, v34  }
0x14d: {  	v62 =	vor.u32 $0x13, v11;
	v2 =	vld.idx.msk [tilespmem:v2+s15+$0x0], $0xffff;
	v3 =	vmul.f32 v3, v4;
	v4 =	vmul.f32 v52, v55  }
0x14e: {  	[tilespmem:$0x1FD60] =	vst v25;
	v63 =	vor.u32 $0x17, v11;
	v1 =	vadd.f32 $0.0e+00, v1;
	v25 =	vld.idx.msk [tilespmem:v0+s14+$0x0], $0xffff  }
0x14f: {  	v4 =	vadd.f32 $0.0e+00, v4;
	v0 =	vld.idx.msk [tilespmem:v0+s15+$0x0], $0xffff  }
0x150: {  	v35 =	vmul.f32 v35, v59;
	v10 =	vmul.f32 v10, v15;
	v1 =	vadd.f32 v3, v1;
	v15 =	vld.idx.msk [tilespmem:v13+s14+$0x0], $0xffff  }
0x151: {  	v4 =	vadd.f32 v5, v4;
	v5 =	vld.idx.msk [tilespmem:v13+s15+$0x0], $0xffff  }
0x152: {  	v1 =	vadd.f32 v8, v1;
	v8 =	vld.idx.msk [tilespmem:v62+s15+$0x0], $0xffff;
	v13 =	vadd.f32 $0.0e+00, v35  }
0x153: {  	v16 =	vmul.f32 v16, v17;
	v17 =	vor.u32 $0x16, v11;
	v3 =	vmul.f32 v21, v22;
	v21 =	vld.idx.msk [tilespmem:v63+s15+$0x0], $0xffff  }
0x154: {  	v2 =	vmul.f32 v2, v37;
	v10 =	vadd.f32 v10, v13;
	v13 =	vld.idx.msk [tilespmem:v62+s14+$0x0], $0xffff  }
0x155: {  	v6 =	vmul.f32 v9, v6;
	v0 =	vmul.f32 v0, v25;
	v25 =	vld.idx.msk [tilespmem:v60+s15+$0x0], $0xffff  }
0x156: {  	v2 =	vadd.f32 $0.0e+00, v2;
	v1 =	vadd.f32 v12, v1;
	v5 =	vmul.f32 v5, v15;
	v15 =	vld.idx.msk [tilespmem:v63+s14+$0x0], $0xffff  }
0x157: {  	v57 =	vld.idx.msk [tilespmem:v57+s15+$0x0], $0xffff;
	v9 =	vor.u32 $0x1B, v11;
	v4 =	vadd.f32 v7, v4;
	v6 =	vadd.f32 v6, v10  }
0x158: {  	v1 =	vadd.f32 v16, v1;
	v0 =	vadd.f32 v0, v2;
	v2 =	vld.idx.msk [tilespmem:v17+s14+$0x0], $0xffff  }
0x159: {  	v12 =	vor.u32 $0x23, v11;
	v17 =	vld.idx.msk [tilespmem:v17+s15+$0x0], $0xffff;
	v5 =	vadd.f32 v5, v6;
	v8 =	vmul.f32 v8, v13  }
0x15a: {  	v1 =	vadd.f32 v19, v1;
	v19 =	vld [tilespmem:$0x1FC70];
	v0 =	vadd.f32 v3, v0;
	v7 =	vmul.f32 v25, v61  }
0x15b: {  	v3 =	vor.u32 $0x1F, v11;
	v5 =	vadd.f32 v8, v5;
	v8 =	vmul.f32 v21, v15;
	v15 =	vld [tilespmem:$0x1FC60]  }
0x15c: {  	v0 =	vadd.f32 v7, v0;
	v7 =	vld.idx.msk [tilespmem:v9+s14+$0x0], $0xffff  }
0x15d: {  	v6 =	vor.u32 $0x27, v11;
	v9 =	vld.idx.msk [tilespmem:v9+s15+$0x0], $0xffff  }
0x15e: {  	v18 =	vmul.f32 v57, v18;
	v4 =	vadd.f32 v14, v4;
	v2 =	vmul.f32 v17, v2;
	v17 =	vld.idx.msk [tilespmem:v12+s14+$0x0], $0xffff  }
0x15f: {  	v12 =	vld.idx.msk [tilespmem:v12+s15+$0x0], $0xffff  }
0x160: {  	v4 =	vadd.f32 v18, v4;
	v22 =	vmul.f32 v23, v24;
	v18 =	vld.idx.msk [tilespmem:v3+s14+$0x0], $0xffff  }
0x161: {  	v14 =	vor.u32 $0x3B, v11;
	v16 =	vor.u32 $0x2F, v11;
	v3 =	vld.idx.msk [tilespmem:v3+s15+$0x0], $0xffff  }
0x162: {  	v23 =	vor.u32 $0x37, v11;
	v0 =	vadd.f32 v22, v0;
	v15 =	vmul.f32 v19, v15;
	v19 =	vld.idx.msk [tilespmem:v6+s14+$0x0], $0xffff  }
0x163: {  	v10 =	vor.u32 $0x3F, v11;
	v13 =	vor.u32 $0x33, v11;
	v11 =	vor.u32 $0x2B, v11;
	v6 =	vld.idx.msk [tilespmem:v6+s15+$0x0], $0xffff  }
0x164: {  	v0 =	vadd.f32 v2, v0;
	v2 =	vadd.f32 v8, v5;
	v8 =	vld [tilespmem:$0x1FC90]  }
0x165: {  	v5 =	vmul.f32 v9, v7;
	v7 =	vld [tilespmem:$0x1FC80]  }
0x166: {  	v9 =	vld [tilespmem:$0x1FCA0]  }
0x167: {  	v0 =	vadd.f32 v15, v0;
	v15 =	vld [tilespmem:$0x1FCD0];
	v2 =	vadd.f32 v5, v2;
	v3 =	vmul.f32 v3, v18  }
0x168: {  	v5 =	vld.idx.msk [tilespmem:v11+s15+$0x0], $0xffff  }
0x169: {  	v2 =	vadd.f32 v3, v2;
	v3 =	vmul.f32 v12, v17;
	v12 =	vld [tilespmem:$0x1FCC0]  }
0x16a: {  	v7 =	vmul.f32 v8, v7;
	v8 =	vld.idx.msk [tilespmem:v11+s14+$0x0], $0xffff  }
0x16b: {  	v11 =	vld [tilespmem:$0x1FCB0];
	_ =	sdelay $0x2  }
0x16c: {  	v2 =	vadd.f32 v3, v2;
	v3 =	vmul.f32 v6, v19;
	v6 =	vld.idx.msk [tilespmem:v13+s15+$0x0], $0xffff  }
0x16d: {  	v0 =	vadd.f32 v7, v0;
	v7 =	vld.idx.msk [tilespmem:v16+s15+$0x0], $0xffff  }
0x16e: {  	v12 =	vmul.f32 v15, v12;
	v15 =	vld.idx.msk [tilespmem:v13+s14+$0x0], $0xffff;
	v9 =	vmul.f32 v11, v9  }
0x16f: {  	v4 =	vadd.f32 v20, v4;
	v13 =	vld [tilespmem:$0x1FCF0]  }
0x170: {  	v0 =	vadd.f32 v9, v0;
	v9 =	vld [tilespmem:$0x1FCE0]  }
0x171: {  	v4 =	vadd.f32 v54, v4;
	v11 =	vld.idx.msk [tilespmem:v16+s14+$0x0], $0xffff;
	_ =	sdelay $0x1  }
0x172: {  	v39 =	vmul.f32 v50, v49;
	v4 =	vadd.f32 v42, v4  }
0x173: {  	v36 =	vmul.f32 v46, v45;
	v2 =	vadd.f32 v3, v2;
	v3 =	vmul.f32 v5, v8;
	v5 =	vld.idx.msk [tilespmem:v23+s15+$0x0], $0xffff  }
0x174: {  	v4 =	vadd.f32 v39, v4;
	v1 =	vadd.f32 v58, v1;
	v9 =	vmul.f32 v13, v9;
	v13 =	vld.idx.msk [tilespmem:v23+s14+$0x0], $0xffff  }
0x175: {  	v2 =	vadd.f32 v3, v2;
	v3 =	vmul.f32 v7, v11  }
0x176: {  	v4 =	vadd.f32 v36, v4;
	v1 =	vadd.f32 v53, v1;
	v8 =	vld [tilespmem:$0x1FD00]  }
0x177: {  	v0 =	vadd.f32 v12, v0;
	v12 =	vld [tilespmem:$0x1FD10];
	v2 =	vadd.f32 v3, v2;
	v3 =	vmul.f32 v6, v15  }
0x178: {  	v38 =	vmul.f32 v48, v47;
	v4 =	vadd.f32 v31, v4;
	v7 =	vld.idx.msk [tilespmem:v14+s15+$0x0], $0xffff  }
0x179: {  	v1 =	vadd.f32 v41, v1;
	v2 =	vadd.f32 v3, v2;
	v3 =	vmul.f32 v5, v13;
	v5 =	vld [tilespmem:$0x1FD60]  }
0x17a: {  	v4 =	vadd.f32 v29, v4;
	v11 =	vld [tilespmem:$0x1FD30]  }
0x17b: {  	v32 =	vmul.f32 v44, v43;
	v1 =	vadd.f32 v38, v1;
	v0 =	vadd.f32 v9, v0;
	v9 =	vld [tilespmem:$0x1FD20]  }
0x17c: {  	v4 =	vadd.f32 v33, v4;
	v6 =	vld.idx.msk [tilespmem:v10+s15+$0x0], $0xffff  }
0x17d: {  	v1 =	vadd.f32 v32, v1;
	v8 =	vmul.f32 v12, v8;
	v12 =	vld.idx.msk [tilespmem:v14+s14+$0x0], $0xffff  }
0x17e: {  	v4 =	vadd.f32 v5, v4;
	v5 =	vld [tilespmem:$0x1FD70]  }
0x17f: {  	v1 =	vadd.f32 v30, v1;
	v0 =	vadd.f32 v8, v0;
	v8 =	vld [tilespmem:$0x1FD40]  }
0x180: {  	v9 =	vmul.f32 v11, v9;
	v11 =	vld.idx.msk [tilespmem:v10+s14+$0x0], $0xffff  }
0x181: {  	v1 =	vadd.f32 v26, v1;
	v10 =	vld [tilespmem:$0x1FD50]  }
0x182: {  	v0 =	vadd.f32 v9, v0;
	v9 =	vld [tilespmem:$0x1FD90]  }
0x183: {  	v1 =	vadd.f32 v5, v1;
	v5 =	vld [tilespmem:$0x1FD80]  }
0x184: {  	v2 =	vadd.f32 v3, v2;
	v3 =	vmul.f32 v7, v12;
	v7 =	vld [tilespmem:$0x1FDA0];
	_ =	sdelay $0x1  }
0x185: {  	v8 =	vmul.f32 v10, v8;
	_ =	sdelay $0x1  }
0x186: {  	v0 =	vadd.f32 v8, v0;
	v8 =	vld [tilespmem:$0x1FDC0];
	v5 =	vmul.f32 v9, v5  }
0x187: {  	v1 =	vadd.f32 v7, v1;
	v7 =	vld [tilespmem:$0x1FDB0]  }
0x188: {  	v0 =	vadd.f32 v5, v0;
	v5 =	vld [tilespmem:$0x1FDD0];
	_ =	sdelay $0x2  }
0x189: {  	v4 =	vadd.f32 v27, v4  }
0x18a: {  	v2 =	vadd.f32 v3, v2;
	v3 =	vmul.f32 v6, v11;
	v7 =	vmul.f32 v8, v7  }
0x18b: {  	v4 =	vadd.f32 v5, v4;
	v5 =	vld [tilespmem:$0x1FDE0]  }
0x18c: {  	v2 =	vadd.f32 v3, v2;
	v0 =	vadd.f32 v7, v0;
	_ =	sdelay $0x1  }
0x18d: {  	v0 =	vadd.f32 v2, v0;
	v2 =	vld [tilespmem:$0x1FFF0];
	_ =	sdelay $0x1  }
0x18e: {  	s18 =	simm.s32 $0x400;
	s31 =	simm.s32 $0x10;
	v1 =	vadd.f32 v5, v1  }
0x18f: {  	v3 =	vmov s31;
	v5 =	vld [tilespmem:s18+$0x0]  }
0x190: {  	v3 =	vshll.u32 v3, $0x7;
	v1 =	vadd.f32 v1, v4  }
0x191: {  	v9 =	vor.u32 v2, v3  }
0x192: {  	v2 =	vor.u32 $0x3C, v9;
	v0 =	vadd.f32 v0, v1;
	_ =	sdelay $0x1  }
0x193: {  	v1 =	vor.u32 $0x3D, v9;
	v0 =	vadd.f32 v0, v5  }
0x194: {  	s19 =	simm.s32 $0x10600  }
0x195: {  	[tilespmem:s19+$0x0] =	vst v0  }
0x196: {  	v30 =	vld.idx.msk [tilespmem:v2+s14+$0x0], $0xffff  }
0x197: {  	v31 =	vld.idx.msk [tilespmem:v2+s15+$0x0], $0xffff  }
0x198: {  	v2 =	vld.idx.msk [tilespmem:v1+s14+$0x0], $0xffff  }
0x199: {  	v3 =	vor.u32 $0x3E, v9;
	v1 =	vld.idx.msk [tilespmem:v1+s15+$0x0], $0xffff;
	_ =	sdelay $0x4  }
0x19a: {  	[tilespmem:$0x1FF70] =	vst v1;
	v1 =	vld.idx.msk [tilespmem:v3+s14+$0x0], $0xffff  }
0x19b: {  	v0 =	vor.u32 $0x38, v9;
	v3 =	vld.idx.msk [tilespmem:v3+s15+$0x0], $0xffff;
	_ =	sdelay $0x1  }
0x19c: {  	[tilespmem:$0x1FF60] =	vst v2;
	v2 =	vor.u32 $0x39, v9;
	_ =	sdelay $0x1  }
0x19d: {  	[tilespmem:$0x1FDF0] =	vst v1;
	v1 =	vor.u32 $0x3A, v9  }
0x19e: {  	[tilespmem:$0x1FE00] =	vst v3;
	v3 =	vld.idx.msk [tilespmem:v0+s14+$0x0], $0xffff  }
0x19f: {  	v0 =	vld.idx.msk [tilespmem:v0+s15+$0x0], $0xffff  }
0x1a0: {  	v28 =	vld.idx.msk [tilespmem:v2+s14+$0x0], $0xffff  }
0x1a1: {  	v29 =	vld.idx.msk [tilespmem:v2+s15+$0x0], $0xffff  }
0x1a2: {  	v2 =	vld.idx.msk [tilespmem:v1+s14+$0x0], $0xffff;
	_ =	sdelay $0x2  }
0x1a3: {  	[tilespmem:$0x1FFA0] =	vst v0;
	v0 =	vor.u32 $0x35, v9;
	_ =	sdelay $0x1  }
0x1a4: {  	[tilespmem:$0x1FE10] =	vst v2;
	v2 =	vor.u32 $0x36, v9;
	_ =	sdelay $0x1  }
0x1a5: {  	[tilespmem:$0x1FF90] =	vst v3;
	v3 =	vor.u32 $0x34, v9  }
0x1a6: {  	v26 =	vld.idx.msk [tilespmem:v0+s14+$0x0], $0xffff  }
0x1a7: {  	v21 =	vld.idx.msk [tilespmem:v0+s15+$0x0], $0xffff  }
0x1a8: {  	v0 =	vld.idx.msk [tilespmem:v2+s14+$0x0], $0xffff  }
0x1a9: {  	v1 =	vld.idx.msk [tilespmem:v1+s15+$0x0], $0xffff  }
0x1aa: {  	v27 =	vld.idx.msk [tilespmem:v3+s14+$0x0], $0xffff  }
0x1ab: {  	v24 =	vld.idx.msk [tilespmem:v3+s15+$0x0], $0xffff;
	v3 =	vor.u32 $0x31, v9;
	_ =	sdelay $0x1  }
0x1ac: {  	[tilespmem:$0x1FE30] =	vst v0;
	v0 =	vor.u32 $0x32, v9;
	_ =	sdelay $0x1  }
0x1ad: {  	[tilespmem:$0x1FE20] =	vst v1;
	v1 =	vor.u32 $0x30, v9  }
0x1ae: {  	v34 =	vld.idx.msk [tilespmem:v3+s14+$0x0], $0xffff  }
0x1af: {  	v35 =	vld.idx.msk [tilespmem:v3+s15+$0x0], $0xffff  }
0x1b0: {  	v3 =	vld.idx.msk [tilespmem:v0+s14+$0x0], $0xffff  }
0x1b1: {  	v2 =	vld.idx.msk [tilespmem:v2+s15+$0x0], $0xffff  }
0x1b2: {  	v32 =	vld.idx.msk [tilespmem:v1+s14+$0x0], $0xffff  }
0x1b3: {  	v33 =	vld.idx.msk [tilespmem:v1+s15+$0x0], $0xffff;
	v1 =	vor.u32 $0x2D, v9;
	_ =	sdelay $0x1  }
0x1b4: {  	[tilespmem:$0x1FE50] =	vst v3;
	v3 =	vor.u32 $0x2E, v9;
	_ =	sdelay $0x1  }
0x1b5: {  	[tilespmem:$0x1FE40] =	vst v2;
	v2 =	vor.u32 $0x2C, v9  }
0x1b6: {  	v38 =	vld.idx.msk [tilespmem:v1+s14+$0x0], $0xffff  }
0x1b7: {  	v39 =	vld.idx.msk [tilespmem:v1+s15+$0x0], $0xffff  }
0x1b8: {  	v1 =	vld.idx.msk [tilespmem:v3+s14+$0x0], $0xffff  }
0x1b9: {  	v0 =	vld.idx.msk [tilespmem:v0+s15+$0x0], $0xffff  }
0x1ba: {  	v36 =	vld.idx.msk [tilespmem:v2+s14+$0x0], $0xffff  }
0x1bb: {  	v37 =	vld.idx.msk [tilespmem:v2+s15+$0x0], $0xffff;
	v2 =	vor.u32 $0x29, v9;
	_ =	sdelay $0x1  }
0x1bc: {  	[tilespmem:$0x1FE70] =	vst v1;
	v1 =	vor.u32 $0x2A, v9;
	_ =	sdelay $0x1  }
0x1bd: {  	[tilespmem:$0x1FE60] =	vst v0;
	v0 =	vor.u32 $0x28, v9  }
0x1be: {  	v44 =	vld.idx.msk [tilespmem:v2+s14+$0x0], $0xffff  }
0x1bf: {  	v45 =	vld.idx.msk [tilespmem:v2+s15+$0x0], $0xffff  }
0x1c0: {  	v2 =	vld.idx.msk [tilespmem:v1+s14+$0x0], $0xffff  }
0x1c1: {  	v3 =	vld.idx.msk [tilespmem:v3+s15+$0x0], $0xffff  }
0x1c2: {  	v41 =	vld.idx.msk [tilespmem:v0+s14+$0x0], $0xffff  }
0x1c3: {  	v43 =	vld.idx.msk [tilespmem:v0+s15+$0x0], $0xffff;
	v0 =	vor.u32 $0x25, v9;
	_ =	sdelay $0x1  }
0x1c4: {  	[tilespmem:$0x1FE90] =	vst v2;
	v2 =	vor.u32 $0x26, v9;
	_ =	sdelay $0x1  }
0x1c5: {  	[tilespmem:$0x1FE80] =	vst v3;
	v3 =	vor.u32 $0x24, v9  }
0x1c6: {  	v47 =	vld.idx.msk [tilespmem:v0+s14+$0x0], $0xffff  }
0x1c7: {  	v49 =	vld.idx.msk [tilespmem:v0+s15+$0x0], $0xffff  }
0x1c8: {  	v0 =	vld.idx.msk [tilespmem:v2+s14+$0x0], $0xffff  }
0x1c9: {  	v1 =	vld.idx.msk [tilespmem:v1+s15+$0x0], $0xffff  }
0x1ca: {  	v46 =	vld.idx.msk [tilespmem:v3+s14+$0x0], $0xffff  }
0x1cb: {  	v48 =	vld.idx.msk [tilespmem:v3+s15+$0x0], $0xffff;
	v3 =	vor.u32 $0x21, v9;
	_ =	sdelay $0x1  }
0x1cc: {  	[tilespmem:$0x1FEB0] =	vst v0;
	v0 =	vor.u32 $0x22, v9;
	_ =	sdelay $0x1  }
0x1cd: {  	[tilespmem:$0x1FEA0] =	vst v1;
	v1 =	vor.u32 $0x20, v9  }
0x1ce: {  	v52 =	vld.idx.msk [tilespmem:v3+s14+$0x0], $0xffff  }
0x1cf: {  	v53 =	vld.idx.msk [tilespmem:v3+s15+$0x0], $0xffff  }
0x1d0: {  	v3 =	vld.idx.msk [tilespmem:v0+s14+$0x0], $0xffff  }
0x1d1: {  	v2 =	vld.idx.msk [tilespmem:v2+s15+$0x0], $0xffff  }
0x1d2: {  	v50 =	vld.idx.msk [tilespmem:v1+s14+$0x0], $0xffff  }
0x1d3: {  	v51 =	vld.idx.msk [tilespmem:v1+s15+$0x0], $0xffff;
	v1 =	vor.u32 $0x1D, v9;
	_ =	sdelay $0x1  }
0x1d4: {  	[tilespmem:$0x1FED0] =	vst v3;
	v3 =	vor.u32 $0x1E, v9;
	_ =	sdelay $0x1  }
0x1d5: {  	[tilespmem:$0x1FEC0] =	vst v2;
	v2 =	vor.u32 $0x1C, v9  }
0x1d6: {  	v57 =	vld.idx.msk [tilespmem:v1+s14+$0x0], $0xffff  }
0x1d7: {  	v59 =	vld.idx.msk [tilespmem:v1+s15+$0x0], $0xffff  }
0x1d8: {  	v1 =	vld.idx.msk [tilespmem:v3+s14+$0x0], $0xffff  }
0x1d9: {  	v0 =	vld.idx.msk [tilespmem:v0+s15+$0x0], $0xffff  }
0x1da: {  	v55 =	vld.idx.msk [tilespmem:v2+s14+$0x0], $0xffff  }
0x1db: {  	v58 =	vld.idx.msk [tilespmem:v2+s15+$0x0], $0xffff;
	v2 =	vor.u32 $0x19, v9  }
0x1dc: {  	v3 =	vld.idx.msk [tilespmem:v3+s15+$0x0], $0xffff  }
0x1dd: {  	[tilespmem:$0x1FEF0] =	vst v1;
	v1 =	vor.u32 $0x1A, v9;
	_ =	sdelay $0x1  }
0x1de: {  	[tilespmem:$0x1FEE0] =	vst v0;
	v0 =	vor.u32 $0x18, v9  }
0x1df: {  	v62 =	vld.idx.msk [tilespmem:v2+s14+$0x0], $0xffff  }
0x1e0: {  	v63 =	vld.idx.msk [tilespmem:v2+s15+$0x0], $0xffff;
	[tilespmem:$0x1FF00] =	vst v3;
	v3 =	vor.u32 $0x14, v9  }
0x1e1: {  	v2 =	vld.idx.msk [tilespmem:v1+s14+$0x0], $0xffff  }
0x1e2: {  	v10 =	vor.u32 $0x16, v9  }
0x1e3: {  	v60 =	vld.idx.msk [tilespmem:v0+s14+$0x0], $0xffff  }
0x1e4: {  	v61 =	vld.idx.msk [tilespmem:v0+s15+$0x0], $0xffff  }
0x1e5: {  	v0 =	vor.u32 $0x15, v9;
	v5 =	vld.idx.msk [tilespmem:v3+s15+$0x0], $0xffff  }
0x1e6: {  	[tilespmem:$0x1FF10] =	vst v2;
	v2 =	vld.idx.msk [tilespmem:v3+s14+$0x0], $0xffff  }
0x1e7: {  	v3 =	vld.idx.msk [tilespmem:v10+s14+$0x0], $0xffff;
	_ =	sdelay $0x1  }
0x1e8: {  	v1 =	vld.idx.msk [tilespmem:v1+s15+$0x0], $0xffff  }
0x1e9: {  	v6 =	vld.idx.msk [tilespmem:v0+s14+$0x0], $0xffff  }
0x1ea: {  	v8 =	vld.idx.msk [tilespmem:v0+s15+$0x0], $0xffff  }
0x1eb: {  	v0 =	vor.u32 $0x11, v9;
	[tilespmem:$0x1FF30] =	vst v3;
	v3 =	vld.idx.msk [tilespmem:v10+s15+$0x0], $0xffff;
	_ =	sdelay $0x1  }
0x1ec: {  	[tilespmem:$0x1FF20] =	vst v1;
	v1 =	vor.u32 $0x10, v9;
	_ =	sdelay $0x2  }
0x1ed: {  	v14 =	vld.idx.msk [tilespmem:v0+s14+$0x0], $0xffff;
	[tilespmem:$0x1FF40] =	vst v3;
	v3 =	vor.u32 $0x12, v9  }
0x1ee: {  	v15 =	vld.idx.msk [tilespmem:v0+s15+$0x0], $0xffff  }
0x1ef: {  	v0 =	vor.u32 $0xD, v9;
	v12 =	vld.idx.msk [tilespmem:v1+s14+$0x0], $0xffff  }
0x1f0: {  	v13 =	vld.idx.msk [tilespmem:v1+s15+$0x0], $0xffff;
	v1 =	vor.u32 $0xC, v9;
	_ =	sdelay $0x1  }
0x1f1: {  	v40 =	vld.idx.msk [tilespmem:v3+s14+$0x0], $0xffff  }
0x1f2: {  	v42 =	vld.idx.msk [tilespmem:v3+s15+$0x0], $0xffff;
	v3 =	vor.u32 $0xE, v9  }
0x1f3: {  	v18 =	vld.idx.msk [tilespmem:v0+s14+$0x0], $0xffff  }
0x1f4: {  	v10 =	vor.u32 $0x9, v9;
	v16 =	vld.idx.msk [tilespmem:v1+s14+$0x0], $0xffff  }
0x1f5: {  	v17 =	vld.idx.msk [tilespmem:v1+s15+$0x0], $0xffff;
	v1 =	vor.u32 $0x8, v9  }
0x1f6: {  	v19 =	vld.idx.msk [tilespmem:v0+s15+$0x0], $0xffff  }
0x1f7: {  	v54 =	vld.idx.msk [tilespmem:v3+s14+$0x0], $0xffff  }
0x1f8: {  	v56 =	vld.idx.msk [tilespmem:v3+s15+$0x0], $0xffff;
	v3 =	vor.u32 $0xA, v9  }
0x1f9: {  	v22 =	vld.idx.msk [tilespmem:v10+s15+$0x0], $0xffff  }
0x1fa: {  	v20 =	vld.idx.msk [tilespmem:v1+s14+$0x0], $0xffff  }
0x1fb: {  	v0 =	vld.idx.msk [tilespmem:v1+s15+$0x0], $0xffff  }
0x1fc: {  	v1 =	vld.idx.msk [tilespmem:v10+s14+$0x0], $0xffff  }
0x1fd: {  	v10 =	vld.idx.msk [tilespmem:v3+s14+$0x0], $0xffff  }
0x1fe: {  	v11 =	vld.idx.msk [tilespmem:v3+s15+$0x0], $0xffff;
	v3 =	vmul.f32 v31, v30  }
0x1ff: {  	v30 =	vld [tilespmem:$0x1FF70]  }
0x200: {  	[tilespmem:$0x1FF50] =	vst v3;
	v3 =	vld [tilespmem:$0x1FF60];
	_ =	sdelay $0x1  }
0x201: {  	v25 =	vor.u32 $0x4, v9;
	_ =	sdelay $0x1  }
0x202: {  	v7 =	vor.u32 $0x6, v9;
	v31 =	vld [tilespmem:$0x1FFA0]  }
0x203: {  	v3 =	vmul.f32 v30, v3;
	v30 =	vld [tilespmem:$0x1FF90]  }
0x204: {  	v4 =	vor.u32 $0x5, v9;
	v28 =	vmul.f32 v29, v28  }
0x205: {  	v23 =	vld.idx.msk [tilespmem:v25+s14+$0x0], $0xffff;
	v21 =	vmul.f32 v21, v26  }
0x206: {  	v25 =	vld.idx.msk [tilespmem:v25+s15+$0x0], $0xffff;
	[tilespmem:$0x1FFC0] =	vst v28;
	v24 =	vmul.f32 v24, v27  }
0x207: {  	[tilespmem:$0x1FFE0] =	vst v21;
	v21 =	vld.idx.msk [tilespmem:v7+s14+$0x0], $0xffff  }
0x208: {  	[tilespmem:$0x1FFD0] =	vst v24;
	v24 =	vld.idx.msk [tilespmem:v7+s15+$0x0], $0xffff;
	v30 =	vmul.f32 v31, v30  }
0x209: {  	v29 =	vor.u32 $0x3B, v9;
	[tilespmem:$0x1FF80] =	vst v3;
	v3 =	vld.idx.msk [tilespmem:v4+s14+$0x0], $0xffff  }
0x20a: {  	s20 =	simm.s32 $0x20;
	v28 =	vor.u32 $0x1, v9;
	v26 =	vor.u32 $0x3F, v9;
	v27 =	vor.u32 $0x2, v9;
	v4 =	vld.idx.msk [tilespmem:v4+s15+$0x0], $0xffff;
	[tilespmem:$0x1FFB0] =	vst v30  }
.LBB2_6:
0x20b: {  	_ =	sdelay $0x1  }
0x20c: {  	v30 =	vld.idx.msk [tilespmem:v9+s15+$0x0], $0xffff;
	v7 =	vmul.f32 v33, v32;
	v31 =	vmul.f32 v39, v38  }
0x20d: {  	v32 =	vld.idx.msk [tilespmem:v9+s14+$0x0], $0xffff;
	v33 =	vor.u32 $0x3, v9;
	v41 =	vmul.f32 v43, v41;
	v43 =	vmul.f32 v45, v44  }
0x20e: {  	v45 =	vld.idx.msk [tilespmem:v27+s14+$0x0], $0xffff;
	v57 =	vmul.f32 v59, v57;
	v59 =	vmul.f32 v61, v60  }
0x20f: {  	v44 =	vor.u32 $0x7, v9;
	v27 =	vld.idx.msk [tilespmem:v27+s15+$0x0], $0xffff;
	v60 =	vmul.f32 v63, v62;
	v2 =	vmul.f32 v5, v2;
	[tilespmem:$0x1FB80] =	vst v7  }
0x210: {  	v61 =	vor.u32 $0x2B, v9;
	v5 =	vmul.f32 v8, v6;
	v7 =	vmul.f32 v35, v34;
	[tilespmem:$0x1FB70] =	vst v31;
	v31 =	vld.idx.msk [tilespmem:v28+s14+$0x0], $0xffff  }
0x211: {  	v62 =	vor.u32 $0xF, v9;
	v35 =	vmul.f32 v37, v36;
	v28 =	vld.idx.msk [tilespmem:v28+s15+$0x0], $0xffff;
	v36 =	vmul.f32 v48, v46  }
0x212: {  	v37 =	vmul.f32 v49, v47;
	v47 =	vor.u32 $0xB, v9;
	v48 =	vmul.f32 v58, v55;
	v58 =	vld.idx.msk [tilespmem:v33+s14+$0x0], $0xffff  }
0x213: {  	v8 =	vmul.f32 v13, v12;
	v12 =	vmul.f32 v15, v14;
	v13 =	vor.u32 $0x27, v9;
	v33 =	vld.idx.msk [tilespmem:v33+s15+$0x0], $0xffff  }
0x214: {  	v15 =	vmul.f32 v17, v16;
	v16 =	vmul.f32 v19, v18;
	v17 =	vor.u32 $0x13, v9;
	v6 =	vld.idx.msk [tilespmem:v44+s14+$0x0], $0xffff  }
0x215: {  	v1 =	vmul.f32 v22, v1;
	v3 =	vmul.f32 v4, v3;
	v22 =	vor.u32 $0x17, v9;
	v14 =	vld.idx.msk [tilespmem:v44+s15+$0x0], $0xffff  }
0x216: {  	v19 =	vor.u32 $0x23, v9;
	v21 =	vmul.f32 v24, v21;
	v0 =	vmul.f32 v0, v20;
	v63 =	vld.idx.msk [tilespmem:v62+s15+$0x0], $0xffff  }
0x217: {  	v34 =	vor.u32 $0x33, v9;
	v20 =	vmul.f32 v25, v23;
	v23 =	vmul.f32 v30, v32;
	v18 =	vld.idx.msk [tilespmem:v47+s14+$0x0], $0xffff  }
0x218: {  	v46 =	vor.u32 $0x2F, v9;
	[tilespmem:$0x1FB90] =	vst v7;
	v7 =	vor.u32 $0x37, v9;
	v4 =	vld.idx.msk [tilespmem:v47+s15+$0x0], $0xffff;
	v25 =	vmul.f32 v28, v31  }
0x219: {  	v30 =	vor.u32 $0x1F, v9;
	v9 =	vor.u32 $0x1B, v9;
	v24 =	vld.idx.msk [tilespmem:v17+s14+$0x0], $0xffff;
	v23 =	vadd.f32 $0.0e+00, v23  }
0x21a: {  	v10 =	vmul.f32 v11, v10;
	v11 =	vld.idx.msk [tilespmem:v22+s14+$0x0], $0xffff;
	v25 =	vadd.f32 $0.0e+00, v25  }
0x21b: {  	v6 =	vmul.f32 v14, v6;
	v14 =	vld.idx.msk [tilespmem:v17+s15+$0x0], $0xffff;
	v17 =	vadd.f32 v20, v23  }
0x21c: {  	v28 =	vld.idx.msk [tilespmem:v62+s14+$0x0], $0xffff;
	v31 =	vmul.f32 v33, v58;
	v3 =	vadd.f32 v3, v25  }
0x21d: {  	v27 =	vmul.f32 v27, v45;
	v4 =	vmul.f32 v4, v18;
	v18 =	vld.idx.msk [tilespmem:v22+s15+$0x0], $0xffff;
	v0 =	vadd.f32 v0, v17  }
0x21e: {  	v31 =	vadd.f32 $0.0e+00, v31;
	v17 =	vld.idx.msk [tilespmem:v9+s14+$0x0], $0xffff;
	v1 =	vadd.f32 v1, v3  }
0x21f: {  	v27 =	vadd.f32 $0.0e+00, v27;
	v9 =	vld.idx.msk [tilespmem:v9+s15+$0x0], $0xffff;
	v0 =	vadd.f32 v15, v0  }
0x220: {  	v6 =	vadd.f32 v6, v31;
	v1 =	vadd.f32 v16, v1;
	v16 =	vld.idx.msk [tilespmem:v30+s14+$0x0], $0xffff  }
0x221: {  	v20 =	vadd.f32 v21, v27;
	v0 =	vadd.f32 v8, v0;
	v8 =	vld [tilespmem:$0x1FF30]  }
0x222: {  	v4 =	vadd.f32 v4, v6;
	v6 =	vmul.f32 v63, v28;
	v1 =	vadd.f32 v12, v1;
	v12 =	vld [tilespmem:$0x1FF40]  }
0x223: {  	v10 =	vadd.f32 v10, v20;
	v3 =	vmul.f32 v56, v54;
	v0 =	vadd.f32 v2, v0;
	v2 =	vld [tilespmem:$0x1FF10]  }
0x224: {  	v4 =	vadd.f32 v6, v4;
	v6 =	vmul.f32 v14, v24;
	v1 =	vadd.f32 v5, v1;
	v5 =	vld [tilespmem:$0x1FF20]  }
0x225: {  	v3 =	vadd.f32 v3, v10;
	v10 =	vld.idx.msk [tilespmem:v30+s15+$0x0], $0xffff  }
0x226: {  	v15 =	vmul.f32 v42, v40;
	v4 =	vadd.f32 v6, v4;
	v6 =	vmul.f32 v18, v11;
	v11 =	vld.idx.msk [tilespmem:v19+s15+$0x0], $0xffff  }
0x227: {  	v8 =	vmul.f32 v12, v8;
	v12 =	vld.idx.msk [tilespmem:v19+s14+$0x0], $0xffff  }
0x228: {  	v3 =	vadd.f32 v15, v3;
	v4 =	vadd.f32 v6, v4;
	v6 =	vmul.f32 v9, v17;
	v9 =	vld [tilespmem:$0x1FEF0]  }
0x229: {  	v2 =	vmul.f32 v5, v2;
	v5 =	vld.idx.msk [tilespmem:v13+s14+$0x0], $0xffff  }
0x22a: {  	v3 =	vadd.f32 v8, v3;
	v8 =	vld.idx.msk [tilespmem:v13+s15+$0x0], $0xffff  }
0x22b: {  	v13 =	vld [tilespmem:$0x1FF00]  }
0x22c: {  	v14 =	vld [tilespmem:$0x1FEE0]  }
0x22d: {  	v2 =	vadd.f32 v2, v3;
	v3 =	vadd.f32 v6, v4;
	v4 =	vmul.f32 v10, v16;
	v10 =	vld [tilespmem:$0x1FED0];
	_ =	sdelay $0x1  }
0x22e: {  	v6 =	vld.idx.msk [tilespmem:v61+s15+$0x0], $0xffff  }
0x22f: {  	v3 =	vadd.f32 v4, v3;
	v4 =	vmul.f32 v11, v12;
	v11 =	vld [tilespmem:$0x1FEB0];
	v9 =	vmul.f32 v13, v9  }
0x230: {  	v12 =	vld [tilespmem:$0x1FEC0]  }
0x231: {  	v13 =	vld.idx.msk [tilespmem:v61+s14+$0x0], $0xffff;
	v10 =	vmul.f32 v14, v10;
	v2 =	vadd.f32 v9, v2  }
0x232: {  	v3 =	vadd.f32 v4, v3;
	v4 =	vmul.f32 v8, v5;
	v8 =	vld [tilespmem:$0x1FE90]  }
0x233: {  	v2 =	vadd.f32 v10, v2;
	v10 =	vld [tilespmem:$0x1FEA0];
	_ =	sdelay $0x1  }
0x234: {  	v11 =	vmul.f32 v12, v11  }
0x235: {  	v3 =	vadd.f32 v4, v3;
	v4 =	vmul.f32 v6, v13;
	v6 =	vld.idx.msk [tilespmem:v7+s15+$0x0], $0xffff  }
0x236: {  	v2 =	vadd.f32 v11, v2;
	v11 =	vld [tilespmem:$0x1FE80]  }
0x237: {  	v8 =	vmul.f32 v10, v8;
	v10 =	vld.idx.msk [tilespmem:v7+s14+$0x0], $0xffff  }
0x238: {  	v0 =	vadd.f32 v59, v0;
	v7 =	vld [tilespmem:$0x1FE70];
	_ =	sdelay $0x1  }
0x239: {  	v38 =	vmul.f32 v51, v50;
	v0 =	vadd.f32 v48, v0;
	_ =	sdelay $0x1  }
0x23a: {  	v0 =	vadd.f32 v38, v0;
	v14 =	vld.idx.msk [tilespmem:v46+s14+$0x0], $0xffff  }
0x23b: {  	v1 =	vadd.f32 v60, v1;
	v9 =	vld.idx.msk [tilespmem:v46+s15+$0x0], $0xffff;
	v2 =	vadd.f32 v8, v2;
	v7 =	vmul.f32 v11, v7  }
0x23c: {  	v0 =	vadd.f32 v36, v0  }
0x23d: {  	v39 =	vmul.f32 v53, v52;
	v1 =	vadd.f32 v57, v1;
	v2 =	vadd.f32 v7, v2;
	v7 =	vld [tilespmem:$0x1FB80]  }
0x23e: {  	v0 =	vadd.f32 v41, v0  }
0x23f: {  	v1 =	vadd.f32 v39, v1;
	v5 =	vld.idx.msk [tilespmem:v34+s15+$0x0], $0xffff  }
0x240: {  	v0 =	vadd.f32 v35, v0;
	v3 =	vadd.f32 v4, v3;
	v4 =	vmul.f32 v9, v14;
	v9 =	vld [tilespmem:$0x1FB70]  }
0x241: {  	v1 =	vadd.f32 v37, v1;
	v12 =	vld.idx.msk [tilespmem:v34+s14+$0x0], $0xffff  }
0x242: {  	v0 =	vadd.f32 v7, v0;
	v7 =	vld [tilespmem:$0x1FB90]  }
0x243: {  	v1 =	vadd.f32 v43, v1  }
0x244: {  	v13 =	vld [tilespmem:$0x1FE60]  }
0x245: {  	v1 =	vadd.f32 v9, v1;
	v9 =	vld [tilespmem:$0x1FE50]  }
0x246: {  	v3 =	vadd.f32 v4, v3;
	v4 =	vmul.f32 v5, v12;
	v12 =	vld [tilespmem:$0x1FE40]  }
0x247: {  	v1 =	vadd.f32 v7, v1;
	v7 =	vld [tilespmem:$0x1FE30];
	_ =	sdelay $0x2  }
0x248: {  	v9 =	vmul.f32 v13, v9  }
0x249: {  	v8 =	vld.idx.msk [tilespmem:v29+s15+$0x0], $0xffff;
	v3 =	vadd.f32 v4, v3  }
0x24a: {  	v4 =	vmul.f32 v6, v10;
	v6 =	vld [tilespmem:$0x1FFD0];
	v2 =	vadd.f32 v9, v2;
	v7 =	vmul.f32 v12, v7  }
0x24b: {  	v11 =	vld.idx.msk [tilespmem:v29+s14+$0x0], $0xffff  }
0x24c: {  	v2 =	vadd.f32 v7, v2;
	v7 =	vld [tilespmem:$0x1FFB0]  }
0x24d: {  	v5 =	vld.idx.msk [tilespmem:v26+s15+$0x0], $0xffff  }
0x24e: {  	v13 =	vld.idx.msk [tilespmem:v26+s14+$0x0], $0xffff  }
0x24f: {  	v0 =	vadd.f32 v6, v0;
	v6 =	vld [tilespmem:$0x1FFE0];
	_ =	sdelay $0x1  }
0x250: {  	v3 =	vadd.f32 v4, v3;
	v4 =	vmul.f32 v8, v11;
	v0 =	vadd.f32 v7, v0;
	v7 =	vld [tilespmem:$0x1FFC0]  }
0x251: {  	v9 =	vld [tilespmem:$0x1FE20]  }
0x252: {  	v3 =	vadd.f32 v4, v3;
	v4 =	vmul.f32 v5, v13;
	v5 =	vld [tilespmem:$0x1FF50]  }
0x253: {  	v1 =	vadd.f32 v6, v1;
	v6 =	vld [tilespmem:$0x1FE10]  }
0x254: {  	v8 =	vld [tilespmem:$0x1FE00]  }
0x255: {  	v1 =	vadd.f32 v7, v1;
	v7 =	vld [tilespmem:$0x1FDF0];
	_ =	sdelay $0x1  }
0x256: {  	v0 =	vadd.f32 v5, v0;
	v5 =	vld [tilespmem:$0x1FF80]  }
0x257: {  	v6 =	vmul.f32 v9, v6;
	_ =	sdelay $0x1  }
0x258: {  	v2 =	vadd.f32 v6, v2;
	v7 =	vmul.f32 v8, v7  }
0x259: {  	v3 =	vadd.f32 v4, v3  }
0x25a: {  	v1 =	vadd.f32 v5, v1;
	v2 =	vadd.f32 v7, v2;
	_ =	sdelay $0x1  }
0x25b: {  	v0 =	vadd.f32 v1, v0;
	v1 =	vadd.f32 v3, v2;
	v2 =	vld [tilespmem:$0x1FFF0];
	_ =	sdelay $0x1  }
0x25c: {  	s18 =	sadd.s32 $0x10, s18  }
0x25d: {  	v4 =	vmov s20;
	v5 =	vld [tilespmem:s18+$0x0]  }
0x25e: {  	v4 =	vshll.u32 v4, $0x7  }
0x25f: {  	v9 =	vor.u32 v2, v4  }
0x260: {  	v0 =	vadd.f32 v1, v0;
	v2 =	vor.u32 $0x3C, v9;
	_ =	sdelay $0x1  }
0x261: {  	v0 =	vadd.f32 v0, v5;
	v1 =	vor.u32 $0x3D, v9  }
0x262: {  	s19 =	sadd.s32 $0x10, s19  }
0x263: {  	[tilespmem:s19+$0x0] =	vst v0  }
0x264: {  	v27 =	vld.idx.msk [tilespmem:v2+s14+$0x0], $0xffff  }
0x265: {  	v31 =	vld.idx.msk [tilespmem:v2+s15+$0x0], $0xffff  }
0x266: {  	v2 =	vld.idx.msk [tilespmem:v1+s14+$0x0], $0xffff  }
0x267: {  	v3 =	vor.u32 $0x3E, v9;
	v1 =	vld.idx.msk [tilespmem:v1+s15+$0x0], $0xffff;
	_ =	sdelay $0x4  }
0x268: {  	[tilespmem:$0x1FBB0] =	vst v1;
	v1 =	vld.idx.msk [tilespmem:v3+s14+$0x0], $0xffff  }
0x269: {  	v0 =	vor.u32 $0x38, v9;
	v3 =	vld.idx.msk [tilespmem:v3+s15+$0x0], $0xffff;
	_ =	sdelay $0x1  }
0x26a: {  	[tilespmem:$0x1FBA0] =	vst v2;
	v2 =	vor.u32 $0x39, v9;
	_ =	sdelay $0x1  }
0x26b: {  	[tilespmem:$0x1FDF0] =	vst v1;
	v1 =	vor.u32 $0x3A, v9  }
0x26c: {  	[tilespmem:$0x1FE00] =	vst v3;
	v3 =	vld.idx.msk [tilespmem:v0+s14+$0x0], $0xffff;
	_ =	sdelay $0x1  }
0x26d: {  	v29 =	vld.idx.msk [tilespmem:v2+s14+$0x0], $0xffff  }
0x26e: {  	v24 =	vld.idx.msk [tilespmem:v2+s15+$0x0], $0xffff  }
0x26f: {  	v2 =	vld.idx.msk [tilespmem:v1+s14+$0x0], $0xffff  }
0x270: {  	[tilespmem:$0x1FBC0] =	vst v3;
	v3 =	vor.u32 $0x34, v9;
	v1 =	vld.idx.msk [tilespmem:v1+s15+$0x0], $0xffff  }
0x271: {  	v0 =	vld.idx.msk [tilespmem:v0+s15+$0x0], $0xffff;
	_ =	sdelay $0x3  }
0x272: {  	[tilespmem:$0x1FE20] =	vst v1;
	v1 =	vld.idx.msk [tilespmem:v3+s14+$0x0], $0xffff  }
0x273: {  	[tilespmem:$0x1FBD0] =	vst v0;
	v0 =	vor.u32 $0x35, v9;
	v3 =	vld.idx.msk [tilespmem:v3+s15+$0x0], $0xffff;
	_ =	sdelay $0x1  }
0x274: {  	[tilespmem:$0x1FE10] =	vst v2;
	v2 =	vor.u32 $0x36, v9;
	_ =	sdelay $0x2  }
0x275: {  	[tilespmem:$0x1FBF0] =	vst v3;
	v3 =	vld.idx.msk [tilespmem:v0+s14+$0x0], $0xffff  }
0x276: {  	v7 =	vld.idx.msk [tilespmem:v0+s15+$0x0], $0xffff  }
0x277: {  	v0 =	vld.idx.msk [tilespmem:v2+s14+$0x0], $0xffff;
	_ =	sdelay $0x2  }
0x278: {  	[tilespmem:$0x1FC00] =	vst v3;
	v3 =	vor.u32 $0x31, v9;
	_ =	sdelay $0x1  }
0x279: {  	[tilespmem:$0x1FE30] =	vst v0;
	v0 =	vor.u32 $0x32, v9  }
0x27a: {  	v2 =	vld.idx.msk [tilespmem:v2+s15+$0x0], $0xffff  }
0x27b: {  	[tilespmem:$0x1FBE0] =	vst v1;
	v1 =	vor.u32 $0x30, v9  }
0x27c: {  	v34 =	vld.idx.msk [tilespmem:v3+s14+$0x0], $0xffff  }
0x27d: {  	v35 =	vld.idx.msk [tilespmem:v3+s15+$0x0], $0xffff  }
0x27e: {  	v3 =	vld.idx.msk [tilespmem:v0+s14+$0x0], $0xffff  }
0x27f: {  	[tilespmem:$0x1FE40] =	vst v2;
	v2 =	vor.u32 $0x2C, v9  }
0x280: {  	v32 =	vld.idx.msk [tilespmem:v1+s14+$0x0], $0xffff  }
0x281: {  	v33 =	vld.idx.msk [tilespmem:v1+s15+$0x0], $0xffff;
	v1 =	vor.u32 $0x2D, v9;
	_ =	sdelay $0x1  }
0x282: {  	v0 =	vld.idx.msk [tilespmem:v0+s15+$0x0], $0xffff;
	[tilespmem:$0x1FE50] =	vst v3;
	v3 =	vor.u32 $0x2E, v9  }
0x283: {  	v36 =	vld.idx.msk [tilespmem:v2+s14+$0x0], $0xffff  }
0x284: {  	v37 =	vld.idx.msk [tilespmem:v2+s15+$0x0], $0xffff  }
0x285: {  	v38 =	vld.idx.msk [tilespmem:v1+s14+$0x0], $0xffff  }
0x286: {  	v39 =	vld.idx.msk [tilespmem:v1+s15+$0x0], $0xffff  }
0x287: {  	v2 =	vor.u32 $0x29, v9;
	v1 =	vld.idx.msk [tilespmem:v3+s14+$0x0], $0xffff;
	_ =	sdelay $0x2  }
0x288: {  	[tilespmem:$0x1FE60] =	vst v0;
	v0 =	vor.u32 $0x28, v9;
	_ =	sdelay $0x1  }
0x289: {  	v44 =	vld.idx.msk [tilespmem:v2+s14+$0x0], $0xffff;
	[tilespmem:$0x1FE70] =	vst v1;
	v1 =	vor.u32 $0x2A, v9  }
0x28a: {  	v45 =	vld.idx.msk [tilespmem:v2+s15+$0x0], $0xffff  }
0x28b: {  	v3 =	vld.idx.msk [tilespmem:v3+s15+$0x0], $0xffff  }
0x28c: {  	v41 =	vld.idx.msk [tilespmem:v0+s14+$0x0], $0xffff  }
0x28d: {  	v43 =	vld.idx.msk [tilespmem:v0+s15+$0x0], $0xffff  }
0x28e: {  	v0 =	vor.u32 $0x25, v9;
	v2 =	vld.idx.msk [tilespmem:v1+s14+$0x0], $0xffff;
	_ =	sdelay $0x2  }
0x28f: {  	[tilespmem:$0x1FE80] =	vst v3;
	v3 =	vor.u32 $0x24, v9;
	_ =	sdelay $0x1  }
0x290: {  	v47 =	vld.idx.msk [tilespmem:v0+s14+$0x0], $0xffff;
	[tilespmem:$0x1FE90] =	vst v2;
	v2 =	vor.u32 $0x26, v9  }
0x291: {  	v49 =	vld.idx.msk [tilespmem:v0+s15+$0x0], $0xffff  }
0x292: {  	v1 =	vld.idx.msk [tilespmem:v1+s15+$0x0], $0xffff  }
0x293: {  	v46 =	vld.idx.msk [tilespmem:v3+s14+$0x0], $0xffff  }
0x294: {  	v48 =	vld.idx.msk [tilespmem:v3+s15+$0x0], $0xffff  }
0x295: {  	v3 =	vor.u32 $0x21, v9;
	v0 =	vld.idx.msk [tilespmem:v2+s14+$0x0], $0xffff;
	_ =	sdelay $0x2  }
0x296: {  	[tilespmem:$0x1FEA0] =	vst v1;
	v1 =	vor.u32 $0x20, v9;
	_ =	sdelay $0x1  }
0x297: {  	v52 =	vld.idx.msk [tilespmem:v3+s14+$0x0], $0xffff;
	[tilespmem:$0x1FEB0] =	vst v0;
	v0 =	vor.u32 $0x22, v9  }
0x298: {  	v53 =	vld.idx.msk [tilespmem:v3+s15+$0x0], $0xffff  }
0x299: {  	v2 =	vld.idx.msk [tilespmem:v2+s15+$0x0], $0xffff  }
0x29a: {  	v50 =	vld.idx.msk [tilespmem:v1+s14+$0x0], $0xffff  }
0x29b: {  	v51 =	vld.idx.msk [tilespmem:v1+s15+$0x0], $0xffff  }
0x29c: {  	v3 =	vld.idx.msk [tilespmem:v0+s14+$0x0], $0xffff  }
0x29d: {  	v1 =	vor.u32 $0x1D, v9;
	v0 =	vld.idx.msk [tilespmem:v0+s15+$0x0], $0xffff;
	_ =	sdelay $0x1  }
0x29e: {  	[tilespmem:$0x1FEC0] =	vst v2;
	v2 =	vor.u32 $0x1C, v9;
	_ =	sdelay $0x1  }
0x29f: {  	[tilespmem:$0x1FED0] =	vst v3;
	v3 =	vor.u32 $0x1E, v9  }
0x2a0: {  	v57 =	vld.idx.msk [tilespmem:v1+s14+$0x0], $0xffff;
	[tilespmem:$0x1FEE0] =	vst v0;
	v0 =	vor.u32 $0x18, v9  }
0x2a1: {  	v59 =	vld.idx.msk [tilespmem:v1+s15+$0x0], $0xffff  }
0x2a2: {  	v55 =	vld.idx.msk [tilespmem:v2+s14+$0x0], $0xffff  }
0x2a3: {  	v58 =	vld.idx.msk [tilespmem:v2+s15+$0x0], $0xffff  }
0x2a4: {  	v2 =	vor.u32 $0x19, v9;
	v1 =	vld.idx.msk [tilespmem:v3+s14+$0x0], $0xffff  }
0x2a5: {  	v60 =	vld.idx.msk [tilespmem:v0+s14+$0x0], $0xffff  }
0x2a6: {  	v61 =	vld.idx.msk [tilespmem:v0+s15+$0x0], $0xffff;
	v0 =	vor.u32 $0x15, v9;
	_ =	sdelay $0x1  }
0x2a7: {  	v4 =	vor.u32 $0x16, v9  }
0x2a8: {  	v62 =	vld.idx.msk [tilespmem:v2+s14+$0x0], $0xffff  }
0x2a9: {  	v3 =	vld.idx.msk [tilespmem:v3+s15+$0x0], $0xffff  }
0x2aa: {  	[tilespmem:$0x1FEF0] =	vst v1;
	v1 =	vor.u32 $0x1A, v9;
	v6 =	vld.idx.msk [tilespmem:v0+s14+$0x0], $0xffff  }
0x2ab: {  	v8 =	vld.idx.msk [tilespmem:v0+s15+$0x0], $0xffff  }
0x2ac: {  	v0 =	vld.idx.msk [tilespmem:v4+s14+$0x0], $0xffff  }
0x2ad: {  	v4 =	vld.idx.msk [tilespmem:v4+s15+$0x0], $0xffff  }
0x2ae: {  	v63 =	vld.idx.msk [tilespmem:v2+s15+$0x0], $0xffff;
	[tilespmem:$0x1FF00] =	vst v3;
	v3 =	vor.u32 $0x14, v9  }
0x2af: {  	v2 =	vld.idx.msk [tilespmem:v1+s14+$0x0], $0xffff;
	_ =	sdelay $0x1  }
0x2b0: {  	v1 =	vld.idx.msk [tilespmem:v1+s15+$0x0], $0xffff  }
0x2b1: {  	[tilespmem:$0x1FF40] =	vst v4;
	v4 =	vor.u32 $0xC, v9  }
0x2b2: {  	v5 =	vld.idx.msk [tilespmem:v3+s15+$0x0], $0xffff  }
0x2b3: {  	[tilespmem:$0x1FF10] =	vst v2;
	v2 =	vld.idx.msk [tilespmem:v3+s14+$0x0], $0xffff;
	v3 =	vor.u32 $0x11, v9;
	_ =	sdelay $0x1  }
0x2b4: {  	[tilespmem:$0x1FF20] =	vst v1;
	v1 =	vor.u32 $0x10, v9  }
0x2b5: {  	v16 =	vld.idx.msk [tilespmem:v4+s14+$0x0], $0xffff  }
0x2b6: {  	v17 =	vld.idx.msk [tilespmem:v4+s15+$0x0], $0xffff  }
0x2b7: {  	v4 =	vor.u32 $0x9, v9;
	v14 =	vld.idx.msk [tilespmem:v3+s14+$0x0], $0xffff  }
0x2b8: {  	v15 =	vld.idx.msk [tilespmem:v3+s15+$0x0], $0xffff;
	v3 =	vor.u32 $0xE, v9  }
0x2b9: {  	v12 =	vld.idx.msk [tilespmem:v1+s14+$0x0], $0xffff  }
0x2ba: {  	v13 =	vld.idx.msk [tilespmem:v1+s15+$0x0], $0xffff;
	v1 =	vor.u32 $0xD, v9;
	_ =	sdelay $0x1  }
0x2bb: {  	v22 =	vld.idx.msk [tilespmem:v4+s15+$0x0], $0xffff  }
0x2bc: {  	v21 =	vor.u32 $0x5, v9;
	v54 =	vld.idx.msk [tilespmem:v3+s14+$0x0], $0xffff  }
0x2bd: {  	v56 =	vld.idx.msk [tilespmem:v3+s15+$0x0], $0xffff;
	v3 =	vor.u32 $0x4, v9  }
0x2be: {  	v18 =	vld.idx.msk [tilespmem:v1+s14+$0x0], $0xffff  }
0x2bf: {  	v19 =	vld.idx.msk [tilespmem:v1+s15+$0x0], $0xffff  }
0x2c0: {  	v1 =	vld.idx.msk [tilespmem:v4+s14+$0x0], $0xffff  }
0x2c1: {  	v4 =	vld.idx.msk [tilespmem:v21+s15+$0x0], $0xffff  }
0x2c2: {  	v23 =	vld.idx.msk [tilespmem:v3+s14+$0x0], $0xffff  }
0x2c3: {  	v25 =	vld.idx.msk [tilespmem:v3+s15+$0x0], $0xffff  }
0x2c4: {  	v3 =	vld.idx.msk [tilespmem:v21+s14+$0x0], $0xffff;
	v21 =	vmul.f32 v31, v27  }
0x2c5: {  	v27 =	vld [tilespmem:$0x1FBB0]  }
0x2c6: {  	[tilespmem:$0x1FF50] =	vst v21;
	v21 =	vld [tilespmem:$0x1FBA0];
	_ =	sdelay $0x1  }
0x2c7: {  	v30 =	vor.u32 $0x6, v9;
	_ =	sdelay $0x1  }
0x2c8: {  	v31 =	vld [tilespmem:$0x1FBD0]  }
0x2c9: {  	v24 =	vmul.f32 v24, v29;
	v21 =	vmul.f32 v27, v21;
	v27 =	vld [tilespmem:$0x1FBC0];
	_ =	sdelay $0x1  }
0x2ca: {  	[tilespmem:$0x1FFC0] =	vst v24;
	v24 =	vld.idx.msk [tilespmem:v30+s15+$0x0], $0xffff  }
0x2cb: {  	[tilespmem:$0x1FF80] =	vst v21;
	v21 =	vld.idx.msk [tilespmem:v30+s14+$0x0], $0xffff  }
0x2cc: {  	v30 =	vld [tilespmem:$0x1FBE0]  }
0x2cd: {  	v27 =	vmul.f32 v31, v27;
	v31 =	vld [tilespmem:$0x1FBF0]  }
0x2ce: {  	[tilespmem:$0x1FF30] =	vst v0;
	v0 =	vor.u32 $0x12, v9;
	_ =	sdelay $0x3  }
0x2cf: {  	v30 =	vmul.f32 v31, v30  }
0x2d0: {  	v11 =	vor.u32 $0xA, v9;
	v40 =	vld.idx.msk [tilespmem:v0+s14+$0x0], $0xffff  }
0x2d1: {  	[tilespmem:$0x1FFD0] =	vst v30;
	v30 =	vld [tilespmem:$0x1FC00]  }
0x2d2: {  	v42 =	vld.idx.msk [tilespmem:v0+s15+$0x0], $0xffff;
	v0 =	vor.u32 $0x8, v9  }
0x2d3: {  	p0 =	sne.s32 s20, $0xF0  }
.Ltmp2:
0x2d4: {  	_ = 	snop;
	(pc) =	sbr.rel @p0 .LBB2_6-.Ltmp2, $4  }
0x2d5: {  	v10 =	vld.idx.msk [tilespmem:v11+s14+$0x0], $0xffff  }
0x2d6: {  	v11 =	vld.idx.msk [tilespmem:v11+s15+$0x0], $0xffff;
	v7 =	vmul.f32 v7, v30  }
0x2d7: {  	v26 =	vor.u32 $0x3F, v9;
	v20 =	vld.idx.msk [tilespmem:v0+s14+$0x0], $0xffff;
	[tilespmem:$0x1FFB0] =	vst v27  }
0x2d8: {  	s20 =	sadd.s32 $0x10, s20;
	v28 =	vor.u32 $0x1, v9;
	v29 =	vor.u32 $0x3B, v9;
	v0 =	vld.idx.msk [tilespmem:v0+s15+$0x0], $0xffff;
	v27 =	vor.u32 $0x2, v9;
	[tilespmem:$0x1FFE0] =	vst v7  }
0x2d9: {  	_ =	sdelay $0x3  }
0x2da: {  	v30 =	vld.idx.msk [tilespmem:v28+s14+$0x0], $0xffff  }
0x2db: {  	v33 =	vmul.f32 v33, v32;
	v28 =	vld.idx.msk [tilespmem:v28+s15+$0x0], $0xffff  }
0x2dc: {  	v7 =	vmul.f32 v35, v34;
	v32 =	vmul.f32 v39, v38;
	v39 =	vld.idx.msk [tilespmem:v9+s15+$0x0], $0xffff  }
0x2dd: {  	v34 =	vmul.f32 v43, v41;
	v41 =	vmul.f32 v53, v52;
	v52 =	vld.idx.msk [tilespmem:v9+s14+$0x0], $0xffff;
	v53 =	vor.u32 $0x7, v9  }
0x2de: {  	v43 =	vmul.f32 v58, v55;
	v55 =	vld.idx.msk [tilespmem:v27+s14+$0x0], $0xffff;
	v58 =	vor.u32 $0xB, v9  }
0x2df: {  	v31 =	vmul.f32 v48, v46;
	v46 =	vmul.f32 v59, v57;
	v57 =	vld.idx.msk [tilespmem:v27+s15+$0x0], $0xffff  }
0x2e0: {  	v27 =	vmul.f32 v42, v40;
	v40 =	vld [tilespmem:$0x1FF30]  }
0x2e1: {  	v42 =	vld [tilespmem:$0x1FF40];
	[tilespmem:$0x1FB60] =	vst v7;
	v7 =	vmul.f32 v37, v36;
	v36 =	vor.u32 $0x3, v9  }
0x2e2: {  	v37 =	vmul.f32 v49, v47;
	v49 =	vmul.f32 v63, v62;
	v62 =	vld.idx.msk [tilespmem:v53+s14+$0x0], $0xffff  }
0x2e3: {  	v38 =	vmul.f32 v51, v50;
	v50 =	vld.idx.msk [tilespmem:v58+s14+$0x0], $0xffff  }
0x2e4: {  	v47 =	vmul.f32 v61, v60;
	v61 =	vor.u32 $0xF, v9;
	v63 =	vmul.f32 v39, v52;
	v52 =	vld.idx.msk [tilespmem:v58+s15+$0x0], $0xffff  }
0x2e5: {  	v39 =	vmul.f32 v25, v23;
	v23 =	vld [tilespmem:$0x1FEC0]  }
0x2e6: {  	v59 =	vld.idx.msk [tilespmem:v36+s14+$0x0], $0xffff  }
0x2e7: {  	v51 =	vmul.f32 v57, v55;
	v55 =	vor.u32 $0x17, v9;
	v60 =	vld.idx.msk [tilespmem:v36+s15+$0x0], $0xffff  }
0x2e8: {  	v36 =	vld.idx.msk [tilespmem:v53+s15+$0x0], $0xffff  }
0x2e9: {  	v6 =	vmul.f32 v8, v6;
	v8 =	vmul.f32 v13, v12;
	v58 =	vor.u32 $0x1B, v9;
	v57 =	vld.idx.msk [tilespmem:v61+s14+$0x0], $0xffff  }
0x2ea: {  	v13 =	vmul.f32 v15, v14;
	v14 =	vmul.f32 v17, v16;
	v16 =	vld.idx.msk [tilespmem:v61+s15+$0x0], $0xffff  }
0x2eb: {  	v35 =	vmul.f32 v45, v44;
	v3 =	vmul.f32 v4, v3;
	v4 =	vadd.f32 $0.0e+00, v51;
	v51 =	vld [tilespmem:$0x1FF10]  }
0x2ec: {  	v17 =	vmul.f32 v19, v18;
	v25 =	vor.u32 $0x23, v9;
	v19 =	vadd.f32 $0.0e+00, v63;
	v63 =	vld.idx.msk [tilespmem:v55+s14+$0x0], $0xffff  }
0x2ed: {  	v21 =	vmul.f32 v24, v21;
	v44 =	vmul.f32 v28, v30;
	v24 =	vld.idx.msk [tilespmem:v55+s15+$0x0], $0xffff  }
0x2ee: {  	v30 =	vld.idx.msk [tilespmem:v58+s14+$0x0], $0xffff  }
0x2ef: {  	v45 =	vor.u32 $0x13, v9;
	v10 =	vmul.f32 v11, v10;
	v53 =	vadd.f32 $0.0e+00, v44;
	v11 =	vld.idx.msk [tilespmem:v58+s15+$0x0], $0xffff  }
0x2f0: {  	v2 =	vmul.f32 v5, v2;
	v5 =	vmul.f32 v52, v50;
	v52 =	vld [tilespmem:$0x1FF20]  }
0x2f1: {  	v3 =	vadd.f32 v3, v53;
	v53 =	vld.idx.msk [tilespmem:v25+s14+$0x0], $0xffff  }
0x2f2: {  	v61 =	vmul.f32 v56, v54;
	v54 =	vor.u32 $0x2F, v9;
	v55 =	vld.idx.msk [tilespmem:v25+s15+$0x0], $0xffff  }
0x2f3: {  	v58 =	vld [tilespmem:$0x1FF00]  }
0x2f4: {  	v1 =	vmul.f32 v22, v1;
	v12 =	vmul.f32 v60, v59;
	v59 =	vld.idx.msk [tilespmem:v45+s14+$0x0], $0xffff  }
0x2f5: {  	v48 =	vor.u32 $0x2B, v9;
	v0 =	vmul.f32 v0, v20;
	v19 =	vadd.f32 v39, v19;
	v60 =	vld.idx.msk [tilespmem:v45+s15+$0x0], $0xffff  }
0x2f6: {  	v4 =	vadd.f32 v21, v4;
	v39 =	vor.u32 $0x27, v9;
	v22 =	vmul.f32 v16, v57;
	v57 =	vld [tilespmem:$0x1FEF0]  }
0x2f7: {  	v21 =	vld.idx.msk [tilespmem:v54+s14+$0x0], $0xffff  }
0x2f8: {  	v0 =	vadd.f32 v0, v19;
	v4 =	vadd.f32 v10, v4;
	v10 =	vld.idx.msk [tilespmem:v54+s15+$0x0], $0xffff  }
0x2f9: {  	v1 =	vadd.f32 v1, v3;
	v54 =	vld [tilespmem:$0x1FDF0]  }
0x2fa: {  	v0 =	vadd.f32 v14, v0;
	v3 =	vadd.f32 v61, v4;
	v61 =	vld.idx.msk [tilespmem:v48+s14+$0x0], $0xffff  }
0x2fb: {  	v56 =	vld.idx.msk [tilespmem:v39+s14+$0x0], $0xffff  }
0x2fc: {  	v0 =	vadd.f32 v8, v0;
	v8 =	vld.idx.msk [tilespmem:v39+s15+$0x0], $0xffff  }
0x2fd: {  	v45 =	vmul.f32 v24, v63;
	v63 =	vld [tilespmem:$0x1FEE0]  }
0x2fe: {  	v1 =	vadd.f32 v17, v1;
	v3 =	vadd.f32 v27, v3;
	v27 =	vld [tilespmem:$0x1FE90]  }
0x2ff: {  	v18 =	vmul.f32 v36, v62;
	v62 =	vor.u32 $0x1F, v9;
	v39 =	vld [tilespmem:$0x1FE60]  }
0x300: {  	v1 =	vadd.f32 v13, v1;
	v13 =	vmul.f32 v42, v40;
	v40 =	vld.idx.msk [tilespmem:v29+s15+$0x0], $0xffff  }
0x301: {  	v42 =	vld [tilespmem:$0x1FB60]  }
0x302: {  	v19 =	vor.u32 $0x37, v9;
	v20 =	vmul.f32 v55, v53;
	v53 =	vld [tilespmem:$0x1FFC0]  }
0x303: {  	v55 =	vld [tilespmem:$0x1FE00]  }
0x304: {  	v12 =	vadd.f32 $0.0e+00, v12;
	v44 =	vld.idx.msk [tilespmem:v62+s14+$0x0], $0xffff  }
0x305: {  	v50 =	vld.idx.msk [tilespmem:v62+s15+$0x0], $0xffff  }
0x306: {  	v12 =	vadd.f32 v18, v12;
	v62 =	vld [tilespmem:$0x1FED0]  }
0x307: {  	v36 =	vmul.f32 v60, v59;
	v59 =	vor.u32 $0x33, v9;
	v9 =	vld.idx.msk [tilespmem:v19+s15+$0x0], $0xffff  }
0x308: {  	v0 =	vadd.f32 v2, v0;
	v2 =	vmul.f32 v52, v51;
	v52 =	vld [tilespmem:$0x1FFB0];
	v5 =	vadd.f32 v5, v12  }
0x309: {  	v1 =	vadd.f32 v6, v1;
	v14 =	vmul.f32 v58, v57;
	v57 =	vld [tilespmem:$0x1FF50]  }
0x30a: {  	v12 =	vld.idx.msk [tilespmem:v48+s15+$0x0], $0xffff;
	v0 =	vadd.f32 v47, v0;
	v28 =	vadd.f32 v22, v5  }
0x30b: {  	v48 =	vld [tilespmem:$0x1FFE0];
	v1 =	vadd.f32 v49, v1  }
0x30c: {  	v47 =	vld [tilespmem:$0x1FFD0];
	v0 =	vadd.f32 v43, v0;
	v4 =	vadd.f32 v36, v28  }
0x30d: {  	v3 =	vadd.f32 v13, v3;
	v49 =	vld [tilespmem:$0x1FE10];
	v1 =	vadd.f32 v46, v1  }
0x30e: {  	v5 =	vmul.f32 v11, v30;
	v22 =	vld [tilespmem:$0x1FEB0];
	v0 =	vadd.f32 v38, v0;
	v4 =	vadd.f32 v45, v4  }
0x30f: {  	v2 =	vadd.f32 v2, v3;
	v43 =	vld [tilespmem:$0x1FE30];
	v1 =	vadd.f32 v41, v1  }
0x310: {  	v60 =	vmul.f32 v50, v44;
	v25 =	vld.idx.msk [tilespmem:v59+s14+$0x0], $0xffff;
	v0 =	vadd.f32 v31, v0;
	v4 =	vadd.f32 v5, v4  }
0x311: {  	v2 =	vadd.f32 v14, v2;
	v28 =	vld [tilespmem:$0x1FEA0];
	v1 =	vadd.f32 v37, v1  }
0x312: {  	v16 =	vmul.f32 v63, v62;
	v0 =	vadd.f32 v34, v0;
	v34 =	vld [tilespmem:$0x1FE70];
	v4 =	vadd.f32 v60, v4  }
0x313: {  	v24 =	vmul.f32 v8, v56;
	v1 =	vadd.f32 v35, v1;
	v35 =	vld [tilespmem:$0x1FE80]  }
0x314: {  	v3 =	vld.idx.msk [tilespmem:v59+s15+$0x0], $0xffff;
	v2 =	vadd.f32 v16, v2;
	v13 =	vmul.f32 v23, v22;
	v4 =	vadd.f32 v20, v4  }
0x315: {  	v30 =	vmul.f32 v12, v61;
	v38 =	vld [tilespmem:$0x1FE50]  }
0x316: {  	v44 =	vld [tilespmem:$0x1FE40];
	v11 =	vmul.f32 v28, v27;
	v2 =	vadd.f32 v13, v2;
	v4 =	vadd.f32 v24, v4  }
0x317: {  	v36 =	vmul.f32 v10, v21;
	v31 =	vld.idx.msk [tilespmem:v19+s14+$0x0], $0xffff  }
0x318: {  	v37 =	vld.idx.msk [tilespmem:v29+s14+$0x0], $0xffff;
	v2 =	vadd.f32 v11, v2;
	v13 =	vmul.f32 v35, v34;
	v4 =	vadd.f32 v30, v4  }
0x319: {  	v50 =	vld [tilespmem:$0x1FE20];
	v3 =	vmul.f32 v3, v25;
	v0 =	vadd.f32 v7, v0;
	v1 =	vadd.f32 v32, v1  }
0x31a: {  	v41 =	vld.idx.msk [tilespmem:v26+s14+$0x0], $0xffff;
	v7 =	vmul.f32 v39, v38;
	v2 =	vadd.f32 v13, v2;
	v4 =	vadd.f32 v36, v4  }
0x31b: {  	v45 =	vld.idx.msk [tilespmem:v26+s15+$0x0], $0xffff;
	v8 =	vmul.f32 v44, v43;
	v0 =	vadd.f32 v33, v0;
	v1 =	vadd.f32 v42, v1  }
0x31c: {  	v58 =	vld [tilespmem:$0x1FF80];
	v46 =	vmul.f32 v9, v31;
	v2 =	vadd.f32 v7, v2;
	v3 =	vadd.f32 v3, v4  }
0x31d: {  	v51 =	vmul.f32 v40, v37;
	v0 =	vadd.f32 v47, v0;
	v1 =	vadd.f32 v48, v1  }
0x31e: {  	v7 =	vmul.f32 v50, v49;
	v2 =	vadd.f32 v8, v2;
	v3 =	vadd.f32 v46, v3  }
0x31f: {  	v6 =	vmul.f32 v55, v54;
	v0 =	vadd.f32 v52, v0;
	v1 =	vadd.f32 v53, v1  }
0x320: {  	v56 =	vmul.f32 v45, v41;
	v2 =	vadd.f32 v7, v2;
	v3 =	vadd.f32 v51, v3  }
0x321: {  	v0 =	vadd.f32 v57, v0;
	v1 =	vadd.f32 v58, v1  }
0x322: {  	s0 =	sadd.s32 $0x10, s18;
	v2 =	vadd.f32 v6, v2;
	v3 =	vadd.f32 v56, v3  }
0x323: {  	v59 =	vld [tilespmem:s0+$0x0]  }
0x324: {  	v0 =	vadd.f32 v1, v0;
	v60 =	vadd.f32 v3, v2;
	_ =	sdelay $0x1  }
0x325: {  	v0 =	vadd.f32 v60, v0;
	_ =	sdelay $0x1  }
0x326: {  	v0 =	vadd.f32 v0, v59  }
0x327: {  	s25 =	sadd.s32 $0x10, s19  }
0x328: {  	s26 =	simm.s32 $0x100;
	[tilespmem:s25+$0x0] =	vst v0  }
0x329: {  	s29 =	simm.s32 $0x300;
	v0 =	vld [tilespmem:s26+$0x0]  }
0x32a: {  	v61 =	vld [tilespmem:s29+$0x0];
	_ =	sdelay $0x3  }
0x32b: {  	v62 =	vshll.u32 v0, $0x4  }
0x32c: {  	v63 =	vshll.u32 v61, $0x4;
	(v2sf) =	vpush v62, $0x0  }
0x32d: {  	(v2sf) =	vpush v63, $0x0  }
0x32e: {  	(v2sf) =	vpush v62, $0x1;
	_ =	sdelay $0x2  }
0x32f: {  	(v2sf) =	vpush v63, $0x1;
	_ =	sdelay $0x1  }
0x330: {  	(v2sf) =	vpush v62, $0x2;
	_ =	sdelay $0x1  }
0x331: {  	(v2sf) =	vpush v63, $0x2;
	_ =	sdelay $0x1  }
0x332: {  	s19 =	simm.s32 $0x2000;
	(v2sf) =	vpush v62, $0x3  }
0x333: {  	s18 =	simm.s32 $0x0;
	s3 =	simm.s32 $0x8600;
	s2 =	simm.s32 $0x880  }
0x334: {  	s1 =	simm.s32 $0xA80;
	s4 =	simm.s32 $0x600;
	s6 =	simm.s32 $0x800  }
0x335: {  	s7 =	simm.s32 $0x780;
	s13 =	simm.s32 $0x8680;
	s17 =	simm.s32 $0x700  }
0x336: {  	s22 =	simm.s32 $0x8700;
	s28 =	simm.s32 $0xC00;
	s5 =	spop (v2sf);
	(v2sf) =	vpush v63, $0x3  }
0x337: {  	s0 =	simm.s32 $0x8B00;
	s5 =	sand.u32 $0x1FFFFFF0, s5;
	s8 =	spop (v2sf)  }
0x338: {  	s29 =	simm.s32 $0x8800;
	(v2sf) =	vpush v62, $0x4;
	s5 =	sadd.s32 s10, s5;
	s31 =	spop (v2sf)  }
0x339: {  	(v2sf) =	vpush v63, $0x4;
	[tilespmem:s4], [sflag:$0x1] =	stream.linear.gather [hbm4b:s5+s11], $0x80, $0x38;
	[tilespmem:$0x10800] =	vst v63  }
0x33a: {  	s30 =	sand.u32 $0x1FFFFFF0, s8;
	s4 =	simm.s32 $0x8780;
	s8 =	sand.u32 $0x1FFFFFF0, s31  }
0x33b: {  	s5 =	sadd.s32 s12, s30;
	s9 =	spop (v2sf);
	(v2sf) =	vpush v62, $0x5;
	s8 =	sadd.s32 s10, s8  }
0x33c: {  	(v2sf) =	vpush v63, $0x5;
	[tilespmem:s3], [sflag:$0x1] =	stream.linear.gather [hbm4b:s5+s11], $0x80, $0x38;
	[tilespmem:$0x10800] =	vst v63  }
0x33d: {  	s9 =	sand.u32 $0x1FFFFFF0, s9;
	s16 =	spop (v2sf);
	s5 =	simm.s32 $0x680  }
0x33e: {  	[tilespmem:s5], [sflag:$0x1] =	stream.linear.gather [hbm4b:s8+s11], $0x80, $0x38;
	[tilespmem:$0x10800] =	vst v63  }
0x33f: {  	s20 =	spop (v2sf);
	s8 =	sadd.s32 s12, s9;
	s5 =	sand.u32 $0x1FFFFFF0, s16  }
0x340: {  	(v2sf) =	vpush v62, $0x6;
	[tilespmem:s13], [sflag:$0x1] =	stream.linear.gather [hbm4b:s8+s11], $0x80, $0x38;
	[tilespmem:$0x10800] =	vst v63  }
0x341: {  	s21 =	spop (v2sf);
	s5 =	sadd.s32 s10, s5;
	s8 =	sand.u32 $0x1FFFFFF0, s20  }
0x342: {  	(v2sf) =	vpush v63, $0x6;
	[tilespmem:s17], [sflag:$0x1] =	stream.linear.gather [hbm4b:s5+s11], $0x80, $0x38;
	[tilespmem:$0x10800] =	vst v63  }
0x343: {  	s24 =	sand.u32 $0x1FFFFFF0, s21;
	s9 =	simm.s32 $0x8C00;
	s23 =	sadd.s32 s12, s8  }
0x344: {  	[tilespmem:s22], [sflag:$0x1] =	stream.linear.gather [hbm4b:s23+s11], $0x80, $0x38;
	[tilespmem:$0x10800] =	vst v63  }
0x345: {  	s26 =	sadd.s32 s10, s24;
	s13 =	simm.s32 $0xC80;
	s25 =	spop (v2sf)  }
0x346: {  	(v2sf) =	vpush v62, $0x7;
	[tilespmem:s7], [sflag:$0x1] =	stream.linear.gather [hbm4b:s26+s11], $0x80, $0x38;
	[tilespmem:$0x10800] =	vst v63  }
0x347: {  	s8 =	simm.s32 $0x8880;
	s3 =	sand.u32 $0x1FFFFFF0, s25;
	s30 =	spop (v2sf)  }
0x348: {  	s3 =	sadd.s32 s12, s3;
	s7 =	sand.u32 $0x1FFFFFF0, s30;
	s31 =	spop (v2sf)  }
0x349: {  	(v2sf) =	vpush v63, $0x7;
	[tilespmem:s4], [sflag:$0x1] =	stream.linear.gather [hbm4b:s3+s11], $0x80, $0x38;
	[tilespmem:$0x10800] =	vst v63  }
0x34a: {  	s17 =	simm.s32 $0x900;
	(v2sf) =	vpush v62, $0x8;
	s4 =	sadd.s32 s10, s7;
	s16 =	spop (v2sf)  }
0x34b: {  	s7 =	sand.u32 $0x1FFFFFF0, s31;
	s20 =	sand.u32 $0x1FFFFFF0, s16;
	s21 =	spop (v2sf)  }
0x34c: {  	(v2sf) =	vpush v63, $0x8;
	[tilespmem:s6], [sflag:$0x1] =	stream.linear.gather [hbm4b:s4+s11], $0x80, $0x38;
	[tilespmem:$0x10800] =	vst v63  }
0x34d: {  	s4 =	sadd.s32 s12, s7;
	s5 =	sadd.s32 s10, s20;
	s6 =	sand.u32 $0x1FFFFFF0, s21  }
0x34e: {  	(v2sf) =	vpush v62, $0x9;
	[tilespmem:s29], [sflag:$0x1] =	stream.linear.gather [hbm4b:s4+s11], $0x80, $0x38;
	[tilespmem:$0x10800] =	vst v63  }
0x34f: {  	s22 =	spop (v2sf);
	s7 =	simm.s32 $0x8C80;
	s21 =	simm.s32 $0xA00  }
0x350: {  	(v2sf) =	vpush v63, $0x9;
	[tilespmem:s2], [sflag:$0x1] =	stream.linear.gather [hbm4b:s5+s11], $0x80, $0x38;
	[tilespmem:$0x10800] =	vst v63  }
0x351: {  	s23 =	sadd.s32 s12, s6;
	s24 =	sand.u32 $0x1FFFFFF0, s22;
	s25 =	spop (v2sf)  }
0x352: {  	(v2sf) =	vpush v62, $0xA;
	[tilespmem:s8], [sflag:$0x1] =	stream.linear.gather [hbm4b:s23+s11], $0x80, $0x38;
	[tilespmem:$0x10800] =	vst v63  }
0x353: {  	s26 =	sadd.s32 s10, s24;
	s29 =	simm.s32 $0x8900;
	s3 =	sand.u32 $0x1FFFFFF0, s25  }
0x354: {  	(v2sf) =	vpush v63, $0xA;
	[tilespmem:s17], [sflag:$0x1] =	stream.linear.gather [hbm4b:s26+s11], $0x80, $0x38;
	[tilespmem:$0x10800] =	vst v63  }
0x355: {  	s4 =	simm.s32 $0x980;
	s3 =	sadd.s32 s12, s3;
	s30 =	spop (v2sf)  }
0x356: {  	(v2sf) =	vpush v62, $0xB;
	[tilespmem:s29], [sflag:$0x1] =	stream.linear.gather [hbm4b:s3+s11], $0x80, $0x38;
	[tilespmem:$0x10800] =	vst v63  }
0x357: {  	s24 =	simm.s32 $0x8A00;
	s17 =	simm.s32 $0x8980;
	s5 =	sand.u32 $0x1FFFFFF0, s30  }
0x358: {  	s29 =	simm.s32 $0x8A80;
	s31 =	spop (v2sf);
	s8 =	sadd.s32 s10, s5  }
0x359: {  	s16 =	sand.u32 $0x1FFFFFF0, s31;
	s20 =	spop (v2sf);
	s31 =	simm.s32 $0xB00  }
0x35a: {  	(v2sf) =	vpush v63, $0xB;
	[tilespmem:s4], [sflag:$0x1] =	stream.linear.gather [hbm4b:s8+s11], $0x80, $0x38;
	[tilespmem:$0x10800] =	vst v63  }
0x35b: {  	s5 =	sadd.s32 s12, s16;
	s4 =	sand.u32 $0x1FFFFFF0, s20;
	s22 =	spop (v2sf)  }
0x35c: {  	[tilespmem:s17], [sflag:$0x1] =	stream.linear.gather [hbm4b:s5+s11], $0x80, $0x38;
	[tilespmem:$0x10800] =	vst v63  }
0x35d: {  	(v2sf) =	vpush v62, $0xC;
	s4 =	sadd.s32 s10, s4;
	s23 =	spop (v2sf);
	s5 =	sand.u32 $0x1FFFFFF0, s22  }
0x35e: {  	(v2sf) =	vpush v63, $0xC;
	[tilespmem:s21], [sflag:$0x1] =	stream.linear.gather [hbm4b:s4+s11], $0x80, $0x38;
	[tilespmem:$0x10800] =	vst v63  }
0x35f: {  	s26 =	sand.u32 $0x1FFFFFF0, s23;
	s30 =	spop (v2sf);
	s25 =	sadd.s32 s12, s5  }
0x360: {  	[tilespmem:s24], [sflag:$0x1] =	stream.linear.gather [hbm4b:s25+s11], $0x80, $0x38;
	[tilespmem:$0x10800] =	vst v63  }
0x361: {  	s5 =	sadd.s32 s10, s26;
	s8 =	spop (v2sf);
	s4 =	sand.u32 $0x1FFFFFF0, s30  }
0x362: {  	[tilespmem:s1], [sflag:$0x1] =	stream.linear.gather [hbm4b:s5+s11], $0x80, $0x38;
	[tilespmem:$0x10800] =	vst v63  }
0x363: {  	s16 =	spop (v2sf);
	s4 =	sadd.s32 s12, s4;
	s5 =	sand.u32 $0x1FFFFFF0, s8  }
0x364: {  	[tilespmem:s29], [sflag:$0x1] =	stream.linear.gather [hbm4b:s4+s11], $0x80, $0x38;
	[tilespmem:$0x10800] =	vst v63  }
0x365: {  	s20 =	sand.u32 $0x1FFFFFF0, s16;
	s17 =	sadd.s32 s10, s5;
	s21 =	spop (v2sf)  }
0x366: {  	[tilespmem:s31], [sflag:$0x1] =	stream.linear.gather [hbm4b:s17+s11], $0x80, $0x38;
	[tilespmem:$0x10800] =	vst v63  }
0x367: {  	s2 =	simm.s32 $0x8B80;
	s22 =	sadd.s32 s12, s20;
	s23 =	sand.u32 $0x1FFFFFF0, s21  }
0x368: {  	[tilespmem:s0], [sflag:$0x1] =	stream.linear.gather [hbm4b:s22+s11], $0x80, $0x38;
	[tilespmem:$0x10800] =	vst v63  }
0x369: {  	(v2sf) =	vpush v62, $0xD;
	s25 =	simm.s32 $0xB80;
	s24 =	spop (v2sf);
	s26 =	sadd.s32 s10, s23  }
0x36a: {  	(v2sf) =	vpush v63, $0xD;
	s29 =	sand.u32 $0x1FFFFFF0, s24;
	s23 =	simm.s32 $0x110;
	s24 =	simm.s32 $0x310  }
0x36b: {  	(v2sf) =	vpush v62, $0xE;
	[tilespmem:s25], [sflag:$0x1] =	stream.linear.gather [hbm4b:s26+s11], $0x80, $0x38;
	[tilespmem:$0x10800] =	vst v63  }
0x36c: {  	(v2sf) =	vpush v63, $0xE;
	s30 =	sadd.s32 s12, s29;
	s31 =	spop (v2sf);
	s26 =	simm.s32 $0xD00  }
0x36d: {  	(v2sf) =	vpush v62, $0xF;
	s25 =	simm.s32 $0x8D00;
	s0 =	sand.u32 $0x1FFFFFF0, s31;
	s1 =	spop (v2sf)  }
0x36e: {  	(v2sf) =	vpush v63, $0xF;
	[tilespmem:s2], [sflag:$0x1] =	stream.linear.gather [hbm4b:s30+s11], $0x80, $0x38;
	[tilespmem:$0x10800] =	vst v63  }
.LBB2_8:
0x36f: {  	_ =	sdelay $0x4  }
0x370: {  	s0 =	sadd.s32 s10, s0;
	s1 =	sand.u32 $0x1FFFFFF0, s1  }
0x371: {  	[tilespmem:s28], [sflag:$0x1] =	stream.linear.gather [hbm4b:s0+s11], $0x80, $0x38;
	[tilespmem:$0x10800] =	vst v63  }
0x372: {  	s20 =	sadd.s32 s12, s1  }
0x373: {  	[tilespmem:s9], [sflag:$0x1] =	stream.linear.gather [hbm4b:s20+s11], $0x80, $0x38;
	[tilespmem:$0x10800] =	vst v63  }
0x374: {  	s2 =	spop (v2sf)  }
0x375: {  	s21 =	sand.u32 $0x1FFFFFF0, s2;
	s22 =	spop (v2sf)  }
0x376: {  	s29 =	sadd.s32 s10, s21;
	s30 =	sand.u32 $0x1FFFFFF0, s22;
	s31 =	spop (v2sf)  }
0x377: {  	[tilespmem:s13], [sflag:$0x1] =	stream.linear.gather [hbm4b:s29+s11], $0x80, $0x38;
	[tilespmem:$0x10800] =	vst v63  }
0x378: {  	s1 =	sadd.s32 s12, s30;
	s2 =	sand.u32 $0x1FFFFFF0, s31;
	s3 =	spop (v2sf)  }
0x379: {  	[tilespmem:s7], [sflag:$0x1] =	stream.linear.gather [hbm4b:s1+s11], $0x80, $0x38;
	[tilespmem:$0x10800] =	vst v63  }
0x37a: {  	s4 =	sadd.s32 s10, s2;
	s5 =	sand.u32 $0x1FFFFFF0, s3;
	s6 =	spop (v2sf)  }
0x37b: {  	[tilespmem:s26], [sflag:$0x1] =	stream.linear.gather [hbm4b:s4+s11], $0x80, $0x38;
	[tilespmem:$0x10800] =	vst v63  }
0x37c: {  	s7 =	sadd.s32 s12, s5;
	s8 =	sand.u32 $0x1FFFFFF0, s6;
	s9 =	spop (v2sf)  }
0x37d: {  	[tilespmem:s25], [sflag:$0x1] =	stream.linear.gather [hbm4b:s7+s11], $0x80, $0x38;
	[tilespmem:$0x10800] =	vst v63  }
0x37e: {  	s13 =	sadd.s32 $0xD80, s18;
	s1 =	sadd.s32 s10, s8;
	s2 =	sand.u32 $0x1FFFFFF0, s9  }
0x37f: {  	[tilespmem:s13], [sflag:$0x1] =	stream.linear.gather [hbm4b:s1+s11], $0x80, $0x38;
	[tilespmem:$0x10800] =	vst v63  }
0x380: {  	s16 =	sadd.s32 $0x8D80, s18;
	s17 =	sadd.s32 s12, s2  }
0x381: {  	[tilespmem:s16], [sflag:$0x1] =	stream.linear.gather [hbm4b:s17+s11], $0x80, $0x38;
	[tilespmem:$0x10800] =	vst v63  }
0x382: {  	v0 =	vld [tilespmem:s23+$0x0];
	_ =	sdelay $0x1  }
0x383: {  	v1 =	vld [tilespmem:s24+$0x0];
	_ =	sdelay $0x2  }
0x384: {  	v2 =	vshll.u32 v0, $0x4  }
0x385: {  	(v2sf) =	vpush v2, $0x0  }
0x386: {  	v1 =	vshll.u32 v1, $0x4  }
0x387: {  	s18 =	smov.u32 s19;
	(v2sf) =	vpush v1, $0x0  }
0x388: {  	s18 =	sshra.s32 s18, $0x2  }
0x389: {  	p0 =	sne.s32 s19, $0x1E000;
	s19 =	sadd.s32 $0x2000, s19;
	s0 =	sadd.s32 $0x8600, s18  }
0x38a: {  	s6 =	sadd.s32 $0x880, s18;
	s20 =	sadd.s32 $0xA80, s18;
	s31 =	sadd.s32 $0x600, s18;
	(v2sf) =	vpush v2, $0x1  }
0x38b: {  	s21 =	sadd.s32 $0x8B00, s18;
	s30 =	sadd.s32 $0x780, s18;
	s29 =	sadd.s32 $0x8780, s18  }
0x38c: {  	s22 =	sadd.s32 $0x8C00, s18;
	s5 =	sadd.s32 $0x8800, s18;
	[dreg:$0xa] =	wrdreg s20  }
0x38d: {  	s3 =	sadd.s32 $0x8700, s18;
	s28 =	sadd.s32 $0xC00, s18;
	[dreg:$0x6] =	wrdreg s21;
	(v2sf) =	vpush v1, $0x1  }
0x38e: {  	[dreg:$0x11] =	wrdreg s22;
	s20 =	sadd.s32 $0x8680, s18;
	s8 =	sadd.s32 $0xB00, s18  }
0x38f: {  	s9 =	sadd.s32 $0x8900, s18;
	s21 =	sadd.s32 $0xA00, s18;
	[dreg:$0xc] =	wrdreg s8;
	(v2sf) =	vpush v2, $0x2  }
0x390: {  	s4 =	sadd.s32 $0x700, s18;
	s26 =	sadd.s32 $0x8C80, s18;
	[dreg:$0x16] =	wrdreg s21  }
0x391: {  	s12 =	sadd.s32 $0x8880, s18;
	[dreg:$0x13] =	wrdreg s26;
	s25 =	sadd.s32 $0x8B80, s18  }
0x392: {  	s2 =	simm.s32 $0x0;
	s7 =	sadd.s32 $0x8A80, s18;
	[dreg:$0x8] =	wrdreg s25;
	(v2sf) =	vpush v1, $0x2  }
0x393: {  	s8 =	sadd.s32 $0x980, s18;
	s26 =	sadd.s32 $0xD00, s18;
	[dreg:$0xe] =	wrdreg s7;
	(v2sf) =	vpush v2, $0x3  }
0x394: {  	s7 =	sadd.s32 $0x8980, s18;
	s25 =	sadd.s32 $0x8D00, s18;
	s22 =	spop (v2sf)  }
0x395: {  	s13 =	sadd.s32 $0xC80, s18;
	s1 =	sadd.s32 $0xB80, s18;
	s21 =	sand.u32 $0x1FFFFFF0, s22  }
0x396: {  	s17 =	sadd.s32 $0x800, s18;
	(v2sf) =	vpush v1, $0x3;
	s22 =	spop (v2sf);
	s21 =	sadd.s32 s10, s21  }
0x397: {  	[tilespmem:s31], [sflag:$0x1] =	stream.linear.gather [hbm4b:s21+s2], $0x80, $0x38;
	[tilespmem:$0x10800] =	vst v63  }
0x398: {  	s16 =	sadd.s32 $0x8A00, s18;
	(v2sf) =	vpush v2, $0x4;
	s22 =	sand.u32 $0x1FFFFFF0, s22;
	s31 =	rddreg [dreg:$0x4]  }
0x399: {  	[dreg:$0x10] =	wrdreg s16;
	s10 =	spop (v2sf);
	s21 =	sadd.s32 s31, s22  }
0x39a: {  	[tilespmem:s0], [sflag:$0x1] =	stream.linear.gather [hbm4b:s21+s2], $0x80, $0x38;
	[tilespmem:$0x10800] =	vst v63  }
0x39b: {  	s11 =	sadd.s32 $0x900, s18;
	s10 =	sand.u32 $0x1FFFFFF0, s10;
	s21 =	rddreg [dreg:$0x3]  }
0x39c: {  	s16 =	sadd.s32 $0x680, s18;
	(v2sf) =	vpush v1, $0x4;
	s31 =	spop (v2sf);
	s0 =	sadd.s32 s21, s10  }
0x39d: {  	(v2sf) =	vpush v2, $0x5;
	[tilespmem:s16], [sflag:$0x1] =	stream.linear.gather [hbm4b:s0+s2], $0x80, $0x38;
	[tilespmem:$0x10800] =	vst v63  }
0x39e: {  	s22 =	sand.u32 $0x1FFFFFF0, s31;
	s31 =	spop (v2sf);
	s16 =	rddreg [dreg:$0x4]  }
0x39f: {  	(v2sf) =	vpush v1, $0x5;
	s21 =	rddreg [dreg:$0x3];
	s0 =	sadd.s32 s16, s22;
	s22 =	sand.u32 $0x1FFFFFF0, s31  }
0x3a0: {  	[tilespmem:s20], [sflag:$0x1] =	stream.linear.gather [hbm4b:s0+s2], $0x80, $0x38;
	[tilespmem:$0x10800] =	vst v63  }
0x3a1: {  	s23 =	sadd.s32 $0x10, s23;
	(v2sf) =	vpush v2, $0x6;
	s31 =	spop (v2sf);
	s0 =	sadd.s32 s21, s22  }
0x3a2: {  	s22 =	sand.u32 $0x1FFFFFF0, s31;
	s31 =	spop (v2sf);
	s20 =	rddreg [dreg:$0x3]  }
0x3a3: {  	(v2sf) =	vpush v1, $0x6;
	[tilespmem:s4], [sflag:$0x1] =	stream.linear.gather [hbm4b:s0+s2], $0x80, $0x38;
	[tilespmem:$0x10800] =	vst v63  }
0x3a4: {  	s24 =	sadd.s32 $0x10, s24;
	s10 =	sand.u32 $0x1FFFFFF0, s31;
	s4 =	rddreg [dreg:$0x4]  }
0x3a5: {  	(v2sf) =	vpush v2, $0x7;
	s16 =	spop (v2sf);
	s31 =	rddreg [dreg:$0x4];
	s0 =	sadd.s32 s4, s22  }
0x3a6: {  	[tilespmem:s3], [sflag:$0x1] =	stream.linear.gather [hbm4b:s0+s2], $0x80, $0x38;
	[tilespmem:$0x10800] =	vst v63  }
0x3a7: {  	s21 =	sand.u32 $0x1FFFFFF0, s16;
	s22 =	spop (v2sf);
	s0 =	sadd.s32 s20, s10  }
0x3a8: {  	(v2sf) =	vpush v1, $0x7;
	[tilespmem:s30], [sflag:$0x1] =	stream.linear.gather [hbm4b:s0+s2], $0x80, $0x38;
	[tilespmem:$0x10800] =	vst v63  }
0x3a9: {  	(v2sf) =	vpush v2, $0x8;
	s10 =	rddreg [dreg:$0x3];
	s4 =	sand.u32 $0x1FFFFFF0, s22;
	s0 =	sadd.s32 s31, s21  }
0x3aa: {  	[tilespmem:s29], [sflag:$0x1] =	stream.linear.gather [hbm4b:s0+s2], $0x80, $0x38;
	[tilespmem:$0x10800] =	vst v63  }
0x3ab: {  	s20 =	sadd.s32 s10, s4;
	s16 =	spop (v2sf);
	s29 =	rddreg [dreg:$0x4]  }
0x3ac: {  	s21 =	sand.u32 $0x1FFFFFF0, s16;
	s22 =	spop (v2sf);
	s16 =	rddreg [dreg:$0x4]  }
0x3ad: {  	(v2sf) =	vpush v1, $0x8;
	[tilespmem:s17], [sflag:$0x1] =	stream.linear.gather [hbm4b:s20+s2], $0x80, $0x38;
	[tilespmem:$0x10800] =	vst v63  }
0x3ae: {  	(v2sf) =	vpush v2, $0x9;
	s0 =	sadd.s32 s29, s21;
	s30 =	sand.u32 $0x1FFFFFF0, s22;
	s31 =	spop (v2sf)  }
0x3af: {  	[tilespmem:s5], [sflag:$0x1] =	stream.linear.gather [hbm4b:s0+s2], $0x80, $0x38;
	[tilespmem:$0x10800] =	vst v63  }
0x3b0: {  	(v2sf) =	vpush v1, $0x9;
	s3 =	sadd.s32 s10, s30;
	s4 =	sand.u32 $0x1FFFFFF0, s31;
	s5 =	spop (v2sf)  }
0x3b1: {  	[tilespmem:s6], [sflag:$0x1] =	stream.linear.gather [hbm4b:s3+s2], $0x80, $0x38;
	[tilespmem:$0x10800] =	vst v63  }
0x3b2: {  	s0 =	sadd.s32 s16, s4;
	s17 =	sand.u32 $0x1FFFFFF0, s5;
	s20 =	spop (v2sf)  }
0x3b3: {  	[tilespmem:s12], [sflag:$0x1] =	stream.linear.gather [hbm4b:s0+s2], $0x80, $0x38;
	[tilespmem:$0x10800] =	vst v63  }
0x3b4: {  	(v2sf) =	vpush v2, $0xA;
	s22 =	sand.u32 $0x1FFFFFF0, s20;
	s29 =	spop (v2sf);
	s12 =	rddreg [dreg:$0x4]  }
0x3b5: {  	s21 =	sadd.s32 s10, s17;
	s31 =	sand.u32 $0x1FFFFFF0, s29;
	s30 =	sadd.s32 s12, s22  }
0x3b6: {  	(v2sf) =	vpush v1, $0xA;
	[tilespmem:s11], [sflag:$0x1] =	stream.linear.gather [hbm4b:s21+s2], $0x80, $0x38;
	[tilespmem:$0x10800] =	vst v63  }
0x3b7: {  	s5 =	sadd.s32 s10, s31;
	s31 =	rddreg [dreg:$0x16];
	s2 =	spop (v2sf)  }
0x3b8: {  	(v2sf) =	vpush v2, $0xB;
	s11 =	simm.s32 $0x0;
	s6 =	sand.u32 $0x1FFFFFF0, s2;
	s16 =	spop (v2sf)  }
0x3b9: {  	[tilespmem:s9], [sflag:$0x1] =	stream.linear.gather [hbm4b:s30+s11], $0x80, $0x38;
	[tilespmem:$0x10800] =	vst v63  }
0x3ba: {  	s9 =	rddreg [dreg:$0x11];
	s17 =	sadd.s32 s12, s6;
	s20 =	sand.u32 $0x1FFFFFF0, s16  }
0x3bb: {  	[tilespmem:s8], [sflag:$0x1] =	stream.linear.gather [hbm4b:s5+s11], $0x80, $0x38;
	[tilespmem:$0x10800] =	vst v63  }
0x3bc: {  	(v2sf) =	vpush v1, $0xB;
	s22 =	sadd.s32 s10, s20;
	s21 =	spop (v2sf);
	s8 =	rddreg [dreg:$0x10]  }
0x3bd: {  	(v2sf) =	vpush v2, $0xC;
	s29 =	sand.u32 $0x1FFFFFF0, s21;
	s30 =	spop (v2sf);
	s21 =	rddreg [dreg:$0xa]  }
0x3be: {  	[tilespmem:s7], [sflag:$0x1] =	stream.linear.gather [hbm4b:s17+s11], $0x80, $0x38;
	[tilespmem:$0x10800] =	vst v63  }
0x3bf: {  	(v2sf) =	vpush v1, $0xC;
	s7 =	rddreg [dreg:$0x13];
	s5 =	sand.u32 $0x1FFFFFF0, s30;
	s6 =	spop (v2sf)  }
0x3c0: {  	[tilespmem:s31], [sflag:$0x1] =	stream.linear.gather [hbm4b:s22+s11], $0x80, $0x38;
	[tilespmem:$0x10800] =	vst v63  }
0x3c1: {  	s3 =	sadd.s32 s12, s29;
	s16 =	sadd.s32 s10, s5;
	s17 =	sand.u32 $0x1FFFFFF0, s6  }
0x3c2: {  	[tilespmem:s8], [sflag:$0x1] =	stream.linear.gather [hbm4b:s3+s11], $0x80, $0x38;
	[tilespmem:$0x10800] =	vst v63  }
0x3c3: {  	s31 =	rddreg [dreg:$0xe];
	s20 =	spop (v2sf);
	s22 =	sadd.s32 s12, s17  }
0x3c4: {  	[tilespmem:s21], [sflag:$0x1] =	stream.linear.gather [hbm4b:s16+s11], $0x80, $0x38;
	[tilespmem:$0x10800] =	vst v63  }
0x3c5: {  	s29 =	sand.u32 $0x1FFFFFF0, s20;
	s8 =	rddreg [dreg:$0xc];
	s30 =	spop (v2sf)  }
0x3c6: {  	[tilespmem:s31], [sflag:$0x1] =	stream.linear.gather [hbm4b:s22+s11], $0x80, $0x38;
	[tilespmem:$0x10800] =	vst v63  }
0x3c7: {  	s4 =	sadd.s32 s10, s29;
	s5 =	sand.u32 $0x1FFFFFF0, s30;
	s6 =	spop (v2sf)  }
0x3c8: {  	[tilespmem:s8], [sflag:$0x1] =	stream.linear.gather [hbm4b:s4+s11], $0x80, $0x38;
	[tilespmem:$0x10800] =	vst v63  }
0x3c9: {  	s21 =	rddreg [dreg:$0x6];
	s16 =	sadd.s32 s12, s5;
	s17 =	sand.u32 $0x1FFFFFF0, s6  }
0x3ca: {  	(v2sf) =	vpush v2, $0xD;
	[tilespmem:s21], [sflag:$0x1] =	stream.linear.gather [hbm4b:s16+s11], $0x80, $0x38;
	[tilespmem:$0x10800] =	vst v63  }
.Ltmp3:
0x3cb: {  	(v2sf) =	vpush v1, $0xD;
	s22 =	sadd.s32 s10, s17;
	s20 =	spop (v2sf);
	(pc) =	sbr.rel @p0 .LBB2_8-.Ltmp3, $4  }
0x3cc: {  	(v2sf) =	vpush v2, $0xE;
	s31 =	rddreg [dreg:$0x8];
	s29 =	sand.u32 $0x1FFFFFF0, s20;
	s30 =	spop (v2sf)  }
0x3cd: {  	(v2sf) =	vpush v1, $0xE;
	[tilespmem:s1], [sflag:$0x1] =	stream.linear.gather [hbm4b:s22+s11], $0x80, $0x38;
	[tilespmem:$0x10800] =	vst v63  }
0x3ce: {  	(v2sf) =	vpush v2, $0xF;
	s2 =	sadd.s32 s12, s29;
	s0 =	sand.u32 $0x1FFFFFF0, s30;
	s1 =	spop (v2sf)  }
0x3cf: {  	(v2sf) =	vpush v1, $0xF;
	[tilespmem:s31], [sflag:$0x1] =	stream.linear.gather [hbm4b:s2+s11], $0x80, $0x38;
	[tilespmem:$0x10800] =	vst v63  }
0x3d0: {  	_ =	sdelay $0x4  }
0x3d1: {  	s0 =	sadd.s32 s10, s0;
	s1 =	sand.u32 $0x1FFFFFF0, s1  }
0x3d2: {  	[tilespmem:s28], [sflag:$0x1] =	stream.linear.gather [hbm4b:s0+s11], $0x80, $0x38;
	[tilespmem:$0x10800] =	vst v63  }
0x3d3: {  	s4 =	sadd.s32 s12, s1  }
0x3d4: {  	[tilespmem:s9], [sflag:$0x1] =	stream.linear.gather [hbm4b:s4+s11], $0x80, $0x38;
	[tilespmem:$0x10800] =	vst v63  }
0x3d5: {  	s2 =	spop (v2sf)  }
0x3d6: {  	s5 =	sand.u32 $0x1FFFFFF0, s2;
	s6 =	spop (v2sf)  }
0x3d7: {  	s8 =	sadd.s32 s10, s5;
	s9 =	sand.u32 $0x1FFFFFF0, s6;
	s16 =	spop (v2sf)  }
0x3d8: {  	[tilespmem:s13], [sflag:$0x1] =	stream.linear.gather [hbm4b:s8+s11], $0x80, $0x38;
	[tilespmem:$0x10800] =	vst v63  }
0x3d9: {  	s17 =	sadd.s32 s12, s9;
	s19 =	sand.u32 $0x1FFFFFF0, s16;
	s20 =	spop (v2sf)  }
0x3da: {  	[tilespmem:s7], [sflag:$0x1] =	stream.linear.gather [hbm4b:s17+s11], $0x80, $0x38;
	[tilespmem:$0x10800] =	vst v63  }
0x3db: {  	s21 =	sadd.s32 s10, s19;
	s22 =	sand.u32 $0x1FFFFFF0, s20;
	s23 =	spop (v2sf)  }
0x3dc: {  	[tilespmem:s26], [sflag:$0x1] =	stream.linear.gather [hbm4b:s21+s11], $0x80, $0x38;
	[tilespmem:$0x10800] =	vst v63  }
0x3dd: {  	s24 =	sadd.s32 s12, s22;
	s28 =	spop (v2sf);
	s26 =	sand.u32 $0x1FFFFFF0, s23  }
0x3de: {  	[tilespmem:s25], [sflag:$0x1] =	stream.linear.gather [hbm4b:s24+s11], $0x80, $0x38;
	[tilespmem:$0x10800] =	vst v63  }
0x3df: {  	s29 =	sadd.s32 $0xD80, s18;
	s2 =	sand.u32 $0x1FFFFFF0, s28;
	s1 =	sadd.s32 s10, s26  }
0x3e0: {  	[tilespmem:s29], [sflag:$0x1] =	stream.linear.gather [hbm4b:s1+s11], $0x80, $0x38;
	[tilespmem:$0x10800] =	vst v63  }
0x3e1: {  	s30 =	sadd.s32 $0x8D80, s18;
	s31 =	sadd.s32 s12, s2;
	s1 =	simm.s32 $0x1  }
0x3e2: {  	[tilespmem:s30], [sflag:$0x1] =	stream.linear.gather [hbm4b:s31+s11], $0x80, $0x38;
	[tilespmem:$0x10800] =	vst v63  }
0x3e3: {  	_ =	swait.ge [sflag:s1], $0x80  }
0x3e4: {  	[sflag:s1] =	ssyncset.done $0x0  }
0x3e5: {  	[sflag:s1] =	ssyncadd.s32 $0xFFFFFF80  }
0x3e6: {  	_ =	swait.ge [sflag:s1], $0x80  }
0x3e7: {  	s0 =	simm.s32 $0xFF;
	[sflag:s1] =	ssyncset.done $0x0;
	v3 =	vld [tilespmem:$0x1FFF0]  }
.LBB2_10:
0x3e8: {  	p0 =	sne.s32 s0, $0x1;
	s0 =	sadd.s32 $0xFFFFFFFF, s0;
	[sflag:s1] =	ssyncadd.s32 $0xFFFFFF80  }
.Ltmp4:
0x3e9: {  	_ =	swait.ge [sflag:s1], $0x80;
	(pc) =	sbr.rel @p0 .LBB2_10-.Ltmp4, $4  }
0x3ea: {  	[sflag:s1] =	ssyncset.done $0x0  }
0x3eb: {  	[sflag:s1] =	ssyncadd.s32 $0xFFFFFF80  }
0x3ec: {  	_ =	swait.ge [sflag:s1], $0x80  }
0x3ed: {  	[sflag:s1] =	ssyncset.done $0x0  }
0x3ee: {  	s0 =	simm.s32 $0x0  }
0x3ef: {  	v0 =	vmov s0  }
0x3f0: {  	v0 =	vshll.u32 v0, $0x7  }
0x3f1: {  	v11 =	vor.u32 v3, v0  }
0x3f2: {  	v0 =	vor.u32 $0x3C, v11;
	_ =	sdelay $0x3  }
0x3f3: {  	[sflag:s1] =	ssyncadd.s32 $0xFFFFFF80  }
0x3f4: {  	v4 =	vld.idx.msk [tilespmem:v0+s14+$0x0], $0xffff  }
0x3f5: {  	v1 =	vor.u32 $0x3D, v11;
	v0 =	vld.idx.msk [tilespmem:v0+s15+$0x0], $0xffff;
	_ =	sdelay $0x4  }
0x3f6: {  	[tilespmem:$0x1F790] =	vst v0;
	v0 =	vld.idx.msk [tilespmem:v1+s14+$0x0], $0xffff;
	_ =	sdelay $0x4  }
0x3f7: {  	v2 =	vor.u32 $0x3E, v11;
	[tilespmem:$0x1F7A0] =	vst v0;
	v0 =	vld.idx.msk [tilespmem:v1+s15+$0x0], $0xffff;
	_ =	sdelay $0x4  }
0x3f8: {  	[tilespmem:$0x1F7B0] =	vst v0;
	v0 =	vld.idx.msk [tilespmem:v2+s14+$0x0], $0xffff;
	_ =	sdelay $0x4  }
0x3f9: {  	v3 =	vor.u32 $0x38, v11;
	[tilespmem:$0x1F920] =	vst v0;
	v0 =	vld.idx.msk [tilespmem:v2+s15+$0x0], $0xffff;
	_ =	sdelay $0x4  }
0x3fa: {  	v5 =	vor.u32 $0x3A, v11;
	[tilespmem:$0x1F930] =	vst v0;
	v0 =	vld.idx.msk [tilespmem:v3+s14+$0x0], $0xffff;
	_ =	sdelay $0x4  }
0x3fb: {  	[tilespmem:$0x1F7C0] =	vst v0;
	v0 =	vld.idx.msk [tilespmem:v5+s14+$0x0], $0xffff;
	_ =	sdelay $0x4  }
0x3fc: {  	v8 =	vor.u32 $0x36, v11;
	[tilespmem:$0x1F8F0] =	vst v0;
	v0 =	vld.idx.msk [tilespmem:v5+s15+$0x0], $0xffff;
	_ =	sdelay $0x4  }
0x3fd: {  	[tilespmem:$0x1F900] =	vst v0;
	v0 =	vld.idx.msk [tilespmem:v8+s14+$0x0], $0xffff;
	_ =	sdelay $0x4  }
0x3fe: {  	v12 =	vor.u32 $0x32, v11;
	[tilespmem:$0x1F8B0] =	vst v0;
	v0 =	vld.idx.msk [tilespmem:v8+s15+$0x0], $0xffff;
	_ =	sdelay $0x2  }
0x3ff: {  	v10 =	vor.u32 $0x31, v11;
	_ =	sdelay $0x1  }
0x400: {  	[tilespmem:$0x1F8C0] =	vst v0;
	v0 =	vld.idx.msk [tilespmem:v12+s14+$0x0], $0xffff;
	_ =	sdelay $0x1  }
0x401: {  	v6 =	vor.u32 $0x34, v11  }
0x402: {  	v35 =	vld.idx.msk [tilespmem:v10+s14+$0x0], $0xffff  }
0x403: {  	v7 =	vor.u32 $0x35, v11;
	v36 =	vld.idx.msk [tilespmem:v10+s15+$0x0], $0xffff  }
0x404: {  	v10 =	vor.u32 $0x2E, v11;
	[tilespmem:$0x1F890] =	vst v0;
	v0 =	vld.idx.msk [tilespmem:v12+s15+$0x0], $0xffff;
	_ =	sdelay $0x1  }
0x405: {  	v9 =	vor.u32 $0x30, v11;
	v29 =	vld.idx.msk [tilespmem:v6+s14+$0x0], $0xffff  }
0x406: {  	v30 =	vld.idx.msk [tilespmem:v6+s15+$0x0], $0xffff  }
0x407: {  	v13 =	vor.u32 $0x2C, v11;
	v31 =	vld.idx.msk [tilespmem:v7+s14+$0x0], $0xffff  }
0x408: {  	[tilespmem:$0x1F8A0] =	vst v0;
	v0 =	vld.idx.msk [tilespmem:v10+s14+$0x0], $0xffff  }
0x409: {  	v32 =	vld.idx.msk [tilespmem:v7+s15+$0x0], $0xffff  }
0x40a: {  	v15 =	vor.u32 $0x24, v11;
	v33 =	vld.idx.msk [tilespmem:v9+s14+$0x0], $0xffff  }
0x40b: {  	v34 =	vld.idx.msk [tilespmem:v9+s15+$0x0], $0xffff  }
0x40c: {  	v17 =	vor.u32 $0x25, v11;
	v37 =	vld.idx.msk [tilespmem:v13+s14+$0x0], $0xffff  }
0x40d: {  	v14 =	vor.u32 $0x2A, v11;
	[tilespmem:$0x1F870] =	vst v0;
	v0 =	vld.idx.msk [tilespmem:v10+s15+$0x0], $0xffff  }
0x40e: {  	v38 =	vld.idx.msk [tilespmem:v13+s15+$0x0], $0xffff  }
0x40f: {  	v21 =	vor.u32 $0x20, v11;
	v45 =	vld.idx.msk [tilespmem:v15+s14+$0x0], $0xffff  }
0x410: {  	v46 =	vld.idx.msk [tilespmem:v15+s15+$0x0], $0xffff  }
0x411: {  	v24 =	vor.u32 $0x21, v11;
	v47 =	vld.idx.msk [tilespmem:v17+s14+$0x0], $0xffff  }
0x412: {  	[tilespmem:$0x1F880] =	vst v0;
	v0 =	vld.idx.msk [tilespmem:v14+s14+$0x0], $0xffff  }
0x413: {  	v48 =	vld.idx.msk [tilespmem:v17+s15+$0x0], $0xffff  }
0x414: {  	v28 =	vor.u32 $0x1C, v11;
	v49 =	vld.idx.msk [tilespmem:v21+s14+$0x0], $0xffff  }
0x415: {  	v50 =	vld.idx.msk [tilespmem:v21+s15+$0x0], $0xffff  }
0x416: {  	v59 =	vor.u32 $0x14, v11;
	v51 =	vld.idx.msk [tilespmem:v24+s14+$0x0], $0xffff  }
0x417: {  	v18 =	vor.u32 $0x26, v11;
	[tilespmem:$0x1F850] =	vst v0;
	v0 =	vld.idx.msk [tilespmem:v14+s15+$0x0], $0xffff  }
0x418: {  	v52 =	vld.idx.msk [tilespmem:v24+s15+$0x0], $0xffff  }
0x419: {  	v62 =	vor.u32 $0x15, v11;
	v53 =	vld.idx.msk [tilespmem:v28+s14+$0x0], $0xffff  }
0x41a: {  	v54 =	vld.idx.msk [tilespmem:v28+s15+$0x0], $0xffff  }
0x41b: {  	v9 =	vor.u32 $0x2D, v11;
	v20 =	vld.idx.msk [tilespmem:v59+s14+$0x0], $0xffff  }
0x41c: {  	[tilespmem:$0x1F860] =	vst v0;
	v0 =	vld.idx.msk [tilespmem:v18+s14+$0x0], $0xffff  }
0x41d: {  	v59 =	vld.idx.msk [tilespmem:v59+s15+$0x0], $0xffff  }
0x41e: {  	v13 =	vor.u32 $0x29, v11;
	v19 =	vld.idx.msk [tilespmem:v62+s14+$0x0], $0xffff  }
0x41f: {  	v62 =	vld.idx.msk [tilespmem:v62+s15+$0x0], $0xffff;
	[tilespmem:$0x1F780] =	vst v4;
	v4 =	vor.u32 $0x39, v11  }
0x420: {  	v39 =	vld.idx.msk [tilespmem:v9+s14+$0x0], $0xffff  }
0x421: {  	v27 =	vor.u32 $0x22, v11;
	[tilespmem:$0x1F830] =	vst v0;
	v0 =	vld.idx.msk [tilespmem:v18+s15+$0x0], $0xffff  }
0x422: {  	v40 =	vld.idx.msk [tilespmem:v9+s15+$0x0], $0xffff  }
0x423: {  	v21 =	vor.u32 $0x1D, v11;
	v43 =	vld.idx.msk [tilespmem:v13+s14+$0x0], $0xffff  }
0x424: {  	v25 =	vld.idx.msk [tilespmem:v4+s14+$0x0], $0xffff  }
0x425: {  	v28 =	vor.u32 $0x19, v11;
	v26 =	vld.idx.msk [tilespmem:v4+s15+$0x0], $0xffff  }
0x426: {  	[tilespmem:$0x1F840] =	vst v0;
	v0 =	vld.idx.msk [tilespmem:v27+s14+$0x0], $0xffff  }
0x427: {  	v44 =	vld.idx.msk [tilespmem:v13+s15+$0x0], $0xffff  }
0x428: {  	v55 =	vld.idx.msk [tilespmem:v21+s14+$0x0], $0xffff  }
0x429: {  	v56 =	vld.idx.msk [tilespmem:v21+s15+$0x0], $0xffff;
	v1 =	vor.u32 $0x12, v11  }
0x42a: {  	v61 =	vld.idx.msk [tilespmem:v28+s14+$0x0], $0xffff;
	v25 =	vmul.f32 v26, v25;
	v26 =	vmul.f32 v32, v31  }
0x42b: {  	v24 =	vor.u32 $0x1E, v11;
	[tilespmem:$0x1F810] =	vst v0;
	v0 =	vld.idx.msk [tilespmem:v27+s15+$0x0], $0xffff  }
0x42c: {  	v63 =	vld.idx.msk [tilespmem:v28+s15+$0x0], $0xffff;
	[tilespmem:$0x1F8E0] =	vst v26;
	v26 =	vmul.f32 v36, v35;
	v35 =	vor.u32 $0x3, v11  }
0x42d: {  	v4 =	vld [tilespmem:$0x1F780]  }
0x42e: {  	v23 =	vld.idx.msk [tilespmem:v1+s15+$0x0], $0xffff;
	v2 =	vor.u32 $0xC, v11  }
0x42f: {  	v28 =	vld [tilespmem:$0x1F7B0]  }
0x430: {  	[tilespmem:$0x1F820] =	vst v0;
	v0 =	vld.idx.msk [tilespmem:v24+s14+$0x0], $0xffff  }
0x431: {  	v20 =	vmul.f32 v59, v20;
	v59 =	vld.idx.msk [tilespmem:v35+s14+$0x0], $0xffff  }
0x432: {  	v35 =	vld.idx.msk [tilespmem:v35+s15+$0x0], $0xffff;
	v12 =	vor.u32 $0x28, v11  }
0x433: {  	v15 =	vld.idx.msk [tilespmem:v2+s14+$0x0], $0xffff  }
0x434: {  	v14 =	vld.idx.msk [tilespmem:v2+s15+$0x0], $0xffff;
	v2 =	vor.u32 $0x9, v11  }
0x435: {  	v57 =	vor.u32 $0x1A, v11;
	[tilespmem:$0x1F7F0] =	vst v0;
	v0 =	vld.idx.msk [tilespmem:v24+s15+$0x0], $0xffff  }
0x436: {  	v3 =	vld.idx.msk [tilespmem:v3+s15+$0x0], $0xffff  }
0x437: {  	v41 =	vld.idx.msk [tilespmem:v12+s14+$0x0], $0xffff;
	v27 =	vor.u32 $0x18, v11  }
0x438: {  	v42 =	vld.idx.msk [tilespmem:v12+s15+$0x0], $0xffff  }
0x439: {  	v9 =	vld.idx.msk [tilespmem:v2+s14+$0x0], $0xffff  }
0x43a: {  	[tilespmem:$0x1F800] =	vst v0;
	v0 =	vld.idx.msk [tilespmem:v57+s14+$0x0], $0xffff  }
0x43b: {  	v8 =	vld.idx.msk [tilespmem:v2+s15+$0x0], $0xffff  }
0x43c: {  	v58 =	vld.idx.msk [tilespmem:v27+s14+$0x0], $0xffff  }
0x43d: {  	[tilespmem:$0x1F910] =	vst v25;
	v25 =	vmul.f32 v30, v29;
	v60 =	vld.idx.msk [tilespmem:v27+s15+$0x0], $0xffff  }
0x43e: {  	v30 =	vmul.f32 v40, v39;
	v40 =	vor.u32 $0x7, v11;
	v31 =	vmul.f32 v42, v41;
	v27 =	vld [tilespmem:$0x1F790]  }
0x43f: {  	v42 =	vmul.f32 v54, v53;
	v53 =	vmul.f32 v56, v55;
	v56 =	vor.u32 $0xB, v11;
	[tilespmem:$0x1F7D0] =	vst v0;
	v0 =	vld.idx.msk [tilespmem:v57+s15+$0x0], $0xffff  }
0x440: {  	v41 =	vmul.f32 v52, v51;
	v52 =	vld.idx.msk [tilespmem:v11+s15+$0x0], $0xffff  }
0x441: {  	v55 =	vld.idx.msk [tilespmem:v11+s14+$0x0], $0xffff;
	v2 =	vor.u32 $0x5, v11  }
0x442: {  	v24 =	vld.idx.msk [tilespmem:v1+s14+$0x0], $0xffff;
	v1 =	vor.u32 $0x8, v11  }
0x443: {  	v14 =	vmul.f32 v14, v15;
	v15 =	vld.idx.msk [tilespmem:v40+s14+$0x0], $0xffff  }
0x444: {  	v8 =	vmul.f32 v8, v9;
	v9 =	vld.idx.msk [tilespmem:v56+s15+$0x0], $0xffff;
	v4 =	vmul.f32 v27, v4;
	[tilespmem:$0x1F7E0] =	vst v0;
	v0 =	vor.u32 $0x11, v11  }
0x445: {  	v27 =	vld [tilespmem:$0x1F7A0]  }
0x446: {  	v54 =	vmul.f32 v60, v58;
	v60 =	vor.u32 $0xE, v11;
	[tilespmem:$0x1F940] =	vst v4;
	v4 =	vld.idx.msk [tilespmem:v2+s14+$0x0], $0xffff  }
0x447: {  	v10 =	vld.idx.msk [tilespmem:v1+s14+$0x0], $0xffff  }
0x448: {  	v7 =	vld.idx.msk [tilespmem:v1+s15+$0x0], $0xffff;
	v1 =	vor.u32 $0x4, v11  }
0x449: {  	v17 =	vld.idx.msk [tilespmem:v0+s14+$0x0], $0xffff  }
0x44a: {  	v27 =	vmul.f32 v28, v27;
	v16 =	vld.idx.msk [tilespmem:v0+s15+$0x0], $0xffff;
	v0 =	vor.u32 $0xD, v11  }
0x44b: {  	v58 =	vmul.f32 v63, v61;
	v61 =	vld.idx.msk [tilespmem:v60+s14+$0x0], $0xffff  }
0x44c: {  	[tilespmem:$0x1F950] =	vst v27;
	v27 =	vld [tilespmem:$0x1F7C0]  }
0x44d: {  	v6 =	vld.idx.msk [tilespmem:v1+s14+$0x0], $0xffff  }
0x44e: {  	v5 =	vld.idx.msk [tilespmem:v1+s15+$0x0], $0xffff;
	v1 =	vor.u32 $0x1, v11  }
0x44f: {  	v13 =	vld.idx.msk [tilespmem:v0+s14+$0x0], $0xffff  }
0x450: {  	v12 =	vld.idx.msk [tilespmem:v0+s15+$0x0], $0xffff;
	v0 =	vor.u32 $0xA, v11  }
0x451: {  	v7 =	vmul.f32 v7, v10;
	v10 =	vld.idx.msk [tilespmem:v40+s15+$0x0], $0xffff  }
0x452: {  	v57 =	vor.u32 $0x10, v11;
	v27 =	vmul.f32 v3, v27;
	v3 =	vld.idx.msk [tilespmem:v2+s15+$0x0], $0xffff  }
0x453: {  	v33 =	vmul.f32 v34, v33;
	v34 =	vld.idx.msk [tilespmem:v1+s14+$0x0], $0xffff  }
0x454: {  	v2 =	vor.u32 $0x2, v11;
	v1 =	vld.idx.msk [tilespmem:v1+s15+$0x0], $0xffff  }
0x455: {  	v22 =	vld.idx.msk [tilespmem:v0+s14+$0x0], $0xffff  }
0x456: {  	v21 =	vld.idx.msk [tilespmem:v0+s15+$0x0], $0xffff;
	v0 =	vor.u32 $0x6, v11  }
0x457: {  	v19 =	vmul.f32 v62, v19;
	v18 =	vld.idx.msk [tilespmem:v57+s14+$0x0], $0xffff  }
0x458: {  	v5 =	vmul.f32 v5, v6;
	v6 =	vld.idx.msk [tilespmem:v56+s14+$0x0], $0xffff;
	v12 =	vmul.f32 v12, v13;
	v13 =	vor.u32 $0xF, v11  }
0x459: {  	v29 =	vmul.f32 v38, v37;
	v37 =	vld.idx.msk [tilespmem:v2+s14+$0x0], $0xffff;
	v1 =	vmul.f32 v1, v34  }
0x45a: {  	v62 =	vor.u32 $0x13, v11;
	v2 =	vld.idx.msk [tilespmem:v2+s15+$0x0], $0xffff;
	v3 =	vmul.f32 v3, v4;
	v4 =	vmul.f32 v52, v55  }
0x45b: {  	[tilespmem:$0x1F8D0] =	vst v25;
	v63 =	vor.u32 $0x17, v11;
	v1 =	vadd.f32 $0.0e+00, v1;
	v25 =	vld.idx.msk [tilespmem:v0+s14+$0x0], $0xffff  }
0x45c: {  	v4 =	vadd.f32 $0.0e+00, v4;
	v0 =	vld.idx.msk [tilespmem:v0+s15+$0x0], $0xffff  }
0x45d: {  	v35 =	vmul.f32 v35, v59;
	v10 =	vmul.f32 v10, v15;
	v1 =	vadd.f32 v3, v1;
	v15 =	vld.idx.msk [tilespmem:v13+s14+$0x0], $0xffff  }
0x45e: {  	v4 =	vadd.f32 v5, v4;
	v5 =	vld.idx.msk [tilespmem:v13+s15+$0x0], $0xffff  }
0x45f: {  	v1 =	vadd.f32 v8, v1;
	v8 =	vld.idx.msk [tilespmem:v62+s15+$0x0], $0xffff;
	v13 =	vadd.f32 $0.0e+00, v35  }
0x460: {  	v16 =	vmul.f32 v16, v17;
	v17 =	vor.u32 $0x16, v11;
	v3 =	vmul.f32 v21, v22;
	v21 =	vld.idx.msk [tilespmem:v63+s15+$0x0], $0xffff  }
0x461: {  	v2 =	vmul.f32 v2, v37;
	v10 =	vadd.f32 v10, v13;
	v13 =	vld.idx.msk [tilespmem:v62+s14+$0x0], $0xffff  }
0x462: {  	v6 =	vmul.f32 v9, v6;
	v0 =	vmul.f32 v0, v25;
	v25 =	vld.idx.msk [tilespmem:v60+s15+$0x0], $0xffff  }
0x463: {  	v2 =	vadd.f32 $0.0e+00, v2;
	v1 =	vadd.f32 v12, v1;
	v5 =	vmul.f32 v5, v15;
	v15 =	vld.idx.msk [tilespmem:v63+s14+$0x0], $0xffff  }
0x464: {  	v57 =	vld.idx.msk [tilespmem:v57+s15+$0x0], $0xffff;
	v9 =	vor.u32 $0x1B, v11;
	v4 =	vadd.f32 v7, v4;
	v6 =	vadd.f32 v6, v10  }
0x465: {  	v1 =	vadd.f32 v16, v1;
	v0 =	vadd.f32 v0, v2;
	v2 =	vld.idx.msk [tilespmem:v17+s14+$0x0], $0xffff  }
0x466: {  	v12 =	vor.u32 $0x23, v11;
	v17 =	vld.idx.msk [tilespmem:v17+s15+$0x0], $0xffff;
	v5 =	vadd.f32 v5, v6;
	v8 =	vmul.f32 v8, v13  }
0x467: {  	v1 =	vadd.f32 v19, v1;
	v19 =	vld [tilespmem:$0x1F7E0];
	v0 =	vadd.f32 v3, v0;
	v7 =	vmul.f32 v25, v61  }
0x468: {  	v3 =	vor.u32 $0x1F, v11;
	v5 =	vadd.f32 v8, v5;
	v8 =	vmul.f32 v21, v15;
	v15 =	vld [tilespmem:$0x1F7D0]  }
0x469: {  	v0 =	vadd.f32 v7, v0;
	v7 =	vld.idx.msk [tilespmem:v9+s14+$0x0], $0xffff  }
0x46a: {  	v6 =	vor.u32 $0x27, v11;
	v9 =	vld.idx.msk [tilespmem:v9+s15+$0x0], $0xffff  }
0x46b: {  	v18 =	vmul.f32 v57, v18;
	v4 =	vadd.f32 v14, v4;
	v2 =	vmul.f32 v17, v2;
	v17 =	vld.idx.msk [tilespmem:v12+s14+$0x0], $0xffff  }
0x46c: {  	v12 =	vld.idx.msk [tilespmem:v12+s15+$0x0], $0xffff  }
0x46d: {  	v4 =	vadd.f32 v18, v4;
	v22 =	vmul.f32 v23, v24;
	v18 =	vld.idx.msk [tilespmem:v3+s14+$0x0], $0xffff  }
0x46e: {  	v14 =	vor.u32 $0x3B, v11;
	v16 =	vor.u32 $0x2F, v11;
	v3 =	vld.idx.msk [tilespmem:v3+s15+$0x0], $0xffff  }
0x46f: {  	v23 =	vor.u32 $0x37, v11;
	v0 =	vadd.f32 v22, v0;
	v15 =	vmul.f32 v19, v15;
	v19 =	vld.idx.msk [tilespmem:v6+s14+$0x0], $0xffff  }
0x470: {  	v10 =	vor.u32 $0x3F, v11;
	v13 =	vor.u32 $0x33, v11;
	v11 =	vor.u32 $0x2B, v11;
	v6 =	vld.idx.msk [tilespmem:v6+s15+$0x0], $0xffff  }
0x471: {  	v0 =	vadd.f32 v2, v0;
	v2 =	vadd.f32 v8, v5;
	v8 =	vld [tilespmem:$0x1F800]  }
0x472: {  	v5 =	vmul.f32 v9, v7;
	v7 =	vld [tilespmem:$0x1F7F0]  }
0x473: {  	v9 =	vld [tilespmem:$0x1F810]  }
0x474: {  	v0 =	vadd.f32 v15, v0;
	v15 =	vld [tilespmem:$0x1F840];
	v2 =	vadd.f32 v5, v2;
	v3 =	vmul.f32 v3, v18  }
0x475: {  	v5 =	vld.idx.msk [tilespmem:v11+s15+$0x0], $0xffff  }
0x476: {  	v2 =	vadd.f32 v3, v2;
	v3 =	vmul.f32 v12, v17;
	v12 =	vld [tilespmem:$0x1F830]  }
0x477: {  	v7 =	vmul.f32 v8, v7;
	v8 =	vld.idx.msk [tilespmem:v11+s14+$0x0], $0xffff  }
0x478: {  	v11 =	vld [tilespmem:$0x1F820];
	_ =	sdelay $0x2  }
0x479: {  	v2 =	vadd.f32 v3, v2;
	v3 =	vmul.f32 v6, v19;
	v6 =	vld.idx.msk [tilespmem:v13+s15+$0x0], $0xffff  }
0x47a: {  	v0 =	vadd.f32 v7, v0;
	v7 =	vld.idx.msk [tilespmem:v16+s15+$0x0], $0xffff  }
0x47b: {  	v12 =	vmul.f32 v15, v12;
	v15 =	vld.idx.msk [tilespmem:v13+s14+$0x0], $0xffff;
	v9 =	vmul.f32 v11, v9  }
0x47c: {  	v4 =	vadd.f32 v20, v4;
	v13 =	vld [tilespmem:$0x1F860]  }
0x47d: {  	v0 =	vadd.f32 v9, v0;
	v9 =	vld [tilespmem:$0x1F850]  }
0x47e: {  	v4 =	vadd.f32 v54, v4;
	v11 =	vld.idx.msk [tilespmem:v16+s14+$0x0], $0xffff;
	_ =	sdelay $0x1  }
0x47f: {  	v39 =	vmul.f32 v50, v49;
	v4 =	vadd.f32 v42, v4  }
0x480: {  	v36 =	vmul.f32 v46, v45;
	v2 =	vadd.f32 v3, v2;
	v3 =	vmul.f32 v5, v8;
	v5 =	vld.idx.msk [tilespmem:v23+s15+$0x0], $0xffff  }
0x481: {  	v4 =	vadd.f32 v39, v4;
	v1 =	vadd.f32 v58, v1;
	v9 =	vmul.f32 v13, v9;
	v13 =	vld.idx.msk [tilespmem:v23+s14+$0x0], $0xffff  }
0x482: {  	v2 =	vadd.f32 v3, v2;
	v3 =	vmul.f32 v7, v11  }
0x483: {  	v4 =	vadd.f32 v36, v4;
	v1 =	vadd.f32 v53, v1;
	v8 =	vld [tilespmem:$0x1F870]  }
0x484: {  	v0 =	vadd.f32 v12, v0;
	v12 =	vld [tilespmem:$0x1F880];
	v2 =	vadd.f32 v3, v2;
	v3 =	vmul.f32 v6, v15  }
0x485: {  	v38 =	vmul.f32 v48, v47;
	v4 =	vadd.f32 v31, v4;
	v7 =	vld.idx.msk [tilespmem:v14+s15+$0x0], $0xffff  }
0x486: {  	v1 =	vadd.f32 v41, v1;
	v2 =	vadd.f32 v3, v2;
	v3 =	vmul.f32 v5, v13;
	v5 =	vld [tilespmem:$0x1F8D0]  }
0x487: {  	v4 =	vadd.f32 v29, v4;
	v11 =	vld [tilespmem:$0x1F8A0]  }
0x488: {  	v32 =	vmul.f32 v44, v43;
	v1 =	vadd.f32 v38, v1;
	v0 =	vadd.f32 v9, v0;
	v9 =	vld [tilespmem:$0x1F890]  }
0x489: {  	v4 =	vadd.f32 v33, v4;
	v6 =	vld.idx.msk [tilespmem:v10+s15+$0x0], $0xffff  }
0x48a: {  	v1 =	vadd.f32 v32, v1;
	v8 =	vmul.f32 v12, v8;
	v12 =	vld.idx.msk [tilespmem:v14+s14+$0x0], $0xffff  }
0x48b: {  	v4 =	vadd.f32 v5, v4;
	v5 =	vld [tilespmem:$0x1F8E0]  }
0x48c: {  	v1 =	vadd.f32 v30, v1;
	v0 =	vadd.f32 v8, v0;
	v8 =	vld [tilespmem:$0x1F8B0]  }
0x48d: {  	v9 =	vmul.f32 v11, v9;
	v11 =	vld.idx.msk [tilespmem:v10+s14+$0x0], $0xffff  }
0x48e: {  	v1 =	vadd.f32 v26, v1;
	v10 =	vld [tilespmem:$0x1F8C0]  }
0x48f: {  	v0 =	vadd.f32 v9, v0;
	v9 =	vld [tilespmem:$0x1F900]  }
0x490: {  	v1 =	vadd.f32 v5, v1;
	v5 =	vld [tilespmem:$0x1F8F0]  }
0x491: {  	v2 =	vadd.f32 v3, v2;
	v3 =	vmul.f32 v7, v12;
	v7 =	vld [tilespmem:$0x1F910];
	_ =	sdelay $0x1  }
0x492: {  	v8 =	vmul.f32 v10, v8;
	_ =	sdelay $0x1  }
0x493: {  	v0 =	vadd.f32 v8, v0;
	v8 =	vld [tilespmem:$0x1F930];
	v5 =	vmul.f32 v9, v5  }
0x494: {  	v1 =	vadd.f32 v7, v1;
	v7 =	vld [tilespmem:$0x1F920]  }
0x495: {  	v0 =	vadd.f32 v5, v0;
	v5 =	vld [tilespmem:$0x1F940];
	_ =	sdelay $0x2  }
0x496: {  	v4 =	vadd.f32 v27, v4  }
0x497: {  	v2 =	vadd.f32 v3, v2;
	v3 =	vmul.f32 v6, v11;
	v7 =	vmul.f32 v8, v7  }
0x498: {  	v4 =	vadd.f32 v5, v4;
	v5 =	vld [tilespmem:$0x1F950]  }
0x499: {  	v2 =	vadd.f32 v3, v2;
	v0 =	vadd.f32 v7, v0;
	_ =	sdelay $0x1  }
0x49a: {  	v0 =	vadd.f32 v2, v0;
	v2 =	vld [tilespmem:$0x1FFF0];
	_ =	sdelay $0x1  }
0x49b: {  	s18 =	simm.s32 $0x500;
	s31 =	simm.s32 $0x10;
	v1 =	vadd.f32 v5, v1  }
0x49c: {  	v3 =	vmov s31;
	v5 =	vld [tilespmem:s18+$0x0]  }
0x49d: {  	v3 =	vshll.u32 v3, $0x7;
	v1 =	vadd.f32 v1, v4  }
0x49e: {  	v9 =	vor.u32 v2, v3  }
0x49f: {  	v2 =	vor.u32 $0x3C, v9;
	v0 =	vadd.f32 v0, v1;
	_ =	sdelay $0x1  }
0x4a0: {  	v1 =	vor.u32 $0x3D, v9;
	v0 =	vadd.f32 v0, v5  }
0x4a1: {  	s19 =	simm.s32 $0x10700  }
0x4a2: {  	[tilespmem:s19+$0x0] =	vst v0  }
0x4a3: {  	v30 =	vld.idx.msk [tilespmem:v2+s14+$0x0], $0xffff  }
0x4a4: {  	v31 =	vld.idx.msk [tilespmem:v2+s15+$0x0], $0xffff  }
0x4a5: {  	v2 =	vld.idx.msk [tilespmem:v1+s14+$0x0], $0xffff  }
0x4a6: {  	v3 =	vor.u32 $0x3E, v9;
	v1 =	vld.idx.msk [tilespmem:v1+s15+$0x0], $0xffff;
	_ =	sdelay $0x4  }
0x4a7: {  	[tilespmem:$0x1FAE0] =	vst v1;
	v1 =	vld.idx.msk [tilespmem:v3+s14+$0x0], $0xffff  }
0x4a8: {  	v0 =	vor.u32 $0x38, v9;
	v3 =	vld.idx.msk [tilespmem:v3+s15+$0x0], $0xffff;
	_ =	sdelay $0x1  }
0x4a9: {  	[tilespmem:$0x1FAD0] =	vst v2;
	v2 =	vor.u32 $0x39, v9;
	_ =	sdelay $0x1  }
0x4aa: {  	[tilespmem:$0x1F960] =	vst v1;
	v1 =	vor.u32 $0x3A, v9  }
0x4ab: {  	[tilespmem:$0x1F970] =	vst v3;
	v3 =	vld.idx.msk [tilespmem:v0+s14+$0x0], $0xffff  }
0x4ac: {  	v0 =	vld.idx.msk [tilespmem:v0+s15+$0x0], $0xffff  }
0x4ad: {  	v28 =	vld.idx.msk [tilespmem:v2+s14+$0x0], $0xffff  }
0x4ae: {  	v29 =	vld.idx.msk [tilespmem:v2+s15+$0x0], $0xffff  }
0x4af: {  	v2 =	vld.idx.msk [tilespmem:v1+s14+$0x0], $0xffff;
	_ =	sdelay $0x2  }
0x4b0: {  	[tilespmem:$0x1FB10] =	vst v0;
	v0 =	vor.u32 $0x35, v9;
	_ =	sdelay $0x1  }
0x4b1: {  	[tilespmem:$0x1F980] =	vst v2;
	v2 =	vor.u32 $0x36, v9;
	_ =	sdelay $0x1  }
0x4b2: {  	[tilespmem:$0x1FB00] =	vst v3;
	v3 =	vor.u32 $0x34, v9  }
0x4b3: {  	v26 =	vld.idx.msk [tilespmem:v0+s14+$0x0], $0xffff  }
0x4b4: {  	v21 =	vld.idx.msk [tilespmem:v0+s15+$0x0], $0xffff  }
0x4b5: {  	v0 =	vld.idx.msk [tilespmem:v2+s14+$0x0], $0xffff  }
0x4b6: {  	v1 =	vld.idx.msk [tilespmem:v1+s15+$0x0], $0xffff  }
0x4b7: {  	v27 =	vld.idx.msk [tilespmem:v3+s14+$0x0], $0xffff  }
0x4b8: {  	v24 =	vld.idx.msk [tilespmem:v3+s15+$0x0], $0xffff;
	v3 =	vor.u32 $0x31, v9;
	_ =	sdelay $0x1  }
0x4b9: {  	[tilespmem:$0x1F9A0] =	vst v0;
	v0 =	vor.u32 $0x32, v9;
	_ =	sdelay $0x1  }
0x4ba: {  	[tilespmem:$0x1F990] =	vst v1;
	v1 =	vor.u32 $0x30, v9  }
0x4bb: {  	v34 =	vld.idx.msk [tilespmem:v3+s14+$0x0], $0xffff  }
0x4bc: {  	v35 =	vld.idx.msk [tilespmem:v3+s15+$0x0], $0xffff  }
0x4bd: {  	v3 =	vld.idx.msk [tilespmem:v0+s14+$0x0], $0xffff  }
0x4be: {  	v2 =	vld.idx.msk [tilespmem:v2+s15+$0x0], $0xffff  }
0x4bf: {  	v32 =	vld.idx.msk [tilespmem:v1+s14+$0x0], $0xffff  }
0x4c0: {  	v33 =	vld.idx.msk [tilespmem:v1+s15+$0x0], $0xffff;
	v1 =	vor.u32 $0x2D, v9;
	_ =	sdelay $0x1  }
0x4c1: {  	[tilespmem:$0x1F9C0] =	vst v3;
	v3 =	vor.u32 $0x2E, v9;
	_ =	sdelay $0x1  }
0x4c2: {  	[tilespmem:$0x1F9B0] =	vst v2;
	v2 =	vor.u32 $0x2C, v9  }
0x4c3: {  	v38 =	vld.idx.msk [tilespmem:v1+s14+$0x0], $0xffff  }
0x4c4: {  	v39 =	vld.idx.msk [tilespmem:v1+s15+$0x0], $0xffff  }
0x4c5: {  	v1 =	vld.idx.msk [tilespmem:v3+s14+$0x0], $0xffff  }
0x4c6: {  	v0 =	vld.idx.msk [tilespmem:v0+s15+$0x0], $0xffff  }
0x4c7: {  	v36 =	vld.idx.msk [tilespmem:v2+s14+$0x0], $0xffff  }
0x4c8: {  	v37 =	vld.idx.msk [tilespmem:v2+s15+$0x0], $0xffff;
	v2 =	vor.u32 $0x29, v9;
	_ =	sdelay $0x1  }
0x4c9: {  	[tilespmem:$0x1F9E0] =	vst v1;
	v1 =	vor.u32 $0x2A, v9;
	_ =	sdelay $0x1  }
0x4ca: {  	[tilespmem:$0x1F9D0] =	vst v0;
	v0 =	vor.u32 $0x28, v9  }
0x4cb: {  	v44 =	vld.idx.msk [tilespmem:v2+s14+$0x0], $0xffff  }
0x4cc: {  	v45 =	vld.idx.msk [tilespmem:v2+s15+$0x0], $0xffff  }
0x4cd: {  	v2 =	vld.idx.msk [tilespmem:v1+s14+$0x0], $0xffff  }
0x4ce: {  	v3 =	vld.idx.msk [tilespmem:v3+s15+$0x0], $0xffff  }
0x4cf: {  	v41 =	vld.idx.msk [tilespmem:v0+s14+$0x0], $0xffff  }
0x4d0: {  	v43 =	vld.idx.msk [tilespmem:v0+s15+$0x0], $0xffff;
	v0 =	vor.u32 $0x25, v9;
	_ =	sdelay $0x1  }
0x4d1: {  	[tilespmem:$0x1FA00] =	vst v2;
	v2 =	vor.u32 $0x26, v9;
	_ =	sdelay $0x1  }
0x4d2: {  	[tilespmem:$0x1F9F0] =	vst v3;
	v3 =	vor.u32 $0x24, v9  }
0x4d3: {  	v47 =	vld.idx.msk [tilespmem:v0+s14+$0x0], $0xffff  }
0x4d4: {  	v49 =	vld.idx.msk [tilespmem:v0+s15+$0x0], $0xffff  }
0x4d5: {  	v0 =	vld.idx.msk [tilespmem:v2+s14+$0x0], $0xffff  }
0x4d6: {  	v1 =	vld.idx.msk [tilespmem:v1+s15+$0x0], $0xffff  }
0x4d7: {  	v46 =	vld.idx.msk [tilespmem:v3+s14+$0x0], $0xffff  }
0x4d8: {  	v48 =	vld.idx.msk [tilespmem:v3+s15+$0x0], $0xffff;
	v3 =	vor.u32 $0x21, v9;
	_ =	sdelay $0x1  }
0x4d9: {  	[tilespmem:$0x1FA20] =	vst v0;
	v0 =	vor.u32 $0x22, v9;
	_ =	sdelay $0x1  }
0x4da: {  	[tilespmem:$0x1FA10] =	vst v1;
	v1 =	vor.u32 $0x20, v9  }
0x4db: {  	v52 =	vld.idx.msk [tilespmem:v3+s14+$0x0], $0xffff  }
0x4dc: {  	v53 =	vld.idx.msk [tilespmem:v3+s15+$0x0], $0xffff  }
0x4dd: {  	v3 =	vld.idx.msk [tilespmem:v0+s14+$0x0], $0xffff  }
0x4de: {  	v2 =	vld.idx.msk [tilespmem:v2+s15+$0x0], $0xffff  }
0x4df: {  	v50 =	vld.idx.msk [tilespmem:v1+s14+$0x0], $0xffff  }
0x4e0: {  	v51 =	vld.idx.msk [tilespmem:v1+s15+$0x0], $0xffff;
	v1 =	vor.u32 $0x1D, v9;
	_ =	sdelay $0x1  }
0x4e1: {  	[tilespmem:$0x1FA40] =	vst v3;
	v3 =	vor.u32 $0x1E, v9;
	_ =	sdelay $0x1  }
0x4e2: {  	[tilespmem:$0x1FA30] =	vst v2;
	v2 =	vor.u32 $0x1C, v9  }
0x4e3: {  	v57 =	vld.idx.msk [tilespmem:v1+s14+$0x0], $0xffff  }
0x4e4: {  	v59 =	vld.idx.msk [tilespmem:v1+s15+$0x0], $0xffff  }
0x4e5: {  	v1 =	vld.idx.msk [tilespmem:v3+s14+$0x0], $0xffff  }
0x4e6: {  	v0 =	vld.idx.msk [tilespmem:v0+s15+$0x0], $0xffff  }
0x4e7: {  	v55 =	vld.idx.msk [tilespmem:v2+s14+$0x0], $0xffff  }
0x4e8: {  	v58 =	vld.idx.msk [tilespmem:v2+s15+$0x0], $0xffff;
	v2 =	vor.u32 $0x19, v9  }
0x4e9: {  	v3 =	vld.idx.msk [tilespmem:v3+s15+$0x0], $0xffff  }
0x4ea: {  	[tilespmem:$0x1FA60] =	vst v1;
	v1 =	vor.u32 $0x1A, v9;
	_ =	sdelay $0x1  }
0x4eb: {  	[tilespmem:$0x1FA50] =	vst v0;
	v0 =	vor.u32 $0x18, v9  }
0x4ec: {  	v62 =	vld.idx.msk [tilespmem:v2+s14+$0x0], $0xffff  }
0x4ed: {  	v63 =	vld.idx.msk [tilespmem:v2+s15+$0x0], $0xffff;
	[tilespmem:$0x1FA70] =	vst v3;
	v3 =	vor.u32 $0x14, v9  }
0x4ee: {  	v2 =	vld.idx.msk [tilespmem:v1+s14+$0x0], $0xffff  }
0x4ef: {  	v10 =	vor.u32 $0x16, v9  }
0x4f0: {  	v60 =	vld.idx.msk [tilespmem:v0+s14+$0x0], $0xffff  }
0x4f1: {  	v61 =	vld.idx.msk [tilespmem:v0+s15+$0x0], $0xffff  }
0x4f2: {  	v0 =	vor.u32 $0x15, v9;
	v5 =	vld.idx.msk [tilespmem:v3+s15+$0x0], $0xffff  }
0x4f3: {  	[tilespmem:$0x1FA80] =	vst v2;
	v2 =	vld.idx.msk [tilespmem:v3+s14+$0x0], $0xffff  }
0x4f4: {  	v3 =	vld.idx.msk [tilespmem:v10+s14+$0x0], $0xffff;
	_ =	sdelay $0x1  }
0x4f5: {  	v1 =	vld.idx.msk [tilespmem:v1+s15+$0x0], $0xffff  }
0x4f6: {  	v6 =	vld.idx.msk [tilespmem:v0+s14+$0x0], $0xffff  }
0x4f7: {  	v8 =	vld.idx.msk [tilespmem:v0+s15+$0x0], $0xffff  }
0x4f8: {  	v0 =	vor.u32 $0x11, v9;
	[tilespmem:$0x1FAA0] =	vst v3;
	v3 =	vld.idx.msk [tilespmem:v10+s15+$0x0], $0xffff;
	_ =	sdelay $0x1  }
0x4f9: {  	[tilespmem:$0x1FA90] =	vst v1;
	v1 =	vor.u32 $0x10, v9;
	_ =	sdelay $0x2  }
0x4fa: {  	v14 =	vld.idx.msk [tilespmem:v0+s14+$0x0], $0xffff;
	[tilespmem:$0x1FAB0] =	vst v3;
	v3 =	vor.u32 $0x12, v9  }
0x4fb: {  	v15 =	vld.idx.msk [tilespmem:v0+s15+$0x0], $0xffff  }
0x4fc: {  	v0 =	vor.u32 $0xD, v9;
	v12 =	vld.idx.msk [tilespmem:v1+s14+$0x0], $0xffff  }
0x4fd: {  	v13 =	vld.idx.msk [tilespmem:v1+s15+$0x0], $0xffff;
	v1 =	vor.u32 $0xC, v9;
	_ =	sdelay $0x1  }
0x4fe: {  	v40 =	vld.idx.msk [tilespmem:v3+s14+$0x0], $0xffff  }
0x4ff: {  	v42 =	vld.idx.msk [tilespmem:v3+s15+$0x0], $0xffff;
	v3 =	vor.u32 $0xE, v9  }
0x500: {  	v18 =	vld.idx.msk [tilespmem:v0+s14+$0x0], $0xffff  }
0x501: {  	v10 =	vor.u32 $0x9, v9;
	v16 =	vld.idx.msk [tilespmem:v1+s14+$0x0], $0xffff  }
0x502: {  	v17 =	vld.idx.msk [tilespmem:v1+s15+$0x0], $0xffff;
	v1 =	vor.u32 $0x8, v9  }
0x503: {  	v19 =	vld.idx.msk [tilespmem:v0+s15+$0x0], $0xffff  }
0x504: {  	v54 =	vld.idx.msk [tilespmem:v3+s14+$0x0], $0xffff  }
0x505: {  	v56 =	vld.idx.msk [tilespmem:v3+s15+$0x0], $0xffff;
	v3 =	vor.u32 $0xA, v9  }
0x506: {  	v22 =	vld.idx.msk [tilespmem:v10+s15+$0x0], $0xffff  }
0x507: {  	v20 =	vld.idx.msk [tilespmem:v1+s14+$0x0], $0xffff  }
0x508: {  	v0 =	vld.idx.msk [tilespmem:v1+s15+$0x0], $0xffff  }
0x509: {  	v1 =	vld.idx.msk [tilespmem:v10+s14+$0x0], $0xffff  }
0x50a: {  	v10 =	vld.idx.msk [tilespmem:v3+s14+$0x0], $0xffff  }
0x50b: {  	v11 =	vld.idx.msk [tilespmem:v3+s15+$0x0], $0xffff;
	v3 =	vmul.f32 v31, v30  }
0x50c: {  	v30 =	vld [tilespmem:$0x1FAE0]  }
0x50d: {  	[tilespmem:$0x1FAC0] =	vst v3;
	v3 =	vld [tilespmem:$0x1FAD0];
	_ =	sdelay $0x1  }
0x50e: {  	v25 =	vor.u32 $0x4, v9;
	_ =	sdelay $0x1  }
0x50f: {  	v7 =	vor.u32 $0x6, v9;
	v31 =	vld [tilespmem:$0x1FB10]  }
0x510: {  	v3 =	vmul.f32 v30, v3;
	v30 =	vld [tilespmem:$0x1FB00]  }
0x511: {  	v4 =	vor.u32 $0x5, v9;
	v28 =	vmul.f32 v29, v28  }
0x512: {  	v23 =	vld.idx.msk [tilespmem:v25+s14+$0x0], $0xffff;
	v21 =	vmul.f32 v21, v26  }
0x513: {  	v25 =	vld.idx.msk [tilespmem:v25+s15+$0x0], $0xffff;
	[tilespmem:$0x1FB30] =	vst v28;
	v24 =	vmul.f32 v24, v27  }
0x514: {  	[tilespmem:$0x1FB50] =	vst v21;
	v21 =	vld.idx.msk [tilespmem:v7+s14+$0x0], $0xffff  }
0x515: {  	[tilespmem:$0x1FB40] =	vst v24;
	v24 =	vld.idx.msk [tilespmem:v7+s15+$0x0], $0xffff;
	v30 =	vmul.f32 v31, v30  }
0x516: {  	v29 =	vor.u32 $0x3B, v9;
	[tilespmem:$0x1FAF0] =	vst v3;
	v3 =	vld.idx.msk [tilespmem:v4+s14+$0x0], $0xffff  }
0x517: {  	s20 =	simm.s32 $0x20;
	s4 =	simm.s32 $0x2;
	v28 =	vor.u32 $0x1, v9;
	v26 =	vor.u32 $0x3F, v9;
	v27 =	vor.u32 $0x2, v9;
	v4 =	vld.idx.msk [tilespmem:v4+s15+$0x0], $0xffff;
	[tilespmem:$0x1FB20] =	vst v30  }
.LBB2_12:
0x518: {  	_ =	sdelay $0x1  }
0x519: {  	v30 =	vld.idx.msk [tilespmem:v9+s15+$0x0], $0xffff;
	v7 =	vmul.f32 v33, v32;
	v31 =	vmul.f32 v39, v38  }
0x51a: {  	v32 =	vld.idx.msk [tilespmem:v9+s14+$0x0], $0xffff;
	v33 =	vor.u32 $0x3, v9;
	v41 =	vmul.f32 v43, v41;
	v43 =	vmul.f32 v45, v44  }
0x51b: {  	v45 =	vld.idx.msk [tilespmem:v27+s14+$0x0], $0xffff;
	v57 =	vmul.f32 v59, v57;
	v59 =	vmul.f32 v61, v60  }
0x51c: {  	v44 =	vor.u32 $0x7, v9;
	v27 =	vld.idx.msk [tilespmem:v27+s15+$0x0], $0xffff;
	v60 =	vmul.f32 v63, v62;
	v2 =	vmul.f32 v5, v2;
	[tilespmem:$0x1F6F0] =	vst v7  }
0x51d: {  	v61 =	vor.u32 $0x2B, v9;
	v5 =	vmul.f32 v8, v6;
	v7 =	vmul.f32 v35, v34;
	[tilespmem:$0x1F6E0] =	vst v31;
	v31 =	vld.idx.msk [tilespmem:v28+s14+$0x0], $0xffff  }
0x51e: {  	v62 =	vor.u32 $0xF, v9;
	v34 =	vmul.f32 v37, v36;
	v28 =	vld.idx.msk [tilespmem:v28+s15+$0x0], $0xffff;
	v36 =	vmul.f32 v48, v46  }
0x51f: {  	v37 =	vmul.f32 v49, v47;
	v47 =	vor.u32 $0xB, v9;
	v48 =	vmul.f32 v58, v55;
	v58 =	vld.idx.msk [tilespmem:v33+s14+$0x0], $0xffff  }
0x520: {  	v8 =	vmul.f32 v13, v12;
	v12 =	vmul.f32 v15, v14;
	v13 =	vor.u32 $0x27, v9;
	v33 =	vld.idx.msk [tilespmem:v33+s15+$0x0], $0xffff  }
0x521: {  	v15 =	vmul.f32 v17, v16;
	v16 =	vmul.f32 v19, v18;
	v17 =	vor.u32 $0x13, v9;
	v6 =	vld.idx.msk [tilespmem:v44+s14+$0x0], $0xffff  }
0x522: {  	v1 =	vmul.f32 v22, v1;
	v3 =	vmul.f32 v4, v3;
	v22 =	vor.u32 $0x17, v9;
	v14 =	vld.idx.msk [tilespmem:v44+s15+$0x0], $0xffff  }
0x523: {  	v19 =	vor.u32 $0x23, v9;
	v21 =	vmul.f32 v24, v21;
	v0 =	vmul.f32 v0, v20;
	v63 =	vld.idx.msk [tilespmem:v62+s15+$0x0], $0xffff  }
0x524: {  	v35 =	vor.u32 $0x33, v9;
	v20 =	vmul.f32 v25, v23;
	v23 =	vmul.f32 v30, v32;
	v18 =	vld.idx.msk [tilespmem:v47+s14+$0x0], $0xffff  }
0x525: {  	v46 =	vor.u32 $0x2F, v9;
	[tilespmem:$0x1F700] =	vst v7;
	v7 =	vor.u32 $0x37, v9;
	v4 =	vld.idx.msk [tilespmem:v47+s15+$0x0], $0xffff;
	v25 =	vmul.f32 v28, v31  }
0x526: {  	v30 =	vor.u32 $0x1F, v9;
	v9 =	vor.u32 $0x1B, v9;
	v24 =	vld.idx.msk [tilespmem:v17+s14+$0x0], $0xffff;
	v23 =	vadd.f32 $0.0e+00, v23  }
0x527: {  	v10 =	vmul.f32 v11, v10;
	v11 =	vld.idx.msk [tilespmem:v22+s14+$0x0], $0xffff;
	v25 =	vadd.f32 $0.0e+00, v25  }
0x528: {  	v6 =	vmul.f32 v14, v6;
	v14 =	vld.idx.msk [tilespmem:v17+s15+$0x0], $0xffff;
	v17 =	vadd.f32 v20, v23  }
0x529: {  	v28 =	vld.idx.msk [tilespmem:v62+s14+$0x0], $0xffff;
	v31 =	vmul.f32 v33, v58;
	v3 =	vadd.f32 v3, v25  }
0x52a: {  	v27 =	vmul.f32 v27, v45;
	v4 =	vmul.f32 v4, v18;
	v18 =	vld.idx.msk [tilespmem:v22+s15+$0x0], $0xffff;
	v0 =	vadd.f32 v0, v17  }
0x52b: {  	v31 =	vadd.f32 $0.0e+00, v31;
	v17 =	vld.idx.msk [tilespmem:v9+s14+$0x0], $0xffff;
	v1 =	vadd.f32 v1, v3  }
0x52c: {  	v27 =	vadd.f32 $0.0e+00, v27;
	v9 =	vld.idx.msk [tilespmem:v9+s15+$0x0], $0xffff;
	v0 =	vadd.f32 v15, v0  }
0x52d: {  	v6 =	vadd.f32 v6, v31;
	v1 =	vadd.f32 v16, v1;
	v16 =	vld.idx.msk [tilespmem:v30+s14+$0x0], $0xffff  }
0x52e: {  	v20 =	vadd.f32 v21, v27;
	v0 =	vadd.f32 v8, v0;
	v8 =	vld [tilespmem:$0x1FAA0]  }
0x52f: {  	v4 =	vadd.f32 v4, v6;
	v6 =	vmul.f32 v63, v28;
	v1 =	vadd.f32 v12, v1;
	v12 =	vld [tilespmem:$0x1FAB0]  }
0x530: {  	v10 =	vadd.f32 v10, v20;
	v3 =	vmul.f32 v56, v54;
	v0 =	vadd.f32 v2, v0;
	v2 =	vld [tilespmem:$0x1FA80]  }
0x531: {  	v4 =	vadd.f32 v6, v4;
	v6 =	vmul.f32 v14, v24;
	v1 =	vadd.f32 v5, v1;
	v5 =	vld [tilespmem:$0x1FA90]  }
0x532: {  	v3 =	vadd.f32 v3, v10;
	v10 =	vld.idx.msk [tilespmem:v30+s15+$0x0], $0xffff  }
0x533: {  	v15 =	vmul.f32 v42, v40;
	v4 =	vadd.f32 v6, v4;
	v6 =	vmul.f32 v18, v11;
	v11 =	vld.idx.msk [tilespmem:v19+s15+$0x0], $0xffff  }
0x534: {  	v8 =	vmul.f32 v12, v8;
	v12 =	vld.idx.msk [tilespmem:v19+s14+$0x0], $0xffff  }
0x535: {  	v3 =	vadd.f32 v15, v3;
	v4 =	vadd.f32 v6, v4;
	v6 =	vmul.f32 v9, v17;
	v9 =	vld [tilespmem:$0x1FA60]  }
0x536: {  	v2 =	vmul.f32 v5, v2;
	v5 =	vld.idx.msk [tilespmem:v13+s14+$0x0], $0xffff  }
0x537: {  	v3 =	vadd.f32 v8, v3;
	v8 =	vld.idx.msk [tilespmem:v13+s15+$0x0], $0xffff  }
0x538: {  	v13 =	vld [tilespmem:$0x1FA70]  }
0x539: {  	v14 =	vld [tilespmem:$0x1FA50]  }
0x53a: {  	v2 =	vadd.f32 v2, v3;
	v3 =	vadd.f32 v6, v4;
	v4 =	vmul.f32 v10, v16;
	v10 =	vld [tilespmem:$0x1FA40];
	_ =	sdelay $0x1  }
0x53b: {  	v6 =	vld.idx.msk [tilespmem:v61+s15+$0x0], $0xffff  }
0x53c: {  	v3 =	vadd.f32 v4, v3;
	v4 =	vmul.f32 v11, v12;
	v11 =	vld [tilespmem:$0x1FA20];
	v9 =	vmul.f32 v13, v9  }
0x53d: {  	v12 =	vld [tilespmem:$0x1FA30]  }
0x53e: {  	v13 =	vld.idx.msk [tilespmem:v61+s14+$0x0], $0xffff;
	v10 =	vmul.f32 v14, v10;
	v2 =	vadd.f32 v9, v2  }
0x53f: {  	v3 =	vadd.f32 v4, v3;
	v4 =	vmul.f32 v8, v5;
	v8 =	vld [tilespmem:$0x1FA00]  }
0x540: {  	v2 =	vadd.f32 v10, v2;
	v10 =	vld [tilespmem:$0x1FA10];
	_ =	sdelay $0x1  }
0x541: {  	v11 =	vmul.f32 v12, v11  }
0x542: {  	v3 =	vadd.f32 v4, v3;
	v4 =	vmul.f32 v6, v13;
	v6 =	vld.idx.msk [tilespmem:v7+s15+$0x0], $0xffff  }
0x543: {  	v2 =	vadd.f32 v11, v2;
	v11 =	vld [tilespmem:$0x1F9F0]  }
0x544: {  	v8 =	vmul.f32 v10, v8;
	v10 =	vld.idx.msk [tilespmem:v7+s14+$0x0], $0xffff  }
0x545: {  	v0 =	vadd.f32 v59, v0;
	v7 =	vld [tilespmem:$0x1F9E0];
	_ =	sdelay $0x1  }
0x546: {  	v38 =	vmul.f32 v51, v50;
	v0 =	vadd.f32 v48, v0;
	_ =	sdelay $0x1  }
0x547: {  	v0 =	vadd.f32 v38, v0;
	v14 =	vld.idx.msk [tilespmem:v46+s14+$0x0], $0xffff  }
0x548: {  	v1 =	vadd.f32 v60, v1;
	v9 =	vld.idx.msk [tilespmem:v46+s15+$0x0], $0xffff;
	v2 =	vadd.f32 v8, v2;
	v7 =	vmul.f32 v11, v7  }
0x549: {  	v0 =	vadd.f32 v36, v0  }
0x54a: {  	v39 =	vmul.f32 v53, v52;
	v1 =	vadd.f32 v57, v1;
	v2 =	vadd.f32 v7, v2;
	v7 =	vld [tilespmem:$0x1F6F0]  }
0x54b: {  	v0 =	vadd.f32 v41, v0  }
0x54c: {  	v1 =	vadd.f32 v39, v1;
	v5 =	vld.idx.msk [tilespmem:v35+s15+$0x0], $0xffff  }
0x54d: {  	v0 =	vadd.f32 v34, v0;
	v3 =	vadd.f32 v4, v3;
	v4 =	vmul.f32 v9, v14;
	v9 =	vld [tilespmem:$0x1F6E0]  }
0x54e: {  	v1 =	vadd.f32 v37, v1;
	v12 =	vld.idx.msk [tilespmem:v35+s14+$0x0], $0xffff  }
0x54f: {  	v0 =	vadd.f32 v7, v0;
	v7 =	vld [tilespmem:$0x1F700]  }
0x550: {  	v1 =	vadd.f32 v43, v1  }
0x551: {  	v13 =	vld [tilespmem:$0x1F9D0]  }
0x552: {  	v1 =	vadd.f32 v9, v1;
	v9 =	vld [tilespmem:$0x1F9C0]  }
0x553: {  	v3 =	vadd.f32 v4, v3;
	v4 =	vmul.f32 v5, v12;
	v12 =	vld [tilespmem:$0x1F9B0]  }
0x554: {  	v1 =	vadd.f32 v7, v1;
	v7 =	vld [tilespmem:$0x1F9A0];
	_ =	sdelay $0x2  }
0x555: {  	v9 =	vmul.f32 v13, v9  }
0x556: {  	v8 =	vld.idx.msk [tilespmem:v29+s15+$0x0], $0xffff;
	v3 =	vadd.f32 v4, v3  }
0x557: {  	v4 =	vmul.f32 v6, v10;
	v6 =	vld [tilespmem:$0x1FB40];
	v2 =	vadd.f32 v9, v2;
	v7 =	vmul.f32 v12, v7  }
0x558: {  	v11 =	vld.idx.msk [tilespmem:v29+s14+$0x0], $0xffff  }
0x559: {  	v2 =	vadd.f32 v7, v2;
	v7 =	vld [tilespmem:$0x1FB20]  }
0x55a: {  	v5 =	vld.idx.msk [tilespmem:v26+s15+$0x0], $0xffff  }
0x55b: {  	v13 =	vld.idx.msk [tilespmem:v26+s14+$0x0], $0xffff  }
0x55c: {  	v0 =	vadd.f32 v6, v0;
	v6 =	vld [tilespmem:$0x1FB50];
	_ =	sdelay $0x1  }
0x55d: {  	v3 =	vadd.f32 v4, v3;
	v4 =	vmul.f32 v8, v11;
	v0 =	vadd.f32 v7, v0;
	v7 =	vld [tilespmem:$0x1FB30]  }
0x55e: {  	v9 =	vld [tilespmem:$0x1F990]  }
0x55f: {  	v3 =	vadd.f32 v4, v3;
	v4 =	vmul.f32 v5, v13;
	v5 =	vld [tilespmem:$0x1FAC0]  }
0x560: {  	v1 =	vadd.f32 v6, v1;
	v6 =	vld [tilespmem:$0x1F980]  }
0x561: {  	v8 =	vld [tilespmem:$0x1F970]  }
0x562: {  	v1 =	vadd.f32 v7, v1;
	v7 =	vld [tilespmem:$0x1F960];
	_ =	sdelay $0x1  }
0x563: {  	v0 =	vadd.f32 v5, v0;
	v5 =	vld [tilespmem:$0x1FAF0]  }
0x564: {  	v6 =	vmul.f32 v9, v6;
	_ =	sdelay $0x1  }
0x565: {  	v2 =	vadd.f32 v6, v2;
	v7 =	vmul.f32 v8, v7  }
0x566: {  	v3 =	vadd.f32 v4, v3  }
0x567: {  	v1 =	vadd.f32 v5, v1;
	v2 =	vadd.f32 v7, v2;
	_ =	sdelay $0x1  }
0x568: {  	v0 =	vadd.f32 v1, v0;
	v1 =	vadd.f32 v3, v2;
	v2 =	vld [tilespmem:$0x1FFF0];
	_ =	sdelay $0x1  }
0x569: {  	s18 =	sadd.s32 $0x10, s18  }
0x56a: {  	v4 =	vmov s20;
	v5 =	vld [tilespmem:s18+$0x0]  }
0x56b: {  	v4 =	vshll.u32 v4, $0x7  }
0x56c: {  	v9 =	vor.u32 v2, v4  }
0x56d: {  	v0 =	vadd.f32 v1, v0;
	v2 =	vor.u32 $0x3C, v9;
	_ =	sdelay $0x1  }
0x56e: {  	v0 =	vadd.f32 v0, v5;
	v1 =	vor.u32 $0x3D, v9  }
0x56f: {  	s19 =	sadd.s32 $0x10, s19  }
0x570: {  	[tilespmem:s19+$0x0] =	vst v0  }
0x571: {  	v27 =	vld.idx.msk [tilespmem:v2+s14+$0x0], $0xffff  }
0x572: {  	v31 =	vld.idx.msk [tilespmem:v2+s15+$0x0], $0xffff  }
0x573: {  	v2 =	vld.idx.msk [tilespmem:v1+s14+$0x0], $0xffff  }
0x574: {  	v3 =	vor.u32 $0x3E, v9;
	v1 =	vld.idx.msk [tilespmem:v1+s15+$0x0], $0xffff;
	_ =	sdelay $0x4  }
0x575: {  	[tilespmem:$0x1F720] =	vst v1;
	v1 =	vld.idx.msk [tilespmem:v3+s14+$0x0], $0xffff  }
0x576: {  	v0 =	vor.u32 $0x38, v9;
	v3 =	vld.idx.msk [tilespmem:v3+s15+$0x0], $0xffff;
	_ =	sdelay $0x1  }
0x577: {  	[tilespmem:$0x1F710] =	vst v2;
	v2 =	vor.u32 $0x39, v9;
	_ =	sdelay $0x1  }
0x578: {  	[tilespmem:$0x1F960] =	vst v1;
	v1 =	vor.u32 $0x3A, v9  }
0x579: {  	[tilespmem:$0x1F970] =	vst v3;
	v3 =	vld.idx.msk [tilespmem:v0+s14+$0x0], $0xffff;
	_ =	sdelay $0x1  }
0x57a: {  	v29 =	vld.idx.msk [tilespmem:v2+s14+$0x0], $0xffff  }
0x57b: {  	v24 =	vld.idx.msk [tilespmem:v2+s15+$0x0], $0xffff  }
0x57c: {  	v2 =	vld.idx.msk [tilespmem:v1+s14+$0x0], $0xffff  }
0x57d: {  	[tilespmem:$0x1F730] =	vst v3;
	v3 =	vor.u32 $0x34, v9;
	v1 =	vld.idx.msk [tilespmem:v1+s15+$0x0], $0xffff  }
0x57e: {  	v0 =	vld.idx.msk [tilespmem:v0+s15+$0x0], $0xffff;
	_ =	sdelay $0x3  }
0x57f: {  	[tilespmem:$0x1F990] =	vst v1;
	v1 =	vld.idx.msk [tilespmem:v3+s14+$0x0], $0xffff  }
0x580: {  	[tilespmem:$0x1F740] =	vst v0;
	v0 =	vor.u32 $0x35, v9;
	v3 =	vld.idx.msk [tilespmem:v3+s15+$0x0], $0xffff;
	_ =	sdelay $0x1  }
0x581: {  	[tilespmem:$0x1F980] =	vst v2;
	v2 =	vor.u32 $0x36, v9;
	_ =	sdelay $0x2  }
0x582: {  	[tilespmem:$0x1F760] =	vst v3;
	v3 =	vld.idx.msk [tilespmem:v0+s14+$0x0], $0xffff  }
0x583: {  	v7 =	vld.idx.msk [tilespmem:v0+s15+$0x0], $0xffff  }
0x584: {  	v0 =	vld.idx.msk [tilespmem:v2+s14+$0x0], $0xffff;
	_ =	sdelay $0x2  }
0x585: {  	[tilespmem:$0x1F770] =	vst v3;
	v3 =	vor.u32 $0x31, v9;
	_ =	sdelay $0x1  }
0x586: {  	[tilespmem:$0x1F9A0] =	vst v0;
	v0 =	vor.u32 $0x32, v9  }
0x587: {  	v2 =	vld.idx.msk [tilespmem:v2+s15+$0x0], $0xffff  }
0x588: {  	[tilespmem:$0x1F750] =	vst v1;
	v1 =	vor.u32 $0x30, v9  }
0x589: {  	v34 =	vld.idx.msk [tilespmem:v3+s14+$0x0], $0xffff  }
0x58a: {  	v35 =	vld.idx.msk [tilespmem:v3+s15+$0x0], $0xffff  }
0x58b: {  	v3 =	vld.idx.msk [tilespmem:v0+s14+$0x0], $0xffff  }
0x58c: {  	[tilespmem:$0x1F9B0] =	vst v2;
	v2 =	vor.u32 $0x2C, v9  }
0x58d: {  	v32 =	vld.idx.msk [tilespmem:v1+s14+$0x0], $0xffff  }
0x58e: {  	v33 =	vld.idx.msk [tilespmem:v1+s15+$0x0], $0xffff;
	v1 =	vor.u32 $0x2D, v9;
	_ =	sdelay $0x1  }
0x58f: {  	v0 =	vld.idx.msk [tilespmem:v0+s15+$0x0], $0xffff;
	[tilespmem:$0x1F9C0] =	vst v3;
	v3 =	vor.u32 $0x2E, v9  }
0x590: {  	v36 =	vld.idx.msk [tilespmem:v2+s14+$0x0], $0xffff  }
0x591: {  	v37 =	vld.idx.msk [tilespmem:v2+s15+$0x0], $0xffff  }
0x592: {  	v38 =	vld.idx.msk [tilespmem:v1+s14+$0x0], $0xffff  }
0x593: {  	v39 =	vld.idx.msk [tilespmem:v1+s15+$0x0], $0xffff  }
0x594: {  	v2 =	vor.u32 $0x29, v9;
	v1 =	vld.idx.msk [tilespmem:v3+s14+$0x0], $0xffff;
	_ =	sdelay $0x2  }
0x595: {  	[tilespmem:$0x1F9D0] =	vst v0;
	v0 =	vor.u32 $0x28, v9;
	_ =	sdelay $0x1  }
0x596: {  	v44 =	vld.idx.msk [tilespmem:v2+s14+$0x0], $0xffff;
	[tilespmem:$0x1F9E0] =	vst v1;
	v1 =	vor.u32 $0x2A, v9  }
0x597: {  	v45 =	vld.idx.msk [tilespmem:v2+s15+$0x0], $0xffff  }
0x598: {  	v3 =	vld.idx.msk [tilespmem:v3+s15+$0x0], $0xffff  }
0x599: {  	v41 =	vld.idx.msk [tilespmem:v0+s14+$0x0], $0xffff  }
0x59a: {  	v43 =	vld.idx.msk [tilespmem:v0+s15+$0x0], $0xffff  }
0x59b: {  	v0 =	vor.u32 $0x25, v9;
	v2 =	vld.idx.msk [tilespmem:v1+s14+$0x0], $0xffff;
	_ =	sdelay $0x2  }
0x59c: {  	[tilespmem:$0x1F9F0] =	vst v3;
	v3 =	vor.u32 $0x24, v9;
	_ =	sdelay $0x1  }
0x59d: {  	v47 =	vld.idx.msk [tilespmem:v0+s14+$0x0], $0xffff;
	[tilespmem:$0x1FA00] =	vst v2;
	v2 =	vor.u32 $0x26, v9  }
0x59e: {  	v49 =	vld.idx.msk [tilespmem:v0+s15+$0x0], $0xffff  }
0x59f: {  	v1 =	vld.idx.msk [tilespmem:v1+s15+$0x0], $0xffff  }
0x5a0: {  	v46 =	vld.idx.msk [tilespmem:v3+s14+$0x0], $0xffff  }
0x5a1: {  	v48 =	vld.idx.msk [tilespmem:v3+s15+$0x0], $0xffff  }
0x5a2: {  	v3 =	vor.u32 $0x21, v9;
	v0 =	vld.idx.msk [tilespmem:v2+s14+$0x0], $0xffff;
	_ =	sdelay $0x2  }
0x5a3: {  	[tilespmem:$0x1FA10] =	vst v1;
	v1 =	vor.u32 $0x20, v9;
	_ =	sdelay $0x1  }
0x5a4: {  	v52 =	vld.idx.msk [tilespmem:v3+s14+$0x0], $0xffff;
	[tilespmem:$0x1FA20] =	vst v0;
	v0 =	vor.u32 $0x22, v9  }
0x5a5: {  	v53 =	vld.idx.msk [tilespmem:v3+s15+$0x0], $0xffff  }
0x5a6: {  	v2 =	vld.idx.msk [tilespmem:v2+s15+$0x0], $0xffff  }
0x5a7: {  	v50 =	vld.idx.msk [tilespmem:v1+s14+$0x0], $0xffff  }
0x5a8: {  	v51 =	vld.idx.msk [tilespmem:v1+s15+$0x0], $0xffff  }
0x5a9: {  	v3 =	vld.idx.msk [tilespmem:v0+s14+$0x0], $0xffff  }
0x5aa: {  	v1 =	vor.u32 $0x1D, v9;
	v0 =	vld.idx.msk [tilespmem:v0+s15+$0x0], $0xffff;
	_ =	sdelay $0x1  }
0x5ab: {  	[tilespmem:$0x1FA30] =	vst v2;
	v2 =	vor.u32 $0x1C, v9;
	_ =	sdelay $0x1  }
0x5ac: {  	[tilespmem:$0x1FA40] =	vst v3;
	v3 =	vor.u32 $0x1E, v9  }
0x5ad: {  	v57 =	vld.idx.msk [tilespmem:v1+s14+$0x0], $0xffff;
	[tilespmem:$0x1FA50] =	vst v0;
	v0 =	vor.u32 $0x18, v9  }
0x5ae: {  	v59 =	vld.idx.msk [tilespmem:v1+s15+$0x0], $0xffff  }
0x5af: {  	v55 =	vld.idx.msk [tilespmem:v2+s14+$0x0], $0xffff  }
0x5b0: {  	v58 =	vld.idx.msk [tilespmem:v2+s15+$0x0], $0xffff  }
0x5b1: {  	v2 =	vor.u32 $0x19, v9;
	v1 =	vld.idx.msk [tilespmem:v3+s14+$0x0], $0xffff  }
0x5b2: {  	v60 =	vld.idx.msk [tilespmem:v0+s14+$0x0], $0xffff  }
0x5b3: {  	v61 =	vld.idx.msk [tilespmem:v0+s15+$0x0], $0xffff;
	v0 =	vor.u32 $0x15, v9;
	_ =	sdelay $0x1  }
0x5b4: {  	v4 =	vor.u32 $0x16, v9  }
0x5b5: {  	v62 =	vld.idx.msk [tilespmem:v2+s14+$0x0], $0xffff  }
0x5b6: {  	v3 =	vld.idx.msk [tilespmem:v3+s15+$0x0], $0xffff  }
0x5b7: {  	[tilespmem:$0x1FA60] =	vst v1;
	v1 =	vor.u32 $0x1A, v9;
	v6 =	vld.idx.msk [tilespmem:v0+s14+$0x0], $0xffff  }
0x5b8: {  	v8 =	vld.idx.msk [tilespmem:v0+s15+$0x0], $0xffff  }
0x5b9: {  	v0 =	vld.idx.msk [tilespmem:v4+s14+$0x0], $0xffff  }
0x5ba: {  	v4 =	vld.idx.msk [tilespmem:v4+s15+$0x0], $0xffff  }
0x5bb: {  	v63 =	vld.idx.msk [tilespmem:v2+s15+$0x0], $0xffff;
	[tilespmem:$0x1FA70] =	vst v3;
	v3 =	vor.u32 $0x14, v9  }
0x5bc: {  	v2 =	vld.idx.msk [tilespmem:v1+s14+$0x0], $0xffff;
	_ =	sdelay $0x1  }
0x5bd: {  	v1 =	vld.idx.msk [tilespmem:v1+s15+$0x0], $0xffff  }
0x5be: {  	[tilespmem:$0x1FAB0] =	vst v4;
	v4 =	vor.u32 $0xC, v9  }
0x5bf: {  	v5 =	vld.idx.msk [tilespmem:v3+s15+$0x0], $0xffff  }
0x5c0: {  	[tilespmem:$0x1FA80] =	vst v2;
	v2 =	vld.idx.msk [tilespmem:v3+s14+$0x0], $0xffff;
	v3 =	vor.u32 $0x11, v9;
	_ =	sdelay $0x1  }
0x5c1: {  	[tilespmem:$0x1FA90] =	vst v1;
	v1 =	vor.u32 $0x10, v9  }
0x5c2: {  	v16 =	vld.idx.msk [tilespmem:v4+s14+$0x0], $0xffff  }
0x5c3: {  	v17 =	vld.idx.msk [tilespmem:v4+s15+$0x0], $0xffff  }
0x5c4: {  	v4 =	vor.u32 $0x9, v9;
	v14 =	vld.idx.msk [tilespmem:v3+s14+$0x0], $0xffff  }
0x5c5: {  	v15 =	vld.idx.msk [tilespmem:v3+s15+$0x0], $0xffff;
	v3 =	vor.u32 $0xE, v9  }
0x5c6: {  	v12 =	vld.idx.msk [tilespmem:v1+s14+$0x0], $0xffff  }
0x5c7: {  	v13 =	vld.idx.msk [tilespmem:v1+s15+$0x0], $0xffff;
	v1 =	vor.u32 $0xD, v9;
	_ =	sdelay $0x1  }
0x5c8: {  	v22 =	vld.idx.msk [tilespmem:v4+s15+$0x0], $0xffff  }
0x5c9: {  	v21 =	vor.u32 $0x5, v9;
	v54 =	vld.idx.msk [tilespmem:v3+s14+$0x0], $0xffff  }
0x5ca: {  	v56 =	vld.idx.msk [tilespmem:v3+s15+$0x0], $0xffff;
	v3 =	vor.u32 $0x4, v9  }
0x5cb: {  	v18 =	vld.idx.msk [tilespmem:v1+s14+$0x0], $0xffff  }
0x5cc: {  	v19 =	vld.idx.msk [tilespmem:v1+s15+$0x0], $0xffff  }
0x5cd: {  	v1 =	vld.idx.msk [tilespmem:v4+s14+$0x0], $0xffff  }
0x5ce: {  	v4 =	vld.idx.msk [tilespmem:v21+s15+$0x0], $0xffff  }
0x5cf: {  	v23 =	vld.idx.msk [tilespmem:v3+s14+$0x0], $0xffff  }
0x5d0: {  	v25 =	vld.idx.msk [tilespmem:v3+s15+$0x0], $0xffff  }
0x5d1: {  	v3 =	vld.idx.msk [tilespmem:v21+s14+$0x0], $0xffff;
	v21 =	vmul.f32 v31, v27  }
0x5d2: {  	v27 =	vld [tilespmem:$0x1F720]  }
0x5d3: {  	[tilespmem:$0x1FAC0] =	vst v21;
	v21 =	vld [tilespmem:$0x1F710];
	_ =	sdelay $0x1  }
0x5d4: {  	v30 =	vor.u32 $0x6, v9;
	_ =	sdelay $0x1  }
0x5d5: {  	v31 =	vld [tilespmem:$0x1F740]  }
0x5d6: {  	v24 =	vmul.f32 v24, v29;
	v21 =	vmul.f32 v27, v21;
	v27 =	vld [tilespmem:$0x1F730];
	_ =	sdelay $0x1  }
0x5d7: {  	[tilespmem:$0x1FB30] =	vst v24;
	v24 =	vld.idx.msk [tilespmem:v30+s15+$0x0], $0xffff  }
0x5d8: {  	[tilespmem:$0x1FAF0] =	vst v21;
	v21 =	vld.idx.msk [tilespmem:v30+s14+$0x0], $0xffff  }
0x5d9: {  	v30 =	vld [tilespmem:$0x1F750]  }
0x5da: {  	v27 =	vmul.f32 v31, v27;
	v31 =	vld [tilespmem:$0x1F760]  }
0x5db: {  	[tilespmem:$0x1FAA0] =	vst v0;
	v0 =	vor.u32 $0x12, v9;
	_ =	sdelay $0x3  }
0x5dc: {  	v30 =	vmul.f32 v31, v30  }
0x5dd: {  	v11 =	vor.u32 $0xA, v9;
	v40 =	vld.idx.msk [tilespmem:v0+s14+$0x0], $0xffff  }
0x5de: {  	[tilespmem:$0x1FB40] =	vst v30;
	v30 =	vld [tilespmem:$0x1F770]  }
0x5df: {  	v42 =	vld.idx.msk [tilespmem:v0+s15+$0x0], $0xffff;
	v0 =	vor.u32 $0x8, v9  }
0x5e0: {  	p0 =	sne.s32 s20, $0xF0  }
.Ltmp5:
0x5e1: {  	_ = 	snop;
	(pc) =	sbr.rel @p0 .LBB2_12-.Ltmp5, $4  }
0x5e2: {  	v10 =	vld.idx.msk [tilespmem:v11+s14+$0x0], $0xffff  }
0x5e3: {  	v11 =	vld.idx.msk [tilespmem:v11+s15+$0x0], $0xffff;
	v7 =	vmul.f32 v7, v30  }
0x5e4: {  	v26 =	vor.u32 $0x3F, v9;
	v20 =	vld.idx.msk [tilespmem:v0+s14+$0x0], $0xffff;
	[tilespmem:$0x1FB20] =	vst v27  }
0x5e5: {  	s20 =	sadd.s32 $0x10, s20;
	v28 =	vor.u32 $0x1, v9;
	v29 =	vor.u32 $0x3B, v9;
	v0 =	vld.idx.msk [tilespmem:v0+s15+$0x0], $0xffff;
	v27 =	vor.u32 $0x2, v9;
	[tilespmem:$0x1FB50] =	vst v7  }
0x5e6: {  	_ =	sdelay $0x3  }
0x5e7: {  	v33 =	vmul.f32 v33, v32;
	v30 =	vld.idx.msk [tilespmem:v28+s14+$0x0], $0xffff  }
0x5e8: {  	v7 =	vmul.f32 v35, v34;
	v32 =	vmul.f32 v39, v38;
	v28 =	vld.idx.msk [tilespmem:v28+s15+$0x0], $0xffff  }
0x5e9: {  	v34 =	vmul.f32 v43, v41;
	v35 =	vmul.f32 v45, v44;
	v39 =	vld.idx.msk [tilespmem:v9+s15+$0x0], $0xffff  }
0x5ea: {  	v31 =	vmul.f32 v48, v46;
	v43 =	vmul.f32 v58, v55;
	v58 =	vld.idx.msk [tilespmem:v9+s14+$0x0], $0xffff;
	v45 =	vor.u32 $0x7, v9  }
0x5eb: {  	v38 =	vmul.f32 v51, v50;
	v41 =	vmul.f32 v53, v52;
	v48 =	vld.idx.msk [tilespmem:v27+s14+$0x0], $0xffff  }
0x5ec: {  	v2 =	vmul.f32 v5, v2;
	v5 =	vld.idx.msk [tilespmem:v27+s15+$0x0], $0xffff;
	v50 =	vor.u32 $0xB, v9;
	v21 =	vmul.f32 v24, v21  }
0x5ed: {  	v24 =	vld [tilespmem:$0x1FA60];
	[tilespmem:$0x1F6D0] =	vst v7;
	v7 =	vmul.f32 v37, v36;
	v37 =	vmul.f32 v49, v47  }
0x5ee: {  	v53 =	vor.u32 $0xF, v9;
	v47 =	vmul.f32 v61, v60;
	v60 =	vmul.f32 v25, v23;
	v25 =	vld [tilespmem:$0x1FA70]  }
0x5ef: {  	v46 =	vmul.f32 v59, v57;
	v57 =	vld.idx.msk [tilespmem:v45+s14+$0x0], $0xffff  }
0x5f0: {  	v44 =	vor.u32 $0x1B, v9;
	v59 =	vld.idx.msk [tilespmem:v45+s15+$0x0], $0xffff  }
0x5f1: {  	v6 =	vmul.f32 v8, v6;
	v49 =	vmul.f32 v63, v62;
	v63 =	vld.idx.msk [tilespmem:v50+s14+$0x0], $0xffff  }
0x5f2: {  	v3 =	vmul.f32 v4, v3;
	v36 =	vor.u32 $0x3, v9;
	v4 =	vmul.f32 v5, v48;
	v5 =	vld.idx.msk [tilespmem:v50+s15+$0x0], $0xffff  }
0x5f3: {  	v8 =	vmul.f32 v13, v12;
	v58 =	vmul.f32 v39, v58;
	v39 =	vld.idx.msk [tilespmem:v53+s14+$0x0], $0xffff  }
0x5f4: {  	v13 =	vmul.f32 v15, v14;
	v14 =	vmul.f32 v17, v16;
	v62 =	vor.u32 $0x13, v9;
	v16 =	vld.idx.msk [tilespmem:v53+s15+$0x0], $0xffff  }
0x5f5: {  	v10 =	vmul.f32 v11, v10;
	v11 =	vld.idx.msk [tilespmem:v44+s15+$0x0], $0xffff  }
0x5f6: {  	v61 =	vmul.f32 v28, v30;
	v28 =	vld [tilespmem:$0x1FA40]  }
0x5f7: {  	v51 =	vld.idx.msk [tilespmem:v36+s14+$0x0], $0xffff  }
0x5f8: {  	v52 =	vld.idx.msk [tilespmem:v36+s15+$0x0], $0xffff  }
0x5f9: {  	v50 =	vor.u32 $0x1F, v9;
	v45 =	vld.idx.msk [tilespmem:v62+s14+$0x0], $0xffff  }
0x5fa: {  	v30 =	vadd.f32 $0.0e+00, v61;
	v48 =	vld.idx.msk [tilespmem:v62+s15+$0x0], $0xffff  }
0x5fb: {  	v55 =	vmul.f32 v19, v18;
	v19 =	vadd.f32 $0.0e+00, v58;
	v58 =	vld [tilespmem:$0x1FAA0]  }
0x5fc: {  	v3 =	vadd.f32 v3, v30;
	v30 =	vld [tilespmem:$0x1FA50]  }
0x5fd: {  	v36 =	vor.u32 $0x17, v9;
	v18 =	vmul.f32 v59, v57;
	v59 =	vld [tilespmem:$0x1FAB0]  }
0x5fe: {  	v19 =	vadd.f32 v60, v19;
	v60 =	vld.idx.msk [tilespmem:v50+s14+$0x0], $0xffff  }
0x5ff: {  	v0 =	vmul.f32 v0, v20;
	v62 =	vor.u32 $0x2B, v9;
	v5 =	vmul.f32 v5, v63;
	v63 =	vld.idx.msk [tilespmem:v50+s15+$0x0], $0xffff  }
0x600: {  	v4 =	vadd.f32 $0.0e+00, v4;
	v50 =	vld [tilespmem:$0x1F9D0]  }
0x601: {  	v1 =	vmul.f32 v22, v1;
	v0 =	vadd.f32 v0, v19;
	v19 =	vld [tilespmem:$0x1FA90]  }
0x602: {  	v4 =	vadd.f32 v21, v4;
	v21 =	vor.u32 $0x2F, v9;
	v12 =	vmul.f32 v52, v51;
	v51 =	vld.idx.msk [tilespmem:v36+s14+$0x0], $0xffff  }
0x603: {  	v53 =	vld.idx.msk [tilespmem:v36+s15+$0x0], $0xffff  }
0x604: {  	v57 =	vor.u32 $0x27, v9;
	v1 =	vadd.f32 v1, v3;
	v27 =	vld.idx.msk [tilespmem:v62+s14+$0x0], $0xffff  }
0x605: {  	v3 =	vmul.f32 v56, v54;
	v56 =	vmul.f32 v48, v45;
	v48 =	vld.idx.msk [tilespmem:v29+s14+$0x0], $0xffff  }
0x606: {  	v1 =	vadd.f32 v55, v1;
	v55 =	vmul.f32 v42, v40;
	v40 =	vld [tilespmem:$0x1FA20]  }
0x607: {  	v4 =	vadd.f32 v10, v4;
	v52 =	vmul.f32 v16, v39;
	v39 =	vld.idx.msk [tilespmem:v21+s14+$0x0], $0xffff  }
0x608: {  	v0 =	vadd.f32 v14, v0;
	v12 =	vadd.f32 $0.0e+00, v12;
	v10 =	vld.idx.msk [tilespmem:v21+s15+$0x0], $0xffff  }
0x609: {  	v3 =	vadd.f32 v3, v4;
	v23 =	vld.idx.msk [tilespmem:v57+s14+$0x0], $0xffff  }
0x60a: {  	v0 =	vadd.f32 v8, v0;
	v8 =	vld.idx.msk [tilespmem:v57+s15+$0x0], $0xffff;
	v12 =	vadd.f32 v18, v12  }
0x60b: {  	v3 =	vadd.f32 v55, v3;
	v55 =	vld.idx.msk [tilespmem:v26+s15+$0x0], $0xffff  }
0x60c: {  	v54 =	vor.u32 $0x23, v9;
	v57 =	vld [tilespmem:$0x1FB50];
	v5 =	vadd.f32 v5, v12  }
0x60d: {  	v0 =	vadd.f32 v2, v0;
	v2 =	vld [tilespmem:$0x1FA80]  }
0x60e: {  	v4 =	vadd.f32 v52, v5;
	v5 =	vld.idx.msk [tilespmem:v44+s14+$0x0], $0xffff  }
0x60f: {  	v36 =	vor.u32 $0x37, v9;
	v1 =	vadd.f32 v13, v1;
	v13 =	vmul.f32 v59, v58;
	v58 =	vld [tilespmem:$0x1F980]  }
0x610: {  	v59 =	vld [tilespmem:$0x1F990]  }
0x611: {  	v20 =	vld.idx.msk [tilespmem:v54+s14+$0x0], $0xffff;
	v61 =	vmul.f32 v53, v51;
	v4 =	vadd.f32 v56, v4  }
0x612: {  	v22 =	vld.idx.msk [tilespmem:v54+s15+$0x0], $0xffff;
	v3 =	vadd.f32 v13, v3;
	v2 =	vmul.f32 v19, v2  }
0x613: {  	v54 =	vld [tilespmem:$0x1F9B0];
	v4 =	vadd.f32 v61, v4;
	v5 =	vmul.f32 v11, v5  }
0x614: {  	v45 =	vld.idx.msk [tilespmem:v36+s14+$0x0], $0xffff;
	v2 =	vadd.f32 v2, v3;
	v3 =	vor.u32 $0x33, v9  }
0x615: {  	v1 =	vadd.f32 v6, v1;
	v51 =	vld.idx.msk [tilespmem:v29+s15+$0x0], $0xffff;
	v4 =	vadd.f32 v5, v4;
	v5 =	vmul.f32 v63, v60  }
0x616: {  	v12 =	vld.idx.msk [tilespmem:v62+s15+$0x0], $0xffff;
	v0 =	vadd.f32 v47, v0  }
0x617: {  	v1 =	vadd.f32 v49, v1;
	v47 =	vld [tilespmem:$0x1F9F0];
	v4 =	vadd.f32 v5, v4;
	v5 =	vmul.f32 v22, v20  }
0x618: {  	v44 =	vld [tilespmem:$0x1FA10]  }
0x619: {  	v1 =	vadd.f32 v46, v1;
	v42 =	vld.idx.msk [tilespmem:v3+s14+$0x0], $0xffff;
	v4 =	vadd.f32 v5, v4;
	v5 =	vmul.f32 v8, v23  }
0x61a: {  	v0 =	vadd.f32 v43, v0;
	v3 =	vld.idx.msk [tilespmem:v3+s15+$0x0], $0xffff  }
0x61b: {  	v1 =	vadd.f32 v41, v1;
	v41 =	vld [tilespmem:$0x1FA30];
	v4 =	vadd.f32 v5, v4;
	v5 =	vmul.f32 v12, v27  }
0x61c: {  	v14 =	vmul.f32 v25, v24;
	v0 =	vadd.f32 v38, v0;
	v9 =	vld.idx.msk [tilespmem:v36+s15+$0x0], $0xffff  }
0x61d: {  	v43 =	vld [tilespmem:$0x1FA00];
	v4 =	vadd.f32 v5, v4;
	v5 =	vmul.f32 v10, v39  }
0x61e: {  	v16 =	vmul.f32 v30, v28;
	v49 =	vld [tilespmem:$0x1F9C0];
	v0 =	vadd.f32 v31, v0;
	v2 =	vadd.f32 v14, v2  }
0x61f: {  	v46 =	vld [tilespmem:$0x1F9E0];
	v3 =	vmul.f32 v3, v42;
	v4 =	vadd.f32 v5, v4  }
0x620: {  	v0 =	vadd.f32 v34, v0;
	v13 =	vmul.f32 v41, v40;
	v2 =	vadd.f32 v16, v2;
	v5 =	vld.idx.msk [tilespmem:v26+s14+$0x0], $0xffff  }
0x621: {  	v56 =	vld [tilespmem:$0x1FB40];
	v3 =	vadd.f32 v3, v4;
	v4 =	vmul.f32 v9, v45  }
0x622: {  	v53 =	vld [tilespmem:$0x1F9A0];
	v11 =	vmul.f32 v44, v43;
	v0 =	vadd.f32 v7, v0;
	v2 =	vadd.f32 v13, v2  }
0x623: {  	v1 =	vadd.f32 v37, v1;
	v60 =	vld [tilespmem:$0x1FB20];
	v3 =	vadd.f32 v4, v3;
	v4 =	vmul.f32 v51, v48  }
0x624: {  	v52 =	vld [tilespmem:$0x1F6D0];
	v13 =	vmul.f32 v47, v46;
	v0 =	vadd.f32 v33, v0;
	v2 =	vadd.f32 v11, v2  }
0x625: {  	v1 =	vadd.f32 v35, v1;
	v3 =	vadd.f32 v4, v3;
	v4 =	vmul.f32 v55, v5;
	v5 =	vld [tilespmem:$0x1FAC0]  }
0x626: {  	v62 =	vld [tilespmem:$0x1F960];
	v7 =	vmul.f32 v50, v49;
	v0 =	vadd.f32 v56, v0;
	v2 =	vadd.f32 v13, v2  }
0x627: {  	v63 =	vld [tilespmem:$0x1F970];
	v1 =	vadd.f32 v32, v1  }
0x628: {  	v61 =	vld [tilespmem:$0x1FB30];
	v8 =	vmul.f32 v54, v53;
	v0 =	vadd.f32 v60, v0;
	v2 =	vadd.f32 v7, v2  }
0x629: {  	v1 =	vadd.f32 v52, v1  }
0x62a: {  	v7 =	vmul.f32 v59, v58;
	v2 =	vadd.f32 v8, v2;
	v0 =	vadd.f32 v5, v0;
	v5 =	vld [tilespmem:$0x1FAF0]  }
0x62b: {  	v1 =	vadd.f32 v57, v1  }
0x62c: {  	v6 =	vmul.f32 v63, v62;
	v2 =	vadd.f32 v7, v2  }
0x62d: {  	v1 =	vadd.f32 v61, v1  }
0x62e: {  	v2 =	vadd.f32 v6, v2  }
0x62f: {  	s0 =	sadd.s32 $0x10, s18;
	v3 =	vadd.f32 v4, v3;
	v1 =	vadd.f32 v5, v1  }
0x630: {  	v4 =	vld [tilespmem:s0+$0x0]  }
0x631: {  	v0 =	vadd.f32 v1, v0;
	v1 =	vadd.f32 v3, v2;
	_ =	sdelay $0x1  }
0x632: {  	v0 =	vadd.f32 v1, v0;
	_ =	sdelay $0x1  }
0x633: {  	v0 =	vadd.f32 v0, v4  }
0x634: {  	s28 =	sadd.s32 $0x10, s19  }
0x635: {  	s29 =	rddreg [dreg:$0x1a];
	s1 =	simm.s32 $0x10600;
	[tilespmem:s28+$0x0] =	vst v0  }
0x636: {  	[hbm4b:s29+s11] =	stream.linear.scatter [tilespmem:s1], [sflag:$0x2], $0x200, $0x38;
	[tilespmem:$0x10800] =	vst v63  }
0x637: {  	_ =	swait.ge [sflag:s4], $0x200  }
0x638: {  	s30 =	rddreg [dreg:$0x1c]  }
0x639: {  	s31 =	rddreg [dreg:$0x1b];
	s1 =	sadd.s32 $0x1, s30  }
0x63a: {  	p0 =	sne.s32 s1, s31  }
.Ltmp6:
0x63b: {  	_ = 	snop;
	(pc) =	sbr.rel @p0 .LBB2_1-.Ltmp6, $3  }
0x63c: {  	_ =	sdelay $0x1  }
0x63d: {  	[sflag:s4] =	ssyncset.done $0x0  }
0x63e: {  	v3 =	vld [tilespmem:$0x1FFF0];
	[sflag:s4] =	ssyncadd.s32 $0xFFFFFE00  }
0x63f: {  	_ =	sfence.sel $0x180000  }
0x640: {  	[bflag:$0x0] =	sbarrier.arrive $0xFFFF  }
0x641: {  	_ =	strace $0x9000004A  }
0x642: {  	s0 =	stileid.u32;
	[bflag:$0x2] =	sbarrier.arrive $0xFFFF  }
0x643: {  	p0 =	sne.s32 s0, $0x0;
	s0 =	rddreg [dreg:$0x2]  }
0x644: {  	s0 =	sadd.s32 @!p0 $0x100000, s0  }
0x645: {  	[sflag:s0] =	ssyncadd.tile.s32 @!p0 $0x1;
	_ =	shalt  }
.Lfunc_end2:
_tile_overlayer_lowered:
.L_overlay_start_2:
0x646: {  	(tag) =	ssettag $0x2  }
0x647: {  	s0 =	rddreg [dreg:$0x0];
	s2 =	stileid.u32  }
0x648: {  	s1 =	rddreg [dreg:$0x1];
	p0 =	sne.s32 s2, $0x0  }
0x649: {  	s3 =	rddreg [dreg:$0x2];
	[bflag:$0x3] =	sbarrier.arrive $0xFFFF;
	s2 =	simm.s32 @!p0 $0x1C02  }
0x64a: {  	[timem:s3], [sflag:s2] =	dma.local @!p0 [hbm:s0], s1  }
0x64b: {  	s0 =	simm.s32 @!p0 $0x2  }
0x64c: {  	_ =	swait.ge @!p0 [sflag:s0], s1  }
0x64d: {  	s1 =	ssub.s32 @!p0 $0x0, s1;
	[sflag:s0] =	ssyncset.done @!p0 $0x0  }
0x64e: {  	[sflag:s0] =	ssyncadd.s32 @!p0 s1  }
0x64f: {  	[bflag:$0x3] =	sbarrier.arrive $0xFFFF  }
0x650: {  	_ =	shalt  }

</sc_bundles>
